<compile_context>
chip_gen: v7x
topology: tpu7x:2x2x1
jax: 0.10.2.dev20260603
libtpu: 0.0.44.dev20260713+nightly
codegen_flags: <defaults>
</compile_context>

<pallas_src>
import functools
import math

import jax
import jax.numpy as jnp
from jax import lax
from jax.experimental import pallas as pl
from jax.experimental.pallas import tpu as pltpu
from jax.experimental.pallas import tpu_sc as plsc

D_MODEL = 1024
SCALE = math.sqrt(D_MODEL)
EPS = 1e-5
LANES = 16
NUM_CORES = 2
NUM_SUBCORES = 16
NUM_WORKERS = NUM_CORES * NUM_SUBCORES
CHUNK_ROWS = 16
GROUPS = D_MODEL // LANES


def _rsqrt_newton(v):
    i = lax.bitcast_convert_type(v, jnp.int32)
    i = jnp.int32(0x5F3759DF) - lax.shift_right_logical(i, 1)
    y = lax.bitcast_convert_type(i, jnp.float32)
    for _ in range(3):
        y = y * (1.5 - 0.5 * v * y * y)
    return y


def _make_sc_kernel(n_rows):
    rows_per_w = n_rows // NUM_WORKERS
    n_chunks = rows_per_w // CHUNK_ROWS
    assert n_chunks % 2 == 0

    mesh = plsc.VectorSubcoreMesh(core_axis_name="c", subcore_axis_name="s")

    @functools.partial(
        pl.kernel,
        out_type=jax.ShapeDtypeStruct((n_rows, D_MODEL), jnp.float32),
        mesh=mesh,
        compiler_params=pltpu.CompilerParams(needs_layout_passes=False),
        scratch_types=[
            pltpu.VMEM((2, CHUNK_ROWS), jnp.int32),
            pltpu.VMEM((2, CHUNK_ROWS, D_MODEL), jnp.float32),
            pltpu.VMEM((2, CHUNK_ROWS, D_MODEL), jnp.float32),
            pltpu.VMEM((D_MODEL,), jnp.float32),
            pltpu.VMEM((D_MODEL,), jnp.float32),
            pltpu.SMEM((CHUNK_ROWS,), jnp.float32),
            pltpu.SMEM((CHUNK_ROWS,), jnp.float32),
            pltpu.SemaphoreType.DMA,
            pltpu.SemaphoreType.DMA,
            pltpu.SemaphoreType.DMA,
            pltpu.SemaphoreType.DMA,
            pltpu.SemaphoreType.DMA,
            pltpu.SemaphoreType.DMA,
        ],
    )
    def sc_kernel(x_hbm, pos_hbm, pe_hbm, w_hbm, b_hbm, out_hbm,
                  idx2, pe2, x2, w_v, b_v, mean_a, rstd_a,
                  gsem0, gsem1, xsem0, xsem1, osem0, osem1):
        gsems = (gsem0, gsem1)
        xsems = (xsem0, xsem1)
        osems = (osem0, osem1)
        wid = lax.axis_index("s") * NUM_CORES + lax.axis_index("c")
        base_w = wid * rows_per_w

        pltpu.sync_copy(w_hbm, w_v)
        pltpu.sync_copy(b_hbm, b_v)

        def stage(c, p):
            base = base_w + c * CHUNK_ROWS
            pltpu.sync_copy(pos_hbm.at[pl.ds(base, CHUNK_ROWS)], idx2.at[p])
            pltpu.make_async_copy(
                pe_hbm.at[idx2.at[p]], pe2.at[p], gsems[p]).start()
            pltpu.make_async_copy(
                x_hbm.at[pl.ds(base, CHUNK_ROWS)], x2.at[p], xsems[p]).start()

        def wait_in(c, p):
            pltpu.make_async_copy(
                pe_hbm.at[idx2.at[p]], pe2.at[p], gsems[p]).wait()
            base = base_w + c * CHUNK_ROWS
            pltpu.make_async_copy(
                x_hbm.at[pl.ds(base, CHUNK_ROWS)], x2.at[p], xsems[p]).wait()

        def start_out(c, p):
            base = base_w + c * CHUNK_ROWS
            pltpu.make_async_copy(
                x2.at[p], out_hbm.at[pl.ds(base, CHUNK_ROWS)], osems[p]).start()

        def wait_out(c, p):
            base = base_w + c * CHUNK_ROWS
            pltpu.make_async_copy(
                x2.at[p], out_hbm.at[pl.ds(base, CHUNK_ROWS)], osems[p]).wait()

        def compute(p):
            xb = x2.at[p]
            pb = pe2.at[p]

            def phase_a(r, _):
                nacc = 4
                zero = jnp.zeros((LANES,), jnp.float32)
                s_acc = [zero] * nacc
                q_acc = [zero] * nacc
                for j in range(GROUPS):
                    v = xb[r, pl.ds(j * LANES, LANES)]
                    k = j % nacc
                    s_acc[k] = s_acc[k] + v
                    q_acc[k] = q_acc[k] + v * v
                s = (s_acc[0] + s_acc[1]) + (s_acc[2] + s_acc[3])
                sq = (q_acc[0] + q_acc[1]) + (q_acc[2] + q_acc[3])
                inv_d = jnp.float32(1.0 / D_MODEL)
                mean = jnp.sum(s) * inv_d
                var = jnp.sum(sq) * inv_d - mean * mean
                mean_a[r] = mean
                rstd_a[r] = _rsqrt_newton(var + EPS)
                return 0

            lax.fori_loop(0, CHUNK_ROWS, phase_a, 0)

            def phase_b(j, _):
                sl = pl.ds(j * LANES, LANES)
                wv = w_v[sl]
                bv = b_v[sl]
                for r in range(CHUNK_ROWS):
                    mv = jnp.full((LANES,), mean_a[r], jnp.float32)
                    rv = jnp.full((LANES,), rstd_a[r], jnp.float32)
                    xv = xb[r, sl]
                    pv = pb[r, sl]
                    xb[r, sl] = (xv - mv) * rv * wv + (bv + pv * SCALE)
                return 0

            lax.fori_loop(0, GROUPS, phase_b, 0)

        stage(0, 0)

        def pair_body(cc, _):
            for p in range(2):
                c = cc * 2 + p
                q = 1 - p

                @pl.when(c + 1 < n_chunks)
                def _():
                    @pl.when(c >= 1)
                    def _():
                        wait_out(c - 1, q)

                    stage(c + 1, q)

                wait_in(c, p)
                compute(p)
                start_out(c, p)
            return 0

        lax.fori_loop(0, n_chunks // 2, pair_body, 0)
        wait_out(n_chunks - 2, 0)
        wait_out(n_chunks - 1, 1)

    return sc_kernel


def kernel(x, positions, pe, ln_w, ln_b):
    b, t, d = x.shape
    n = b * t
    xf = x.reshape(n, d)
    posf = positions.reshape(n).astype(jnp.int32)
    out = _make_sc_kernel(n)(xf, posf, pe, ln_w, ln_b)
    return out.reshape(b, t, d)

# --- scband reference (transcript-rebuilt; emitter-appended) ---
"""Pipeline reference for scband-learnable-positional-encoding-31473520345344 (READ-ONLY COPY).

The authoritative reference and input builder live on the scoring server;
editing this copy changes nothing except your own understanding.
"""

import jax, jax.numpy as jnp
import numpy as np
import math

D_MODEL = 1024
MAX_LEN = 8192
SCALE = math.sqrt(D_MODEL)
EPS = 1e-5

def setup_inputs(seed: int = 0) -> dict:
    key = jax.random.key(seed)
    k1, k2, k3 = jax.random.split(key, 3)
    x = jax.random.normal(k1, (4, 4096, D_MODEL), dtype=jnp.float32)
    positions = jax.random.randint(k2, (4, 4096), 0, MAX_LEN, dtype=jnp.int64 if jax.config.jax_enable_x64 else jnp.int32)
    pe = jax.random.normal(k3, (MAX_LEN, D_MODEL), dtype=jnp.float32) * math.sqrt(2.0 / D_MODEL)
    ln_w = jnp.ones((D_MODEL,), dtype=jnp.float32)
    ln_b = jnp.zeros((D_MODEL,), dtype=jnp.float32)
    return {"x": x, "positions": positions, "pe": pe, "ln_w": ln_w, "ln_b": ln_b}

def _layer_norm(x, w, b):
    mean = jnp.mean(x, axis=-1, keepdims=True)
    var = jnp.mean((x - mean) ** 2, axis=-1, keepdims=True)
    return (x - mean) * jax.lax.rsqrt(var + EPS) * w + b

def reference(x, positions, pe, ln_w, ln_b):
    # gather positional embeddings: F.embedding(positions, pe)
    pe_sel = jnp.take(pe, positions, axis=0)  # [B, T, D]
    # pre_add layer norm on x
    xn = _layer_norm(x, ln_w, ln_b)
    out = xn + pe_sel * SCALE
    return out

if __name__ == "__main__":
    import jax
    _d = setup_inputs()
    print(jax.jit(kernel)(*tuple(_d.values())))

</pallas_src>

<mosaic_0001>
#map = affine_map<(d0, d1) -> (0, 0)>
#map1 = affine_map<(d0, d1) -> (0)>
module attributes {stable_mosaic.version = 14 : i64} {
  func.func @sc_kernel(%arg0: i32, %arg1: i32, %arg2: memref<16384x1024xf32, #tpu.memory_space<hbm>>, %arg3: memref<16384xi32, #tpu.memory_space<hbm>>, %arg4: memref<8192x1024xf32, #tpu.memory_space<hbm>>, %arg5: memref<1024xf32, #tpu.memory_space<hbm>>, %arg6: memref<1024xf32, #tpu.memory_space<hbm>>, %arg7: memref<16384x1024xf32, #tpu.memory_space<hbm>>, %arg8: memref<2x16xi32, #tpu.memory_space<vmem>>, %arg9: memref<2x16x1024xf32, #tpu.memory_space<vmem>>, %arg10: memref<2x16x1024xf32, #tpu.memory_space<vmem>>, %arg11: memref<1024xf32, #tpu.memory_space<vmem>>, %arg12: memref<1024xf32, #tpu.memory_space<vmem>>, %arg13: memref<16xf32, #tpu.memory_space<smem>>, %arg14: memref<16xf32, #tpu.memory_space<smem>>, %arg15: memref<!tpu.dma_semaphore, #tpu.memory_space<semaphore_mem>>, %arg16: memref<!tpu.dma_semaphore, #tpu.memory_space<semaphore_mem>>, %arg17: memref<!tpu.dma_semaphore, #tpu.memory_space<semaphore_mem>>, %arg18: memref<!tpu.dma_semaphore, #tpu.memory_space<semaphore_mem>>, %arg19: memref<!tpu.dma_semaphore, #tpu.memory_space<semaphore_mem>>, %arg20: memref<!tpu.dma_semaphore, #tpu.memory_space<semaphore_mem>>) attributes {dimension_semantics = [#tpu.dimension_semantics<core_parallel>, #tpu.dimension_semantics<subcore_parallel>], iteration_bounds = array<i64: 2, 16>, scalar_prefetch = 0 : i64, scratch_operands = 13 : i64, tpu.core_type = #tpu.core_type<sc_vector_subcore>, window_params = [{transform_indices = #map}, {transform_indices = #map1}, {transform_indices = #map}, {transform_indices = #map1}, {transform_indices = #map1}, {transform_indices = #map}]} {
    %mul3A = arith.constant 2 : i32
    %mul3A_0 = arith.muli %arg1, %mul3A : i32
    %add3A = arith.addi %mul3A_0, %arg0 : i32
    %mul3A_1 = arith.constant 512 : i32
    %mul3A_2 = arith.muli %add3A, %mul3A_1 : i32
    "tpu.region"() ({
      %run_scoped3A_64 = tpu.sem_alloc : memref<!tpu.dma_semaphore, #tpu.memory_space<semaphore_mem>>
      tpu.enqueue_dma source(%arg5 : memref<1024xf32, #tpu.memory_space<hbm>>) target(%arg11 : memref<1024xf32, #tpu.memory_space<vmem>>) target_semaphore(%run_scoped3A_64 : memref<!tpu.dma_semaphore, #tpu.memory_space<semaphore_mem>>)
      tpu.wait_dma2 semaphore(%run_scoped3A_64 : memref<!tpu.dma_semaphore, #tpu.memory_space<semaphore_mem>>) src(%arg5 : memref<1024xf32, #tpu.memory_space<hbm>>) dst(%arg11 : memref<1024xf32, #tpu.memory_space<vmem>>)
      tpu.yield
    }) : () -> ()
    "tpu.region"() ({
      %run_scoped3A_64 = tpu.sem_alloc : memref<!tpu.dma_semaphore, #tpu.memory_space<semaphore_mem>>
      tpu.enqueue_dma source(%arg6 : memref<1024xf32, #tpu.memory_space<hbm>>) target(%arg12 : memref<1024xf32, #tpu.memory_space<vmem>>) target_semaphore(%run_scoped3A_64 : memref<!tpu.dma_semaphore, #tpu.memory_space<semaphore_mem>>)
      tpu.wait_dma2 semaphore(%run_scoped3A_64 : memref<!tpu.dma_semaphore, #tpu.memory_space<semaphore_mem>>) src(%arg6 : memref<1024xf32, #tpu.memory_space<hbm>>) dst(%arg12 : memref<1024xf32, #tpu.memory_space<vmem>>)
      tpu.yield
    }) : () -> ()
    %add3A_3 = arith.constant 0 : i32
    %add3A_4 = arith.addi %mul3A_2, %add3A_3 : i32
    %run_scoped3A = arith.constant 0 : i32
    "tpu.region"() ({
      %run_scoped3A_64 = tpu.sem_alloc : memref<!tpu.dma_semaphore, #tpu.memory_space<semaphore_mem>>
      %dma_start3A_65 = arith.constant 0 : i32
      %dma_start3A_66 = tpu.memref_slice %arg8[%run_scoped3A, %dma_start3A_65] : memref<2x16xi32, #tpu.memory_space<vmem>> -> memref<1x16xi32, #tpu.memory_space<vmem>>
      %dma_start3A_67 = tpu.memref_squeeze %dma_start3A_66 : memref<1x16xi32, #tpu.memory_space<vmem>> -> memref<16xi32, #tpu.memory_space<vmem>>
      %dma_start3A_68 = tpu.memref_slice %arg3[%add3A_4] : memref<16384xi32, #tpu.memory_space<hbm>> -> memref<16xi32, #tpu.memory_space<hbm>>
      %dma_start3A_69 = arith.constant 0 : i32
      %dma_start3A_70 = tpu.memref_slice %arg8[%run_scoped3A, %dma_start3A_69] : memref<2x16xi32, #tpu.memory_space<vmem>> -> memref<1x16xi32, #tpu.memory_space<vmem>>
      %dma_start3A_71 = tpu.memref_squeeze %dma_start3A_70 : memref<1x16xi32, #tpu.memory_space<vmem>> -> memref<16xi32, #tpu.memory_space<vmem>>
      %dma_start3A_72 = tpu.memref_slice %arg3[%add3A_4] : memref<16384xi32, #tpu.memory_space<hbm>> -> memref<16xi32, #tpu.memory_space<hbm>>
      tpu.enqueue_dma source(%dma_start3A_72 : memref<16xi32, #tpu.memory_space<hbm>>) target(%dma_start3A_71 : memref<16xi32, #tpu.memory_space<vmem>>) target_semaphore(%run_scoped3A_64 : memref<!tpu.dma_semaphore, #tpu.memory_space<semaphore_mem>>)
      %dma_wait3A_73 = arith.constant 0 : i32
      %dma_wait3A_74 = tpu.memref_slice %arg8[%run_scoped3A, %dma_wait3A_73] : memref<2x16xi32, #tpu.memory_space<vmem>> -> memref<1x16xi32, #tpu.memory_space<vmem>>
      %dma_wait3A_75 = tpu.memref_squeeze %dma_wait3A_74 : memref<1x16xi32, #tpu.memory_space<vmem>> -> memref<16xi32, #tpu.memory_space<vmem>>
      %dma_wait3A_76 = tpu.memref_slice %arg3[%add3A_4] : memref<16384xi32, #tpu.memory_space<hbm>> -> memref<16xi32, #tpu.memory_space<hbm>>
      %dma_wait3A_77 = arith.constant 0 : i32
      %dma_wait3A_78 = tpu.memref_slice %arg8[%run_scoped3A, %dma_wait3A_77] : memref<2x16xi32, #tpu.memory_space<vmem>> -> memref<1x16xi32, #tpu.memory_space<vmem>>
      %dma_wait3A_79 = tpu.memref_squeeze %dma_wait3A_78 : memref<1x16xi32, #tpu.memory_space<vmem>> -> memref<16xi32, #tpu.memory_space<vmem>>
      %dma_wait3A_80 = tpu.memref_slice %arg3[%add3A_4] : memref<16384xi32, #tpu.memory_space<hbm>> -> memref<16xi32, #tpu.memory_space<hbm>>
      tpu.wait_dma2 semaphore(%run_scoped3A_64 : memref<!tpu.dma_semaphore, #tpu.memory_space<semaphore_mem>>) src(%dma_wait3A_80 : memref<16xi32, #tpu.memory_space<hbm>>) dst(%dma_wait3A_79 : memref<16xi32, #tpu.memory_space<vmem>>)
      tpu.yield
    }) : () -> ()
    %dma_start3A = arith.constant 0 : i32
    %dma_start3A_5 = arith.constant 0 : i32
    %dma_start3A_6 = arith.constant 0 : i32
    %dma_start3A_7 = arith.constant 0 : i32
    %dma_start3A_8 = tpu.memref_slice %arg9[%dma_start3A_5, %dma_start3A_6, %dma_start3A_7] : memref<2x16x1024xf32, #tpu.memory_space<vmem>> -> memref<1x16x1024xf32, #tpu.memory_space<vmem>>
    %dma_start3A_9 = tpu.memref_squeeze %dma_start3A_8 : memref<1x16x1024xf32, #tpu.memory_space<vmem>> -> memref<16x1024xf32, #tpu.memory_space<vmem>>
    %dma_start3A_10 = arith.constant 0 : i32
    %dma_start3A_11 = tpu.memref_slice %arg8[%dma_start3A, %dma_start3A_10] : memref<2x16xi32, #tpu.memory_space<vmem>> -> memref<1x16xi32, #tpu.memory_space<vmem>>
    %dma_start3A_12 = tpu.memref_squeeze %dma_start3A_11 : memref<1x16xi32, #tpu.memory_space<vmem>> -> memref<16xi32, #tpu.memory_space<vmem>>
    %dma_start3A_13 = arith.constant 0 : i32
    %dma_start3A_14 = arith.constant 0 : i32
    %dma_start3A_15 = tpu.memref_slice %arg4[%dma_start3A_13, %dma_start3A_14] : memref<8192x1024xf32, #tpu.memory_space<hbm>> -> memref<8192x1024xf32, #tpu.memory_space<hbm>>
    tpu.enqueue_indirect_dma source(%dma_start3A_15 : memref<8192x1024xf32, #tpu.memory_space<hbm>>) target(%dma_start3A_9 : memref<16x1024xf32, #tpu.memory_space<vmem>>) offsets(%dma_start3A_12 : memref<16xi32, #tpu.memory_space<vmem>>) semaphore(%arg15 : memref<!tpu.dma_semaphore, #tpu.memory_space<semaphore_mem>>)
    %dma_start3A_16 = arith.constant 0 : i32
    %dma_start3A_17 = arith.constant 0 : i32
    %dma_start3A_18 = arith.constant 0 : i32
    %dma_start3A_19 = tpu.memref_slice %arg10[%dma_start3A_16, %dma_start3A_17, %dma_start3A_18] : memref<2x16x1024xf32, #tpu.memory_space<vmem>> -> memref<1x16x1024xf32, #tpu.memory_space<vmem>>
    %dma_start3A_20 = tpu.memref_squeeze %dma_start3A_19 : memref<1x16x1024xf32, #tpu.memory_space<vmem>> -> memref<16x1024xf32, #tpu.memory_space<vmem>>
    %dma_start3A_21 = arith.constant 0 : i32
    %dma_start3A_22 = tpu.memref_slice %arg2[%add3A_4, %dma_start3A_21] : memref<16384x1024xf32, #tpu.memory_space<hbm>> -> memref<16x1024xf32, #tpu.memory_space<hbm>>
    %dma_start3A_23 = arith.constant 0 : i32
    %dma_start3A_24 = arith.constant 0 : i32
    %dma_start3A_25 = tpu.memref_slice %arg10[%dma_start3A_16, %dma_start3A_23, %dma_start3A_24] : memref<2x16x1024xf32, #tpu.memory_space<vmem>> -> memref<1x16x1024xf32, #tpu.memory_space<vmem>>
    %dma_start3A_26 = tpu.memref_squeeze %dma_start3A_25 : memref<1x16x1024xf32, #tpu.memory_space<vmem>> -> memref<16x1024xf32, #tpu.memory_space<vmem>>
    %dma_start3A_27 = arith.constant 0 : i32
    %dma_start3A_28 = tpu.memref_slice %arg2[%add3A_4, %dma_start3A_27] : memref<16384x1024xf32, #tpu.memory_space<hbm>> -> memref<16x1024xf32, #tpu.memory_space<hbm>>
    tpu.enqueue_dma source(%dma_start3A_28 : memref<16x1024xf32, #tpu.memory_space<hbm>>) target(%dma_start3A_26 : memref<16x1024xf32, #tpu.memory_space<vmem>>) target_semaphore(%arg17 : memref<!tpu.dma_semaphore, #tpu.memory_space<semaphore_mem>>)
    %scan3A = arith.constant 0 : i32
    %scan3A_29 = arith.constant 0 : i32
    %scan3A_30 = arith.constant 16 : i32
    %scan3A_31 = arith.addi %scan3A_29, %scan3A_30 : i32
    %scan3A_32 = arith.constant 1 : i32
    %scan3A_33 = scf.for %scan3A_64 = %scan3A_29 to %scan3A_31 step %scan3A_32 iter_args(%scan3A_65 = %scan3A) -> (i32)  : i32 {
      %mul3A_66 = arith.constant 2 : i32
      %mul3A_67 = arith.muli %scan3A_64, %mul3A_66 : i32
      %add3A_68 = arith.constant 0 : i32
      %add3A_69 = arith.addi %mul3A_67, %add3A_68 : i32
      %add3A_70 = arith.constant 1 : i32
      %add3A_71 = arith.addi %add3A_69, %add3A_70 : i32
      %lt3A = arith.constant 32 : i32
      %lt3A_72 = arith.cmpi slt, %add3A_71, %lt3A : i32
      %convert_element_type3A = arith.extui %lt3A_72 : i1 to i32
      %cond3A = arith.constant 0 : i32
      %cond3A_73 = arith.cmpi ne, %convert_element_type3A, %cond3A : i32
      scf.if %cond3A_73 {
        %ge3A = arith.constant 1 : i32
        %ge3A_208 = arith.cmpi sge, %add3A_69, %ge3A : i32
        %convert_element_type3A_209 = arith.extui %ge3A_208 : i1 to i32
        %cond3A_210 = arith.constant 0 : i32
        %cond3A_211 = arith.cmpi ne, %convert_element_type3A_209, %cond3A_210 : i32
        scf.if %cond3A_211 {
          %sub3A = arith.constant 1 : i32
          %sub3A_243 = arith.subi %add3A_69, %sub3A : i32
          %mul3A_244 = arith.constant 16 : i32
          %mul3A_245 = arith.muli %sub3A_243, %mul3A_244 : i32
          %add3A_246 = arith.addi %mul3A_2, %mul3A_245 : i32
          %dma_wait3A_247 = arith.constant 1 : i32
          %dma_wait3A_248 = arith.constant 0 : i32
          %dma_wait3A_249 = arith.constant 0 : i32
          %dma_wait3A_250 = tpu.memref_slice %arg10[%dma_wait3A_247, %dma_wait3A_248, %dma_wait3A_249] : memref<2x16x1024xf32, #tpu.memory_space<vmem>> -> memref<1x16x1024xf32, #tpu.memory_space<vmem>>
          %dma_wait3A_251 = tpu.memref_squeeze %dma_wait3A_250 : memref<1x16x1024xf32, #tpu.memory_space<vmem>> -> memref<16x1024xf32, #tpu.memory_space<vmem>>
          %dma_wait3A_252 = arith.constant 0 : i32
          %dma_wait3A_253 = tpu.memref_slice %arg7[%add3A_246, %dma_wait3A_252] : memref<16384x1024xf32, #tpu.memory_space<hbm>> -> memref<16x1024xf32, #tpu.memory_space<hbm>>
          %dma_wait3A_254 = arith.constant 0 : i32
          %dma_wait3A_255 = tpu.memref_slice %arg7[%add3A_246, %dma_wait3A_254] : memref<16384x1024xf32, #tpu.memory_space<hbm>> -> memref<16x1024xf32, #tpu.memory_space<hbm>>
          %dma_wait3A_256 = arith.constant 0 : i32
          %dma_wait3A_257 = arith.constant 0 : i32
          %dma_wait3A_258 = tpu.memref_slice %arg10[%dma_wait3A_247, %dma_wait3A_256, %dma_wait3A_257] : memref<2x16x1024xf32, #tpu.memory_space<vmem>> -> memref<1x16x1024xf32, #tpu.memory_space<vmem>>
          %dma_wait3A_259 = tpu.memref_squeeze %dma_wait3A_258 : memref<1x16x1024xf32, #tpu.memory_space<vmem>> -> memref<16x1024xf32, #tpu.memory_space<vmem>>
          tpu.wait_dma2 semaphore(%arg20 : memref<!tpu.dma_semaphore, #tpu.memory_space<semaphore_mem>>) src(%dma_wait3A_259 : memref<16x1024xf32, #tpu.memory_space<vmem>>) dst(%dma_wait3A_255 : memref<16x1024xf32, #tpu.memory_space<hbm>>)
        } else {
        }
        %add3A_212 = arith.constant 1 : i32
        %add3A_213 = arith.addi %add3A_69, %add3A_212 : i32
        %mul3A_214 = arith.constant 16 : i32
        %mul3A_215 = arith.muli %add3A_213, %mul3A_214 : i32
        %add3A_216 = arith.addi %mul3A_2, %mul3A_215 : i32
        %run_scoped3A_217 = arith.constant 1 : i32
        "tpu.region"() ({
          %run_scoped3A_243 = tpu.sem_alloc : memref<!tpu.dma_semaphore, #tpu.memory_space<semaphore_mem>>
          %dma_start3A_244 = arith.constant 0 : i32
          %dma_start3A_245 = tpu.memref_slice %arg8[%run_scoped3A_217, %dma_start3A_244] : memref<2x16xi32, #tpu.memory_space<vmem>> -> memref<1x16xi32, #tpu.memory_space<vmem>>
          %dma_start3A_246 = tpu.memref_squeeze %dma_start3A_245 : memref<1x16xi32, #tpu.memory_space<vmem>> -> memref<16xi32, #tpu.memory_space<vmem>>
          %dma_start3A_247 = tpu.memref_slice %arg3[%add3A_216] : memref<16384xi32, #tpu.memory_space<hbm>> -> memref<16xi32, #tpu.memory_space<hbm>>
          %dma_start3A_248 = arith.constant 0 : i32
          %dma_start3A_249 = tpu.memref_slice %arg8[%run_scoped3A_217, %dma_start3A_248] : memref<2x16xi32, #tpu.memory_space<vmem>> -> memref<1x16xi32, #tpu.memory_space<vmem>>
          %dma_start3A_250 = tpu.memref_squeeze %dma_start3A_249 : memref<1x16xi32, #tpu.memory_space<vmem>> -> memref<16xi32, #tpu.memory_space<vmem>>
          %dma_start3A_251 = tpu.memref_slice %arg3[%add3A_216] : memref<16384xi32, #tpu.memory_space<hbm>> -> memref<16xi32, #tpu.memory_space<hbm>>
          tpu.enqueue_dma source(%dma_start3A_251 : memref<16xi32, #tpu.memory_space<hbm>>) target(%dma_start3A_250 : memref<16xi32, #tpu.memory_space<vmem>>) target_semaphore(%run_scoped3A_243 : memref<!tpu.dma_semaphore, #tpu.memory_space<semaphore_mem>>)
          %dma_wait3A_252 = arith.constant 0 : i32
          %dma_wait3A_253 = tpu.memref_slice %arg8[%run_scoped3A_217, %dma_wait3A_252] : memref<2x16xi32, #tpu.memory_space<vmem>> -> memref<1x16xi32, #tpu.memory_space<vmem>>
          %dma_wait3A_254 = tpu.memref_squeeze %dma_wait3A_253 : memref<1x16xi32, #tpu.memory_space<vmem>> -> memref<16xi32, #tpu.memory_space<vmem>>
          %dma_wait3A_255 = tpu.memref_slice %arg3[%add3A_216] : memref<16384xi32, #tpu.memory_space<hbm>> -> memref<16xi32, #tpu.memory_space<hbm>>
          %dma_wait3A_256 = arith.constant 0 : i32
          %dma_wait3A_257 = tpu.memref_slice %arg8[%run_scoped3A_217, %dma_wait3A_256] : memref<2x16xi32, #tpu.memory_space<vmem>> -> memref<1x16xi32, #tpu.memory_space<vmem>>
          %dma_wait3A_258 = tpu.memref_squeeze %dma_wait3A_257 : memref<1x16xi32, #tpu.memory_space<vmem>> -> memref<16xi32, #tpu.memory_space<vmem>>
          %dma_wait3A_259 = tpu.memref_slice %arg3[%add3A_216] : memref<16384xi32, #tpu.memory_space<hbm>> -> memref<16xi32, #tpu.memory_space<hbm>>
          tpu.wait_dma2 semaphore(%run_scoped3A_243 : memref<!tpu.dma_semaphore, #tpu.memory_space<semaphore_mem>>) src(%dma_wait3A_259 : memref<16xi32, #tpu.memory_space<hbm>>) dst(%dma_wait3A_258 : memref<16xi32, #tpu.memory_space<vmem>>)
          tpu.yield
        }) : () -> ()
        %dma_start3A_218 = arith.constant 1 : i32
        %dma_start3A_219 = arith.constant 1 : i32
        %dma_start3A_220 = arith.constant 0 : i32
        %dma_start3A_221 = arith.constant 0 : i32
        %dma_start3A_222 = tpu.memref_slice %arg9[%dma_start3A_219, %dma_start3A_220, %dma_start3A_221] : memref<2x16x1024xf32, #tpu.memory_space<vmem>> -> memref<1x16x1024xf32, #tpu.memory_space<vmem>>
        %dma_start3A_223 = tpu.memref_squeeze %dma_start3A_222 : memref<1x16x1024xf32, #tpu.memory_space<vmem>> -> memref<16x1024xf32, #tpu.memory_space<vmem>>
        %dma_start3A_224 = arith.constant 0 : i32
        %dma_start3A_225 = tpu.memref_slice %arg8[%dma_start3A_218, %dma_start3A_224] : memref<2x16xi32, #tpu.memory_space<vmem>> -> memref<1x16xi32, #tpu.memory_space<vmem>>
        %dma_start3A_226 = tpu.memref_squeeze %dma_start3A_225 : memref<1x16xi32, #tpu.memory_space<vmem>> -> memref<16xi32, #tpu.memory_space<vmem>>
        %dma_start3A_227 = arith.constant 0 : i32
        %dma_start3A_228 = arith.constant 0 : i32
        %dma_start3A_229 = tpu.memref_slice %arg4[%dma_start3A_227, %dma_start3A_228] : memref<8192x1024xf32, #tpu.memory_space<hbm>> -> memref<8192x1024xf32, #tpu.memory_space<hbm>>
        tpu.enqueue_indirect_dma source(%dma_start3A_229 : memref<8192x1024xf32, #tpu.memory_space<hbm>>) target(%dma_start3A_223 : memref<16x1024xf32, #tpu.memory_space<vmem>>) offsets(%dma_start3A_226 : memref<16xi32, #tpu.memory_space<vmem>>) semaphore(%arg16 : memref<!tpu.dma_semaphore, #tpu.memory_space<semaphore_mem>>)
        %dma_start3A_230 = arith.constant 1 : i32
        %dma_start3A_231 = arith.constant 0 : i32
        %dma_start3A_232 = arith.constant 0 : i32
        %dma_start3A_233 = tpu.memref_slice %arg10[%dma_start3A_230, %dma_start3A_231, %dma_start3A_232] : memref<2x16x1024xf32, #tpu.memory_space<vmem>> -> memref<1x16x1024xf32, #tpu.memory_space<vmem>>
        %dma_start3A_234 = tpu.memref_squeeze %dma_start3A_233 : memref<1x16x1024xf32, #tpu.memory_space<vmem>> -> memref<16x1024xf32, #tpu.memory_space<vmem>>
        %dma_start3A_235 = arith.constant 0 : i32
        %dma_start3A_236 = tpu.memref_slice %arg2[%add3A_216, %dma_start3A_235] : memref<16384x1024xf32, #tpu.memory_space<hbm>> -> memref<16x1024xf32, #tpu.memory_space<hbm>>
        %dma_start3A_237 = arith.constant 0 : i32
        %dma_start3A_238 = arith.constant 0 : i32
        %dma_start3A_239 = tpu.memref_slice %arg10[%dma_start3A_230, %dma_start3A_237, %dma_start3A_238] : memref<2x16x1024xf32, #tpu.memory_space<vmem>> -> memref<1x16x1024xf32, #tpu.memory_space<vmem>>
        %dma_start3A_240 = tpu.memref_squeeze %dma_start3A_239 : memref<1x16x1024xf32, #tpu.memory_space<vmem>> -> memref<16x1024xf32, #tpu.memory_space<vmem>>
        %dma_start3A_241 = arith.constant 0 : i32
        %dma_start3A_242 = tpu.memref_slice %arg2[%add3A_216, %dma_start3A_241] : memref<16384x1024xf32, #tpu.memory_space<hbm>> -> memref<16x1024xf32, #tpu.memory_space<hbm>>
        tpu.enqueue_dma source(%dma_start3A_242 : memref<16x1024xf32, #tpu.memory_space<hbm>>) target(%dma_start3A_240 : memref<16x1024xf32, #tpu.memory_space<vmem>>) target_semaphore(%arg18 : memref<!tpu.dma_semaphore, #tpu.memory_space<semaphore_mem>>)
      } else {
      }
      %dma_wait3A_74 = arith.constant 0 : i32
      %dma_wait3A_75 = arith.constant 0 : i32
      %dma_wait3A_76 = arith.constant 0 : i32
      %dma_wait3A_77 = arith.constant 0 : i32
      %dma_wait3A_78 = tpu.memref_slice %arg9[%dma_wait3A_75, %dma_wait3A_76, %dma_wait3A_77] : memref<2x16x1024xf32, #tpu.memory_space<vmem>> -> memref<1x16x1024xf32, #tpu.memory_space<vmem>>
      %dma_wait3A_79 = tpu.memref_squeeze %dma_wait3A_78 : memref<1x16x1024xf32, #tpu.memory_space<vmem>> -> memref<16x1024xf32, #tpu.memory_space<vmem>>
      %dma_wait3A_80 = arith.constant 0 : i32
      %dma_wait3A_81 = tpu.memref_slice %arg8[%dma_wait3A_74, %dma_wait3A_80] : memref<2x16xi32, #tpu.memory_space<vmem>> -> memref<1x16xi32, #tpu.memory_space<vmem>>
      %dma_wait3A_82 = tpu.memref_squeeze %dma_wait3A_81 : memref<1x16xi32, #tpu.memory_space<vmem>> -> memref<16xi32, #tpu.memory_space<vmem>>
      %dma_wait3A_83 = arith.constant 0 : i32
      %dma_wait3A_84 = arith.constant 0 : i32
      %dma_wait3A_85 = tpu.memref_slice %arg4[%dma_wait3A_83, %dma_wait3A_84] : memref<8192x1024xf32, #tpu.memory_space<hbm>> -> memref<8192x1024xf32, #tpu.memory_space<hbm>>
      tpu.wait_indirect_dma semaphore(%arg15 : memref<!tpu.dma_semaphore, #tpu.memory_space<semaphore_mem>>) src(%dma_wait3A_85 : memref<8192x1024xf32, #tpu.memory_space<hbm>>) dst(%dma_wait3A_79 : memref<16x1024xf32, #tpu.memory_space<vmem>>)
      %mul3A_86 = arith.constant 16 : i32
      %mul3A_87 = arith.muli %add3A_69, %mul3A_86 : i32
      %add3A_88 = arith.addi %mul3A_2, %mul3A_87 : i32
      %dma_wait3A_89 = arith.constant 0 : i32
      %dma_wait3A_90 = arith.constant 0 : i32
      %dma_wait3A_91 = arith.constant 0 : i32
      %dma_wait3A_92 = tpu.memref_slice %arg10[%dma_wait3A_89, %dma_wait3A_90, %dma_wait3A_91] : memref<2x16x1024xf32, #tpu.memory_space<vmem>> -> memref<1x16x1024xf32, #tpu.memory_space<vmem>>
      %dma_wait3A_93 = tpu.memref_squeeze %dma_wait3A_92 : memref<1x16x1024xf32, #tpu.memory_space<vmem>> -> memref<16x1024xf32, #tpu.memory_space<vmem>>
      %dma_wait3A_94 = arith.constant 0 : i32
      %dma_wait3A_95 = tpu.memref_slice %arg2[%add3A_88, %dma_wait3A_94] : memref<16384x1024xf32, #tpu.memory_space<hbm>> -> memref<16x1024xf32, #tpu.memory_space<hbm>>
      %dma_wait3A_96 = arith.constant 0 : i32
      %dma_wait3A_97 = arith.constant 0 : i32
      %dma_wait3A_98 = tpu.memref_slice %arg10[%dma_wait3A_89, %dma_wait3A_96, %dma_wait3A_97] : memref<2x16x1024xf32, #tpu.memory_space<vmem>> -> memref<1x16x1024xf32, #tpu.memory_space<vmem>>
      %dma_wait3A_99 = tpu.memref_squeeze %dma_wait3A_98 : memref<1x16x1024xf32, #tpu.memory_space<vmem>> -> memref<16x1024xf32, #tpu.memory_space<vmem>>
      %dma_wait3A_100 = arith.constant 0 : i32
      %dma_wait3A_101 = tpu.memref_slice %arg2[%add3A_88, %dma_wait3A_100] : memref<16384x1024xf32, #tpu.memory_space<hbm>> -> memref<16x1024xf32, #tpu.memory_space<hbm>>
      tpu.wait_dma2 semaphore(%arg17 : memref<!tpu.dma_semaphore, #tpu.memory_space<semaphore_mem>>) src(%dma_wait3A_101 : memref<16x1024xf32, #tpu.memory_space<hbm>>) dst(%dma_wait3A_99 : memref<16x1024xf32, #tpu.memory_space<vmem>>)
      %scan3A_102 = arith.constant 0 : i32
      %scan3A_103 = arith.constant 0 : i32
      %scan3A_104 = arith.constant 0 : i32
      %scan3A_105 = arith.constant 16 : i32
      %scan3A_106 = arith.addi %scan3A_104, %scan3A_105 : i32
      %scan3A_107 = arith.constant 1 : i32
      %scan3A_108 = scf.for %scan3A_208 = %scan3A_104 to %scan3A_106 step %scan3A_107 iter_args(%scan3A_209 = %scan3A_103) -> (i32)  : i32 {
        %broadcast_in_dim3A = arith.constant 0.000000e+00 : f32
        %broadcast_in_dim3A_210 = vector.broadcast %broadcast_in_dim3A : f32 to vector<16xf32>
        %get3A = arith.constant 0 : i32
        %get3A_211 = arith.constant 0 : i32
        %get3A_212 = tpu.memref_slice %arg10[%scan3A_102, %get3A, %get3A_211] : memref<2x16x1024xf32, #tpu.memory_space<vmem>> -> memref<1x16x1024xf32, #tpu.memory_space<vmem>>
        %get3A_213 = tpu.memref_squeeze %get3A_212 : memref<1x16x1024xf32, #tpu.memory_space<vmem>> -> memref<16x1024xf32, #tpu.memory_space<vmem>>
        %get3A_214 = arith.index_cast %scan3A_208 : i32 to index
        %get3A_215 = arith.constant 0 : index
        %get3A_216 = tpu.vector_load %get3A_213[%get3A_214, %get3A_215] {strides = array<i32>} : memref<16x1024xf32, #tpu.memory_space<vmem>>, vector<16xf32>,
        %add3A_217 = arith.addf %broadcast_in_dim3A_210, %get3A_216 : vector<16xf32>
        %mul3A_218 = arith.mulf %get3A_216, %get3A_216 : vector<16xf32>
        %add3A_219 = arith.addf %broadcast_in_dim3A_210, %mul3A_218 : vector<16xf32>
        %get3A_220 = arith.constant 0 : i32
        %get3A_221 = arith.constant 0 : i32
        %get3A_222 = tpu.memref_slice %arg10[%scan3A_102, %get3A_220, %get3A_221] : memref<2x16x1024xf32, #tpu.memory_space<vmem>> -> memref<1x16x1024xf32, #tpu.memory_space<vmem>>
        %get3A_223 = tpu.memref_squeeze %get3A_222 : memref<1x16x1024xf32, #tpu.memory_space<vmem>> -> memref<16x1024xf32, #tpu.memory_space<vmem>>
        %get3A_224 = arith.index_cast %scan3A_208 : i32 to index
        %get3A_225 = arith.constant 16 : index
        %get3A_226 = tpu.vector_load %get3A_223[%get3A_224, %get3A_225] {strides = array<i32>} : memref<16x1024xf32, #tpu.memory_space<vmem>>, vector<16xf32>,
        %add3A_227 = arith.addf %broadcast_in_dim3A_210, %get3A_226 : vector<16xf32>
        %mul3A_228 = arith.mulf %get3A_226, %get3A_226 : vector<16xf32>
        %add3A_229 = arith.addf %broadcast_in_dim3A_210, %mul3A_228 : vector<16xf32>
        %get3A_230 = arith.constant 0 : i32
        %get3A_231 = arith.constant 0 : i32
        %get3A_232 = tpu.memref_slice %arg10[%scan3A_102, %get3A_230, %get3A_231] : memref<2x16x1024xf32, #tpu.memory_space<vmem>> -> memref<1x16x1024xf32, #tpu.memory_space<vmem>>
        %get3A_233 = tpu.memref_squeeze %get3A_232 : memref<1x16x1024xf32, #tpu.memory_space<vmem>> -> memref<16x1024xf32, #tpu.memory_space<vmem>>
        %get3A_234 = arith.index_cast %scan3A_208 : i32 to index
        %get3A_235 = arith.constant 32 : index
        %get3A_236 = tpu.vector_load %get3A_233[%get3A_234, %get3A_235] {strides = array<i32>} : memref<16x1024xf32, #tpu.memory_space<vmem>>, vector<16xf32>,
        %add3A_237 = arith.addf %broadcast_in_dim3A_210, %get3A_236 : vector<16xf32>
        %mul3A_238 = arith.mulf %get3A_236, %get3A_236 : vector<16xf32>
        %add3A_239 = arith.addf %broadcast_in_dim3A_210, %mul3A_238 : vector<16xf32>
        %get3A_240 = arith.constant 0 : i32
        %get3A_241 = arith.constant 0 : i32
        %get3A_242 = tpu.memref_slice %arg10[%scan3A_102, %get3A_240, %get3A_241] : memref<2x16x1024xf32, #tpu.memory_space<vmem>> -> memref<1x16x1024xf32, #tpu.memory_space<vmem>>
        %get3A_243 = tpu.memref_squeeze %get3A_242 : memref<1x16x1024xf32, #tpu.memory_space<vmem>> -> memref<16x1024xf32, #tpu.memory_space<vmem>>
        %get3A_244 = arith.index_cast %scan3A_208 : i32 to index
        %get3A_245 = arith.constant 48 : index
        %get3A_246 = tpu.vector_load %get3A_243[%get3A_244, %get3A_245] {strides = array<i32>} : memref<16x1024xf32, #tpu.memory_space<vmem>>, vector<16xf32>,
        %add3A_247 = arith.addf %broadcast_in_dim3A_210, %get3A_246 : vector<16xf32>
        %mul3A_248 = arith.mulf %get3A_246, %get3A_246 : vector<16xf32>
        %add3A_249 = arith.addf %broadcast_in_dim3A_210, %mul3A_248 : vector<16xf32>
        %get3A_250 = arith.constant 0 : i32
        %get3A_251 = arith.constant 0 : i32
        %get3A_252 = tpu.memref_slice %arg10[%scan3A_102, %get3A_250, %get3A_251] : memref<2x16x1024xf32, #tpu.memory_space<vmem>> -> memref<1x16x1024xf32, #tpu.memory_space<vmem>>
        %get3A_253 = tpu.memref_squeeze %get3A_252 : memref<1x16x1024xf32, #tpu.memory_space<vmem>> -> memref<16x1024xf32, #tpu.memory_space<vmem>>
        %get3A_254 = arith.index_cast %scan3A_208 : i32 to index
        %get3A_255 = arith.constant 64 : index
        %get3A_256 = tpu.vector_load %get3A_253[%get3A_254, %get3A_255] {strides = array<i32>} : memref<16x1024xf32, #tpu.memory_space<vmem>>, vector<16xf32>,
        %add3A_257 = arith.addf %add3A_217, %get3A_256 : vector<16xf32>
        %mul3A_258 = arith.mulf %get3A_256, %get3A_256 : vector<16xf32>
        %add3A_259 = arith.addf %add3A_219, %mul3A_258 : vector<16xf32>
        %get3A_260 = arith.constant 0 : i32
        %get3A_261 = arith.constant 0 : i32
        %get3A_262 = tpu.memref_slice %arg10[%scan3A_102, %get3A_260, %get3A_261] : memref<2x16x1024xf32, #tpu.memory_space<vmem>> -> memref<1x16x1024xf32, #tpu.memory_space<vmem>>
        %get3A_263 = tpu.memref_squeeze %get3A_262 : memref<1x16x1024xf32, #tpu.memory_space<vmem>> -> memref<16x1024xf32, #tpu.memory_space<vmem>>
        %get3A_264 = arith.index_cast %scan3A_208 : i32 to index
        %get3A_265 = arith.constant 80 : index
        %get3A_266 = tpu.vector_load %get3A_263[%get3A_264, %get3A_265] {strides = array<i32>} : memref<16x1024xf32, #tpu.memory_space<vmem>>, vector<16xf32>,
        %add3A_267 = arith.addf %add3A_227, %get3A_266 : vector<16xf32>
        %mul3A_268 = arith.mulf %get3A_266, %get3A_266 : vector<16xf32>
        %add3A_269 = arith.addf %add3A_229, %mul3A_268 : vector<16xf32>
        %get3A_270 = arith.constant 0 : i32
        %get3A_271 = arith.constant 0 : i32
        %get3A_272 = tpu.memref_slice %arg10[%scan3A_102, %get3A_270, %get3A_271] : memref<2x16x1024xf32, #tpu.memory_space<vmem>> -> memref<1x16x1024xf32, #tpu.memory_space<vmem>>
        %get3A_273 = tpu.memref_squeeze %get3A_272 : memref<1x16x1024xf32, #tpu.memory_space<vmem>> -> memref<16x1024xf32, #tpu.memory_space<vmem>>
        %get3A_274 = arith.index_cast %scan3A_208 : i32 to index
        %get3A_275 = arith.constant 96 : index
        %get3A_276 = tpu.vector_load %get3A_273[%get3A_274, %get3A_275] {strides = array<i32>} : memref<16x1024xf32, #tpu.memory_space<vmem>>, vector<16xf32>,
        %add3A_277 = arith.addf %add3A_237, %get3A_276 : vector<16xf32>
        %mul3A_278 = arith.mulf %get3A_276, %get3A_276 : vector<16xf32>
        %add3A_279 = arith.addf %add3A_239, %mul3A_278 : vector<16xf32>
        %get3A_280 = arith.constant 0 : i32
        %get3A_281 = arith.constant 0 : i32
        %get3A_282 = tpu.memref_slice %arg10[%scan3A_102, %get3A_280, %get3A_281] : memref<2x16x1024xf32, #tpu.memory_space<vmem>> -> memref<1x16x1024xf32, #tpu.memory_space<vmem>>
        %get3A_283 = tpu.memref_squeeze %get3A_282 : memref<1x16x1024xf32, #tpu.memory_space<vmem>> -> memref<16x1024xf32, #tpu.memory_space<vmem>>
        %get3A_284 = arith.index_cast %scan3A_208 : i32 to index
        %get3A_285 = arith.constant 112 : index
        %get3A_286 = tpu.vector_load %get3A_283[%get3A_284, %get3A_285] {strides = array<i32>} : memref<16x1024xf32, #tpu.memory_space<vmem>>, vector<16xf32>,
        %add3A_287 = arith.addf %add3A_247, %get3A_286 : vector<16xf32>
        %mul3A_288 = arith.mulf %get3A_286, %get3A_286 : vector<16xf32>
        %add3A_289 = arith.addf %add3A_249, %mul3A_288 : vector<16xf32>
        %get3A_290 = arith.constant 0 : i32
        %get3A_291 = arith.constant 0 : i32
        %get3A_292 = tpu.memref_slice %arg10[%scan3A_102, %get3A_290, %get3A_291] : memref<2x16x1024xf32, #tpu.memory_space<vmem>> -> memref<1x16x1024xf32, #tpu.memory_space<vmem>>
        %get3A_293 = tpu.memref_squeeze %get3A_292 : memref<1x16x1024xf32, #tpu.memory_space<vmem>> -> memref<16x1024xf32, #tpu.memory_space<vmem>>
        %get3A_294 = arith.index_cast %scan3A_208 : i32 to index
        %get3A_295 = arith.constant 128 : index
        %get3A_296 = tpu.vector_load %get3A_293[%get3A_294, %get3A_295] {strides = array<i32>} : memref<16x1024xf32, #tpu.memory_space<vmem>>, vector<16xf32>,
        %add3A_297 = arith.addf %add3A_257, %get3A_296 : vector<16xf32>
        %mul3A_298 = arith.mulf %get3A_296, %get3A_296 : vector<16xf32>
        %add3A_299 = arith.addf %add3A_259, %mul3A_298 : vector<16xf32>
        %get3A_300 = arith.constant 0 : i32
        %get3A_301 = arith.constant 0 : i32
        %get3A_302 = tpu.memref_slice %arg10[%scan3A_102, %get3A_300, %get3A_301] : memref<2x16x1024xf32, #tpu.memory_space<vmem>> -> memref<1x16x1024xf32, #tpu.memory_space<vmem>>
        %get3A_303 = tpu.memref_squeeze %get3A_302 : memref<1x16x1024xf32, #tpu.memory_space<vmem>> -> memref<16x1024xf32, #tpu.memory_space<vmem>>
        %get3A_304 = arith.index_cast %scan3A_208 : i32 to index
        %get3A_305 = arith.constant 144 : index
        %get3A_306 = tpu.vector_load %get3A_303[%get3A_304, %get3A_305] {strides = array<i32>} : memref<16x1024xf32, #tpu.memory_space<vmem>>, vector<16xf32>,
        %add3A_307 = arith.addf %add3A_267, %get3A_306 : vector<16xf32>
        %mul3A_308 = arith.mulf %get3A_306, %get3A_306 : vector<16xf32>
        %add3A_309 = arith.addf %add3A_269, %mul3A_308 : vector<16xf32>
        %get3A_310 = arith.constant 0 : i32
        %get3A_311 = arith.constant 0 : i32
        %get3A_312 = tpu.memref_slice %arg10[%scan3A_102, %get3A_310, %get3A_311] : memref<2x16x1024xf32, #tpu.memory_space<vmem>> -> memref<1x16x1024xf32, #tpu.memory_space<vmem>>
        %get3A_313 = tpu.memref_squeeze %get3A_312 : memref<1x16x1024xf32, #tpu.memory_space<vmem>> -> memref<16x1024xf32, #tpu.memory_space<vmem>>
        %get3A_314 = arith.index_cast %scan3A_208 : i32 to index
        %get3A_315 = arith.constant 160 : index
        %get3A_316 = tpu.vector_load %get3A_313[%get3A_314, %get3A_315] {strides = array<i32>} : memref<16x1024xf32, #tpu.memory_space<vmem>>, vector<16xf32>,
        %add3A_317 = arith.addf %add3A_277, %get3A_316 : vector<16xf32>
        %mul3A_318 = arith.mulf %get3A_316, %get3A_316 : vector<16xf32>
        %add3A_319 = arith.addf %add3A_279, %mul3A_318 : vector<16xf32>
        %get3A_320 = arith.constant 0 : i32
        %get3A_321 = arith.constant 0 : i32
        %get3A_322 = tpu.memref_slice %arg10[%scan3A_102, %get3A_320, %get3A_321] : memref<2x16x1024xf32, #tpu.memory_space<vmem>> -> memref<1x16x1024xf32, #tpu.memory_space<vmem>>
        %get3A_323 = tpu.memref_squeeze %get3A_322 : memref<1x16x1024xf32, #tpu.memory_space<vmem>> -> memref<16x1024xf32, #tpu.memory_space<vmem>>
        %get3A_324 = arith.index_cast %scan3A_208 : i32 to index
        %get3A_325 = arith.constant 176 : index
        %get3A_326 = tpu.vector_load %get3A_323[%get3A_324, %get3A_325] {strides = array<i32>} : memref<16x1024xf32, #tpu.memory_space<vmem>>, vector<16xf32>,
        %add3A_327 = arith.addf %add3A_287, %get3A_326 : vector<16xf32>
        %mul3A_328 = arith.mulf %get3A_326, %get3A_326 : vector<16xf32>
        %add3A_329 = arith.addf %add3A_289, %mul3A_328 : vector<16xf32>
        %get3A_330 = arith.constant 0 : i32
        %get3A_331 = arith.constant 0 : i32
        %get3A_332 = tpu.memref_slice %arg10[%scan3A_102, %get3A_330, %get3A_331] : memref<2x16x1024xf32, #tpu.memory_space<vmem>> -> memref<1x16x1024xf32, #tpu.memory_space<vmem>>
        %get3A_333 = tpu.memref_squeeze %get3A_332 : memref<1x16x1024xf32, #tpu.memory_space<vmem>> -> memref<16x1024xf32, #tpu.memory_space<vmem>>
        %get3A_334 = arith.index_cast %scan3A_208 : i32 to index
        %get3A_335 = arith.constant 192 : index
        %get3A_336 = tpu.vector_load %get3A_333[%get3A_334, %get3A_335] {strides = array<i32>} : memref<16x1024xf32, #tpu.memory_space<vmem>>, vector<16xf32>,
        %add3A_337 = arith.addf %add3A_297, %get3A_336 : vector<16xf32>
        %mul3A_338 = arith.mulf %get3A_336, %get3A_336 : vector<16xf32>
        %add3A_339 = arith.addf %add3A_299, %mul3A_338 : vector<16xf32>
        %get3A_340 = arith.constant 0 : i32
        %get3A_341 = arith.constant 0 : i32
        %get3A_342 = tpu.memref_slice %arg10[%scan3A_102, %get3A_340, %get3A_341] : memref<2x16x1024xf32, #tpu.memory_space<vmem>> -> memref<1x16x1024xf32, #tpu.memory_space<vmem>>
        %get3A_343 = tpu.memref_squeeze %get3A_342 : memref<1x16x1024xf32, #tpu.memory_space<vmem>> -> memref<16x1024xf32, #tpu.memory_space<vmem>>
        %get3A_344 = arith.index_cast %scan3A_208 : i32 to index
        %get3A_345 = arith.constant 208 : index
        %get3A_346 = tpu.vector_load %get3A_343[%get3A_344, %get3A_345] {strides = array<i32>} : memref<16x1024xf32, #tpu.memory_space<vmem>>, vector<16xf32>,
        %add3A_347 = arith.addf %add3A_307, %get3A_346 : vector<16xf32>
        %mul3A_348 = arith.mulf %get3A_346, %get3A_346 : vector<16xf32>
        %add3A_349 = arith.addf %add3A_309, %mul3A_348 : vector<16xf32>
        %get3A_350 = arith.constant 0 : i32
        %get3A_351 = arith.constant 0 : i32
        %get3A_352 = tpu.memref_slice %arg10[%scan3A_102, %get3A_350, %get3A_351] : memref<2x16x1024xf32, #tpu.memory_space<vmem>> -> memref<1x16x1024xf32, #tpu.memory_space<vmem>>
        %get3A_353 = tpu.memref_squeeze %get3A_352 : memref<1x16x1024xf32, #tpu.memory_space<vmem>> -> memref<16x1024xf32, #tpu.memory_space<vmem>>
        %get3A_354 = arith.index_cast %scan3A_208 : i32 to index
        %get3A_355 = arith.constant 224 : index
        %get3A_356 = tpu.vector_load %get3A_353[%get3A_354, %get3A_355] {strides = array<i32>} : memref<16x1024xf32, #tpu.memory_space<vmem>>, vector<16xf32>,
        %add3A_357 = arith.addf %add3A_317, %get3A_356 : vector<16xf32>
        %mul3A_358 = arith.mulf %get3A_356, %get3A_356 : vector<16xf32>
        %add3A_359 = arith.addf %add3A_319, %mul3A_358 : vector<16xf32>
        %get3A_360 = arith.constant 0 : i32
        %get3A_361 = arith.constant 0 : i32
        %get3A_362 = tpu.memref_slice %arg10[%scan3A_102, %get3A_360, %get3A_361] : memref<2x16x1024xf32, #tpu.memory_space<vmem>> -> memref<1x16x1024xf32, #tpu.memory_space<vmem>>
        %get3A_363 = tpu.memref_squeeze %get3A_362 : memref<1x16x1024xf32, #tpu.memory_space<vmem>> -> memref<16x1024xf32, #tpu.memory_space<vmem>>
        %get3A_364 = arith.index_cast %scan3A_208 : i32 to index
        %get3A_365 = arith.constant 240 : index
        %get3A_366 = tpu.vector_load %get3A_363[%get3A_364, %get3A_365] {strides = array<i32>} : memref<16x1024xf32, #tpu.memory_space<vmem>>, vector<16xf32>,
        %add3A_367 = arith.addf %add3A_327, %get3A_366 : vector<16xf32>
        %mul3A_368 = arith.mulf %get3A_366, %get3A_366 : vector<16xf32>
        %add3A_369 = arith.addf %add3A_329, %mul3A_368 : vector<16xf32>
        %get3A_370 = arith.constant 0 : i32
        %get3A_371 = arith.constant 0 : i32
        %get3A_372 = tpu.memref_slice %arg10[%scan3A_102, %get3A_370, %get3A_371] : memref<2x16x1024xf32, #tpu.memory_space<vmem>> -> memref<1x16x1024xf32, #tpu.memory_space<vmem>>
        %get3A_373 = tpu.memref_squeeze %get3A_372 : memref<1x16x1024xf32, #tpu.memory_space<vmem>> -> memref<16x1024xf32, #tpu.memory_space<vmem>>
        %get3A_374 = arith.index_cast %scan3A_208 : i32 to index
        %get3A_375 = arith.constant 256 : index
        %get3A_376 = tpu.vector_load %get3A_373[%get3A_374, %get3A_375] {strides = array<i32>} : memref<16x1024xf32, #tpu.memory_space<vmem>>, vector<16xf32>,
        %add3A_377 = arith.addf %add3A_337, %get3A_376 : vector<16xf32>
        %mul3A_378 = arith.mulf %get3A_376, %get3A_376 : vector<16xf32>
        %add3A_379 = arith.addf %add3A_339, %mul3A_378 : vector<16xf32>
        %get3A_380 = arith.constant 0 : i32
        %get3A_381 = arith.constant 0 : i32
        %get3A_382 = tpu.memref_slice %arg10[%scan3A_102, %get3A_380, %get3A_381] : memref<2x16x1024xf32, #tpu.memory_space<vmem>> -> memref<1x16x1024xf32, #tpu.memory_space<vmem>>
        %get3A_383 = tpu.memref_squeeze %get3A_382 : memref<1x16x1024xf32, #tpu.memory_space<vmem>> -> memref<16x1024xf32, #tpu.memory_space<vmem>>
        %get3A_384 = arith.index_cast %scan3A_208 : i32 to index
        %get3A_385 = arith.constant 272 : index
        %get3A_386 = tpu.vector_load %get3A_383[%get3A_384, %get3A_385] {strides = array<i32>} : memref<16x1024xf32, #tpu.memory_space<vmem>>, vector<16xf32>,
        %add3A_387 = arith.addf %add3A_347, %get3A_386 : vector<16xf32>
        %mul3A_388 = arith.mulf %get3A_386, %get3A_386 : vector<16xf32>
        %add3A_389 = arith.addf %add3A_349, %mul3A_388 : vector<16xf32>
        %get3A_390 = arith.constant 0 : i32
        %get3A_391 = arith.constant 0 : i32
        %get3A_392 = tpu.memref_slice %arg10[%scan3A_102, %get3A_390, %get3A_391] : memref<2x16x1024xf32, #tpu.memory_space<vmem>> -> memref<1x16x1024xf32, #tpu.memory_space<vmem>>
        %get3A_393 = tpu.memref_squeeze %get3A_392 : memref<1x16x1024xf32, #tpu.memory_space<vmem>> -> memref<16x1024xf32, #tpu.memory_space<vmem>>
        %get3A_394 = arith.index_cast %scan3A_208 : i32 to index
        %get3A_395 = arith.constant 288 : index
        %get3A_396 = tpu.vector_load %get3A_393[%get3A_394, %get3A_395] {strides = array<i32>} : memref<16x1024xf32, #tpu.memory_space<vmem>>, vector<16xf32>,
        %add3A_397 = arith.addf %add3A_357, %get3A_396 : vector<16xf32>
        %mul3A_398 = arith.mulf %get3A_396, %get3A_396 : vector<16xf32>
        %add3A_399 = arith.addf %add3A_359, %mul3A_398 : vector<16xf32>
        %get3A_400 = arith.constant 0 : i32
        %get3A_401 = arith.constant 0 : i32
        %get3A_402 = tpu.memref_slice %arg10[%scan3A_102, %get3A_400, %get3A_401] : memref<2x16x1024xf32, #tpu.memory_space<vmem>> -> memref<1x16x1024xf32, #tpu.memory_space<vmem>>
        %get3A_403 = tpu.memref_squeeze %get3A_402 : memref<1x16x1024xf32, #tpu.memory_space<vmem>> -> memref<16x1024xf32, #tpu.memory_space<vmem>>
        %get3A_404 = arith.index_cast %scan3A_208 : i32 to index
        %get3A_405 = arith.constant 304 : index
        %get3A_406 = tpu.vector_load %get3A_403[%get3A_404, %get3A_405] {strides = array<i32>} : memref<16x1024xf32, #tpu.memory_space<vmem>>, vector<16xf32>,
        %add3A_407 = arith.addf %add3A_367, %get3A_406 : vector<16xf32>
        %mul3A_408 = arith.mulf %get3A_406, %get3A_406 : vector<16xf32>
        %add3A_409 = arith.addf %add3A_369, %mul3A_408 : vector<16xf32>
        %get3A_410 = arith.constant 0 : i32
        %get3A_411 = arith.constant 0 : i32
        %get3A_412 = tpu.memref_slice %arg10[%scan3A_102, %get3A_410, %get3A_411] : memref<2x16x1024xf32, #tpu.memory_space<vmem>> -> memref<1x16x1024xf32, #tpu.memory_space<vmem>>
        %get3A_413 = tpu.memref_squeeze %get3A_412 : memref<1x16x1024xf32, #tpu.memory_space<vmem>> -> memref<16x1024xf32, #tpu.memory_space<vmem>>
        %get3A_414 = arith.index_cast %scan3A_208 : i32 to index
        %get3A_415 = arith.constant 320 : index
        %get3A_416 = tpu.vector_load %get3A_413[%get3A_414, %get3A_415] {strides = array<i32>} : memref<16x1024xf32, #tpu.memory_space<vmem>>, vector<16xf32>,
        %add3A_417 = arith.addf %add3A_377, %get3A_416 : vector<16xf32>
        %mul3A_418 = arith.mulf %get3A_416, %get3A_416 : vector<16xf32>
        %add3A_419 = arith.addf %add3A_379, %mul3A_418 : vector<16xf32>
        %get3A_420 = arith.constant 0 : i32
        %get3A_421 = arith.constant 0 : i32
        %get3A_422 = tpu.memref_slice %arg10[%scan3A_102, %get3A_420, %get3A_421] : memref<2x16x1024xf32, #tpu.memory_space<vmem>> -> memref<1x16x1024xf32, #tpu.memory_space<vmem>>
        %get3A_423 = tpu.memref_squeeze %get3A_422 : memref<1x16x1024xf32, #tpu.memory_space<vmem>> -> memref<16x1024xf32, #tpu.memory_space<vmem>>
        %get3A_424 = arith.index_cast %scan3A_208 : i32 to index
        %get3A_425 = arith.constant 336 : index
        %get3A_426 = tpu.vector_load %get3A_423[%get3A_424, %get3A_425] {strides = array<i32>} : memref<16x1024xf32, #tpu.memory_space<vmem>>, vector<16xf32>,
        %add3A_427 = arith.addf %add3A_387, %get3A_426 : vector<16xf32>
        %mul3A_428 = arith.mulf %get3A_426, %get3A_426 : vector<16xf32>
        %add3A_429 = arith.addf %add3A_389, %mul3A_428 : vector<16xf32>
        %get3A_430 = arith.constant 0 : i32
        %get3A_431 = arith.constant 0 : i32
        %get3A_432 = tpu.memref_slice %arg10[%scan3A_102, %get3A_430, %get3A_431] : memref<2x16x1024xf32, #tpu.memory_space<vmem>> -> memref<1x16x1024xf32, #tpu.memory_space<vmem>>
        %get3A_433 = tpu.memref_squeeze %get3A_432 : memref<1x16x1024xf32, #tpu.memory_space<vmem>> -> memref<16x1024xf32, #tpu.memory_space<vmem>>
        %get3A_434 = arith.index_cast %scan3A_208 : i32 to index
        %get3A_435 = arith.constant 352 : index
        %get3A_436 = tpu.vector_load %get3A_433[%get3A_434, %get3A_435] {strides = array<i32>} : memref<16x1024xf32, #tpu.memory_space<vmem>>, vector<16xf32>,
        %add3A_437 = arith.addf %add3A_397, %get3A_436 : vector<16xf32>
        %mul3A_438 = arith.mulf %get3A_436, %get3A_436 : vector<16xf32>
        %add3A_439 = arith.addf %add3A_399, %mul3A_438 : vector<16xf32>
        %get3A_440 = arith.constant 0 : i32
        %get3A_441 = arith.constant 0 : i32
        %get3A_442 = tpu.memref_slice %arg10[%scan3A_102, %get3A_440, %get3A_441] : memref<2x16x1024xf32, #tpu.memory_space<vmem>> -> memref<1x16x1024xf32, #tpu.memory_space<vmem>>
        %get3A_443 = tpu.memref_squeeze %get3A_442 : memref<1x16x1024xf32, #tpu.memory_space<vmem>> -> memref<16x1024xf32, #tpu.memory_space<vmem>>
        %get3A_444 = arith.index_cast %scan3A_208 : i32 to index
        %get3A_445 = arith.constant 368 : index
        %get3A_446 = tpu.vector_load %get3A_443[%get3A_444, %get3A_445] {strides = array<i32>} : memref<16x1024xf32, #tpu.memory_space<vmem>>, vector<16xf32>,
        %add3A_447 = arith.addf %add3A_407, %get3A_446 : vector<16xf32>
        %mul3A_448 = arith.mulf %get3A_446, %get3A_446 : vector<16xf32>
        %add3A_449 = arith.addf %add3A_409, %mul3A_448 : vector<16xf32>
        %get3A_450 = arith.constant 0 : i32
        %get3A_451 = arith.constant 0 : i32
        %get3A_452 = tpu.memref_slice %arg10[%scan3A_102, %get3A_450, %get3A_451] : memref<2x16x1024xf32, #tpu.memory_space<vmem>> -> memref<1x16x1024xf32, #tpu.memory_space<vmem>>
        %get3A_453 = tpu.memref_squeeze %get3A_452 : memref<1x16x1024xf32, #tpu.memory_space<vmem>> -> memref<16x1024xf32, #tpu.memory_space<vmem>>
        %get3A_454 = arith.index_cast %scan3A_208 : i32 to index
        %get3A_455 = arith.constant 384 : index
        %get3A_456 = tpu.vector_load %get3A_453[%get3A_454, %get3A_455] {strides = array<i32>} : memref<16x1024xf32, #tpu.memory_space<vmem>>, vector<16xf32>,
        %add3A_457 = arith.addf %add3A_417, %get3A_456 : vector<16xf32>
        %mul3A_458 = arith.mulf %get3A_456, %get3A_456 : vector<16xf32>
        %add3A_459 = arith.addf %add3A_419, %mul3A_458 : vector<16xf32>
        %get3A_460 = arith.constant 0 : i32
        %get3A_461 = arith.constant 0 : i32
        %get3A_462 = tpu.memref_slice %arg10[%scan3A_102, %get3A_460, %get3A_461] : memref<2x16x1024xf32, #tpu.memory_space<vmem>> -> memref<1x16x1024xf32, #tpu.memory_space<vmem>>
        %get3A_463 = tpu.memref_squeeze %get3A_462 : memref<1x16x1024xf32, #tpu.memory_space<vmem>> -> memref<16x1024xf32, #tpu.memory_space<vmem>>
        %get3A_464 = arith.index_cast %scan3A_208 : i32 to index
        %get3A_465 = arith.constant 400 : index
        %get3A_466 = tpu.vector_load %get3A_463[%get3A_464, %get3A_465] {strides = array<i32>} : memref<16x1024xf32, #tpu.memory_space<vmem>>, vector<16xf32>,
        %add3A_467 = arith.addf %add3A_427, %get3A_466 : vector<16xf32>
        %mul3A_468 = arith.mulf %get3A_466, %get3A_466 : vector<16xf32>
        %add3A_469 = arith.addf %add3A_429, %mul3A_468 : vector<16xf32>
        %get3A_470 = arith.constant 0 : i32
        %get3A_471 = arith.constant 0 : i32
        %get3A_472 = tpu.memref_slice %arg10[%scan3A_102, %get3A_470, %get3A_471] : memref<2x16x1024xf32, #tpu.memory_space<vmem>> -> memref<1x16x1024xf32, #tpu.memory_space<vmem>>
        %get3A_473 = tpu.memref_squeeze %get3A_472 : memref<1x16x1024xf32, #tpu.memory_space<vmem>> -> memref<16x1024xf32, #tpu.memory_space<vmem>>
        %get3A_474 = arith.index_cast %scan3A_208 : i32 to index
        %get3A_475 = arith.constant 416 : index
        %get3A_476 = tpu.vector_load %get3A_473[%get3A_474, %get3A_475] {strides = array<i32>} : memref<16x1024xf32, #tpu.memory_space<vmem>>, vector<16xf32>,
        %add3A_477 = arith.addf %add3A_437, %get3A_476 : vector<16xf32>
        %mul3A_478 = arith.mulf %get3A_476, %get3A_476 : vector<16xf32>
        %add3A_479 = arith.addf %add3A_439, %mul3A_478 : vector<16xf32>
        %get3A_480 = arith.constant 0 : i32
        %get3A_481 = arith.constant 0 : i32
        %get3A_482 = tpu.memref_slice %arg10[%scan3A_102, %get3A_480, %get3A_481] : memref<2x16x1024xf32, #tpu.memory_space<vmem>> -> memref<1x16x1024xf32, #tpu.memory_space<vmem>>
        %get3A_483 = tpu.memref_squeeze %get3A_482 : memref<1x16x1024xf32, #tpu.memory_space<vmem>> -> memref<16x1024xf32, #tpu.memory_space<vmem>>
        %get3A_484 = arith.index_cast %scan3A_208 : i32 to index
        %get3A_485 = arith.constant 432 : index
        %get3A_486 = tpu.vector_load %get3A_483[%get3A_484, %get3A_485] {strides = array<i32>} : memref<16x1024xf32, #tpu.memory_space<vmem>>, vector<16xf32>,
        %add3A_487 = arith.addf %add3A_447, %get3A_486 : vector<16xf32>
        %mul3A_488 = arith.mulf %get3A_486, %get3A_486 : vector<16xf32>
        %add3A_489 = arith.addf %add3A_449, %mul3A_488 : vector<16xf32>
        %get3A_490 = arith.constant 0 : i32
        %get3A_491 = arith.constant 0 : i32
        %get3A_492 = tpu.memref_slice %arg10[%scan3A_102, %get3A_490, %get3A_491] : memref<2x16x1024xf32, #tpu.memory_space<vmem>> -> memref<1x16x1024xf32, #tpu.memory_space<vmem>>
        %get3A_493 = tpu.memref_squeeze %get3A_492 : memref<1x16x1024xf32, #tpu.memory_space<vmem>> -> memref<16x1024xf32, #tpu.memory_space<vmem>>
        %get3A_494 = arith.index_cast %scan3A_208 : i32 to index
        %get3A_495 = arith.constant 448 : index
        %get3A_496 = tpu.vector_load %get3A_493[%get3A_494, %get3A_495] {strides = array<i32>} : memref<16x1024xf32, #tpu.memory_space<vmem>>, vector<16xf32>,
        %add3A_497 = arith.addf %add3A_457, %get3A_496 : vector<16xf32>
        %mul3A_498 = arith.mulf %get3A_496, %get3A_496 : vector<16xf32>
        %add3A_499 = arith.addf %add3A_459, %mul3A_498 : vector<16xf32>
        %get3A_500 = arith.constant 0 : i32
        %get3A_501 = arith.constant 0 : i32
        %get3A_502 = tpu.memref_slice %arg10[%scan3A_102, %get3A_500, %get3A_501] : memref<2x16x1024xf32, #tpu.memory_space<vmem>> -> memref<1x16x1024xf32, #tpu.memory_space<vmem>>
        %get3A_503 = tpu.memref_squeeze %get3A_502 : memref<1x16x1024xf32, #tpu.memory_space<vmem>> -> memref<16x1024xf32, #tpu.memory_space<vmem>>
        %get3A_504 = arith.index_cast %scan3A_208 : i32 to index
        %get3A_505 = arith.constant 464 : index
        %get3A_506 = tpu.vector_load %get3A_503[%get3A_504, %get3A_505] {strides = array<i32>} : memref<16x1024xf32, #tpu.memory_space<vmem>>, vector<16xf32>,
        %add3A_507 = arith.addf %add3A_467, %get3A_506 : vector<16xf32>
        %mul3A_508 = arith.mulf %get3A_506, %get3A_506 : vector<16xf32>
        %add3A_509 = arith.addf %add3A_469, %mul3A_508 : vector<16xf32>
        %get3A_510 = arith.constant 0 : i32
        %get3A_511 = arith.constant 0 : i32
        %get3A_512 = tpu.memref_slice %arg10[%scan3A_102, %get3A_510, %get3A_511] : memref<2x16x1024xf32, #tpu.memory_space<vmem>> -> memref<1x16x1024xf32, #tpu.memory_space<vmem>>
        %get3A_513 = tpu.memref_squeeze %get3A_512 : memref<1x16x1024xf32, #tpu.memory_space<vmem>> -> memref<16x1024xf32, #tpu.memory_space<vmem>>
        %get3A_514 = arith.index_cast %scan3A_208 : i32 to index
        %get3A_515 = arith.constant 480 : index
        %get3A_516 = tpu.vector_load %get3A_513[%get3A_514, %get3A_515] {strides = array<i32>} : memref<16x1024xf32, #tpu.memory_space<vmem>>, vector<16xf32>,
        %add3A_517 = arith.addf %add3A_477, %get3A_516 : vector<16xf32>
        %mul3A_518 = arith.mulf %get3A_516, %get3A_516 : vector<16xf32>
        %add3A_519 = arith.addf %add3A_479, %mul3A_518 : vector<16xf32>
        %get3A_520 = arith.constant 0 : i32
        %get3A_521 = arith.constant 0 : i32
        %get3A_522 = tpu.memref_slice %arg10[%scan3A_102, %get3A_520, %get3A_521] : memref<2x16x1024xf32, #tpu.memory_space<vmem>> -> memref<1x16x1024xf32, #tpu.memory_space<vmem>>
        %get3A_523 = tpu.memref_squeeze %get3A_522 : memref<1x16x1024xf32, #tpu.memory_space<vmem>> -> memref<16x1024xf32, #tpu.memory_space<vmem>>
        %get3A_524 = arith.index_cast %scan3A_208 : i32 to index
        %get3A_525 = arith.constant 496 : index
        %get3A_526 = tpu.vector_load %get3A_523[%get3A_524, %get3A_525] {strides = array<i32>} : memref<16x1024xf32, #tpu.memory_space<vmem>>, vector<16xf32>,
        %add3A_527 = arith.addf %add3A_487, %get3A_526 : vector<16xf32>
        %mul3A_528 = arith.mulf %get3A_526, %get3A_526 : vector<16xf32>
        %add3A_529 = arith.addf %add3A_489, %mul3A_528 : vector<16xf32>
        %get3A_530 = arith.constant 0 : i32
        %get3A_531 = arith.constant 0 : i32
        %get3A_532 = tpu.memref_slice %arg10[%scan3A_102, %get3A_530, %get3A_531] : memref<2x16x1024xf32, #tpu.memory_space<vmem>> -> memref<1x16x1024xf32, #tpu.memory_space<vmem>>
        %get3A_533 = tpu.memref_squeeze %get3A_532 : memref<1x16x1024xf32, #tpu.memory_space<vmem>> -> memref<16x1024xf32, #tpu.memory_space<vmem>>
        %get3A_534 = arith.index_cast %scan3A_208 : i32 to index
        %get3A_535 = arith.constant 512 : index
        %get3A_536 = tpu.vector_load %get3A_533[%get3A_534, %get3A_535] {strides = array<i32>} : memref<16x1024xf32, #tpu.memory_space<vmem>>, vector<16xf32>,
        %add3A_537 = arith.addf %add3A_497, %get3A_536 : vector<16xf32>
        %mul3A_538 = arith.mulf %get3A_536, %get3A_536 : vector<16xf32>
        %add3A_539 = arith.addf %add3A_499, %mul3A_538 : vector<16xf32>
        %get3A_540 = arith.constant 0 : i32
        %get3A_541 = arith.constant 0 : i32
        %get3A_542 = tpu.memref_slice %arg10[%scan3A_102, %get3A_540, %get3A_541] : memref<2x16x1024xf32, #tpu.memory_space<vmem>> -> memref<1x16x1024xf32, #tpu.memory_space<vmem>>
        %get3A_543 = tpu.memref_squeeze %get3A_542 : memref<1x16x1024xf32, #tpu.memory_space<vmem>> -> memref<16x1024xf32, #tpu.memory_space<vmem>>
        %get3A_544 = arith.index_cast %scan3A_208 : i32 to index
        %get3A_545 = arith.constant 528 : index
        %get3A_546 = tpu.vector_load %get3A_543[%get3A_544, %get3A_545] {strides = array<i32>} : memref<16x1024xf32, #tpu.memory_space<vmem>>, vector<16xf32>,
        %add3A_547 = arith.addf %add3A_507, %get3A_546 : vector<16xf32>
        %mul3A_548 = arith.mulf %get3A_546, %get3A_546 : vector<16xf32>
        %add3A_549 = arith.addf %add3A_509, %mul3A_548 : vector<16xf32>
        %get3A_550 = arith.constant 0 : i32
        %get3A_551 = arith.constant 0 : i32
        %get3A_552 = tpu.memref_slice %arg10[%scan3A_102, %get3A_550, %get3A_551] : memref<2x16x1024xf32, #tpu.memory_space<vmem>> -> memref<1x16x1024xf32, #tpu.memory_space<vmem>>
        %get3A_553 = tpu.memref_squeeze %get3A_552 : memref<1x16x1024xf32, #tpu.memory_space<vmem>> -> memref<16x1024xf32, #tpu.memory_space<vmem>>
        %get3A_554 = arith.index_cast %scan3A_208 : i32 to index
        %get3A_555 = arith.constant 544 : index
        %get3A_556 = tpu.vector_load %get3A_553[%get3A_554, %get3A_555] {strides = array<i32>} : memref<16x1024xf32, #tpu.memory_space<vmem>>, vector<16xf32>,
        %add3A_557 = arith.addf %add3A_517, %get3A_556 : vector<16xf32>
        %mul3A_558 = arith.mulf %get3A_556, %get3A_556 : vector<16xf32>
        %add3A_559 = arith.addf %add3A_519, %mul3A_558 : vector<16xf32>
        %get3A_560 = arith.constant 0 : i32
        %get3A_561 = arith.constant 0 : i32
        %get3A_562 = tpu.memref_slice %arg10[%scan3A_102, %get3A_560, %get3A_561] : memref<2x16x1024xf32, #tpu.memory_space<vmem>> -> memref<1x16x1024xf32, #tpu.memory_space<vmem>>
        %get3A_563 = tpu.memref_squeeze %get3A_562 : memref<1x16x1024xf32, #tpu.memory_space<vmem>> -> memref<16x1024xf32, #tpu.memory_space<vmem>>
        %get3A_564 = arith.index_cast %scan3A_208 : i32 to index
        %get3A_565 = arith.constant 560 : index
        %get3A_566 = tpu.vector_load %get3A_563[%get3A_564, %get3A_565] {strides = array<i32>} : memref<16x1024xf32, #tpu.memory_space<vmem>>, vector<16xf32>,
        %add3A_567 = arith.addf %add3A_527, %get3A_566 : vector<16xf32>
        %mul3A_568 = arith.mulf %get3A_566, %get3A_566 : vector<16xf32>
        %add3A_569 = arith.addf %add3A_529, %mul3A_568 : vector<16xf32>
        %get3A_570 = arith.constant 0 : i32
        %get3A_571 = arith.constant 0 : i32
        %get3A_572 = tpu.memref_slice %arg10[%scan3A_102, %get3A_570, %get3A_571] : memref<2x16x1024xf32, #tpu.memory_space<vmem>> -> memref<1x16x1024xf32, #tpu.memory_space<vmem>>
        %get3A_573 = tpu.memref_squeeze %get3A_572 : memref<1x16x1024xf32, #tpu.memory_space<vmem>> -> memref<16x1024xf32, #tpu.memory_space<vmem>>
        %get3A_574 = arith.index_cast %scan3A_208 : i32 to index
        %get3A_575 = arith.constant 576 : index
        %get3A_576 = tpu.vector_load %get3A_573[%get3A_574, %get3A_575] {strides = array<i32>} : memref<16x1024xf32, #tpu.memory_space<vmem>>, vector<16xf32>,
        %add3A_577 = arith.addf %add3A_537, %get3A_576 : vector<16xf32>
        %mul3A_578 = arith.mulf %get3A_576, %get3A_576 : vector<16xf32>
        %add3A_579 = arith.addf %add3A_539, %mul3A_578 : vector<16xf32>
        %get3A_580 = arith.constant 0 : i32
        %get3A_581 = arith.constant 0 : i32
        %get3A_582 = tpu.memref_slice %arg10[%scan3A_102, %get3A_580, %get3A_581] : memref<2x16x1024xf32, #tpu.memory_space<vmem>> -> memref<1x16x1024xf32, #tpu.memory_space<vmem>>
        %get3A_583 = tpu.memref_squeeze %get3A_582 : memref<1x16x1024xf32, #tpu.memory_space<vmem>> -> memref<16x1024xf32, #tpu.memory_space<vmem>>
        %get3A_584 = arith.index_cast %scan3A_208 : i32 to index
        %get3A_585 = arith.constant 592 : index
        %get3A_586 = tpu.vector_load %get3A_583[%get3A_584, %get3A_585] {strides = array<i32>} : memref<16x1024xf32, #tpu.memory_space<vmem>>, vector<16xf32>,
        %add3A_587 = arith.addf %add3A_547, %get3A_586 : vector<16xf32>
        %mul3A_588 = arith.mulf %get3A_586, %get3A_586 : vector<16xf32>
        %add3A_589 = arith.addf %add3A_549, %mul3A_588 : vector<16xf32>
        %get3A_590 = arith.constant 0 : i32
        %get3A_591 = arith.constant 0 : i32
        %get3A_592 = tpu.memref_slice %arg10[%scan3A_102, %get3A_590, %get3A_591] : memref<2x16x1024xf32, #tpu.memory_space<vmem>> -> memref<1x16x1024xf32, #tpu.memory_space<vmem>>
        %get3A_593 = tpu.memref_squeeze %get3A_592 : memref<1x16x1024xf32, #tpu.memory_space<vmem>> -> memref<16x1024xf32, #tpu.memory_space<vmem>>
        %get3A_594 = arith.index_cast %scan3A_208 : i32 to index
        %get3A_595 = arith.constant 608 : index
        %get3A_596 = tpu.vector_load %get3A_593[%get3A_594, %get3A_595] {strides = array<i32>} : memref<16x1024xf32, #tpu.memory_space<vmem>>, vector<16xf32>,
        %add3A_597 = arith.addf %add3A_557, %get3A_596 : vector<16xf32>
        %mul3A_598 = arith.mulf %get3A_596, %get3A_596 : vector<16xf32>
        %add3A_599 = arith.addf %add3A_559, %mul3A_598 : vector<16xf32>
        %get3A_600 = arith.constant 0 : i32
        %get3A_601 = arith.constant 0 : i32
        %get3A_602 = tpu.memref_slice %arg10[%scan3A_102, %get3A_600, %get3A_601] : memref<2x16x1024xf32, #tpu.memory_space<vmem>> -> memref<1x16x1024xf32, #tpu.memory_space<vmem>>
        %get3A_603 = tpu.memref_squeeze %get3A_602 : memref<1x16x1024xf32, #tpu.memory_space<vmem>> -> memref<16x1024xf32, #tpu.memory_space<vmem>>
        %get3A_604 = arith.index_cast %scan3A_208 : i32 to index
        %get3A_605 = arith.constant 624 : index
        %get3A_606 = tpu.vector_load %get3A_603[%get3A_604, %get3A_605] {strides = array<i32>} : memref<16x1024xf32, #tpu.memory_space<vmem>>, vector<16xf32>,
        %add3A_607 = arith.addf %add3A_567, %get3A_606 : vector<16xf32>
        %mul3A_608 = arith.mulf %get3A_606, %get3A_606 : vector<16xf32>
        %add3A_609 = arith.addf %add3A_569, %mul3A_608 : vector<16xf32>
        %get3A_610 = arith.constant 0 : i32
        %get3A_611 = arith.constant 0 : i32
        %get3A_612 = tpu.memref_slice %arg10[%scan3A_102, %get3A_610, %get3A_611] : memref<2x16x1024xf32, #tpu.memory_space<vmem>> -> memref<1x16x1024xf32, #tpu.memory_space<vmem>>
        %get3A_613 = tpu.memref_squeeze %get3A_612 : memref<1x16x1024xf32, #tpu.memory_space<vmem>> -> memref<16x1024xf32, #tpu.memory_space<vmem>>
        %get3A_614 = arith.index_cast %scan3A_208 : i32 to index
        %get3A_615 = arith.constant 640 : index
        %get3A_616 = tpu.vector_load %get3A_613[%get3A_614, %get3A_615] {strides = array<i32>} : memref<16x1024xf32, #tpu.memory_space<vmem>>, vector<16xf32>,
        %add3A_617 = arith.addf %add3A_577, %get3A_616 : vector<16xf32>
        %mul3A_618 = arith.mulf %get3A_616, %get3A_616 : vector<16xf32>
        %add3A_619 = arith.addf %add3A_579, %mul3A_618 : vector<16xf32>
        %get3A_620 = arith.constant 0 : i32
        %get3A_621 = arith.constant 0 : i32
        %get3A_622 = tpu.memref_slice %arg10[%scan3A_102, %get3A_620, %get3A_621] : memref<2x16x1024xf32, #tpu.memory_space<vmem>> -> memref<1x16x1024xf32, #tpu.memory_space<vmem>>
        %get3A_623 = tpu.memref_squeeze %get3A_622 : memref<1x16x1024xf32, #tpu.memory_space<vmem>> -> memref<16x1024xf32, #tpu.memory_space<vmem>>
        %get3A_624 = arith.index_cast %scan3A_208 : i32 to index
        %get3A_625 = arith.constant 656 : index
        %get3A_626 = tpu.vector_load %get3A_623[%get3A_624, %get3A_625] {strides = array<i32>} : memref<16x1024xf32, #tpu.memory_space<vmem>>, vector<16xf32>,
        %add3A_627 = arith.addf %add3A_587, %get3A_626 : vector<16xf32>
        %mul3A_628 = arith.mulf %get3A_626, %get3A_626 : vector<16xf32>
        %add3A_629 = arith.addf %add3A_589, %mul3A_628 : vector<16xf32>
        %get3A_630 = arith.constant 0 : i32
        %get3A_631 = arith.constant 0 : i32
        %get3A_632 = tpu.memref_slice %arg10[%scan3A_102, %get3A_630, %get3A_631] : memref<2x16x1024xf32, #tpu.memory_space<vmem>> -> memref<1x16x1024xf32, #tpu.memory_space<vmem>>
        %get3A_633 = tpu.memref_squeeze %get3A_632 : memref<1x16x1024xf32, #tpu.memory_space<vmem>> -> memref<16x1024xf32, #tpu.memory_space<vmem>>
        %get3A_634 = arith.index_cast %scan3A_208 : i32 to index
        %get3A_635 = arith.constant 672 : index
        %get3A_636 = tpu.vector_load %get3A_633[%get3A_634, %get3A_635] {strides = array<i32>} : memref<16x1024xf32, #tpu.memory_space<vmem>>, vector<16xf32>,
        %add3A_637 = arith.addf %add3A_597, %get3A_636 : vector<16xf32>
        %mul3A_638 = arith.mulf %get3A_636, %get3A_636 : vector<16xf32>
        %add3A_639 = arith.addf %add3A_599, %mul3A_638 : vector<16xf32>
        %get3A_640 = arith.constant 0 : i32
        %get3A_641 = arith.constant 0 : i32
        %get3A_642 = tpu.memref_slice %arg10[%scan3A_102, %get3A_640, %get3A_641] : memref<2x16x1024xf32, #tpu.memory_space<vmem>> -> memref<1x16x1024xf32, #tpu.memory_space<vmem>>
        %get3A_643 = tpu.memref_squeeze %get3A_642 : memref<1x16x1024xf32, #tpu.memory_space<vmem>> -> memref<16x1024xf32, #tpu.memory_space<vmem>>
        %get3A_644 = arith.index_cast %scan3A_208 : i32 to index
        %get3A_645 = arith.constant 688 : index
        %get3A_646 = tpu.vector_load %get3A_643[%get3A_644, %get3A_645] {strides = array<i32>} : memref<16x1024xf32, #tpu.memory_space<vmem>>, vector<16xf32>,
        %add3A_647 = arith.addf %add3A_607, %get3A_646 : vector<16xf32>
        %mul3A_648 = arith.mulf %get3A_646, %get3A_646 : vector<16xf32>
        %add3A_649 = arith.addf %add3A_609, %mul3A_648 : vector<16xf32>
        %get3A_650 = arith.constant 0 : i32
        %get3A_651 = arith.constant 0 : i32
        %get3A_652 = tpu.memref_slice %arg10[%scan3A_102, %get3A_650, %get3A_651] : memref<2x16x1024xf32, #tpu.memory_space<vmem>> -> memref<1x16x1024xf32, #tpu.memory_space<vmem>>
        %get3A_653 = tpu.memref_squeeze %get3A_652 : memref<1x16x1024xf32, #tpu.memory_space<vmem>> -> memref<16x1024xf32, #tpu.memory_space<vmem>>
        %get3A_654 = arith.index_cast %scan3A_208 : i32 to index
        %get3A_655 = arith.constant 704 : index
        %get3A_656 = tpu.vector_load %get3A_653[%get3A_654, %get3A_655] {strides = array<i32>} : memref<16x1024xf32, #tpu.memory_space<vmem>>, vector<16xf32>,
        %add3A_657 = arith.addf %add3A_617, %get3A_656 : vector<16xf32>
        %mul3A_658 = arith.mulf %get3A_656, %get3A_656 : vector<16xf32>
        %add3A_659 = arith.addf %add3A_619, %mul3A_658 : vector<16xf32>
        %get3A_660 = arith.constant 0 : i32
        %get3A_661 = arith.constant 0 : i32
        %get3A_662 = tpu.memref_slice %arg10[%scan3A_102, %get3A_660, %get3A_661] : memref<2x16x1024xf32, #tpu.memory_space<vmem>> -> memref<1x16x1024xf32, #tpu.memory_space<vmem>>
        %get3A_663 = tpu.memref_squeeze %get3A_662 : memref<1x16x1024xf32, #tpu.memory_space<vmem>> -> memref<16x1024xf32, #tpu.memory_space<vmem>>
        %get3A_664 = arith.index_cast %scan3A_208 : i32 to index
        %get3A_665 = arith.constant 720 : index
        %get3A_666 = tpu.vector_load %get3A_663[%get3A_664, %get3A_665] {strides = array<i32>} : memref<16x1024xf32, #tpu.memory_space<vmem>>, vector<16xf32>,
        %add3A_667 = arith.addf %add3A_627, %get3A_666 : vector<16xf32>
        %mul3A_668 = arith.mulf %get3A_666, %get3A_666 : vector<16xf32>
        %add3A_669 = arith.addf %add3A_629, %mul3A_668 : vector<16xf32>
        %get3A_670 = arith.constant 0 : i32
        %get3A_671 = arith.constant 0 : i32
        %get3A_672 = tpu.memref_slice %arg10[%scan3A_102, %get3A_670, %get3A_671] : memref<2x16x1024xf32, #tpu.memory_space<vmem>> -> memref<1x16x1024xf32, #tpu.memory_space<vmem>>
        %get3A_673 = tpu.memref_squeeze %get3A_672 : memref<1x16x1024xf32, #tpu.memory_space<vmem>> -> memref<16x1024xf32, #tpu.memory_space<vmem>>
        %get3A_674 = arith.index_cast %scan3A_208 : i32 to index
        %get3A_675 = arith.constant 736 : index
        %get3A_676 = tpu.vector_load %get3A_673[%get3A_674, %get3A_675] {strides = array<i32>} : memref<16x1024xf32, #tpu.memory_space<vmem>>, vector<16xf32>,
        %add3A_677 = arith.addf %add3A_637, %get3A_676 : vector<16xf32>
        %mul3A_678 = arith.mulf %get3A_676, %get3A_676 : vector<16xf32>
        %add3A_679 = arith.addf %add3A_639, %mul3A_678 : vector<16xf32>
        %get3A_680 = arith.constant 0 : i32
        %get3A_681 = arith.constant 0 : i32
        %get3A_682 = tpu.memref_slice %arg10[%scan3A_102, %get3A_680, %get3A_681] : memref<2x16x1024xf32, #tpu.memory_space<vmem>> -> memref<1x16x1024xf32, #tpu.memory_space<vmem>>
        %get3A_683 = tpu.memref_squeeze %get3A_682 : memref<1x16x1024xf32, #tpu.memory_space<vmem>> -> memref<16x1024xf32, #tpu.memory_space<vmem>>
        %get3A_684 = arith.index_cast %scan3A_208 : i32 to index
        %get3A_685 = arith.constant 752 : index
        %get3A_686 = tpu.vector_load %get3A_683[%get3A_684, %get3A_685] {strides = array<i32>} : memref<16x1024xf32, #tpu.memory_space<vmem>>, vector<16xf32>,
        %add3A_687 = arith.addf %add3A_647, %get3A_686 : vector<16xf32>
        %mul3A_688 = arith.mulf %get3A_686, %get3A_686 : vector<16xf32>
        %add3A_689 = arith.addf %add3A_649, %mul3A_688 : vector<16xf32>
        %get3A_690 = arith.constant 0 : i32
        %get3A_691 = arith.constant 0 : i32
        %get3A_692 = tpu.memref_slice %arg10[%scan3A_102, %get3A_690, %get3A_691] : memref<2x16x1024xf32, #tpu.memory_space<vmem>> -> memref<1x16x1024xf32, #tpu.memory_space<vmem>>
        %get3A_693 = tpu.memref_squeeze %get3A_692 : memref<1x16x1024xf32, #tpu.memory_space<vmem>> -> memref<16x1024xf32, #tpu.memory_space<vmem>>
        %get3A_694 = arith.index_cast %scan3A_208 : i32 to index
        %get3A_695 = arith.constant 768 : index
        %get3A_696 = tpu.vector_load %get3A_693[%get3A_694, %get3A_695] {strides = array<i32>} : memref<16x1024xf32, #tpu.memory_space<vmem>>, vector<16xf32>,
        %add3A_697 = arith.addf %add3A_657, %get3A_696 : vector<16xf32>
        %mul3A_698 = arith.mulf %get3A_696, %get3A_696 : vector<16xf32>
        %add3A_699 = arith.addf %add3A_659, %mul3A_698 : vector<16xf32>
        %get3A_700 = arith.constant 0 : i32
        %get3A_701 = arith.constant 0 : i32
        %get3A_702 = tpu.memref_slice %arg10[%scan3A_102, %get3A_700, %get3A_701] : memref<2x16x1024xf32, #tpu.memory_space<vmem>> -> memref<1x16x1024xf32, #tpu.memory_space<vmem>>
        %get3A_703 = tpu.memref_squeeze %get3A_702 : memref<1x16x1024xf32, #tpu.memory_space<vmem>> -> memref<16x1024xf32, #tpu.memory_space<vmem>>
        %get3A_704 = arith.index_cast %scan3A_208 : i32 to index
        %get3A_705 = arith.constant 784 : index
        %get3A_706 = tpu.vector_load %get3A_703[%get3A_704, %get3A_705] {strides = array<i32>} : memref<16x1024xf32, #tpu.memory_space<vmem>>, vector<16xf32>,
        %add3A_707 = arith.addf %add3A_667, %get3A_706 : vector<16xf32>
        %mul3A_708 = arith.mulf %get3A_706, %get3A_706 : vector<16xf32>
        %add3A_709 = arith.addf %add3A_669, %mul3A_708 : vector<16xf32>
        %get3A_710 = arith.constant 0 : i32
        %get3A_711 = arith.constant 0 : i32
        %get3A_712 = tpu.memref_slice %arg10[%scan3A_102, %get3A_710, %get3A_711] : memref<2x16x1024xf32, #tpu.memory_space<vmem>> -> memref<1x16x1024xf32, #tpu.memory_space<vmem>>
        %get3A_713 = tpu.memref_squeeze %get3A_712 : memref<1x16x1024xf32, #tpu.memory_space<vmem>> -> memref<16x1024xf32, #tpu.memory_space<vmem>>
        %get3A_714 = arith.index_cast %scan3A_208 : i32 to index
        %get3A_715 = arith.constant 800 : index
        %get3A_716 = tpu.vector_load %get3A_713[%get3A_714, %get3A_715] {strides = array<i32>} : memref<16x1024xf32, #tpu.memory_space<vmem>>, vector<16xf32>,
        %add3A_717 = arith.addf %add3A_677, %get3A_716 : vector<16xf32>
        %mul3A_718 = arith.mulf %get3A_716, %get3A_716 : vector<16xf32>
        %add3A_719 = arith.addf %add3A_679, %mul3A_718 : vector<16xf32>
        %get3A_720 = arith.constant 0 : i32
        %get3A_721 = arith.constant 0 : i32
        %get3A_722 = tpu.memref_slice %arg10[%scan3A_102, %get3A_720, %get3A_721] : memref<2x16x1024xf32, #tpu.memory_space<vmem>> -> memref<1x16x1024xf32, #tpu.memory_space<vmem>>
        %get3A_723 = tpu.memref_squeeze %get3A_722 : memref<1x16x1024xf32, #tpu.memory_space<vmem>> -> memref<16x1024xf32, #tpu.memory_space<vmem>>
        %get3A_724 = arith.index_cast %scan3A_208 : i32 to index
        %get3A_725 = arith.constant 816 : index
        %get3A_726 = tpu.vector_load %get3A_723[%get3A_724, %get3A_725] {strides = array<i32>} : memref<16x1024xf32, #tpu.memory_space<vmem>>, vector<16xf32>,
        %add3A_727 = arith.addf %add3A_687, %get3A_726 : vector<16xf32>
        %mul3A_728 = arith.mulf %get3A_726, %get3A_726 : vector<16xf32>
        %add3A_729 = arith.addf %add3A_689, %mul3A_728 : vector<16xf32>
        %get3A_730 = arith.constant 0 : i32
        %get3A_731 = arith.constant 0 : i32
        %get3A_732 = tpu.memref_slice %arg10[%scan3A_102, %get3A_730, %get3A_731] : memref<2x16x1024xf32, #tpu.memory_space<vmem>> -> memref<1x16x1024xf32, #tpu.memory_space<vmem>>
        %get3A_733 = tpu.memref_squeeze %get3A_732 : memref<1x16x1024xf32, #tpu.memory_space<vmem>> -> memref<16x1024xf32, #tpu.memory_space<vmem>>
        %get3A_734 = arith.index_cast %scan3A_208 : i32 to index
        %get3A_735 = arith.constant 832 : index
        %get3A_736 = tpu.vector_load %get3A_733[%get3A_734, %get3A_735] {strides = array<i32>} : memref<16x1024xf32, #tpu.memory_space<vmem>>, vector<16xf32>,
        %add3A_737 = arith.addf %add3A_697, %get3A_736 : vector<16xf32>
        %mul3A_738 = arith.mulf %get3A_736, %get3A_736 : vector<16xf32>
        %add3A_739 = arith.addf %add3A_699, %mul3A_738 : vector<16xf32>
        %get3A_740 = arith.constant 0 : i32
        %get3A_741 = arith.constant 0 : i32
        %get3A_742 = tpu.memref_slice %arg10[%scan3A_102, %get3A_740, %get3A_741] : memref<2x16x1024xf32, #tpu.memory_space<vmem>> -> memref<1x16x1024xf32, #tpu.memory_space<vmem>>
        %get3A_743 = tpu.memref_squeeze %get3A_742 : memref<1x16x1024xf32, #tpu.memory_space<vmem>> -> memref<16x1024xf32, #tpu.memory_space<vmem>>
        %get3A_744 = arith.index_cast %scan3A_208 : i32 to index
        %get3A_745 = arith.constant 848 : index
        %get3A_746 = tpu.vector_load %get3A_743[%get3A_744, %get3A_745] {strides = array<i32>} : memref<16x1024xf32, #tpu.memory_space<vmem>>, vector<16xf32>,
        %add3A_747 = arith.addf %add3A_707, %get3A_746 : vector<16xf32>
        %mul3A_748 = arith.mulf %get3A_746, %get3A_746 : vector<16xf32>
        %add3A_749 = arith.addf %add3A_709, %mul3A_748 : vector<16xf32>
        %get3A_750 = arith.constant 0 : i32
        %get3A_751 = arith.constant 0 : i32
        %get3A_752 = tpu.memref_slice %arg10[%scan3A_102, %get3A_750, %get3A_751] : memref<2x16x1024xf32, #tpu.memory_space<vmem>> -> memref<1x16x1024xf32, #tpu.memory_space<vmem>>
        %get3A_753 = tpu.memref_squeeze %get3A_752 : memref<1x16x1024xf32, #tpu.memory_space<vmem>> -> memref<16x1024xf32, #tpu.memory_space<vmem>>
        %get3A_754 = arith.index_cast %scan3A_208 : i32 to index
        %get3A_755 = arith.constant 864 : index
        %get3A_756 = tpu.vector_load %get3A_753[%get3A_754, %get3A_755] {strides = array<i32>} : memref<16x1024xf32, #tpu.memory_space<vmem>>, vector<16xf32>,
        %add3A_757 = arith.addf %add3A_717, %get3A_756 : vector<16xf32>
        %mul3A_758 = arith.mulf %get3A_756, %get3A_756 : vector<16xf32>
        %add3A_759 = arith.addf %add3A_719, %mul3A_758 : vector<16xf32>
        %get3A_760 = arith.constant 0 : i32
        %get3A_761 = arith.constant 0 : i32
        %get3A_762 = tpu.memref_slice %arg10[%scan3A_102, %get3A_760, %get3A_761] : memref<2x16x1024xf32, #tpu.memory_space<vmem>> -> memref<1x16x1024xf32, #tpu.memory_space<vmem>>
        %get3A_763 = tpu.memref_squeeze %get3A_762 : memref<1x16x1024xf32, #tpu.memory_space<vmem>> -> memref<16x1024xf32, #tpu.memory_space<vmem>>
        %get3A_764 = arith.index_cast %scan3A_208 : i32 to index
        %get3A_765 = arith.constant 880 : index
        %get3A_766 = tpu.vector_load %get3A_763[%get3A_764, %get3A_765] {strides = array<i32>} : memref<16x1024xf32, #tpu.memory_space<vmem>>, vector<16xf32>,
        %add3A_767 = arith.addf %add3A_727, %get3A_766 : vector<16xf32>
        %mul3A_768 = arith.mulf %get3A_766, %get3A_766 : vector<16xf32>
        %add3A_769 = arith.addf %add3A_729, %mul3A_768 : vector<16xf32>
        %get3A_770 = arith.constant 0 : i32
        %get3A_771 = arith.constant 0 : i32
        %get3A_772 = tpu.memref_slice %arg10[%scan3A_102, %get3A_770, %get3A_771] : memref<2x16x1024xf32, #tpu.memory_space<vmem>> -> memref<1x16x1024xf32, #tpu.memory_space<vmem>>
        %get3A_773 = tpu.memref_squeeze %get3A_772 : memref<1x16x1024xf32, #tpu.memory_space<vmem>> -> memref<16x1024xf32, #tpu.memory_space<vmem>>
        %get3A_774 = arith.index_cast %scan3A_208 : i32 to index
        %get3A_775 = arith.constant 896 : index
        %get3A_776 = tpu.vector_load %get3A_773[%get3A_774, %get3A_775] {strides = array<i32>} : memref<16x1024xf32, #tpu.memory_space<vmem>>, vector<16xf32>,
        %add3A_777 = arith.addf %add3A_737, %get3A_776 : vector<16xf32>
        %mul3A_778 = arith.mulf %get3A_776, %get3A_776 : vector<16xf32>
        %add3A_779 = arith.addf %add3A_739, %mul3A_778 : vector<16xf32>
        %get3A_780 = arith.constant 0 : i32
        %get3A_781 = arith.constant 0 : i32
        %get3A_782 = tpu.memref_slice %arg10[%scan3A_102, %get3A_780, %get3A_781] : memref<2x16x1024xf32, #tpu.memory_space<vmem>> -> memref<1x16x1024xf32, #tpu.memory_space<vmem>>
        %get3A_783 = tpu.memref_squeeze %get3A_782 : memref<1x16x1024xf32, #tpu.memory_space<vmem>> -> memref<16x1024xf32, #tpu.memory_space<vmem>>
        %get3A_784 = arith.index_cast %scan3A_208 : i32 to index
        %get3A_785 = arith.constant 912 : index
        %get3A_786 = tpu.vector_load %get3A_783[%get3A_784, %get3A_785] {strides = array<i32>} : memref<16x1024xf32, #tpu.memory_space<vmem>>, vector<16xf32>,
        %add3A_787 = arith.addf %add3A_747, %get3A_786 : vector<16xf32>
        %mul3A_788 = arith.mulf %get3A_786, %get3A_786 : vector<16xf32>
        %add3A_789 = arith.addf %add3A_749, %mul3A_788 : vector<16xf32>
        %get3A_790 = arith.constant 0 : i32
        %get3A_791 = arith.constant 0 : i32
        %get3A_792 = tpu.memref_slice %arg10[%scan3A_102, %get3A_790, %get3A_791] : memref<2x16x1024xf32, #tpu.memory_space<vmem>> -> memref<1x16x1024xf32, #tpu.memory_space<vmem>>
        %get3A_793 = tpu.memref_squeeze %get3A_792 : memref<1x16x1024xf32, #tpu.memory_space<vmem>> -> memref<16x1024xf32, #tpu.memory_space<vmem>>
        %get3A_794 = arith.index_cast %scan3A_208 : i32 to index
        %get3A_795 = arith.constant 928 : index
        %get3A_796 = tpu.vector_load %get3A_793[%get3A_794, %get3A_795] {strides = array<i32>} : memref<16x1024xf32, #tpu.memory_space<vmem>>, vector<16xf32>,
        %add3A_797 = arith.addf %add3A_757, %get3A_796 : vector<16xf32>
        %mul3A_798 = arith.mulf %get3A_796, %get3A_796 : vector<16xf32>
        %add3A_799 = arith.addf %add3A_759, %mul3A_798 : vector<16xf32>
        %get3A_800 = arith.constant 0 : i32
        %get3A_801 = arith.constant 0 : i32
        %get3A_802 = tpu.memref_slice %arg10[%scan3A_102, %get3A_800, %get3A_801] : memref<2x16x1024xf32, #tpu.memory_space<vmem>> -> memref<1x16x1024xf32, #tpu.memory_space<vmem>>
        %get3A_803 = tpu.memref_squeeze %get3A_802 : memref<1x16x1024xf32, #tpu.memory_space<vmem>> -> memref<16x1024xf32, #tpu.memory_space<vmem>>
        %get3A_804 = arith.index_cast %scan3A_208 : i32 to index
        %get3A_805 = arith.constant 944 : index
        %get3A_806 = tpu.vector_load %get3A_803[%get3A_804, %get3A_805] {strides = array<i32>} : memref<16x1024xf32, #tpu.memory_space<vmem>>, vector<16xf32>,
        %add3A_807 = arith.addf %add3A_767, %get3A_806 : vector<16xf32>
        %mul3A_808 = arith.mulf %get3A_806, %get3A_806 : vector<16xf32>
        %add3A_809 = arith.addf %add3A_769, %mul3A_808 : vector<16xf32>
        %get3A_810 = arith.constant 0 : i32
        %get3A_811 = arith.constant 0 : i32
        %get3A_812 = tpu.memref_slice %arg10[%scan3A_102, %get3A_810, %get3A_811] : memref<2x16x1024xf32, #tpu.memory_space<vmem>> -> memref<1x16x1024xf32, #tpu.memory_space<vmem>>
        %get3A_813 = tpu.memref_squeeze %get3A_812 : memref<1x16x1024xf32, #tpu.memory_space<vmem>> -> memref<16x1024xf32, #tpu.memory_space<vmem>>
        %get3A_814 = arith.index_cast %scan3A_208 : i32 to index
        %get3A_815 = arith.constant 960 : index
        %get3A_816 = tpu.vector_load %get3A_813[%get3A_814, %get3A_815] {strides = array<i32>} : memref<16x1024xf32, #tpu.memory_space<vmem>>, vector<16xf32>,
        %add3A_817 = arith.addf %add3A_777, %get3A_816 : vector<16xf32>
        %mul3A_818 = arith.mulf %get3A_816, %get3A_816 : vector<16xf32>
        %add3A_819 = arith.addf %add3A_779, %mul3A_818 : vector<16xf32>
        %get3A_820 = arith.constant 0 : i32
        %get3A_821 = arith.constant 0 : i32
        %get3A_822 = tpu.memref_slice %arg10[%scan3A_102, %get3A_820, %get3A_821] : memref<2x16x1024xf32, #tpu.memory_space<vmem>> -> memref<1x16x1024xf32, #tpu.memory_space<vmem>>
        %get3A_823 = tpu.memref_squeeze %get3A_822 : memref<1x16x1024xf32, #tpu.memory_space<vmem>> -> memref<16x1024xf32, #tpu.memory_space<vmem>>
        %get3A_824 = arith.index_cast %scan3A_208 : i32 to index
        %get3A_825 = arith.constant 976 : index
        %get3A_826 = tpu.vector_load %get3A_823[%get3A_824, %get3A_825] {strides = array<i32>} : memref<16x1024xf32, #tpu.memory_space<vmem>>, vector<16xf32>,
        %add3A_827 = arith.addf %add3A_787, %get3A_826 : vector<16xf32>
        %mul3A_828 = arith.mulf %get3A_826, %get3A_826 : vector<16xf32>
        %add3A_829 = arith.addf %add3A_789, %mul3A_828 : vector<16xf32>
        %get3A_830 = arith.constant 0 : i32
        %get3A_831 = arith.constant 0 : i32
        %get3A_832 = tpu.memref_slice %arg10[%scan3A_102, %get3A_830, %get3A_831] : memref<2x16x1024xf32, #tpu.memory_space<vmem>> -> memref<1x16x1024xf32, #tpu.memory_space<vmem>>
        %get3A_833 = tpu.memref_squeeze %get3A_832 : memref<1x16x1024xf32, #tpu.memory_space<vmem>> -> memref<16x1024xf32, #tpu.memory_space<vmem>>
        %get3A_834 = arith.index_cast %scan3A_208 : i32 to index
        %get3A_835 = arith.constant 992 : index
        %get3A_836 = tpu.vector_load %get3A_833[%get3A_834, %get3A_835] {strides = array<i32>} : memref<16x1024xf32, #tpu.memory_space<vmem>>, vector<16xf32>,
        %add3A_837 = arith.addf %add3A_797, %get3A_836 : vector<16xf32>
        %mul3A_838 = arith.mulf %get3A_836, %get3A_836 : vector<16xf32>
        %add3A_839 = arith.addf %add3A_799, %mul3A_838 : vector<16xf32>
        %get3A_840 = arith.constant 0 : i32
        %get3A_841 = arith.constant 0 : i32
        %get3A_842 = tpu.memref_slice %arg10[%scan3A_102, %get3A_840, %get3A_841] : memref<2x16x1024xf32, #tpu.memory_space<vmem>> -> memref<1x16x1024xf32, #tpu.memory_space<vmem>>
        %get3A_843 = tpu.memref_squeeze %get3A_842 : memref<1x16x1024xf32, #tpu.memory_space<vmem>> -> memref<16x1024xf32, #tpu.memory_space<vmem>>
        %get3A_844 = arith.index_cast %scan3A_208 : i32 to index
        %get3A_845 = arith.constant 1008 : index
        %get3A_846 = tpu.vector_load %get3A_843[%get3A_844, %get3A_845] {strides = array<i32>} : memref<16x1024xf32, #tpu.memory_space<vmem>>, vector<16xf32>,
        %add3A_847 = arith.addf %add3A_807, %get3A_846 : vector<16xf32>
        %mul3A_848 = arith.mulf %get3A_846, %get3A_846 : vector<16xf32>
        %add3A_849 = arith.addf %add3A_809, %mul3A_848 : vector<16xf32>
        %add3A_850 = arith.addf %add3A_817, %add3A_827 : vector<16xf32>
        %add3A_851 = arith.addf %add3A_837, %add3A_847 : vector<16xf32>
        %add3A_852 = arith.addf %add3A_850, %add3A_851 : vector<16xf32>
        %add3A_853 = arith.addf %add3A_819, %add3A_829 : vector<16xf32>
        %add3A_854 = arith.addf %add3A_839, %add3A_849 : vector<16xf32>
        %add3A_855 = arith.addf %add3A_853, %add3A_854 : vector<16xf32>
        %reduce_sum3A = arith.constant true
        %reduce_sum3A_856 = vector.broadcast %reduce_sum3A : i1 to vector<16xi1>
        %reduce_sum3A_857 = tpu.scan <sum>, %add3A_852 masked %reduce_sum3A_856 : vector<16xf32>, vector<16xi1> -> vector<16xf32>
        %reduce_sum3A_858 = vector.extract %reduce_sum3A_857[15] : f32 from vector<16xf32>
        %mul3A_859 = arith.constant 9.765625E-4 : f32
        %mul3A_860 = arith.mulf %reduce_sum3A_858, %mul3A_859 : f32
        %reduce_sum3A_861 = arith.constant true
        %reduce_sum3A_862 = vector.broadcast %reduce_sum3A_861 : i1 to vector<16xi1>
        %reduce_sum3A_863 = tpu.scan <sum>, %add3A_855 masked %reduce_sum3A_862 : vector<16xf32>, vector<16xi1> -> vector<16xf32>
        %reduce_sum3A_864 = vector.extract %reduce_sum3A_863[15] : f32 from vector<16xf32>
        %mul3A_865 = arith.constant 9.765625E-4 : f32
        %mul3A_866 = arith.mulf %reduce_sum3A_864, %mul3A_865 : f32
        %mul3A_867 = arith.mulf %mul3A_860, %mul3A_860 : f32
        %sub3A = arith.subf %mul3A_866, %mul3A_867 : f32
        %swap3A = arith.index_cast %scan3A_208 : i32 to index
        %swap3A_868 = memref.load %arg13[%swap3A] : memref<16xf32, #tpu.memory_space<smem>>
        memref.store %mul3A_860, %arg13[%swap3A] : memref<16xf32, #tpu.memory_space<smem>>
        %add3A_869 = arith.constant 9.99999974E-6 : f32
        %add3A_870 = arith.addf %sub3A, %add3A_869 : f32
        %bitcast_convert_type3A = arith.bitcast %add3A_870 : f32 to i32
        %shift_right_logical3A = arith.constant 1 : i32
        %shift_right_logical3A_871 = arith.shrui %bitcast_convert_type3A, %shift_right_logical3A : i32
        %sub3A_872 = arith.constant 1597463007 : i32
        %sub3A_873 = arith.subi %sub3A_872, %shift_right_logical3A_871 : i32
        %bitcast_convert_type3A_874 = arith.bitcast %sub3A_873 : i32 to f32
        %mul3A_875 = arith.constant 5.000000e-01 : f32
        %mul3A_876 = arith.mulf %mul3A_875, %add3A_870 : f32
        %mul3A_877 = arith.mulf %mul3A_876, %bitcast_convert_type3A_874 : f32
        %mul3A_878 = arith.mulf %mul3A_877, %bitcast_convert_type3A_874 : f32
        %sub3A_879 = arith.constant 1.500000e+00 : f32
        %sub3A_880 = arith.subf %sub3A_879, %mul3A_878 : f32
        %mul3A_881 = arith.mulf %bitcast_convert_type3A_874, %sub3A_880 : f32
        %mul3A_882 = arith.constant 5.000000e-01 : f32
        %mul3A_883 = arith.mulf %mul3A_882, %add3A_870 : f32
        %mul3A_884 = arith.mulf %mul3A_883, %mul3A_881 : f32
        %mul3A_885 = arith.mulf %mul3A_884, %mul3A_881 : f32
        %sub3A_886 = arith.constant 1.500000e+00 : f32
        %sub3A_887 = arith.subf %sub3A_886, %mul3A_885 : f32
        %mul3A_888 = arith.mulf %mul3A_881, %sub3A_887 : f32
        %mul3A_889 = arith.constant 5.000000e-01 : f32
        %mul3A_890 = arith.mulf %mul3A_889, %add3A_870 : f32
        %mul3A_891 = arith.mulf %mul3A_890, %mul3A_888 : f32
        %mul3A_892 = arith.mulf %mul3A_891, %mul3A_888 : f32
        %sub3A_893 = arith.constant 1.500000e+00 : f32
        %sub3A_894 = arith.subf %sub3A_893, %mul3A_892 : f32
        %mul3A_895 = arith.mulf %mul3A_888, %sub3A_894 : f32
        %swap3A_896 = arith.index_cast %scan3A_208 : i32 to index
        %swap3A_897 = memref.load %arg14[%swap3A_896] : memref<16xf32, #tpu.memory_space<smem>>
        memref.store %mul3A_895, %arg14[%swap3A_896] : memref<16xf32, #tpu.memory_space<smem>>
        %scan3A_898 = arith.constant 0 : i32
        scf.yield %scan3A_898 : i32
      }
      %scan3A_109 = arith.constant 16 : i32
      %scan3A_110 = arith.constant 0 : i32
      %scan3A_111 = arith.constant 0 : i32
      %scan3A_112 = arith.constant 0 : i32
      %scan3A_113 = arith.constant 0 : i32
      %scan3A_114 = arith.constant 64 : i32
      %scan3A_115 = arith.addi %scan3A_113, %scan3A_114 : i32
      %scan3A_116 = arith.constant 1 : i32
      %scan3A_117 = scf.for %scan3A_208 = %scan3A_113 to %scan3A_115 step %scan3A_116 iter_args(%scan3A_209 = %scan3A_112) -> (i32)  : i32 {
        %mul3A_210 = arith.constant 16 : i32
        %mul3A_211 = arith.muli %scan3A_208, %mul3A_210 : i32
        %get3A = arith.index_cast %mul3A_211 : i32 to index
        %get3A_212 = tpu.vector_load %arg11[%get3A] {strides = array<i32>} : memref<1024xf32, #tpu.memory_space<vmem>>, vector<16xf32>,
        %get3A_213 = arith.index_cast %mul3A_211 : i32 to index
        %get3A_214 = tpu.vector_load %arg12[%get3A_213] {strides = array<i32>} : memref<1024xf32, #tpu.memory_space<vmem>>, vector<16xf32>,
        %get3A_215 = arith.constant 0 : i32
        %get3A_216 = arith.index_cast %get3A_215 : i32 to index
        %get3A_217 = memref.load %arg13[%get3A_216] : memref<16xf32, #tpu.memory_space<smem>>
        %broadcast_in_dim3A = vector.broadcast %get3A_217 : f32 to vector<16xf32>
        %get3A_218 = arith.constant 0 : i32
        %get3A_219 = arith.index_cast %get3A_218 : i32 to index
        %get3A_220 = memref.load %arg14[%get3A_219] : memref<16xf32, #tpu.memory_space<smem>>
        %broadcast_in_dim3A_221 = vector.broadcast %get3A_220 : f32 to vector<16xf32>
        %get3A_222 = arith.constant 0 : i32
        %get3A_223 = arith.constant 0 : i32
        %get3A_224 = arith.constant 0 : i32
        %get3A_225 = tpu.memref_slice %arg10[%scan3A_110, %get3A_223, %get3A_224] : memref<2x16x1024xf32, #tpu.memory_space<vmem>> -> memref<1x16x1024xf32, #tpu.memory_space<vmem>>
        %get3A_226 = tpu.memref_squeeze %get3A_225 : memref<1x16x1024xf32, #tpu.memory_space<vmem>> -> memref<16x1024xf32, #tpu.memory_space<vmem>>
        %get3A_227 = arith.index_cast %get3A_222 : i32 to index
        %get3A_228 = arith.index_cast %mul3A_211 : i32 to index
        %get3A_229 = tpu.vector_load %get3A_226[%get3A_227, %get3A_228] {strides = array<i32>} : memref<16x1024xf32, #tpu.memory_space<vmem>>, vector<16xf32>,
        %get3A_230 = arith.constant 0 : i32
        %get3A_231 = arith.constant 0 : i32
        %get3A_232 = arith.constant 0 : i32
        %get3A_233 = tpu.memref_slice %arg9[%scan3A_111, %get3A_231, %get3A_232] : memref<2x16x1024xf32, #tpu.memory_space<vmem>> -> memref<1x16x1024xf32, #tpu.memory_space<vmem>>
        %get3A_234 = tpu.memref_squeeze %get3A_233 : memref<1x16x1024xf32, #tpu.memory_space<vmem>> -> memref<16x1024xf32, #tpu.memory_space<vmem>>
        %get3A_235 = arith.index_cast %get3A_230 : i32 to index
        %get3A_236 = arith.index_cast %mul3A_211 : i32 to index
        %get3A_237 = tpu.vector_load %get3A_234[%get3A_235, %get3A_236] {strides = array<i32>} : memref<16x1024xf32, #tpu.memory_space<vmem>>, vector<16xf32>,
        %sub3A = arith.subf %get3A_229, %broadcast_in_dim3A : vector<16xf32>
        %mul3A_238 = arith.mulf %sub3A, %broadcast_in_dim3A_221 : vector<16xf32>
        %mul3A_239 = arith.mulf %mul3A_238, %get3A_212 : vector<16xf32>
        %mul3A_240 = arith.constant 3.200000e+01 : f32
        %mul3A_241 = vector.broadcast %mul3A_240 : f32 to vector<16xf32>
        %mul3A_242 = arith.mulf %get3A_237, %mul3A_241 : vector<16xf32>
        %add3A_243 = arith.addf %get3A_214, %mul3A_242 : vector<16xf32>
        %add3A_244 = arith.addf %mul3A_239, %add3A_243 : vector<16xf32>
        %swap3A = arith.constant 0 : i32
        %swap3A_245 = arith.constant 0 : i32
        %swap3A_246 = arith.constant 0 : i32
        %swap3A_247 = tpu.memref_slice %arg10[%scan3A_110, %swap3A_245, %swap3A_246] : memref<2x16x1024xf32, #tpu.memory_space<vmem>> -> memref<1x16x1024xf32, #tpu.memory_space<vmem>>
        %swap3A_248 = tpu.memref_squeeze %swap3A_247 : memref<1x16x1024xf32, #tpu.memory_space<vmem>> -> memref<16x1024xf32, #tpu.memory_space<vmem>>
        %swap3A_249 = arith.index_cast %swap3A : i32 to index
        %swap3A_250 = arith.index_cast %mul3A_211 : i32 to index
        %swap3A_251 = tpu.vector_load %swap3A_248[%swap3A_249, %swap3A_250] {strides = array<i32>} : memref<16x1024xf32, #tpu.memory_space<vmem>>, vector<16xf32>,
        tpu.vector_store %swap3A_248[%swap3A_249, %swap3A_250], %add3A_244 {strides = array<i32>} : memref<16x1024xf32, #tpu.memory_space<vmem>>, vector<16xf32>,
        %get3A_252 = arith.constant 1 : i32
        %get3A_253 = arith.index_cast %get3A_252 : i32 to index
        %get3A_254 = memref.load %arg13[%get3A_253] : memref<16xf32, #tpu.memory_space<smem>>
        %broadcast_in_dim3A_255 = vector.broadcast %get3A_254 : f32 to vector<16xf32>
        %get3A_256 = arith.constant 1 : i32
        %get3A_257 = arith.index_cast %get3A_256 : i32 to index
        %get3A_258 = memref.load %arg14[%get3A_257] : memref<16xf32, #tpu.memory_space<smem>>
        %broadcast_in_dim3A_259 = vector.broadcast %get3A_258 : f32 to vector<16xf32>
        %get3A_260 = arith.constant 1 : i32
        %get3A_261 = arith.constant 0 : i32
        %get3A_262 = arith.constant 0 : i32
        %get3A_263 = tpu.memref_slice %arg10[%scan3A_110, %get3A_261, %get3A_262] : memref<2x16x1024xf32, #tpu.memory_space<vmem>> -> memref<1x16x1024xf32, #tpu.memory_space<vmem>>
        %get3A_264 = tpu.memref_squeeze %get3A_263 : memref<1x16x1024xf32, #tpu.memory_space<vmem>> -> memref<16x1024xf32, #tpu.memory_space<vmem>>
        %get3A_265 = arith.index_cast %get3A_260 : i32 to index
        %get3A_266 = arith.index_cast %mul3A_211 : i32 to index
        %get3A_267 = tpu.vector_load %get3A_264[%get3A_265, %get3A_266] {strides = array<i32>} : memref<16x1024xf32, #tpu.memory_space<vmem>>, vector<16xf32>,
        %get3A_268 = arith.constant 1 : i32
        %get3A_269 = arith.constant 0 : i32
        %get3A_270 = arith.constant 0 : i32
        %get3A_271 = tpu.memref_slice %arg9[%scan3A_111, %get3A_269, %get3A_270] : memref<2x16x1024xf32, #tpu.memory_space<vmem>> -> memref<1x16x1024xf32, #tpu.memory_space<vmem>>
        %get3A_272 = tpu.memref_squeeze %get3A_271 : memref<1x16x1024xf32, #tpu.memory_space<vmem>> -> memref<16x1024xf32, #tpu.memory_space<vmem>>
        %get3A_273 = arith.index_cast %get3A_268 : i32 to index
        %get3A_274 = arith.index_cast %mul3A_211 : i32 to index
        %get3A_275 = tpu.vector_load %get3A_272[%get3A_273, %get3A_274] {strides = array<i32>} : memref<16x1024xf32, #tpu.memory_space<vmem>>, vector<16xf32>,
        %sub3A_276 = arith.subf %get3A_267, %broadcast_in_dim3A_255 : vector<16xf32>
        %mul3A_277 = arith.mulf %sub3A_276, %broadcast_in_dim3A_259 : vector<16xf32>
        %mul3A_278 = arith.mulf %mul3A_277, %get3A_212 : vector<16xf32>
        %mul3A_279 = arith.constant 3.200000e+01 : f32
        %mul3A_280 = vector.broadcast %mul3A_279 : f32 to vector<16xf32>
        %mul3A_281 = arith.mulf %get3A_275, %mul3A_280 : vector<16xf32>
        %add3A_282 = arith.addf %get3A_214, %mul3A_281 : vector<16xf32>
        %add3A_283 = arith.addf %mul3A_278, %add3A_282 : vector<16xf32>
        %swap3A_284 = arith.constant 1 : i32
        %swap3A_285 = arith.constant 0 : i32
        %swap3A_286 = arith.constant 0 : i32
        %swap3A_287 = tpu.memref_slice %arg10[%scan3A_110, %swap3A_285, %swap3A_286] : memref<2x16x1024xf32, #tpu.memory_space<vmem>> -> memref<1x16x1024xf32, #tpu.memory_space<vmem>>
        %swap3A_288 = tpu.memref_squeeze %swap3A_287 : memref<1x16x1024xf32, #tpu.memory_space<vmem>> -> memref<16x1024xf32, #tpu.memory_space<vmem>>
        %swap3A_289 = arith.index_cast %swap3A_284 : i32 to index
        %swap3A_290 = arith.index_cast %mul3A_211 : i32 to index
        %swap3A_291 = tpu.vector_load %swap3A_288[%swap3A_289, %swap3A_290] {strides = array<i32>} : memref<16x1024xf32, #tpu.memory_space<vmem>>, vector<16xf32>,
        tpu.vector_store %swap3A_288[%swap3A_289, %swap3A_290], %add3A_283 {strides = array<i32>} : memref<16x1024xf32, #tpu.memory_space<vmem>>, vector<16xf32>,
        %get3A_292 = arith.constant 2 : i32
        %get3A_293 = arith.index_cast %get3A_292 : i32 to index
        %get3A_294 = memref.load %arg13[%get3A_293] : memref<16xf32, #tpu.memory_space<smem>>
        %broadcast_in_dim3A_295 = vector.broadcast %get3A_294 : f32 to vector<16xf32>
        %get3A_296 = arith.constant 2 : i32
        %get3A_297 = arith.index_cast %get3A_296 : i32 to index
        %get3A_298 = memref.load %arg14[%get3A_297] : memref<16xf32, #tpu.memory_space<smem>>
        %broadcast_in_dim3A_299 = vector.broadcast %get3A_298 : f32 to vector<16xf32>
        %get3A_300 = arith.constant 2 : i32
        %get3A_301 = arith.constant 0 : i32
        %get3A_302 = arith.constant 0 : i32
        %get3A_303 = tpu.memref_slice %arg10[%scan3A_110, %get3A_301, %get3A_302] : memref<2x16x1024xf32, #tpu.memory_space<vmem>> -> memref<1x16x1024xf32, #tpu.memory_space<vmem>>
        %get3A_304 = tpu.memref_squeeze %get3A_303 : memref<1x16x1024xf32, #tpu.memory_space<vmem>> -> memref<16x1024xf32, #tpu.memory_space<vmem>>
        %get3A_305 = arith.index_cast %get3A_300 : i32 to index
        %get3A_306 = arith.index_cast %mul3A_211 : i32 to index
        %get3A_307 = tpu.vector_load %get3A_304[%get3A_305, %get3A_306] {strides = array<i32>} : memref<16x1024xf32, #tpu.memory_space<vmem>>, vector<16xf32>,
        %get3A_308 = arith.constant 2 : i32
        %get3A_309 = arith.constant 0 : i32
        %get3A_310 = arith.constant 0 : i32
        %get3A_311 = tpu.memref_slice %arg9[%scan3A_111, %get3A_309, %get3A_310] : memref<2x16x1024xf32, #tpu.memory_space<vmem>> -> memref<1x16x1024xf32, #tpu.memory_space<vmem>>
        %get3A_312 = tpu.memref_squeeze %get3A_311 : memref<1x16x1024xf32, #tpu.memory_space<vmem>> -> memref<16x1024xf32, #tpu.memory_space<vmem>>
        %get3A_313 = arith.index_cast %get3A_308 : i32 to index
        %get3A_314 = arith.index_cast %mul3A_211 : i32 to index
        %get3A_315 = tpu.vector_load %get3A_312[%get3A_313, %get3A_314] {strides = array<i32>} : memref<16x1024xf32, #tpu.memory_space<vmem>>, vector<16xf32>,
        %sub3A_316 = arith.subf %get3A_307, %broadcast_in_dim3A_295 : vector<16xf32>
        %mul3A_317 = arith.mulf %sub3A_316, %broadcast_in_dim3A_299 : vector<16xf32>
        %mul3A_318 = arith.mulf %mul3A_317, %get3A_212 : vector<16xf32>
        %mul3A_319 = arith.constant 3.200000e+01 : f32
        %mul3A_320 = vector.broadcast %mul3A_319 : f32 to vector<16xf32>
        %mul3A_321 = arith.mulf %get3A_315, %mul3A_320 : vector<16xf32>
        %add3A_322 = arith.addf %get3A_214, %mul3A_321 : vector<16xf32>
        %add3A_323 = arith.addf %mul3A_318, %add3A_322 : vector<16xf32>
        %swap3A_324 = arith.constant 2 : i32
        %swap3A_325 = arith.constant 0 : i32
        %swap3A_326 = arith.constant 0 : i32
        %swap3A_327 = tpu.memref_slice %arg10[%scan3A_110, %swap3A_325, %swap3A_326] : memref<2x16x1024xf32, #tpu.memory_space<vmem>> -> memref<1x16x1024xf32, #tpu.memory_space<vmem>>
        %swap3A_328 = tpu.memref_squeeze %swap3A_327 : memref<1x16x1024xf32, #tpu.memory_space<vmem>> -> memref<16x1024xf32, #tpu.memory_space<vmem>>
        %swap3A_329 = arith.index_cast %swap3A_324 : i32 to index
        %swap3A_330 = arith.index_cast %mul3A_211 : i32 to index
        %swap3A_331 = tpu.vector_load %swap3A_328[%swap3A_329, %swap3A_330] {strides = array<i32>} : memref<16x1024xf32, #tpu.memory_space<vmem>>, vector<16xf32>,
        tpu.vector_store %swap3A_328[%swap3A_329, %swap3A_330], %add3A_323 {strides = array<i32>} : memref<16x1024xf32, #tpu.memory_space<vmem>>, vector<16xf32>,
        %get3A_332 = arith.constant 3 : i32
        %get3A_333 = arith.index_cast %get3A_332 : i32 to index
        %get3A_334 = memref.load %arg13[%get3A_333] : memref<16xf32, #tpu.memory_space<smem>>
        %broadcast_in_dim3A_335 = vector.broadcast %get3A_334 : f32 to vector<16xf32>
        %get3A_336 = arith.constant 3 : i32
        %get3A_337 = arith.index_cast %get3A_336 : i32 to index
        %get3A_338 = memref.load %arg14[%get3A_337] : memref<16xf32, #tpu.memory_space<smem>>
        %broadcast_in_dim3A_339 = vector.broadcast %get3A_338 : f32 to vector<16xf32>
        %get3A_340 = arith.constant 3 : i32
        %get3A_341 = arith.constant 0 : i32
        %get3A_342 = arith.constant 0 : i32
        %get3A_343 = tpu.memref_slice %arg10[%scan3A_110, %get3A_341, %get3A_342] : memref<2x16x1024xf32, #tpu.memory_space<vmem>> -> memref<1x16x1024xf32, #tpu.memory_space<vmem>>
        %get3A_344 = tpu.memref_squeeze %get3A_343 : memref<1x16x1024xf32, #tpu.memory_space<vmem>> -> memref<16x1024xf32, #tpu.memory_space<vmem>>
        %get3A_345 = arith.index_cast %get3A_340 : i32 to index
        %get3A_346 = arith.index_cast %mul3A_211 : i32 to index
        %get3A_347 = tpu.vector_load %get3A_344[%get3A_345, %get3A_346] {strides = array<i32>} : memref<16x1024xf32, #tpu.memory_space<vmem>>, vector<16xf32>,
        %get3A_348 = arith.constant 3 : i32
        %get3A_349 = arith.constant 0 : i32
        %get3A_350 = arith.constant 0 : i32
        %get3A_351 = tpu.memref_slice %arg9[%scan3A_111, %get3A_349, %get3A_350] : memref<2x16x1024xf32, #tpu.memory_space<vmem>> -> memref<1x16x1024xf32, #tpu.memory_space<vmem>>
        %get3A_352 = tpu.memref_squeeze %get3A_351 : memref<1x16x1024xf32, #tpu.memory_space<vmem>> -> memref<16x1024xf32, #tpu.memory_space<vmem>>
        %get3A_353 = arith.index_cast %get3A_348 : i32 to index
        %get3A_354 = arith.index_cast %mul3A_211 : i32 to index
        %get3A_355 = tpu.vector_load %get3A_352[%get3A_353, %get3A_354] {strides = array<i32>} : memref<16x1024xf32, #tpu.memory_space<vmem>>, vector<16xf32>,
        %sub3A_356 = arith.subf %get3A_347, %broadcast_in_dim3A_335 : vector<16xf32>
        %mul3A_357 = arith.mulf %sub3A_356, %broadcast_in_dim3A_339 : vector<16xf32>
        %mul3A_358 = arith.mulf %mul3A_357, %get3A_212 : vector<16xf32>
        %mul3A_359 = arith.constant 3.200000e+01 : f32
        %mul3A_360 = vector.broadcast %mul3A_359 : f32 to vector<16xf32>
        %mul3A_361 = arith.mulf %get3A_355, %mul3A_360 : vector<16xf32>
        %add3A_362 = arith.addf %get3A_214, %mul3A_361 : vector<16xf32>
        %add3A_363 = arith.addf %mul3A_358, %add3A_362 : vector<16xf32>
        %swap3A_364 = arith.constant 3 : i32
        %swap3A_365 = arith.constant 0 : i32
        %swap3A_366 = arith.constant 0 : i32
        %swap3A_367 = tpu.memref_slice %arg10[%scan3A_110, %swap3A_365, %swap3A_366] : memref<2x16x1024xf32, #tpu.memory_space<vmem>> -> memref<1x16x1024xf32, #tpu.memory_space<vmem>>
        %swap3A_368 = tpu.memref_squeeze %swap3A_367 : memref<1x16x1024xf32, #tpu.memory_space<vmem>> -> memref<16x1024xf32, #tpu.memory_space<vmem>>
        %swap3A_369 = arith.index_cast %swap3A_364 : i32 to index
        %swap3A_370 = arith.index_cast %mul3A_211 : i32 to index
        %swap3A_371 = tpu.vector_load %swap3A_368[%swap3A_369, %swap3A_370] {strides = array<i32>} : memref<16x1024xf32, #tpu.memory_space<vmem>>, vector<16xf32>,
        tpu.vector_store %swap3A_368[%swap3A_369, %swap3A_370], %add3A_363 {strides = array<i32>} : memref<16x1024xf32, #tpu.memory_space<vmem>>, vector<16xf32>,
        %get3A_372 = arith.constant 4 : i32
        %get3A_373 = arith.index_cast %get3A_372 : i32 to index
        %get3A_374 = memref.load %arg13[%get3A_373] : memref<16xf32, #tpu.memory_space<smem>>
        %broadcast_in_dim3A_375 = vector.broadcast %get3A_374 : f32 to vector<16xf32>
        %get3A_376 = arith.constant 4 : i32
        %get3A_377 = arith.index_cast %get3A_376 : i32 to index
        %get3A_378 = memref.load %arg14[%get3A_377] : memref<16xf32, #tpu.memory_space<smem>>
        %broadcast_in_dim3A_379 = vector.broadcast %get3A_378 : f32 to vector<16xf32>
        %get3A_380 = arith.constant 4 : i32
        %get3A_381 = arith.constant 0 : i32
        %get3A_382 = arith.constant 0 : i32
        %get3A_383 = tpu.memref_slice %arg10[%scan3A_110, %get3A_381, %get3A_382] : memref<2x16x1024xf32, #tpu.memory_space<vmem>> -> memref<1x16x1024xf32, #tpu.memory_space<vmem>>
        %get3A_384 = tpu.memref_squeeze %get3A_383 : memref<1x16x1024xf32, #tpu.memory_space<vmem>> -> memref<16x1024xf32, #tpu.memory_space<vmem>>
        %get3A_385 = arith.index_cast %get3A_380 : i32 to index
        %get3A_386 = arith.index_cast %mul3A_211 : i32 to index
        %get3A_387 = tpu.vector_load %get3A_384[%get3A_385, %get3A_386] {strides = array<i32>} : memref<16x1024xf32, #tpu.memory_space<vmem>>, vector<16xf32>,
        %get3A_388 = arith.constant 4 : i32
        %get3A_389 = arith.constant 0 : i32
        %get3A_390 = arith.constant 0 : i32
        %get3A_391 = tpu.memref_slice %arg9[%scan3A_111, %get3A_389, %get3A_390] : memref<2x16x1024xf32, #tpu.memory_space<vmem>> -> memref<1x16x1024xf32, #tpu.memory_space<vmem>>
        %get3A_392 = tpu.memref_squeeze %get3A_391 : memref<1x16x1024xf32, #tpu.memory_space<vmem>> -> memref<16x1024xf32, #tpu.memory_space<vmem>>
        %get3A_393 = arith.index_cast %get3A_388 : i32 to index
        %get3A_394 = arith.index_cast %mul3A_211 : i32 to index
        %get3A_395 = tpu.vector_load %get3A_392[%get3A_393, %get3A_394] {strides = array<i32>} : memref<16x1024xf32, #tpu.memory_space<vmem>>, vector<16xf32>,
        %sub3A_396 = arith.subf %get3A_387, %broadcast_in_dim3A_375 : vector<16xf32>
        %mul3A_397 = arith.mulf %sub3A_396, %broadcast_in_dim3A_379 : vector<16xf32>
        %mul3A_398 = arith.mulf %mul3A_397, %get3A_212 : vector<16xf32>
        %mul3A_399 = arith.constant 3.200000e+01 : f32
        %mul3A_400 = vector.broadcast %mul3A_399 : f32 to vector<16xf32>
        %mul3A_401 = arith.mulf %get3A_395, %mul3A_400 : vector<16xf32>
        %add3A_402 = arith.addf %get3A_214, %mul3A_401 : vector<16xf32>
        %add3A_403 = arith.addf %mul3A_398, %add3A_402 : vector<16xf32>
        %swap3A_404 = arith.constant 4 : i32
        %swap3A_405 = arith.constant 0 : i32
        %swap3A_406 = arith.constant 0 : i32
        %swap3A_407 = tpu.memref_slice %arg10[%scan3A_110, %swap3A_405, %swap3A_406] : memref<2x16x1024xf32, #tpu.memory_space<vmem>> -> memref<1x16x1024xf32, #tpu.memory_space<vmem>>
        %swap3A_408 = tpu.memref_squeeze %swap3A_407 : memref<1x16x1024xf32, #tpu.memory_space<vmem>> -> memref<16x1024xf32, #tpu.memory_space<vmem>>
        %swap3A_409 = arith.index_cast %swap3A_404 : i32 to index
        %swap3A_410 = arith.index_cast %mul3A_211 : i32 to index
        %swap3A_411 = tpu.vector_load %swap3A_408[%swap3A_409, %swap3A_410] {strides = array<i32>} : memref<16x1024xf32, #tpu.memory_space<vmem>>, vector<16xf32>,
        tpu.vector_store %swap3A_408[%swap3A_409, %swap3A_410], %add3A_403 {strides = array<i32>} : memref<16x1024xf32, #tpu.memory_space<vmem>>, vector<16xf32>,
        %get3A_412 = arith.constant 5 : i32
        %get3A_413 = arith.index_cast %get3A_412 : i32 to index
        %get3A_414 = memref.load %arg13[%get3A_413] : memref<16xf32, #tpu.memory_space<smem>>
        %broadcast_in_dim3A_415 = vector.broadcast %get3A_414 : f32 to vector<16xf32>
        %get3A_416 = arith.constant 5 : i32
        %get3A_417 = arith.index_cast %get3A_416 : i32 to index
        %get3A_418 = memref.load %arg14[%get3A_417] : memref<16xf32, #tpu.memory_space<smem>>
        %broadcast_in_dim3A_419 = vector.broadcast %get3A_418 : f32 to vector<16xf32>
        %get3A_420 = arith.constant 5 : i32
        %get3A_421 = arith.constant 0 : i32
        %get3A_422 = arith.constant 0 : i32
        %get3A_423 = tpu.memref_slice %arg10[%scan3A_110, %get3A_421, %get3A_422] : memref<2x16x1024xf32, #tpu.memory_space<vmem>> -> memref<1x16x1024xf32, #tpu.memory_space<vmem>>
        %get3A_424 = tpu.memref_squeeze %get3A_423 : memref<1x16x1024xf32, #tpu.memory_space<vmem>> -> memref<16x1024xf32, #tpu.memory_space<vmem>>
        %get3A_425 = arith.index_cast %get3A_420 : i32 to index
        %get3A_426 = arith.index_cast %mul3A_211 : i32 to index
        %get3A_427 = tpu.vector_load %get3A_424[%get3A_425, %get3A_426] {strides = array<i32>} : memref<16x1024xf32, #tpu.memory_space<vmem>>, vector<16xf32>,
        %get3A_428 = arith.constant 5 : i32
        %get3A_429 = arith.constant 0 : i32
        %get3A_430 = arith.constant 0 : i32
        %get3A_431 = tpu.memref_slice %arg9[%scan3A_111, %get3A_429, %get3A_430] : memref<2x16x1024xf32, #tpu.memory_space<vmem>> -> memref<1x16x1024xf32, #tpu.memory_space<vmem>>
        %get3A_432 = tpu.memref_squeeze %get3A_431 : memref<1x16x1024xf32, #tpu.memory_space<vmem>> -> memref<16x1024xf32, #tpu.memory_space<vmem>>
        %get3A_433 = arith.index_cast %get3A_428 : i32 to index
        %get3A_434 = arith.index_cast %mul3A_211 : i32 to index
        %get3A_435 = tpu.vector_load %get3A_432[%get3A_433, %get3A_434] {strides = array<i32>} : memref<16x1024xf32, #tpu.memory_space<vmem>>, vector<16xf32>,
        %sub3A_436 = arith.subf %get3A_427, %broadcast_in_dim3A_415 : vector<16xf32>
        %mul3A_437 = arith.mulf %sub3A_436, %broadcast_in_dim3A_419 : vector<16xf32>
        %mul3A_438 = arith.mulf %mul3A_437, %get3A_212 : vector<16xf32>
        %mul3A_439 = arith.constant 3.200000e+01 : f32
        %mul3A_440 = vector.broadcast %mul3A_439 : f32 to vector<16xf32>
        %mul3A_441 = arith.mulf %get3A_435, %mul3A_440 : vector<16xf32>
        %add3A_442 = arith.addf %get3A_214, %mul3A_441 : vector<16xf32>
        %add3A_443 = arith.addf %mul3A_438, %add3A_442 : vector<16xf32>
        %swap3A_444 = arith.constant 5 : i32
        %swap3A_445 = arith.constant 0 : i32
        %swap3A_446 = arith.constant 0 : i32
        %swap3A_447 = tpu.memref_slice %arg10[%scan3A_110, %swap3A_445, %swap3A_446] : memref<2x16x1024xf32, #tpu.memory_space<vmem>> -> memref<1x16x1024xf32, #tpu.memory_space<vmem>>
        %swap3A_448 = tpu.memref_squeeze %swap3A_447 : memref<1x16x1024xf32, #tpu.memory_space<vmem>> -> memref<16x1024xf32, #tpu.memory_space<vmem>>
        %swap3A_449 = arith.index_cast %swap3A_444 : i32 to index
        %swap3A_450 = arith.index_cast %mul3A_211 : i32 to index
        %swap3A_451 = tpu.vector_load %swap3A_448[%swap3A_449, %swap3A_450] {strides = array<i32>} : memref<16x1024xf32, #tpu.memory_space<vmem>>, vector<16xf32>,
        tpu.vector_store %swap3A_448[%swap3A_449, %swap3A_450], %add3A_443 {strides = array<i32>} : memref<16x1024xf32, #tpu.memory_space<vmem>>, vector<16xf32>,
        %get3A_452 = arith.constant 6 : i32
        %get3A_453 = arith.index_cast %get3A_452 : i32 to index
        %get3A_454 = memref.load %arg13[%get3A_453] : memref<16xf32, #tpu.memory_space<smem>>
        %broadcast_in_dim3A_455 = vector.broadcast %get3A_454 : f32 to vector<16xf32>
        %get3A_456 = arith.constant 6 : i32
        %get3A_457 = arith.index_cast %get3A_456 : i32 to index
        %get3A_458 = memref.load %arg14[%get3A_457] : memref<16xf32, #tpu.memory_space<smem>>
        %broadcast_in_dim3A_459 = vector.broadcast %get3A_458 : f32 to vector<16xf32>
        %get3A_460 = arith.constant 6 : i32
        %get3A_461 = arith.constant 0 : i32
        %get3A_462 = arith.constant 0 : i32
        %get3A_463 = tpu.memref_slice %arg10[%scan3A_110, %get3A_461, %get3A_462] : memref<2x16x1024xf32, #tpu.memory_space<vmem>> -> memref<1x16x1024xf32, #tpu.memory_space<vmem>>
        %get3A_464 = tpu.memref_squeeze %get3A_463 : memref<1x16x1024xf32, #tpu.memory_space<vmem>> -> memref<16x1024xf32, #tpu.memory_space<vmem>>
        %get3A_465 = arith.index_cast %get3A_460 : i32 to index
        %get3A_466 = arith.index_cast %mul3A_211 : i32 to index
        %get3A_467 = tpu.vector_load %get3A_464[%get3A_465, %get3A_466] {strides = array<i32>} : memref<16x1024xf32, #tpu.memory_space<vmem>>, vector<16xf32>,
        %get3A_468 = arith.constant 6 : i32
        %get3A_469 = arith.constant 0 : i32
        %get3A_470 = arith.constant 0 : i32
        %get3A_471 = tpu.memref_slice %arg9[%scan3A_111, %get3A_469, %get3A_470] : memref<2x16x1024xf32, #tpu.memory_space<vmem>> -> memref<1x16x1024xf32, #tpu.memory_space<vmem>>
        %get3A_472 = tpu.memref_squeeze %get3A_471 : memref<1x16x1024xf32, #tpu.memory_space<vmem>> -> memref<16x1024xf32, #tpu.memory_space<vmem>>
        %get3A_473 = arith.index_cast %get3A_468 : i32 to index
        %get3A_474 = arith.index_cast %mul3A_211 : i32 to index
        %get3A_475 = tpu.vector_load %get3A_472[%get3A_473, %get3A_474] {strides = array<i32>} : memref<16x1024xf32, #tpu.memory_space<vmem>>, vector<16xf32>,
        %sub3A_476 = arith.subf %get3A_467, %broadcast_in_dim3A_455 : vector<16xf32>
        %mul3A_477 = arith.mulf %sub3A_476, %broadcast_in_dim3A_459 : vector<16xf32>
        %mul3A_478 = arith.mulf %mul3A_477, %get3A_212 : vector<16xf32>
        %mul3A_479 = arith.constant 3.200000e+01 : f32
        %mul3A_480 = vector.broadcast %mul3A_479 : f32 to vector<16xf32>
        %mul3A_481 = arith.mulf %get3A_475, %mul3A_480 : vector<16xf32>
        %add3A_482 = arith.addf %get3A_214, %mul3A_481 : vector<16xf32>
        %add3A_483 = arith.addf %mul3A_478, %add3A_482 : vector<16xf32>
        %swap3A_484 = arith.constant 6 : i32
        %swap3A_485 = arith.constant 0 : i32
        %swap3A_486 = arith.constant 0 : i32
        %swap3A_487 = tpu.memref_slice %arg10[%scan3A_110, %swap3A_485, %swap3A_486] : memref<2x16x1024xf32, #tpu.memory_space<vmem>> -> memref<1x16x1024xf32, #tpu.memory_space<vmem>>
        %swap3A_488 = tpu.memref_squeeze %swap3A_487 : memref<1x16x1024xf32, #tpu.memory_space<vmem>> -> memref<16x1024xf32, #tpu.memory_space<vmem>>
        %swap3A_489 = arith.index_cast %swap3A_484 : i32 to index
        %swap3A_490 = arith.index_cast %mul3A_211 : i32 to index
        %swap3A_491 = tpu.vector_load %swap3A_488[%swap3A_489, %swap3A_490] {strides = array<i32>} : memref<16x1024xf32, #tpu.memory_space<vmem>>, vector<16xf32>,
        tpu.vector_store %swap3A_488[%swap3A_489, %swap3A_490], %add3A_483 {strides = array<i32>} : memref<16x1024xf32, #tpu.memory_space<vmem>>, vector<16xf32>,
        %get3A_492 = arith.constant 7 : i32
        %get3A_493 = arith.index_cast %get3A_492 : i32 to index
        %get3A_494 = memref.load %arg13[%get3A_493] : memref<16xf32, #tpu.memory_space<smem>>
        %broadcast_in_dim3A_495 = vector.broadcast %get3A_494 : f32 to vector<16xf32>
        %get3A_496 = arith.constant 7 : i32
        %get3A_497 = arith.index_cast %get3A_496 : i32 to index
        %get3A_498 = memref.load %arg14[%get3A_497] : memref<16xf32, #tpu.memory_space<smem>>
        %broadcast_in_dim3A_499 = vector.broadcast %get3A_498 : f32 to vector<16xf32>
        %get3A_500 = arith.constant 7 : i32
        %get3A_501 = arith.constant 0 : i32
        %get3A_502 = arith.constant 0 : i32
        %get3A_503 = tpu.memref_slice %arg10[%scan3A_110, %get3A_501, %get3A_502] : memref<2x16x1024xf32, #tpu.memory_space<vmem>> -> memref<1x16x1024xf32, #tpu.memory_space<vmem>>
        %get3A_504 = tpu.memref_squeeze %get3A_503 : memref<1x16x1024xf32, #tpu.memory_space<vmem>> -> memref<16x1024xf32, #tpu.memory_space<vmem>>
        %get3A_505 = arith.index_cast %get3A_500 : i32 to index
        %get3A_506 = arith.index_cast %mul3A_211 : i32 to index
        %get3A_507 = tpu.vector_load %get3A_504[%get3A_505, %get3A_506] {strides = array<i32>} : memref<16x1024xf32, #tpu.memory_space<vmem>>, vector<16xf32>,
        %get3A_508 = arith.constant 7 : i32
        %get3A_509 = arith.constant 0 : i32
        %get3A_510 = arith.constant 0 : i32
        %get3A_511 = tpu.memref_slice %arg9[%scan3A_111, %get3A_509, %get3A_510] : memref<2x16x1024xf32, #tpu.memory_space<vmem>> -> memref<1x16x1024xf32, #tpu.memory_space<vmem>>
        %get3A_512 = tpu.memref_squeeze %get3A_511 : memref<1x16x1024xf32, #tpu.memory_space<vmem>> -> memref<16x1024xf32, #tpu.memory_space<vmem>>
        %get3A_513 = arith.index_cast %get3A_508 : i32 to index
        %get3A_514 = arith.index_cast %mul3A_211 : i32 to index
        %get3A_515 = tpu.vector_load %get3A_512[%get3A_513, %get3A_514] {strides = array<i32>} : memref<16x1024xf32, #tpu.memory_space<vmem>>, vector<16xf32>,
        %sub3A_516 = arith.subf %get3A_507, %broadcast_in_dim3A_495 : vector<16xf32>
        %mul3A_517 = arith.mulf %sub3A_516, %broadcast_in_dim3A_499 : vector<16xf32>
        %mul3A_518 = arith.mulf %mul3A_517, %get3A_212 : vector<16xf32>
        %mul3A_519 = arith.constant 3.200000e+01 : f32
        %mul3A_520 = vector.broadcast %mul3A_519 : f32 to vector<16xf32>
        %mul3A_521 = arith.mulf %get3A_515, %mul3A_520 : vector<16xf32>
        %add3A_522 = arith.addf %get3A_214, %mul3A_521 : vector<16xf32>
        %add3A_523 = arith.addf %mul3A_518, %add3A_522 : vector<16xf32>
        %swap3A_524 = arith.constant 7 : i32
        %swap3A_525 = arith.constant 0 : i32
        %swap3A_526 = arith.constant 0 : i32
        %swap3A_527 = tpu.memref_slice %arg10[%scan3A_110, %swap3A_525, %swap3A_526] : memref<2x16x1024xf32, #tpu.memory_space<vmem>> -> memref<1x16x1024xf32, #tpu.memory_space<vmem>>
        %swap3A_528 = tpu.memref_squeeze %swap3A_527 : memref<1x16x1024xf32, #tpu.memory_space<vmem>> -> memref<16x1024xf32, #tpu.memory_space<vmem>>
        %swap3A_529 = arith.index_cast %swap3A_524 : i32 to index
        %swap3A_530 = arith.index_cast %mul3A_211 : i32 to index
        %swap3A_531 = tpu.vector_load %swap3A_528[%swap3A_529, %swap3A_530] {strides = array<i32>} : memref<16x1024xf32, #tpu.memory_space<vmem>>, vector<16xf32>,
        tpu.vector_store %swap3A_528[%swap3A_529, %swap3A_530], %add3A_523 {strides = array<i32>} : memref<16x1024xf32, #tpu.memory_space<vmem>>, vector<16xf32>,
        %get3A_532 = arith.constant 8 : i32
        %get3A_533 = arith.index_cast %get3A_532 : i32 to index
        %get3A_534 = memref.load %arg13[%get3A_533] : memref<16xf32, #tpu.memory_space<smem>>
        %broadcast_in_dim3A_535 = vector.broadcast %get3A_534 : f32 to vector<16xf32>
        %get3A_536 = arith.constant 8 : i32
        %get3A_537 = arith.index_cast %get3A_536 : i32 to index
        %get3A_538 = memref.load %arg14[%get3A_537] : memref<16xf32, #tpu.memory_space<smem>>
        %broadcast_in_dim3A_539 = vector.broadcast %get3A_538 : f32 to vector<16xf32>
        %get3A_540 = arith.constant 8 : i32
        %get3A_541 = arith.constant 0 : i32
        %get3A_542 = arith.constant 0 : i32
        %get3A_543 = tpu.memref_slice %arg10[%scan3A_110, %get3A_541, %get3A_542] : memref<2x16x1024xf32, #tpu.memory_space<vmem>> -> memref<1x16x1024xf32, #tpu.memory_space<vmem>>
        %get3A_544 = tpu.memref_squeeze %get3A_543 : memref<1x16x1024xf32, #tpu.memory_space<vmem>> -> memref<16x1024xf32, #tpu.memory_space<vmem>>
        %get3A_545 = arith.index_cast %get3A_540 : i32 to index
        %get3A_546 = arith.index_cast %mul3A_211 : i32 to index
        %get3A_547 = tpu.vector_load %get3A_544[%get3A_545, %get3A_546] {strides = array<i32>} : memref<16x1024xf32, #tpu.memory_space<vmem>>, vector<16xf32>,
        %get3A_548 = arith.constant 8 : i32
        %get3A_549 = arith.constant 0 : i32
        %get3A_550 = arith.constant 0 : i32
        %get3A_551 = tpu.memref_slice %arg9[%scan3A_111, %get3A_549, %get3A_550] : memref<2x16x1024xf32, #tpu.memory_space<vmem>> -> memref<1x16x1024xf32, #tpu.memory_space<vmem>>
        %get3A_552 = tpu.memref_squeeze %get3A_551 : memref<1x16x1024xf32, #tpu.memory_space<vmem>> -> memref<16x1024xf32, #tpu.memory_space<vmem>>
        %get3A_553 = arith.index_cast %get3A_548 : i32 to index
        %get3A_554 = arith.index_cast %mul3A_211 : i32 to index
        %get3A_555 = tpu.vector_load %get3A_552[%get3A_553, %get3A_554] {strides = array<i32>} : memref<16x1024xf32, #tpu.memory_space<vmem>>, vector<16xf32>,
        %sub3A_556 = arith.subf %get3A_547, %broadcast_in_dim3A_535 : vector<16xf32>
        %mul3A_557 = arith.mulf %sub3A_556, %broadcast_in_dim3A_539 : vector<16xf32>
        %mul3A_558 = arith.mulf %mul3A_557, %get3A_212 : vector<16xf32>
        %mul3A_559 = arith.constant 3.200000e+01 : f32
        %mul3A_560 = vector.broadcast %mul3A_559 : f32 to vector<16xf32>
        %mul3A_561 = arith.mulf %get3A_555, %mul3A_560 : vector<16xf32>
        %add3A_562 = arith.addf %get3A_214, %mul3A_561 : vector<16xf32>
        %add3A_563 = arith.addf %mul3A_558, %add3A_562 : vector<16xf32>
        %swap3A_564 = arith.constant 8 : i32
        %swap3A_565 = arith.constant 0 : i32
        %swap3A_566 = arith.constant 0 : i32
        %swap3A_567 = tpu.memref_slice %arg10[%scan3A_110, %swap3A_565, %swap3A_566] : memref<2x16x1024xf32, #tpu.memory_space<vmem>> -> memref<1x16x1024xf32, #tpu.memory_space<vmem>>
        %swap3A_568 = tpu.memref_squeeze %swap3A_567 : memref<1x16x1024xf32, #tpu.memory_space<vmem>> -> memref<16x1024xf32, #tpu.memory_space<vmem>>
        %swap3A_569 = arith.index_cast %swap3A_564 : i32 to index
        %swap3A_570 = arith.index_cast %mul3A_211 : i32 to index
        %swap3A_571 = tpu.vector_load %swap3A_568[%swap3A_569, %swap3A_570] {strides = array<i32>} : memref<16x1024xf32, #tpu.memory_space<vmem>>, vector<16xf32>,
        tpu.vector_store %swap3A_568[%swap3A_569, %swap3A_570], %add3A_563 {strides = array<i32>} : memref<16x1024xf32, #tpu.memory_space<vmem>>, vector<16xf32>,
        %get3A_572 = arith.constant 9 : i32
        %get3A_573 = arith.index_cast %get3A_572 : i32 to index
        %get3A_574 = memref.load %arg13[%get3A_573] : memref<16xf32, #tpu.memory_space<smem>>
        %broadcast_in_dim3A_575 = vector.broadcast %get3A_574 : f32 to vector<16xf32>
        %get3A_576 = arith.constant 9 : i32
        %get3A_577 = arith.index_cast %get3A_576 : i32 to index
        %get3A_578 = memref.load %arg14[%get3A_577] : memref<16xf32, #tpu.memory_space<smem>>
        %broadcast_in_dim3A_579 = vector.broadcast %get3A_578 : f32 to vector<16xf32>
        %get3A_580 = arith.constant 9 : i32
        %get3A_581 = arith.constant 0 : i32
        %get3A_582 = arith.constant 0 : i32
        %get3A_583 = tpu.memref_slice %arg10[%scan3A_110, %get3A_581, %get3A_582] : memref<2x16x1024xf32, #tpu.memory_space<vmem>> -> memref<1x16x1024xf32, #tpu.memory_space<vmem>>
        %get3A_584 = tpu.memref_squeeze %get3A_583 : memref<1x16x1024xf32, #tpu.memory_space<vmem>> -> memref<16x1024xf32, #tpu.memory_space<vmem>>
        %get3A_585 = arith.index_cast %get3A_580 : i32 to index
        %get3A_586 = arith.index_cast %mul3A_211 : i32 to index
        %get3A_587 = tpu.vector_load %get3A_584[%get3A_585, %get3A_586] {strides = array<i32>} : memref<16x1024xf32, #tpu.memory_space<vmem>>, vector<16xf32>,
        %get3A_588 = arith.constant 9 : i32
        %get3A_589 = arith.constant 0 : i32
        %get3A_590 = arith.constant 0 : i32
        %get3A_591 = tpu.memref_slice %arg9[%scan3A_111, %get3A_589, %get3A_590] : memref<2x16x1024xf32, #tpu.memory_space<vmem>> -> memref<1x16x1024xf32, #tpu.memory_space<vmem>>
        %get3A_592 = tpu.memref_squeeze %get3A_591 : memref<1x16x1024xf32, #tpu.memory_space<vmem>> -> memref<16x1024xf32, #tpu.memory_space<vmem>>
        %get3A_593 = arith.index_cast %get3A_588 : i32 to index
        %get3A_594 = arith.index_cast %mul3A_211 : i32 to index
        %get3A_595 = tpu.vector_load %get3A_592[%get3A_593, %get3A_594] {strides = array<i32>} : memref<16x1024xf32, #tpu.memory_space<vmem>>, vector<16xf32>,
        %sub3A_596 = arith.subf %get3A_587, %broadcast_in_dim3A_575 : vector<16xf32>
        %mul3A_597 = arith.mulf %sub3A_596, %broadcast_in_dim3A_579 : vector<16xf32>
        %mul3A_598 = arith.mulf %mul3A_597, %get3A_212 : vector<16xf32>
        %mul3A_599 = arith.constant 3.200000e+01 : f32
        %mul3A_600 = vector.broadcast %mul3A_599 : f32 to vector<16xf32>
        %mul3A_601 = arith.mulf %get3A_595, %mul3A_600 : vector<16xf32>
        %add3A_602 = arith.addf %get3A_214, %mul3A_601 : vector<16xf32>
        %add3A_603 = arith.addf %mul3A_598, %add3A_602 : vector<16xf32>
        %swap3A_604 = arith.constant 9 : i32
        %swap3A_605 = arith.constant 0 : i32
        %swap3A_606 = arith.constant 0 : i32
        %swap3A_607 = tpu.memref_slice %arg10[%scan3A_110, %swap3A_605, %swap3A_606] : memref<2x16x1024xf32, #tpu.memory_space<vmem>> -> memref<1x16x1024xf32, #tpu.memory_space<vmem>>
        %swap3A_608 = tpu.memref_squeeze %swap3A_607 : memref<1x16x1024xf32, #tpu.memory_space<vmem>> -> memref<16x1024xf32, #tpu.memory_space<vmem>>
        %swap3A_609 = arith.index_cast %swap3A_604 : i32 to index
        %swap3A_610 = arith.index_cast %mul3A_211 : i32 to index
        %swap3A_611 = tpu.vector_load %swap3A_608[%swap3A_609, %swap3A_610] {strides = array<i32>} : memref<16x1024xf32, #tpu.memory_space<vmem>>, vector<16xf32>,
        tpu.vector_store %swap3A_608[%swap3A_609, %swap3A_610], %add3A_603 {strides = array<i32>} : memref<16x1024xf32, #tpu.memory_space<vmem>>, vector<16xf32>,
        %get3A_612 = arith.constant 10 : i32
        %get3A_613 = arith.index_cast %get3A_612 : i32 to index
        %get3A_614 = memref.load %arg13[%get3A_613] : memref<16xf32, #tpu.memory_space<smem>>
        %broadcast_in_dim3A_615 = vector.broadcast %get3A_614 : f32 to vector<16xf32>
        %get3A_616 = arith.constant 10 : i32
        %get3A_617 = arith.index_cast %get3A_616 : i32 to index
        %get3A_618 = memref.load %arg14[%get3A_617] : memref<16xf32, #tpu.memory_space<smem>>
        %broadcast_in_dim3A_619 = vector.broadcast %get3A_618 : f32 to vector<16xf32>
        %get3A_620 = arith.constant 10 : i32
        %get3A_621 = arith.constant 0 : i32
        %get3A_622 = arith.constant 0 : i32
        %get3A_623 = tpu.memref_slice %arg10[%scan3A_110, %get3A_621, %get3A_622] : memref<2x16x1024xf32, #tpu.memory_space<vmem>> -> memref<1x16x1024xf32, #tpu.memory_space<vmem>>
        %get3A_624 = tpu.memref_squeeze %get3A_623 : memref<1x16x1024xf32, #tpu.memory_space<vmem>> -> memref<16x1024xf32, #tpu.memory_space<vmem>>
        %get3A_625 = arith.index_cast %get3A_620 : i32 to index
        %get3A_626 = arith.index_cast %mul3A_211 : i32 to index
        %get3A_627 = tpu.vector_load %get3A_624[%get3A_625, %get3A_626] {strides = array<i32>} : memref<16x1024xf32, #tpu.memory_space<vmem>>, vector<16xf32>,
        %get3A_628 = arith.constant 10 : i32
        %get3A_629 = arith.constant 0 : i32
        %get3A_630 = arith.constant 0 : i32
        %get3A_631 = tpu.memref_slice %arg9[%scan3A_111, %get3A_629, %get3A_630] : memref<2x16x1024xf32, #tpu.memory_space<vmem>> -> memref<1x16x1024xf32, #tpu.memory_space<vmem>>
        %get3A_632 = tpu.memref_squeeze %get3A_631 : memref<1x16x1024xf32, #tpu.memory_space<vmem>> -> memref<16x1024xf32, #tpu.memory_space<vmem>>
        %get3A_633 = arith.index_cast %get3A_628 : i32 to index
        %get3A_634 = arith.index_cast %mul3A_211 : i32 to index
        %get3A_635 = tpu.vector_load %get3A_632[%get3A_633, %get3A_634] {strides = array<i32>} : memref<16x1024xf32, #tpu.memory_space<vmem>>, vector<16xf32>,
        %sub3A_636 = arith.subf %get3A_627, %broadcast_in_dim3A_615 : vector<16xf32>
        %mul3A_637 = arith.mulf %sub3A_636, %broadcast_in_dim3A_619 : vector<16xf32>
        %mul3A_638 = arith.mulf %mul3A_637, %get3A_212 : vector<16xf32>
        %mul3A_639 = arith.constant 3.200000e+01 : f32
        %mul3A_640 = vector.broadcast %mul3A_639 : f32 to vector<16xf32>
        %mul3A_641 = arith.mulf %get3A_635, %mul3A_640 : vector<16xf32>
        %add3A_642 = arith.addf %get3A_214, %mul3A_641 : vector<16xf32>
        %add3A_643 = arith.addf %mul3A_638, %add3A_642 : vector<16xf32>
        %swap3A_644 = arith.constant 10 : i32
        %swap3A_645 = arith.constant 0 : i32
        %swap3A_646 = arith.constant 0 : i32
        %swap3A_647 = tpu.memref_slice %arg10[%scan3A_110, %swap3A_645, %swap3A_646] : memref<2x16x1024xf32, #tpu.memory_space<vmem>> -> memref<1x16x1024xf32, #tpu.memory_space<vmem>>
        %swap3A_648 = tpu.memref_squeeze %swap3A_647 : memref<1x16x1024xf32, #tpu.memory_space<vmem>> -> memref<16x1024xf32, #tpu.memory_space<vmem>>
        %swap3A_649 = arith.index_cast %swap3A_644 : i32 to index
        %swap3A_650 = arith.index_cast %mul3A_211 : i32 to index
        %swap3A_651 = tpu.vector_load %swap3A_648[%swap3A_649, %swap3A_650] {strides = array<i32>} : memref<16x1024xf32, #tpu.memory_space<vmem>>, vector<16xf32>,
        tpu.vector_store %swap3A_648[%swap3A_649, %swap3A_650], %add3A_643 {strides = array<i32>} : memref<16x1024xf32, #tpu.memory_space<vmem>>, vector<16xf32>,
        %get3A_652 = arith.constant 11 : i32
        %get3A_653 = arith.index_cast %get3A_652 : i32 to index
        %get3A_654 = memref.load %arg13[%get3A_653] : memref<16xf32, #tpu.memory_space<smem>>
        %broadcast_in_dim3A_655 = vector.broadcast %get3A_654 : f32 to vector<16xf32>
        %get3A_656 = arith.constant 11 : i32
        %get3A_657 = arith.index_cast %get3A_656 : i32 to index
        %get3A_658 = memref.load %arg14[%get3A_657] : memref<16xf32, #tpu.memory_space<smem>>
        %broadcast_in_dim3A_659 = vector.broadcast %get3A_658 : f32 to vector<16xf32>
        %get3A_660 = arith.constant 11 : i32
        %get3A_661 = arith.constant 0 : i32
        %get3A_662 = arith.constant 0 : i32
        %get3A_663 = tpu.memref_slice %arg10[%scan3A_110, %get3A_661, %get3A_662] : memref<2x16x1024xf32, #tpu.memory_space<vmem>> -> memref<1x16x1024xf32, #tpu.memory_space<vmem>>
        %get3A_664 = tpu.memref_squeeze %get3A_663 : memref<1x16x1024xf32, #tpu.memory_space<vmem>> -> memref<16x1024xf32, #tpu.memory_space<vmem>>
        %get3A_665 = arith.index_cast %get3A_660 : i32 to index
        %get3A_666 = arith.index_cast %mul3A_211 : i32 to index
        %get3A_667 = tpu.vector_load %get3A_664[%get3A_665, %get3A_666] {strides = array<i32>} : memref<16x1024xf32, #tpu.memory_space<vmem>>, vector<16xf32>,
        %get3A_668 = arith.constant 11 : i32
        %get3A_669 = arith.constant 0 : i32
        %get3A_670 = arith.constant 0 : i32
        %get3A_671 = tpu.memref_slice %arg9[%scan3A_111, %get3A_669, %get3A_670] : memref<2x16x1024xf32, #tpu.memory_space<vmem>> -> memref<1x16x1024xf32, #tpu.memory_space<vmem>>
        %get3A_672 = tpu.memref_squeeze %get3A_671 : memref<1x16x1024xf32, #tpu.memory_space<vmem>> -> memref<16x1024xf32, #tpu.memory_space<vmem>>
        %get3A_673 = arith.index_cast %get3A_668 : i32 to index
        %get3A_674 = arith.index_cast %mul3A_211 : i32 to index
        %get3A_675 = tpu.vector_load %get3A_672[%get3A_673, %get3A_674] {strides = array<i32>} : memref<16x1024xf32, #tpu.memory_space<vmem>>, vector<16xf32>,
        %sub3A_676 = arith.subf %get3A_667, %broadcast_in_dim3A_655 : vector<16xf32>
        %mul3A_677 = arith.mulf %sub3A_676, %broadcast_in_dim3A_659 : vector<16xf32>
        %mul3A_678 = arith.mulf %mul3A_677, %get3A_212 : vector<16xf32>
        %mul3A_679 = arith.constant 3.200000e+01 : f32
        %mul3A_680 = vector.broadcast %mul3A_679 : f32 to vector<16xf32>
        %mul3A_681 = arith.mulf %get3A_675, %mul3A_680 : vector<16xf32>
        %add3A_682 = arith.addf %get3A_214, %mul3A_681 : vector<16xf32>
        %add3A_683 = arith.addf %mul3A_678, %add3A_682 : vector<16xf32>
        %swap3A_684 = arith.constant 11 : i32
        %swap3A_685 = arith.constant 0 : i32
        %swap3A_686 = arith.constant 0 : i32
        %swap3A_687 = tpu.memref_slice %arg10[%scan3A_110, %swap3A_685, %swap3A_686] : memref<2x16x1024xf32, #tpu.memory_space<vmem>> -> memref<1x16x1024xf32, #tpu.memory_space<vmem>>
        %swap3A_688 = tpu.memref_squeeze %swap3A_687 : memref<1x16x1024xf32, #tpu.memory_space<vmem>> -> memref<16x1024xf32, #tpu.memory_space<vmem>>
        %swap3A_689 = arith.index_cast %swap3A_684 : i32 to index
        %swap3A_690 = arith.index_cast %mul3A_211 : i32 to index
        %swap3A_691 = tpu.vector_load %swap3A_688[%swap3A_689, %swap3A_690] {strides = array<i32>} : memref<16x1024xf32, #tpu.memory_space<vmem>>, vector<16xf32>,
        tpu.vector_store %swap3A_688[%swap3A_689, %swap3A_690], %add3A_683 {strides = array<i32>} : memref<16x1024xf32, #tpu.memory_space<vmem>>, vector<16xf32>,
        %get3A_692 = arith.constant 12 : i32
        %get3A_693 = arith.index_cast %get3A_692 : i32 to index
        %get3A_694 = memref.load %arg13[%get3A_693] : memref<16xf32, #tpu.memory_space<smem>>
        %broadcast_in_dim3A_695 = vector.broadcast %get3A_694 : f32 to vector<16xf32>
        %get3A_696 = arith.constant 12 : i32
        %get3A_697 = arith.index_cast %get3A_696 : i32 to index
        %get3A_698 = memref.load %arg14[%get3A_697] : memref<16xf32, #tpu.memory_space<smem>>
        %broadcast_in_dim3A_699 = vector.broadcast %get3A_698 : f32 to vector<16xf32>
        %get3A_700 = arith.constant 12 : i32
        %get3A_701 = arith.constant 0 : i32
        %get3A_702 = arith.constant 0 : i32
        %get3A_703 = tpu.memref_slice %arg10[%scan3A_110, %get3A_701, %get3A_702] : memref<2x16x1024xf32, #tpu.memory_space<vmem>> -> memref<1x16x1024xf32, #tpu.memory_space<vmem>>
        %get3A_704 = tpu.memref_squeeze %get3A_703 : memref<1x16x1024xf32, #tpu.memory_space<vmem>> -> memref<16x1024xf32, #tpu.memory_space<vmem>>
        %get3A_705 = arith.index_cast %get3A_700 : i32 to index
        %get3A_706 = arith.index_cast %mul3A_211 : i32 to index
        %get3A_707 = tpu.vector_load %get3A_704[%get3A_705, %get3A_706] {strides = array<i32>} : memref<16x1024xf32, #tpu.memory_space<vmem>>, vector<16xf32>,
        %get3A_708 = arith.constant 12 : i32
        %get3A_709 = arith.constant 0 : i32
        %get3A_710 = arith.constant 0 : i32
        %get3A_711 = tpu.memref_slice %arg9[%scan3A_111, %get3A_709, %get3A_710] : memref<2x16x1024xf32, #tpu.memory_space<vmem>> -> memref<1x16x1024xf32, #tpu.memory_space<vmem>>
        %get3A_712 = tpu.memref_squeeze %get3A_711 : memref<1x16x1024xf32, #tpu.memory_space<vmem>> -> memref<16x1024xf32, #tpu.memory_space<vmem>>
        %get3A_713 = arith.index_cast %get3A_708 : i32 to index
        %get3A_714 = arith.index_cast %mul3A_211 : i32 to index
        %get3A_715 = tpu.vector_load %get3A_712[%get3A_713, %get3A_714] {strides = array<i32>} : memref<16x1024xf32, #tpu.memory_space<vmem>>, vector<16xf32>,
        %sub3A_716 = arith.subf %get3A_707, %broadcast_in_dim3A_695 : vector<16xf32>
        %mul3A_717 = arith.mulf %sub3A_716, %broadcast_in_dim3A_699 : vector<16xf32>
        %mul3A_718 = arith.mulf %mul3A_717, %get3A_212 : vector<16xf32>
        %mul3A_719 = arith.constant 3.200000e+01 : f32
        %mul3A_720 = vector.broadcast %mul3A_719 : f32 to vector<16xf32>
        %mul3A_721 = arith.mulf %get3A_715, %mul3A_720 : vector<16xf32>
        %add3A_722 = arith.addf %get3A_214, %mul3A_721 : vector<16xf32>
        %add3A_723 = arith.addf %mul3A_718, %add3A_722 : vector<16xf32>
        %swap3A_724 = arith.constant 12 : i32
        %swap3A_725 = arith.constant 0 : i32
        %swap3A_726 = arith.constant 0 : i32
        %swap3A_727 = tpu.memref_slice %arg10[%scan3A_110, %swap3A_725, %swap3A_726] : memref<2x16x1024xf32, #tpu.memory_space<vmem>> -> memref<1x16x1024xf32, #tpu.memory_space<vmem>>
        %swap3A_728 = tpu.memref_squeeze %swap3A_727 : memref<1x16x1024xf32, #tpu.memory_space<vmem>> -> memref<16x1024xf32, #tpu.memory_space<vmem>>
        %swap3A_729 = arith.index_cast %swap3A_724 : i32 to index
        %swap3A_730 = arith.index_cast %mul3A_211 : i32 to index
        %swap3A_731 = tpu.vector_load %swap3A_728[%swap3A_729, %swap3A_730] {strides = array<i32>} : memref<16x1024xf32, #tpu.memory_space<vmem>>, vector<16xf32>,
        tpu.vector_store %swap3A_728[%swap3A_729, %swap3A_730], %add3A_723 {strides = array<i32>} : memref<16x1024xf32, #tpu.memory_space<vmem>>, vector<16xf32>,
        %get3A_732 = arith.constant 13 : i32
        %get3A_733 = arith.index_cast %get3A_732 : i32 to index
        %get3A_734 = memref.load %arg13[%get3A_733] : memref<16xf32, #tpu.memory_space<smem>>
        %broadcast_in_dim3A_735 = vector.broadcast %get3A_734 : f32 to vector<16xf32>
        %get3A_736 = arith.constant 13 : i32
        %get3A_737 = arith.index_cast %get3A_736 : i32 to index
        %get3A_738 = memref.load %arg14[%get3A_737] : memref<16xf32, #tpu.memory_space<smem>>
        %broadcast_in_dim3A_739 = vector.broadcast %get3A_738 : f32 to vector<16xf32>
        %get3A_740 = arith.constant 13 : i32
        %get3A_741 = arith.constant 0 : i32
        %get3A_742 = arith.constant 0 : i32
        %get3A_743 = tpu.memref_slice %arg10[%scan3A_110, %get3A_741, %get3A_742] : memref<2x16x1024xf32, #tpu.memory_space<vmem>> -> memref<1x16x1024xf32, #tpu.memory_space<vmem>>
        %get3A_744 = tpu.memref_squeeze %get3A_743 : memref<1x16x1024xf32, #tpu.memory_space<vmem>> -> memref<16x1024xf32, #tpu.memory_space<vmem>>
        %get3A_745 = arith.index_cast %get3A_740 : i32 to index
        %get3A_746 = arith.index_cast %mul3A_211 : i32 to index
        %get3A_747 = tpu.vector_load %get3A_744[%get3A_745, %get3A_746] {strides = array<i32>} : memref<16x1024xf32, #tpu.memory_space<vmem>>, vector<16xf32>,
        %get3A_748 = arith.constant 13 : i32
        %get3A_749 = arith.constant 0 : i32
        %get3A_750 = arith.constant 0 : i32
        %get3A_751 = tpu.memref_slice %arg9[%scan3A_111, %get3A_749, %get3A_750] : memref<2x16x1024xf32, #tpu.memory_space<vmem>> -> memref<1x16x1024xf32, #tpu.memory_space<vmem>>
        %get3A_752 = tpu.memref_squeeze %get3A_751 : memref<1x16x1024xf32, #tpu.memory_space<vmem>> -> memref<16x1024xf32, #tpu.memory_space<vmem>>
        %get3A_753 = arith.index_cast %get3A_748 : i32 to index
        %get3A_754 = arith.index_cast %mul3A_211 : i32 to index
        %get3A_755 = tpu.vector_load %get3A_752[%get3A_753, %get3A_754] {strides = array<i32>} : memref<16x1024xf32, #tpu.memory_space<vmem>>, vector<16xf32>,
        %sub3A_756 = arith.subf %get3A_747, %broadcast_in_dim3A_735 : vector<16xf32>
        %mul3A_757 = arith.mulf %sub3A_756, %broadcast_in_dim3A_739 : vector<16xf32>
        %mul3A_758 = arith.mulf %mul3A_757, %get3A_212 : vector<16xf32>
        %mul3A_759 = arith.constant 3.200000e+01 : f32
        %mul3A_760 = vector.broadcast %mul3A_759 : f32 to vector<16xf32>
        %mul3A_761 = arith.mulf %get3A_755, %mul3A_760 : vector<16xf32>
        %add3A_762 = arith.addf %get3A_214, %mul3A_761 : vector<16xf32>
        %add3A_763 = arith.addf %mul3A_758, %add3A_762 : vector<16xf32>
        %swap3A_764 = arith.constant 13 : i32
        %swap3A_765 = arith.constant 0 : i32
        %swap3A_766 = arith.constant 0 : i32
        %swap3A_767 = tpu.memref_slice %arg10[%scan3A_110, %swap3A_765, %swap3A_766] : memref<2x16x1024xf32, #tpu.memory_space<vmem>> -> memref<1x16x1024xf32, #tpu.memory_space<vmem>>
        %swap3A_768 = tpu.memref_squeeze %swap3A_767 : memref<1x16x1024xf32, #tpu.memory_space<vmem>> -> memref<16x1024xf32, #tpu.memory_space<vmem>>
        %swap3A_769 = arith.index_cast %swap3A_764 : i32 to index
        %swap3A_770 = arith.index_cast %mul3A_211 : i32 to index
        %swap3A_771 = tpu.vector_load %swap3A_768[%swap3A_769, %swap3A_770] {strides = array<i32>} : memref<16x1024xf32, #tpu.memory_space<vmem>>, vector<16xf32>,
        tpu.vector_store %swap3A_768[%swap3A_769, %swap3A_770], %add3A_763 {strides = array<i32>} : memref<16x1024xf32, #tpu.memory_space<vmem>>, vector<16xf32>,
        %get3A_772 = arith.constant 14 : i32
        %get3A_773 = arith.index_cast %get3A_772 : i32 to index
        %get3A_774 = memref.load %arg13[%get3A_773] : memref<16xf32, #tpu.memory_space<smem>>
        %broadcast_in_dim3A_775 = vector.broadcast %get3A_774 : f32 to vector<16xf32>
        %get3A_776 = arith.constant 14 : i32
        %get3A_777 = arith.index_cast %get3A_776 : i32 to index
        %get3A_778 = memref.load %arg14[%get3A_777] : memref<16xf32, #tpu.memory_space<smem>>
        %broadcast_in_dim3A_779 = vector.broadcast %get3A_778 : f32 to vector<16xf32>
        %get3A_780 = arith.constant 14 : i32
        %get3A_781 = arith.constant 0 : i32
        %get3A_782 = arith.constant 0 : i32
        %get3A_783 = tpu.memref_slice %arg10[%scan3A_110, %get3A_781, %get3A_782] : memref<2x16x1024xf32, #tpu.memory_space<vmem>> -> memref<1x16x1024xf32, #tpu.memory_space<vmem>>
        %get3A_784 = tpu.memref_squeeze %get3A_783 : memref<1x16x1024xf32, #tpu.memory_space<vmem>> -> memref<16x1024xf32, #tpu.memory_space<vmem>>
        %get3A_785 = arith.index_cast %get3A_780 : i32 to index
        %get3A_786 = arith.index_cast %mul3A_211 : i32 to index
        %get3A_787 = tpu.vector_load %get3A_784[%get3A_785, %get3A_786] {strides = array<i32>} : memref<16x1024xf32, #tpu.memory_space<vmem>>, vector<16xf32>,
        %get3A_788 = arith.constant 14 : i32
        %get3A_789 = arith.constant 0 : i32
        %get3A_790 = arith.constant 0 : i32
        %get3A_791 = tpu.memref_slice %arg9[%scan3A_111, %get3A_789, %get3A_790] : memref<2x16x1024xf32, #tpu.memory_space<vmem>> -> memref<1x16x1024xf32, #tpu.memory_space<vmem>>
        %get3A_792 = tpu.memref_squeeze %get3A_791 : memref<1x16x1024xf32, #tpu.memory_space<vmem>> -> memref<16x1024xf32, #tpu.memory_space<vmem>>
        %get3A_793 = arith.index_cast %get3A_788 : i32 to index
        %get3A_794 = arith.index_cast %mul3A_211 : i32 to index
        %get3A_795 = tpu.vector_load %get3A_792[%get3A_793, %get3A_794] {strides = array<i32>} : memref<16x1024xf32, #tpu.memory_space<vmem>>, vector<16xf32>,
        %sub3A_796 = arith.subf %get3A_787, %broadcast_in_dim3A_775 : vector<16xf32>
        %mul3A_797 = arith.mulf %sub3A_796, %broadcast_in_dim3A_779 : vector<16xf32>
        %mul3A_798 = arith.mulf %mul3A_797, %get3A_212 : vector<16xf32>
        %mul3A_799 = arith.constant 3.200000e+01 : f32
        %mul3A_800 = vector.broadcast %mul3A_799 : f32 to vector<16xf32>
        %mul3A_801 = arith.mulf %get3A_795, %mul3A_800 : vector<16xf32>
        %add3A_802 = arith.addf %get3A_214, %mul3A_801 : vector<16xf32>
        %add3A_803 = arith.addf %mul3A_798, %add3A_802 : vector<16xf32>
        %swap3A_804 = arith.constant 14 : i32
        %swap3A_805 = arith.constant 0 : i32
        %swap3A_806 = arith.constant 0 : i32
        %swap3A_807 = tpu.memref_slice %arg10[%scan3A_110, %swap3A_805, %swap3A_806] : memref<2x16x1024xf32, #tpu.memory_space<vmem>> -> memref<1x16x1024xf32, #tpu.memory_space<vmem>>
        %swap3A_808 = tpu.memref_squeeze %swap3A_807 : memref<1x16x1024xf32, #tpu.memory_space<vmem>> -> memref<16x1024xf32, #tpu.memory_space<vmem>>
        %swap3A_809 = arith.index_cast %swap3A_804 : i32 to index
        %swap3A_810 = arith.index_cast %mul3A_211 : i32 to index
        %swap3A_811 = tpu.vector_load %swap3A_808[%swap3A_809, %swap3A_810] {strides = array<i32>} : memref<16x1024xf32, #tpu.memory_space<vmem>>, vector<16xf32>,
        tpu.vector_store %swap3A_808[%swap3A_809, %swap3A_810], %add3A_803 {strides = array<i32>} : memref<16x1024xf32, #tpu.memory_space<vmem>>, vector<16xf32>,
        %get3A_812 = arith.constant 15 : i32
        %get3A_813 = arith.index_cast %get3A_812 : i32 to index
        %get3A_814 = memref.load %arg13[%get3A_813] : memref<16xf32, #tpu.memory_space<smem>>
        %broadcast_in_dim3A_815 = vector.broadcast %get3A_814 : f32 to vector<16xf32>
        %get3A_816 = arith.constant 15 : i32
        %get3A_817 = arith.index_cast %get3A_816 : i32 to index
        %get3A_818 = memref.load %arg14[%get3A_817] : memref<16xf32, #tpu.memory_space<smem>>
        %broadcast_in_dim3A_819 = vector.broadcast %get3A_818 : f32 to vector<16xf32>
        %get3A_820 = arith.constant 15 : i32
        %get3A_821 = arith.constant 0 : i32
        %get3A_822 = arith.constant 0 : i32
        %get3A_823 = tpu.memref_slice %arg10[%scan3A_110, %get3A_821, %get3A_822] : memref<2x16x1024xf32, #tpu.memory_space<vmem>> -> memref<1x16x1024xf32, #tpu.memory_space<vmem>>
        %get3A_824 = tpu.memref_squeeze %get3A_823 : memref<1x16x1024xf32, #tpu.memory_space<vmem>> -> memref<16x1024xf32, #tpu.memory_space<vmem>>
        %get3A_825 = arith.index_cast %get3A_820 : i32 to index
        %get3A_826 = arith.index_cast %mul3A_211 : i32 to index
        %get3A_827 = tpu.vector_load %get3A_824[%get3A_825, %get3A_826] {strides = array<i32>} : memref<16x1024xf32, #tpu.memory_space<vmem>>, vector<16xf32>,
        %get3A_828 = arith.constant 15 : i32
        %get3A_829 = arith.constant 0 : i32
        %get3A_830 = arith.constant 0 : i32
        %get3A_831 = tpu.memref_slice %arg9[%scan3A_111, %get3A_829, %get3A_830] : memref<2x16x1024xf32, #tpu.memory_space<vmem>> -> memref<1x16x1024xf32, #tpu.memory_space<vmem>>
        %get3A_832 = tpu.memref_squeeze %get3A_831 : memref<1x16x1024xf32, #tpu.memory_space<vmem>> -> memref<16x1024xf32, #tpu.memory_space<vmem>>
        %get3A_833 = arith.index_cast %get3A_828 : i32 to index
        %get3A_834 = arith.index_cast %mul3A_211 : i32 to index
        %get3A_835 = tpu.vector_load %get3A_832[%get3A_833, %get3A_834] {strides = array<i32>} : memref<16x1024xf32, #tpu.memory_space<vmem>>, vector<16xf32>,
        %sub3A_836 = arith.subf %get3A_827, %broadcast_in_dim3A_815 : vector<16xf32>
        %mul3A_837 = arith.mulf %sub3A_836, %broadcast_in_dim3A_819 : vector<16xf32>
        %mul3A_838 = arith.mulf %mul3A_837, %get3A_212 : vector<16xf32>
        %mul3A_839 = arith.constant 3.200000e+01 : f32
        %mul3A_840 = vector.broadcast %mul3A_839 : f32 to vector<16xf32>
        %mul3A_841 = arith.mulf %get3A_835, %mul3A_840 : vector<16xf32>
        %add3A_842 = arith.addf %get3A_214, %mul3A_841 : vector<16xf32>
        %add3A_843 = arith.addf %mul3A_838, %add3A_842 : vector<16xf32>
        %swap3A_844 = arith.constant 15 : i32
        %swap3A_845 = arith.constant 0 : i32
        %swap3A_846 = arith.constant 0 : i32
        %swap3A_847 = tpu.memref_slice %arg10[%scan3A_110, %swap3A_845, %swap3A_846] : memref<2x16x1024xf32, #tpu.memory_space<vmem>> -> memref<1x16x1024xf32, #tpu.memory_space<vmem>>
        %swap3A_848 = tpu.memref_squeeze %swap3A_847 : memref<1x16x1024xf32, #tpu.memory_space<vmem>> -> memref<16x1024xf32, #tpu.memory_space<vmem>>
        %swap3A_849 = arith.index_cast %swap3A_844 : i32 to index
        %swap3A_850 = arith.index_cast %mul3A_211 : i32 to index
        %swap3A_851 = tpu.vector_load %swap3A_848[%swap3A_849, %swap3A_850] {strides = array<i32>} : memref<16x1024xf32, #tpu.memory_space<vmem>>, vector<16xf32>,
        tpu.vector_store %swap3A_848[%swap3A_849, %swap3A_850], %add3A_843 {strides = array<i32>} : memref<16x1024xf32, #tpu.memory_space<vmem>>, vector<16xf32>,
        %scan3A_852 = arith.constant 0 : i32
        scf.yield %scan3A_852 : i32
      }
      %scan3A_118 = arith.constant 64 : i32
      %mul3A_119 = arith.constant 16 : i32
      %mul3A_120 = arith.muli %add3A_69, %mul3A_119 : i32
      %add3A_121 = arith.addi %mul3A_2, %mul3A_120 : i32
      %dma_start3A_122 = arith.constant 0 : i32
      %dma_start3A_123 = arith.constant 0 : i32
      %dma_start3A_124 = arith.constant 0 : i32
      %dma_start3A_125 = tpu.memref_slice %arg10[%dma_start3A_122, %dma_start3A_123, %dma_start3A_124] : memref<2x16x1024xf32, #tpu.memory_space<vmem>> -> memref<1x16x1024xf32, #tpu.memory_space<vmem>>
      %dma_start3A_126 = tpu.memref_squeeze %dma_start3A_125 : memref<1x16x1024xf32, #tpu.memory_space<vmem>> -> memref<16x1024xf32, #tpu.memory_space<vmem>>
      %dma_start3A_127 = arith.constant 0 : i32
      %dma_start3A_128 = tpu.memref_slice %arg7[%add3A_121, %dma_start3A_127] : memref<16384x1024xf32, #tpu.memory_space<hbm>> -> memref<16x1024xf32, #tpu.memory_space<hbm>>
      %dma_start3A_129 = arith.constant 0 : i32
      %dma_start3A_130 = tpu.memref_slice %arg7[%add3A_121, %dma_start3A_129] : memref<16384x1024xf32, #tpu.memory_space<hbm>> -> memref<16x1024xf32, #tpu.memory_space<hbm>>
      %dma_start3A_131 = arith.constant 0 : i32
      %dma_start3A_132 = arith.constant 0 : i32
      %dma_start3A_133 = tpu.memref_slice %arg10[%dma_start3A_122, %dma_start3A_131, %dma_start3A_132] : memref<2x16x1024xf32, #tpu.memory_space<vmem>> -> memref<1x16x1024xf32, #tpu.memory_space<vmem>>
      %dma_start3A_134 = tpu.memref_squeeze %dma_start3A_133 : memref<1x16x1024xf32, #tpu.memory_space<vmem>> -> memref<16x1024xf32, #tpu.memory_space<vmem>>
      tpu.enqueue_dma source(%dma_start3A_134 : memref<16x1024xf32, #tpu.memory_space<vmem>>) target(%dma_start3A_130 : memref<16x1024xf32, #tpu.memory_space<hbm>>) target_semaphore(%arg19 : memref<!tpu.dma_semaphore, #tpu.memory_space<semaphore_mem>>)
      %mul3A_135 = arith.constant 2 : i32
      %mul3A_136 = arith.muli %scan3A_64, %mul3A_135 : i32
      %add3A_137 = arith.constant 1 : i32
      %add3A_138 = arith.addi %mul3A_136, %add3A_137 : i32
      %add3A_139 = arith.constant 1 : i32
      %add3A_140 = arith.addi %add3A_138, %add3A_139 : i32
      %lt3A_141 = arith.constant 32 : i32
      %lt3A_142 = arith.cmpi slt, %add3A_140, %lt3A_141 : i32
      %convert_element_type3A_143 = arith.extui %lt3A_142 : i1 to i32
      %cond3A_144 = arith.constant 0 : i32
      %cond3A_145 = arith.cmpi ne, %convert_element_type3A_143, %cond3A_144 : i32
      scf.if %cond3A_145 {
        %ge3A = arith.constant 1 : i32
        %ge3A_208 = arith.cmpi sge, %add3A_138, %ge3A : i32
        %convert_element_type3A_209 = arith.extui %ge3A_208 : i1 to i32
        %cond3A_210 = arith.constant 0 : i32
        %cond3A_211 = arith.cmpi ne, %convert_element_type3A_209, %cond3A_210 : i32
        scf.if %cond3A_211 {
          %sub3A = arith.constant 1 : i32
          %sub3A_243 = arith.subi %add3A_138, %sub3A : i32
          %mul3A_244 = arith.constant 16 : i32
          %mul3A_245 = arith.muli %sub3A_243, %mul3A_244 : i32
          %add3A_246 = arith.addi %mul3A_2, %mul3A_245 : i32
          %dma_wait3A_247 = arith.constant 0 : i32
          %dma_wait3A_248 = arith.constant 0 : i32
          %dma_wait3A_249 = arith.constant 0 : i32
          %dma_wait3A_250 = tpu.memref_slice %arg10[%dma_wait3A_247, %dma_wait3A_248, %dma_wait3A_249] : memref<2x16x1024xf32, #tpu.memory_space<vmem>> -> memref<1x16x1024xf32, #tpu.memory_space<vmem>>
          %dma_wait3A_251 = tpu.memref_squeeze %dma_wait3A_250 : memref<1x16x1024xf32, #tpu.memory_space<vmem>> -> memref<16x1024xf32, #tpu.memory_space<vmem>>
          %dma_wait3A_252 = arith.constant 0 : i32
          %dma_wait3A_253 = tpu.memref_slice %arg7[%add3A_246, %dma_wait3A_252] : memref<16384x1024xf32, #tpu.memory_space<hbm>> -> memref<16x1024xf32, #tpu.memory_space<hbm>>
          %dma_wait3A_254 = arith.constant 0 : i32
          %dma_wait3A_255 = tpu.memref_slice %arg7[%add3A_246, %dma_wait3A_254] : memref<16384x1024xf32, #tpu.memory_space<hbm>> -> memref<16x1024xf32, #tpu.memory_space<hbm>>
          %dma_wait3A_256 = arith.constant 0 : i32
          %dma_wait3A_257 = arith.constant 0 : i32
          %dma_wait3A_258 = tpu.memref_slice %arg10[%dma_wait3A_247, %dma_wait3A_256, %dma_wait3A_257] : memref<2x16x1024xf32, #tpu.memory_space<vmem>> -> memref<1x16x1024xf32, #tpu.memory_space<vmem>>
          %dma_wait3A_259 = tpu.memref_squeeze %dma_wait3A_258 : memref<1x16x1024xf32, #tpu.memory_space<vmem>> -> memref<16x1024xf32, #tpu.memory_space<vmem>>
          tpu.wait_dma2 semaphore(%arg19 : memref<!tpu.dma_semaphore, #tpu.memory_space<semaphore_mem>>) src(%dma_wait3A_259 : memref<16x1024xf32, #tpu.memory_space<vmem>>) dst(%dma_wait3A_255 : memref<16x1024xf32, #tpu.memory_space<hbm>>)
        } else {
        }
        %add3A_212 = arith.constant 1 : i32
        %add3A_213 = arith.addi %add3A_138, %add3A_212 : i32
        %mul3A_214 = arith.constant 16 : i32
        %mul3A_215 = arith.muli %add3A_213, %mul3A_214 : i32
        %add3A_216 = arith.addi %mul3A_2, %mul3A_215 : i32
        %run_scoped3A_217 = arith.constant 0 : i32
        "tpu.region"() ({
          %run_scoped3A_243 = tpu.sem_alloc : memref<!tpu.dma_semaphore, #tpu.memory_space<semaphore_mem>>
          %dma_start3A_244 = arith.constant 0 : i32
          %dma_start3A_245 = tpu.memref_slice %arg8[%run_scoped3A_217, %dma_start3A_244] : memref<2x16xi32, #tpu.memory_space<vmem>> -> memref<1x16xi32, #tpu.memory_space<vmem>>
          %dma_start3A_246 = tpu.memref_squeeze %dma_start3A_245 : memref<1x16xi32, #tpu.memory_space<vmem>> -> memref<16xi32, #tpu.memory_space<vmem>>
          %dma_start3A_247 = tpu.memref_slice %arg3[%add3A_216] : memref<16384xi32, #tpu.memory_space<hbm>> -> memref<16xi32, #tpu.memory_space<hbm>>
          %dma_start3A_248 = arith.constant 0 : i32
          %dma_start3A_249 = tpu.memref_slice %arg8[%run_scoped3A_217, %dma_start3A_248] : memref<2x16xi32, #tpu.memory_space<vmem>> -> memref<1x16xi32, #tpu.memory_space<vmem>>
          %dma_start3A_250 = tpu.memref_squeeze %dma_start3A_249 : memref<1x16xi32, #tpu.memory_space<vmem>> -> memref<16xi32, #tpu.memory_space<vmem>>
          %dma_start3A_251 = tpu.memref_slice %arg3[%add3A_216] : memref<16384xi32, #tpu.memory_space<hbm>> -> memref<16xi32, #tpu.memory_space<hbm>>
          tpu.enqueue_dma source(%dma_start3A_251 : memref<16xi32, #tpu.memory_space<hbm>>) target(%dma_start3A_250 : memref<16xi32, #tpu.memory_space<vmem>>) target_semaphore(%run_scoped3A_243 : memref<!tpu.dma_semaphore, #tpu.memory_space<semaphore_mem>>)
          %dma_wait3A_252 = arith.constant 0 : i32
          %dma_wait3A_253 = tpu.memref_slice %arg8[%run_scoped3A_217, %dma_wait3A_252] : memref<2x16xi32, #tpu.memory_space<vmem>> -> memref<1x16xi32, #tpu.memory_space<vmem>>
          %dma_wait3A_254 = tpu.memref_squeeze %dma_wait3A_253 : memref<1x16xi32, #tpu.memory_space<vmem>> -> memref<16xi32, #tpu.memory_space<vmem>>
          %dma_wait3A_255 = tpu.memref_slice %arg3[%add3A_216] : memref<16384xi32, #tpu.memory_space<hbm>> -> memref<16xi32, #tpu.memory_space<hbm>>
          %dma_wait3A_256 = arith.constant 0 : i32
          %dma_wait3A_257 = tpu.memref_slice %arg8[%run_scoped3A_217, %dma_wait3A_256] : memref<2x16xi32, #tpu.memory_space<vmem>> -> memref<1x16xi32, #tpu.memory_space<vmem>>
          %dma_wait3A_258 = tpu.memref_squeeze %dma_wait3A_257 : memref<1x16xi32, #tpu.memory_space<vmem>> -> memref<16xi32, #tpu.memory_space<vmem>>
          %dma_wait3A_259 = tpu.memref_slice %arg3[%add3A_216] : memref<16384xi32, #tpu.memory_space<hbm>> -> memref<16xi32, #tpu.memory_space<hbm>>
          tpu.wait_dma2 semaphore(%run_scoped3A_243 : memref<!tpu.dma_semaphore, #tpu.memory_space<semaphore_mem>>) src(%dma_wait3A_259 : memref<16xi32, #tpu.memory_space<hbm>>) dst(%dma_wait3A_258 : memref<16xi32, #tpu.memory_space<vmem>>)
          tpu.yield
        }) : () -> ()
        %dma_start3A_218 = arith.constant 0 : i32
        %dma_start3A_219 = arith.constant 0 : i32
        %dma_start3A_220 = arith.constant 0 : i32
        %dma_start3A_221 = arith.constant 0 : i32
        %dma_start3A_222 = tpu.memref_slice %arg9[%dma_start3A_219, %dma_start3A_220, %dma_start3A_221] : memref<2x16x1024xf32, #tpu.memory_space<vmem>> -> memref<1x16x1024xf32, #tpu.memory_space<vmem>>
        %dma_start3A_223 = tpu.memref_squeeze %dma_start3A_222 : memref<1x16x1024xf32, #tpu.memory_space<vmem>> -> memref<16x1024xf32, #tpu.memory_space<vmem>>
        %dma_start3A_224 = arith.constant 0 : i32
        %dma_start3A_225 = tpu.memref_slice %arg8[%dma_start3A_218, %dma_start3A_224] : memref<2x16xi32, #tpu.memory_space<vmem>> -> memref<1x16xi32, #tpu.memory_space<vmem>>
        %dma_start3A_226 = tpu.memref_squeeze %dma_start3A_225 : memref<1x16xi32, #tpu.memory_space<vmem>> -> memref<16xi32, #tpu.memory_space<vmem>>
        %dma_start3A_227 = arith.constant 0 : i32
        %dma_start3A_228 = arith.constant 0 : i32
        %dma_start3A_229 = tpu.memref_slice %arg4[%dma_start3A_227, %dma_start3A_228] : memref<8192x1024xf32, #tpu.memory_space<hbm>> -> memref<8192x1024xf32, #tpu.memory_space<hbm>>
        tpu.enqueue_indirect_dma source(%dma_start3A_229 : memref<8192x1024xf32, #tpu.memory_space<hbm>>) target(%dma_start3A_223 : memref<16x1024xf32, #tpu.memory_space<vmem>>) offsets(%dma_start3A_226 : memref<16xi32, #tpu.memory_space<vmem>>) semaphore(%arg15 : memref<!tpu.dma_semaphore, #tpu.memory_space<semaphore_mem>>)
        %dma_start3A_230 = arith.constant 0 : i32
        %dma_start3A_231 = arith.constant 0 : i32
        %dma_start3A_232 = arith.constant 0 : i32
        %dma_start3A_233 = tpu.memref_slice %arg10[%dma_start3A_230, %dma_start3A_231, %dma_start3A_232] : memref<2x16x1024xf32, #tpu.memory_space<vmem>> -> memref<1x16x1024xf32, #tpu.memory_space<vmem>>
        %dma_start3A_234 = tpu.memref_squeeze %dma_start3A_233 : memref<1x16x1024xf32, #tpu.memory_space<vmem>> -> memref<16x1024xf32, #tpu.memory_space<vmem>>
        %dma_start3A_235 = arith.constant 0 : i32
        %dma_start3A_236 = tpu.memref_slice %arg2[%add3A_216, %dma_start3A_235] : memref<16384x1024xf32, #tpu.memory_space<hbm>> -> memref<16x1024xf32, #tpu.memory_space<hbm>>
        %dma_start3A_237 = arith.constant 0 : i32
        %dma_start3A_238 = arith.constant 0 : i32
        %dma_start3A_239 = tpu.memref_slice %arg10[%dma_start3A_230, %dma_start3A_237, %dma_start3A_238] : memref<2x16x1024xf32, #tpu.memory_space<vmem>> -> memref<1x16x1024xf32, #tpu.memory_space<vmem>>
        %dma_start3A_240 = tpu.memref_squeeze %dma_start3A_239 : memref<1x16x1024xf32, #tpu.memory_space<vmem>> -> memref<16x1024xf32, #tpu.memory_space<vmem>>
        %dma_start3A_241 = arith.constant 0 : i32
        %dma_start3A_242 = tpu.memref_slice %arg2[%add3A_216, %dma_start3A_241] : memref<16384x1024xf32, #tpu.memory_space<hbm>> -> memref<16x1024xf32, #tpu.memory_space<hbm>>
        tpu.enqueue_dma source(%dma_start3A_242 : memref<16x1024xf32, #tpu.memory_space<hbm>>) target(%dma_start3A_240 : memref<16x1024xf32, #tpu.memory_space<vmem>>) target_semaphore(%arg17 : memref<!tpu.dma_semaphore, #tpu.memory_space<semaphore_mem>>)
      } else {
      }
      %dma_wait3A_146 = arith.constant 1 : i32
      %dma_wait3A_147 = arith.constant 1 : i32
      %dma_wait3A_148 = arith.constant 0 : i32
      %dma_wait3A_149 = arith.constant 0 : i32
      %dma_wait3A_150 = tpu.memref_slice %arg9[%dma_wait3A_147, %dma_wait3A_148, %dma_wait3A_149] : memref<2x16x1024xf32, #tpu.memory_space<vmem>> -> memref<1x16x1024xf32, #tpu.memory_space<vmem>>
      %dma_wait3A_151 = tpu.memref_squeeze %dma_wait3A_150 : memref<1x16x1024xf32, #tpu.memory_space<vmem>> -> memref<16x1024xf32, #tpu.memory_space<vmem>>
      %dma_wait3A_152 = arith.constant 0 : i32
      %dma_wait3A_153 = tpu.memref_slice %arg8[%dma_wait3A_146, %dma_wait3A_152] : memref<2x16xi32, #tpu.memory_space<vmem>> -> memref<1x16xi32, #tpu.memory_space<vmem>>
      %dma_wait3A_154 = tpu.memref_squeeze %dma_wait3A_153 : memref<1x16xi32, #tpu.memory_space<vmem>> -> memref<16xi32, #tpu.memory_space<vmem>>
      %dma_wait3A_155 = arith.constant 0 : i32
      %dma_wait3A_156 = arith.constant 0 : i32
      %dma_wait3A_157 = tpu.memref_slice %arg4[%dma_wait3A_155, %dma_wait3A_156] : memref<8192x1024xf32, #tpu.memory_space<hbm>> -> memref<8192x1024xf32, #tpu.memory_space<hbm>>
      tpu.wait_indirect_dma semaphore(%arg16 : memref<!tpu.dma_semaphore, #tpu.memory_space<semaphore_mem>>) src(%dma_wait3A_157 : memref<8192x1024xf32, #tpu.memory_space<hbm>>) dst(%dma_wait3A_151 : memref<16x1024xf32, #tpu.memory_space<vmem>>)
      %mul3A_158 = arith.constant 16 : i32
      %mul3A_159 = arith.muli %add3A_138, %mul3A_158 : i32
      %add3A_160 = arith.addi %mul3A_2, %mul3A_159 : i32
      %dma_wait3A_161 = arith.constant 1 : i32
      %dma_wait3A_162 = arith.constant 0 : i32
      %dma_wait3A_163 = arith.constant 0 : i32
      %dma_wait3A_164 = tpu.memref_slice %arg10[%dma_wait3A_161, %dma_wait3A_162, %dma_wait3A_163] : memref<2x16x1024xf32, #tpu.memory_space<vmem>> -> memref<1x16x1024xf32, #tpu.memory_space<vmem>>
      %dma_wait3A_165 = tpu.memref_squeeze %dma_wait3A_164 : memref<1x16x1024xf32, #tpu.memory_space<vmem>> -> memref<16x1024xf32, #tpu.memory_space<vmem>>
      %dma_wait3A_166 = arith.constant 0 : i32
      %dma_wait3A_167 = tpu.memref_slice %arg2[%add3A_160, %dma_wait3A_166] : memref<16384x1024xf32, #tpu.memory_space<hbm>> -> memref<16x1024xf32, #tpu.memory_space<hbm>>
      %dma_wait3A_168 = arith.constant 0 : i32
      %dma_wait3A_169 = arith.constant 0 : i32
      %dma_wait3A_170 = tpu.memref_slice %arg10[%dma_wait3A_161, %dma_wait3A_168, %dma_wait3A_169] : memref<2x16x1024xf32, #tpu.memory_space<vmem>> -> memref<1x16x1024xf32, #tpu.memory_space<vmem>>
      %dma_wait3A_171 = tpu.memref_squeeze %dma_wait3A_170 : memref<1x16x1024xf32, #tpu.memory_space<vmem>> -> memref<16x1024xf32, #tpu.memory_space<vmem>>
      %dma_wait3A_172 = arith.constant 0 : i32
      %dma_wait3A_173 = tpu.memref_slice %arg2[%add3A_160, %dma_wait3A_172] : memref<16384x1024xf32, #tpu.memory_space<hbm>> -> memref<16x1024xf32, #tpu.memory_space<hbm>>
      tpu.wait_dma2 semaphore(%arg18 : memref<!tpu.dma_semaphore, #tpu.memory_space<semaphore_mem>>) src(%dma_wait3A_173 : memref<16x1024xf32, #tpu.memory_space<hbm>>) dst(%dma_wait3A_171 : memref<16x1024xf32, #tpu.memory_space<vmem>>)
      %scan3A_174 = arith.constant 1 : i32
      %scan3A_175 = arith.constant 0 : i32
      %scan3A_176 = arith.constant 0 : i32
      %scan3A_177 = arith.constant 16 : i32
      %scan3A_178 = arith.addi %scan3A_176, %scan3A_177 : i32
      %scan3A_179 = arith.constant 1 : i32
      %scan3A_180 = scf.for %scan3A_208 = %scan3A_176 to %scan3A_178 step %scan3A_179 iter_args(%scan3A_209 = %scan3A_175) -> (i32)  : i32 {
        %broadcast_in_dim3A = arith.constant 0.000000e+00 : f32
        %broadcast_in_dim3A_210 = vector.broadcast %broadcast_in_dim3A : f32 to vector<16xf32>
        %get3A = arith.constant 0 : i32
        %get3A_211 = arith.constant 0 : i32
        %get3A_212 = tpu.memref_slice %arg10[%scan3A_174, %get3A, %get3A_211] : memref<2x16x1024xf32, #tpu.memory_space<vmem>> -> memref<1x16x1024xf32, #tpu.memory_space<vmem>>
        %get3A_213 = tpu.memref_squeeze %get3A_212 : memref<1x16x1024xf32, #tpu.memory_space<vmem>> -> memref<16x1024xf32, #tpu.memory_space<vmem>>
        %get3A_214 = arith.index_cast %scan3A_208 : i32 to index
        %get3A_215 = arith.constant 0 : index
        %get3A_216 = tpu.vector_load %get3A_213[%get3A_214, %get3A_215] {strides = array<i32>} : memref<16x1024xf32, #tpu.memory_space<vmem>>, vector<16xf32>,
        %add3A_217 = arith.addf %broadcast_in_dim3A_210, %get3A_216 : vector<16xf32>
        %mul3A_218 = arith.mulf %get3A_216, %get3A_216 : vector<16xf32>
        %add3A_219 = arith.addf %broadcast_in_dim3A_210, %mul3A_218 : vector<16xf32>
        %get3A_220 = arith.constant 0 : i32
        %get3A_221 = arith.constant 0 : i32
        %get3A_222 = tpu.memref_slice %arg10[%scan3A_174, %get3A_220, %get3A_221] : memref<2x16x1024xf32, #tpu.memory_space<vmem>> -> memref<1x16x1024xf32, #tpu.memory_space<vmem>>
        %get3A_223 = tpu.memref_squeeze %get3A_222 : memref<1x16x1024xf32, #tpu.memory_space<vmem>> -> memref<16x1024xf32, #tpu.memory_space<vmem>>
        %get3A_224 = arith.index_cast %scan3A_208 : i32 to index
        %get3A_225 = arith.constant 16 : index
        %get3A_226 = tpu.vector_load %get3A_223[%get3A_224, %get3A_225] {strides = array<i32>} : memref<16x1024xf32, #tpu.memory_space<vmem>>, vector<16xf32>,
        %add3A_227 = arith.addf %broadcast_in_dim3A_210, %get3A_226 : vector<16xf32>
        %mul3A_228 = arith.mulf %get3A_226, %get3A_226 : vector<16xf32>
        %add3A_229 = arith.addf %broadcast_in_dim3A_210, %mul3A_228 : vector<16xf32>
        %get3A_230 = arith.constant 0 : i32
        %get3A_231 = arith.constant 0 : i32
        %get3A_232 = tpu.memref_slice %arg10[%scan3A_174, %get3A_230, %get3A_231] : memref<2x16x1024xf32, #tpu.memory_space<vmem>> -> memref<1x16x1024xf32, #tpu.memory_space<vmem>>
        %get3A_233 = tpu.memref_squeeze %get3A_232 : memref<1x16x1024xf32, #tpu.memory_space<vmem>> -> memref<16x1024xf32, #tpu.memory_space<vmem>>
        %get3A_234 = arith.index_cast %scan3A_208 : i32 to index
        %get3A_235 = arith.constant 32 : index
        %get3A_236 = tpu.vector_load %get3A_233[%get3A_234, %get3A_235] {strides = array<i32>} : memref<16x1024xf32, #tpu.memory_space<vmem>>, vector<16xf32>,
        %add3A_237 = arith.addf %broadcast_in_dim3A_210, %get3A_236 : vector<16xf32>
        %mul3A_238 = arith.mulf %get3A_236, %get3A_236 : vector<16xf32>
        %add3A_239 = arith.addf %broadcast_in_dim3A_210, %mul3A_238 : vector<16xf32>
        %get3A_240 = arith.constant 0 : i32
        %get3A_241 = arith.constant 0 : i32
        %get3A_242 = tpu.memref_slice %arg10[%scan3A_174, %get3A_240, %get3A_241] : memref<2x16x1024xf32, #tpu.memory_space<vmem>> -> memref<1x16x1024xf32, #tpu.memory_space<vmem>>
        %get3A_243 = tpu.memref_squeeze %get3A_242 : memref<1x16x1024xf32, #tpu.memory_space<vmem>> -> memref<16x1024xf32, #tpu.memory_space<vmem>>
        %get3A_244 = arith.index_cast %scan3A_208 : i32 to index
        %get3A_245 = arith.constant 48 : index
        %get3A_246 = tpu.vector_load %get3A_243[%get3A_244, %get3A_245] {strides = array<i32>} : memref<16x1024xf32, #tpu.memory_space<vmem>>, vector<16xf32>,
        %add3A_247 = arith.addf %broadcast_in_dim3A_210, %get3A_246 : vector<16xf32>
        %mul3A_248 = arith.mulf %get3A_246, %get3A_246 : vector<16xf32>
        %add3A_249 = arith.addf %broadcast_in_dim3A_210, %mul3A_248 : vector<16xf32>
        %get3A_250 = arith.constant 0 : i32
        %get3A_251 = arith.constant 0 : i32
        %get3A_252 = tpu.memref_slice %arg10[%scan3A_174, %get3A_250, %get3A_251] : memref<2x16x1024xf32, #tpu.memory_space<vmem>> -> memref<1x16x1024xf32, #tpu.memory_space<vmem>>
        %get3A_253 = tpu.memref_squeeze %get3A_252 : memref<1x16x1024xf32, #tpu.memory_space<vmem>> -> memref<16x1024xf32, #tpu.memory_space<vmem>>
        %get3A_254 = arith.index_cast %scan3A_208 : i32 to index
        %get3A_255 = arith.constant 64 : index
        %get3A_256 = tpu.vector_load %get3A_253[%get3A_254, %get3A_255] {strides = array<i32>} : memref<16x1024xf32, #tpu.memory_space<vmem>>, vector<16xf32>,
        %add3A_257 = arith.addf %add3A_217, %get3A_256 : vector<16xf32>
        %mul3A_258 = arith.mulf %get3A_256, %get3A_256 : vector<16xf32>
        %add3A_259 = arith.addf %add3A_219, %mul3A_258 : vector<16xf32>
        %get3A_260 = arith.constant 0 : i32
        %get3A_261 = arith.constant 0 : i32
        %get3A_262 = tpu.memref_slice %arg10[%scan3A_174, %get3A_260, %get3A_261] : memref<2x16x1024xf32, #tpu.memory_space<vmem>> -> memref<1x16x1024xf32, #tpu.memory_space<vmem>>
        %get3A_263 = tpu.memref_squeeze %get3A_262 : memref<1x16x1024xf32, #tpu.memory_space<vmem>> -> memref<16x1024xf32, #tpu.memory_space<vmem>>
        %get3A_264 = arith.index_cast %scan3A_208 : i32 to index
        %get3A_265 = arith.constant 80 : index
        %get3A_266 = tpu.vector_load %get3A_263[%get3A_264, %get3A_265] {strides = array<i32>} : memref<16x1024xf32, #tpu.memory_space<vmem>>, vector<16xf32>,
        %add3A_267 = arith.addf %add3A_227, %get3A_266 : vector<16xf32>
        %mul3A_268 = arith.mulf %get3A_266, %get3A_266 : vector<16xf32>
        %add3A_269 = arith.addf %add3A_229, %mul3A_268 : vector<16xf32>
        %get3A_270 = arith.constant 0 : i32
        %get3A_271 = arith.constant 0 : i32
        %get3A_272 = tpu.memref_slice %arg10[%scan3A_174, %get3A_270, %get3A_271] : memref<2x16x1024xf32, #tpu.memory_space<vmem>> -> memref<1x16x1024xf32, #tpu.memory_space<vmem>>
        %get3A_273 = tpu.memref_squeeze %get3A_272 : memref<1x16x1024xf32, #tpu.memory_space<vmem>> -> memref<16x1024xf32, #tpu.memory_space<vmem>>
        %get3A_274 = arith.index_cast %scan3A_208 : i32 to index
        %get3A_275 = arith.constant 96 : index
        %get3A_276 = tpu.vector_load %get3A_273[%get3A_274, %get3A_275] {strides = array<i32>} : memref<16x1024xf32, #tpu.memory_space<vmem>>, vector<16xf32>,
        %add3A_277 = arith.addf %add3A_237, %get3A_276 : vector<16xf32>
        %mul3A_278 = arith.mulf %get3A_276, %get3A_276 : vector<16xf32>
        %add3A_279 = arith.addf %add3A_239, %mul3A_278 : vector<16xf32>
        %get3A_280 = arith.constant 0 : i32
        %get3A_281 = arith.constant 0 : i32
        %get3A_282 = tpu.memref_slice %arg10[%scan3A_174, %get3A_280, %get3A_281] : memref<2x16x1024xf32, #tpu.memory_space<vmem>> -> memref<1x16x1024xf32, #tpu.memory_space<vmem>>
        %get3A_283 = tpu.memref_squeeze %get3A_282 : memref<1x16x1024xf32, #tpu.memory_space<vmem>> -> memref<16x1024xf32, #tpu.memory_space<vmem>>
        %get3A_284 = arith.index_cast %scan3A_208 : i32 to index
        %get3A_285 = arith.constant 112 : index
        %get3A_286 = tpu.vector_load %get3A_283[%get3A_284, %get3A_285] {strides = array<i32>} : memref<16x1024xf32, #tpu.memory_space<vmem>>, vector<16xf32>,
        %add3A_287 = arith.addf %add3A_247, %get3A_286 : vector<16xf32>
        %mul3A_288 = arith.mulf %get3A_286, %get3A_286 : vector<16xf32>
        %add3A_289 = arith.addf %add3A_249, %mul3A_288 : vector<16xf32>
        %get3A_290 = arith.constant 0 : i32
        %get3A_291 = arith.constant 0 : i32
        %get3A_292 = tpu.memref_slice %arg10[%scan3A_174, %get3A_290, %get3A_291] : memref<2x16x1024xf32, #tpu.memory_space<vmem>> -> memref<1x16x1024xf32, #tpu.memory_space<vmem>>
        %get3A_293 = tpu.memref_squeeze %get3A_292 : memref<1x16x1024xf32, #tpu.memory_space<vmem>> -> memref<16x1024xf32, #tpu.memory_space<vmem>>
        %get3A_294 = arith.index_cast %scan3A_208 : i32 to index
        %get3A_295 = arith.constant 128 : index
        %get3A_296 = tpu.vector_load %get3A_293[%get3A_294, %get3A_295] {strides = array<i32>} : memref<16x1024xf32, #tpu.memory_space<vmem>>, vector<16xf32>,
        %add3A_297 = arith.addf %add3A_257, %get3A_296 : vector<16xf32>
        %mul3A_298 = arith.mulf %get3A_296, %get3A_296 : vector<16xf32>
        %add3A_299 = arith.addf %add3A_259, %mul3A_298 : vector<16xf32>
        %get3A_300 = arith.constant 0 : i32
        %get3A_301 = arith.constant 0 : i32
        %get3A_302 = tpu.memref_slice %arg10[%scan3A_174, %get3A_300, %get3A_301] : memref<2x16x1024xf32, #tpu.memory_space<vmem>> -> memref<1x16x1024xf32, #tpu.memory_space<vmem>>
        %get3A_303 = tpu.memref_squeeze %get3A_302 : memref<1x16x1024xf32, #tpu.memory_space<vmem>> -> memref<16x1024xf32, #tpu.memory_space<vmem>>
        %get3A_304 = arith.index_cast %scan3A_208 : i32 to index
        %get3A_305 = arith.constant 144 : index
        %get3A_306 = tpu.vector_load %get3A_303[%get3A_304, %get3A_305] {strides = array<i32>} : memref<16x1024xf32, #tpu.memory_space<vmem>>, vector<16xf32>,
        %add3A_307 = arith.addf %add3A_267, %get3A_306 : vector<16xf32>
        %mul3A_308 = arith.mulf %get3A_306, %get3A_306 : vector<16xf32>
        %add3A_309 = arith.addf %add3A_269, %mul3A_308 : vector<16xf32>
        %get3A_310 = arith.constant 0 : i32
        %get3A_311 = arith.constant 0 : i32
        %get3A_312 = tpu.memref_slice %arg10[%scan3A_174, %get3A_310, %get3A_311] : memref<2x16x1024xf32, #tpu.memory_space<vmem>> -> memref<1x16x1024xf32, #tpu.memory_space<vmem>>
        %get3A_313 = tpu.memref_squeeze %get3A_312 : memref<1x16x1024xf32, #tpu.memory_space<vmem>> -> memref<16x1024xf32, #tpu.memory_space<vmem>>
        %get3A_314 = arith.index_cast %scan3A_208 : i32 to index
        %get3A_315 = arith.constant 160 : index
        %get3A_316 = tpu.vector_load %get3A_313[%get3A_314, %get3A_315] {strides = array<i32>} : memref<16x1024xf32, #tpu.memory_space<vmem>>, vector<16xf32>,
        %add3A_317 = arith.addf %add3A_277, %get3A_316 : vector<16xf32>
        %mul3A_318 = arith.mulf %get3A_316, %get3A_316 : vector<16xf32>
        %add3A_319 = arith.addf %add3A_279, %mul3A_318 : vector<16xf32>
        %get3A_320 = arith.constant 0 : i32
        %get3A_321 = arith.constant 0 : i32
        %get3A_322 = tpu.memref_slice %arg10[%scan3A_174, %get3A_320, %get3A_321] : memref<2x16x1024xf32, #tpu.memory_space<vmem>> -> memref<1x16x1024xf32, #tpu.memory_space<vmem>>
        %get3A_323 = tpu.memref_squeeze %get3A_322 : memref<1x16x1024xf32, #tpu.memory_space<vmem>> -> memref<16x1024xf32, #tpu.memory_space<vmem>>
        %get3A_324 = arith.index_cast %scan3A_208 : i32 to index
        %get3A_325 = arith.constant 176 : index
        %get3A_326 = tpu.vector_load %get3A_323[%get3A_324, %get3A_325] {strides = array<i32>} : memref<16x1024xf32, #tpu.memory_space<vmem>>, vector<16xf32>,
        %add3A_327 = arith.addf %add3A_287, %get3A_326 : vector<16xf32>
        %mul3A_328 = arith.mulf %get3A_326, %get3A_326 : vector<16xf32>
        %add3A_329 = arith.addf %add3A_289, %mul3A_328 : vector<16xf32>
        %get3A_330 = arith.constant 0 : i32
        %get3A_331 = arith.constant 0 : i32
        %get3A_332 = tpu.memref_slice %arg10[%scan3A_174, %get3A_330, %get3A_331] : memref<2x16x1024xf32, #tpu.memory_space<vmem>> -> memref<1x16x1024xf32, #tpu.memory_space<vmem>>
        %get3A_333 = tpu.memref_squeeze %get3A_332 : memref<1x16x1024xf32, #tpu.memory_space<vmem>> -> memref<16x1024xf32, #tpu.memory_space<vmem>>
        %get3A_334 = arith.index_cast %scan3A_208 : i32 to index
        %get3A_335 = arith.constant 192 : index
        %get3A_336 = tpu.vector_load %get3A_333[%get3A_334, %get3A_335] {strides = array<i32>} : memref<16x1024xf32, #tpu.memory_space<vmem>>, vector<16xf32>,
        %add3A_337 = arith.addf %add3A_297, %get3A_336 : vector<16xf32>
        %mul3A_338 = arith.mulf %get3A_336, %get3A_336 : vector<16xf32>
        %add3A_339 = arith.addf %add3A_299, %mul3A_338 : vector<16xf32>
        %get3A_340 = arith.constant 0 : i32
        %get3A_341 = arith.constant 0 : i32
        %get3A_342 = tpu.memref_slice %arg10[%scan3A_174, %get3A_340, %get3A_341] : memref<2x16x1024xf32, #tpu.memory_space<vmem>> -> memref<1x16x1024xf32, #tpu.memory_space<vmem>>
        %get3A_343 = tpu.memref_squeeze %get3A_342 : memref<1x16x1024xf32, #tpu.memory_space<vmem>> -> memref<16x1024xf32, #tpu.memory_space<vmem>>
        %get3A_344 = arith.index_cast %scan3A_208 : i32 to index
        %get3A_345 = arith.constant 208 : index
        %get3A_346 = tpu.vector_load %get3A_343[%get3A_344, %get3A_345] {strides = array<i32>} : memref<16x1024xf32, #tpu.memory_space<vmem>>, vector<16xf32>,
        %add3A_347 = arith.addf %add3A_307, %get3A_346 : vector<16xf32>
        %mul3A_348 = arith.mulf %get3A_346, %get3A_346 : vector<16xf32>
        %add3A_349 = arith.addf %add3A_309, %mul3A_348 : vector<16xf32>
        %get3A_350 = arith.constant 0 : i32
        %get3A_351 = arith.constant 0 : i32
        %get3A_352 = tpu.memref_slice %arg10[%scan3A_174, %get3A_350, %get3A_351] : memref<2x16x1024xf32, #tpu.memory_space<vmem>> -> memref<1x16x1024xf32, #tpu.memory_space<vmem>>
        %get3A_353 = tpu.memref_squeeze %get3A_352 : memref<1x16x1024xf32, #tpu.memory_space<vmem>> -> memref<16x1024xf32, #tpu.memory_space<vmem>>
        %get3A_354 = arith.index_cast %scan3A_208 : i32 to index
        %get3A_355 = arith.constant 224 : index
        %get3A_356 = tpu.vector_load %get3A_353[%get3A_354, %get3A_355] {strides = array<i32>} : memref<16x1024xf32, #tpu.memory_space<vmem>>, vector<16xf32>,
        %add3A_357 = arith.addf %add3A_317, %get3A_356 : vector<16xf32>
        %mul3A_358 = arith.mulf %get3A_356, %get3A_356 : vector<16xf32>
        %add3A_359 = arith.addf %add3A_319, %mul3A_358 : vector<16xf32>
        %get3A_360 = arith.constant 0 : i32
        %get3A_361 = arith.constant 0 : i32
        %get3A_362 = tpu.memref_slice %arg10[%scan3A_174, %get3A_360, %get3A_361] : memref<2x16x1024xf32, #tpu.memory_space<vmem>> -> memref<1x16x1024xf32, #tpu.memory_space<vmem>>
        %get3A_363 = tpu.memref_squeeze %get3A_362 : memref<1x16x1024xf32, #tpu.memory_space<vmem>> -> memref<16x1024xf32, #tpu.memory_space<vmem>>
        %get3A_364 = arith.index_cast %scan3A_208 : i32 to index
        %get3A_365 = arith.constant 240 : index
        %get3A_366 = tpu.vector_load %get3A_363[%get3A_364, %get3A_365] {strides = array<i32>} : memref<16x1024xf32, #tpu.memory_space<vmem>>, vector<16xf32>,
        %add3A_367 = arith.addf %add3A_327, %get3A_366 : vector<16xf32>
        %mul3A_368 = arith.mulf %get3A_366, %get3A_366 : vector<16xf32>
        %add3A_369 = arith.addf %add3A_329, %mul3A_368 : vector<16xf32>
        %get3A_370 = arith.constant 0 : i32
        %get3A_371 = arith.constant 0 : i32
        %get3A_372 = tpu.memref_slice %arg10[%scan3A_174, %get3A_370, %get3A_371] : memref<2x16x1024xf32, #tpu.memory_space<vmem>> -> memref<1x16x1024xf32, #tpu.memory_space<vmem>>
        %get3A_373 = tpu.memref_squeeze %get3A_372 : memref<1x16x1024xf32, #tpu.memory_space<vmem>> -> memref<16x1024xf32, #tpu.memory_space<vmem>>
        %get3A_374 = arith.index_cast %scan3A_208 : i32 to index
        %get3A_375 = arith.constant 256 : index
        %get3A_376 = tpu.vector_load %get3A_373[%get3A_374, %get3A_375] {strides = array<i32>} : memref<16x1024xf32, #tpu.memory_space<vmem>>, vector<16xf32>,
        %add3A_377 = arith.addf %add3A_337, %get3A_376 : vector<16xf32>
        %mul3A_378 = arith.mulf %get3A_376, %get3A_376 : vector<16xf32>
        %add3A_379 = arith.addf %add3A_339, %mul3A_378 : vector<16xf32>
        %get3A_380 = arith.constant 0 : i32
        %get3A_381 = arith.constant 0 : i32
        %get3A_382 = tpu.memref_slice %arg10[%scan3A_174, %get3A_380, %get3A_381] : memref<2x16x1024xf32, #tpu.memory_space<vmem>> -> memref<1x16x1024xf32, #tpu.memory_space<vmem>>
        %get3A_383 = tpu.memref_squeeze %get3A_382 : memref<1x16x1024xf32, #tpu.memory_space<vmem>> -> memref<16x1024xf32, #tpu.memory_space<vmem>>
        %get3A_384 = arith.index_cast %scan3A_208 : i32 to index
        %get3A_385 = arith.constant 272 : index
        %get3A_386 = tpu.vector_load %get3A_383[%get3A_384, %get3A_385] {strides = array<i32>} : memref<16x1024xf32, #tpu.memory_space<vmem>>, vector<16xf32>,
        %add3A_387 = arith.addf %add3A_347, %get3A_386 : vector<16xf32>
        %mul3A_388 = arith.mulf %get3A_386, %get3A_386 : vector<16xf32>
        %add3A_389 = arith.addf %add3A_349, %mul3A_388 : vector<16xf32>
        %get3A_390 = arith.constant 0 : i32
        %get3A_391 = arith.constant 0 : i32
        %get3A_392 = tpu.memref_slice %arg10[%scan3A_174, %get3A_390, %get3A_391] : memref<2x16x1024xf32, #tpu.memory_space<vmem>> -> memref<1x16x1024xf32, #tpu.memory_space<vmem>>
        %get3A_393 = tpu.memref_squeeze %get3A_392 : memref<1x16x1024xf32, #tpu.memory_space<vmem>> -> memref<16x1024xf32, #tpu.memory_space<vmem>>
        %get3A_394 = arith.index_cast %scan3A_208 : i32 to index
        %get3A_395 = arith.constant 288 : index
        %get3A_396 = tpu.vector_load %get3A_393[%get3A_394, %get3A_395] {strides = array<i32>} : memref<16x1024xf32, #tpu.memory_space<vmem>>, vector<16xf32>,
        %add3A_397 = arith.addf %add3A_357, %get3A_396 : vector<16xf32>
        %mul3A_398 = arith.mulf %get3A_396, %get3A_396 : vector<16xf32>
        %add3A_399 = arith.addf %add3A_359, %mul3A_398 : vector<16xf32>
        %get3A_400 = arith.constant 0 : i32
        %get3A_401 = arith.constant 0 : i32
        %get3A_402 = tpu.memref_slice %arg10[%scan3A_174, %get3A_400, %get3A_401] : memref<2x16x1024xf32, #tpu.memory_space<vmem>> -> memref<1x16x1024xf32, #tpu.memory_space<vmem>>
        %get3A_403 = tpu.memref_squeeze %get3A_402 : memref<1x16x1024xf32, #tpu.memory_space<vmem>> -> memref<16x1024xf32, #tpu.memory_space<vmem>>
        %get3A_404 = arith.index_cast %scan3A_208 : i32 to index
        %get3A_405 = arith.constant 304 : index
        %get3A_406 = tpu.vector_load %get3A_403[%get3A_404, %get3A_405] {strides = array<i32>} : memref<16x1024xf32, #tpu.memory_space<vmem>>, vector<16xf32>,
        %add3A_407 = arith.addf %add3A_367, %get3A_406 : vector<16xf32>
        %mul3A_408 = arith.mulf %get3A_406, %get3A_406 : vector<16xf32>
        %add3A_409 = arith.addf %add3A_369, %mul3A_408 : vector<16xf32>
        %get3A_410 = arith.constant 0 : i32
        %get3A_411 = arith.constant 0 : i32
        %get3A_412 = tpu.memref_slice %arg10[%scan3A_174, %get3A_410, %get3A_411] : memref<2x16x1024xf32, #tpu.memory_space<vmem>> -> memref<1x16x1024xf32, #tpu.memory_space<vmem>>
        %get3A_413 = tpu.memref_squeeze %get3A_412 : memref<1x16x1024xf32, #tpu.memory_space<vmem>> -> memref<16x1024xf32, #tpu.memory_space<vmem>>
        %get3A_414 = arith.index_cast %scan3A_208 : i32 to index
        %get3A_415 = arith.constant 320 : index
        %get3A_416 = tpu.vector_load %get3A_413[%get3A_414, %get3A_415] {strides = array<i32>} : memref<16x1024xf32, #tpu.memory_space<vmem>>, vector<16xf32>,
        %add3A_417 = arith.addf %add3A_377, %get3A_416 : vector<16xf32>
        %mul3A_418 = arith.mulf %get3A_416, %get3A_416 : vector<16xf32>
        %add3A_419 = arith.addf %add3A_379, %mul3A_418 : vector<16xf32>
        %get3A_420 = arith.constant 0 : i32
        %get3A_421 = arith.constant 0 : i32
        %get3A_422 = tpu.memref_slice %arg10[%scan3A_174, %get3A_420, %get3A_421] : memref<2x16x1024xf32, #tpu.memory_space<vmem>> -> memref<1x16x1024xf32, #tpu.memory_space<vmem>>
        %get3A_423 = tpu.memref_squeeze %get3A_422 : memref<1x16x1024xf32, #tpu.memory_space<vmem>> -> memref<16x1024xf32, #tpu.memory_space<vmem>>
        %get3A_424 = arith.index_cast %scan3A_208 : i32 to index
        %get3A_425 = arith.constant 336 : index
        %get3A_426 = tpu.vector_load %get3A_423[%get3A_424, %get3A_425] {strides = array<i32>} : memref<16x1024xf32, #tpu.memory_space<vmem>>, vector<16xf32>,
        %add3A_427 = arith.addf %add3A_387, %get3A_426 : vector<16xf32>
        %mul3A_428 = arith.mulf %get3A_426, %get3A_426 : vector<16xf32>
        %add3A_429 = arith.addf %add3A_389, %mul3A_428 : vector<16xf32>
        %get3A_430 = arith.constant 0 : i32
        %get3A_431 = arith.constant 0 : i32
        %get3A_432 = tpu.memref_slice %arg10[%scan3A_174, %get3A_430, %get3A_431] : memref<2x16x1024xf32, #tpu.memory_space<vmem>> -> memref<1x16x1024xf32, #tpu.memory_space<vmem>>
        %get3A_433 = tpu.memref_squeeze %get3A_432 : memref<1x16x1024xf32, #tpu.memory_space<vmem>> -> memref<16x1024xf32, #tpu.memory_space<vmem>>
        %get3A_434 = arith.index_cast %scan3A_208 : i32 to index
        %get3A_435 = arith.constant 352 : index
        %get3A_436 = tpu.vector_load %get3A_433[%get3A_434, %get3A_435] {strides = array<i32>} : memref<16x1024xf32, #tpu.memory_space<vmem>>, vector<16xf32>,
        %add3A_437 = arith.addf %add3A_397, %get3A_436 : vector<16xf32>
        %mul3A_438 = arith.mulf %get3A_436, %get3A_436 : vector<16xf32>
        %add3A_439 = arith.addf %add3A_399, %mul3A_438 : vector<16xf32>
        %get3A_440 = arith.constant 0 : i32
        %get3A_441 = arith.constant 0 : i32
        %get3A_442 = tpu.memref_slice %arg10[%scan3A_174, %get3A_440, %get3A_441] : memref<2x16x1024xf32, #tpu.memory_space<vmem>> -> memref<1x16x1024xf32, #tpu.memory_space<vmem>>
        %get3A_443 = tpu.memref_squeeze %get3A_442 : memref<1x16x1024xf32, #tpu.memory_space<vmem>> -> memref<16x1024xf32, #tpu.memory_space<vmem>>
        %get3A_444 = arith.index_cast %scan3A_208 : i32 to index
        %get3A_445 = arith.constant 368 : index
        %get3A_446 = tpu.vector_load %get3A_443[%get3A_444, %get3A_445] {strides = array<i32>} : memref<16x1024xf32, #tpu.memory_space<vmem>>, vector<16xf32>,
        %add3A_447 = arith.addf %add3A_407, %get3A_446 : vector<16xf32>
        %mul3A_448 = arith.mulf %get3A_446, %get3A_446 : vector<16xf32>
        %add3A_449 = arith.addf %add3A_409, %mul3A_448 : vector<16xf32>
        %get3A_450 = arith.constant 0 : i32
        %get3A_451 = arith.constant 0 : i32
        %get3A_452 = tpu.memref_slice %arg10[%scan3A_174, %get3A_450, %get3A_451] : memref<2x16x1024xf32, #tpu.memory_space<vmem>> -> memref<1x16x1024xf32, #tpu.memory_space<vmem>>
        %get3A_453 = tpu.memref_squeeze %get3A_452 : memref<1x16x1024xf32, #tpu.memory_space<vmem>> -> memref<16x1024xf32, #tpu.memory_space<vmem>>
        %get3A_454 = arith.index_cast %scan3A_208 : i32 to index
        %get3A_455 = arith.constant 384 : index
        %get3A_456 = tpu.vector_load %get3A_453[%get3A_454, %get3A_455] {strides = array<i32>} : memref<16x1024xf32, #tpu.memory_space<vmem>>, vector<16xf32>,
        %add3A_457 = arith.addf %add3A_417, %get3A_456 : vector<16xf32>
        %mul3A_458 = arith.mulf %get3A_456, %get3A_456 : vector<16xf32>
        %add3A_459 = arith.addf %add3A_419, %mul3A_458 : vector<16xf32>
        %get3A_460 = arith.constant 0 : i32
        %get3A_461 = arith.constant 0 : i32
        %get3A_462 = tpu.memref_slice %arg10[%scan3A_174, %get3A_460, %get3A_461] : memref<2x16x1024xf32, #tpu.memory_space<vmem>> -> memref<1x16x1024xf32, #tpu.memory_space<vmem>>
        %get3A_463 = tpu.memref_squeeze %get3A_462 : memref<1x16x1024xf32, #tpu.memory_space<vmem>> -> memref<16x1024xf32, #tpu.memory_space<vmem>>
        %get3A_464 = arith.index_cast %scan3A_208 : i32 to index
        %get3A_465 = arith.constant 400 : index
        %get3A_466 = tpu.vector_load %get3A_463[%get3A_464, %get3A_465] {strides = array<i32>} : memref<16x1024xf32, #tpu.memory_space<vmem>>, vector<16xf32>,
        %add3A_467 = arith.addf %add3A_427, %get3A_466 : vector<16xf32>
        %mul3A_468 = arith.mulf %get3A_466, %get3A_466 : vector<16xf32>
        %add3A_469 = arith.addf %add3A_429, %mul3A_468 : vector<16xf32>
        %get3A_470 = arith.constant 0 : i32
        %get3A_471 = arith.constant 0 : i32
        %get3A_472 = tpu.memref_slice %arg10[%scan3A_174, %get3A_470, %get3A_471] : memref<2x16x1024xf32, #tpu.memory_space<vmem>> -> memref<1x16x1024xf32, #tpu.memory_space<vmem>>
        %get3A_473 = tpu.memref_squeeze %get3A_472 : memref<1x16x1024xf32, #tpu.memory_space<vmem>> -> memref<16x1024xf32, #tpu.memory_space<vmem>>
        %get3A_474 = arith.index_cast %scan3A_208 : i32 to index
        %get3A_475 = arith.constant 416 : index
        %get3A_476 = tpu.vector_load %get3A_473[%get3A_474, %get3A_475] {strides = array<i32>} : memref<16x1024xf32, #tpu.memory_space<vmem>>, vector<16xf32>,
        %add3A_477 = arith.addf %add3A_437, %get3A_476 : vector<16xf32>
        %mul3A_478 = arith.mulf %get3A_476, %get3A_476 : vector<16xf32>
        %add3A_479 = arith.addf %add3A_439, %mul3A_478 : vector<16xf32>
        %get3A_480 = arith.constant 0 : i32
        %get3A_481 = arith.constant 0 : i32
        %get3A_482 = tpu.memref_slice %arg10[%scan3A_174, %get3A_480, %get3A_481] : memref<2x16x1024xf32, #tpu.memory_space<vmem>> -> memref<1x16x1024xf32, #tpu.memory_space<vmem>>
        %get3A_483 = tpu.memref_squeeze %get3A_482 : memref<1x16x1024xf32, #tpu.memory_space<vmem>> -> memref<16x1024xf32, #tpu.memory_space<vmem>>
        %get3A_484 = arith.index_cast %scan3A_208 : i32 to index
        %get3A_485 = arith.constant 432 : index
        %get3A_486 = tpu.vector_load %get3A_483[%get3A_484, %get3A_485] {strides = array<i32>} : memref<16x1024xf32, #tpu.memory_space<vmem>>, vector<16xf32>,
        %add3A_487 = arith.addf %add3A_447, %get3A_486 : vector<16xf32>
        %mul3A_488 = arith.mulf %get3A_486, %get3A_486 : vector<16xf32>
        %add3A_489 = arith.addf %add3A_449, %mul3A_488 : vector<16xf32>
        %get3A_490 = arith.constant 0 : i32
        %get3A_491 = arith.constant 0 : i32
        %get3A_492 = tpu.memref_slice %arg10[%scan3A_174, %get3A_490, %get3A_491] : memref<2x16x1024xf32, #tpu.memory_space<vmem>> -> memref<1x16x1024xf32, #tpu.memory_space<vmem>>
        %get3A_493 = tpu.memref_squeeze %get3A_492 : memref<1x16x1024xf32, #tpu.memory_space<vmem>> -> memref<16x1024xf32, #tpu.memory_space<vmem>>
        %get3A_494 = arith.index_cast %scan3A_208 : i32 to index
        %get3A_495 = arith.constant 448 : index
        %get3A_496 = tpu.vector_load %get3A_493[%get3A_494, %get3A_495] {strides = array<i32>} : memref<16x1024xf32, #tpu.memory_space<vmem>>, vector<16xf32>,
        %add3A_497 = arith.addf %add3A_457, %get3A_496 : vector<16xf32>
        %mul3A_498 = arith.mulf %get3A_496, %get3A_496 : vector<16xf32>
        %add3A_499 = arith.addf %add3A_459, %mul3A_498 : vector<16xf32>
        %get3A_500 = arith.constant 0 : i32
        %get3A_501 = arith.constant 0 : i32
        %get3A_502 = tpu.memref_slice %arg10[%scan3A_174, %get3A_500, %get3A_501] : memref<2x16x1024xf32, #tpu.memory_space<vmem>> -> memref<1x16x1024xf32, #tpu.memory_space<vmem>>
        %get3A_503 = tpu.memref_squeeze %get3A_502 : memref<1x16x1024xf32, #tpu.memory_space<vmem>> -> memref<16x1024xf32, #tpu.memory_space<vmem>>
        %get3A_504 = arith.index_cast %scan3A_208 : i32 to index
        %get3A_505 = arith.constant 464 : index
        %get3A_506 = tpu.vector_load %get3A_503[%get3A_504, %get3A_505] {strides = array<i32>} : memref<16x1024xf32, #tpu.memory_space<vmem>>, vector<16xf32>,
        %add3A_507 = arith.addf %add3A_467, %get3A_506 : vector<16xf32>
        %mul3A_508 = arith.mulf %get3A_506, %get3A_506 : vector<16xf32>
        %add3A_509 = arith.addf %add3A_469, %mul3A_508 : vector<16xf32>
        %get3A_510 = arith.constant 0 : i32
        %get3A_511 = arith.constant 0 : i32
        %get3A_512 = tpu.memref_slice %arg10[%scan3A_174, %get3A_510, %get3A_511] : memref<2x16x1024xf32, #tpu.memory_space<vmem>> -> memref<1x16x1024xf32, #tpu.memory_space<vmem>>
        %get3A_513 = tpu.memref_squeeze %get3A_512 : memref<1x16x1024xf32, #tpu.memory_space<vmem>> -> memref<16x1024xf32, #tpu.memory_space<vmem>>
        %get3A_514 = arith.index_cast %scan3A_208 : i32 to index
        %get3A_515 = arith.constant 480 : index
        %get3A_516 = tpu.vector_load %get3A_513[%get3A_514, %get3A_515] {strides = array<i32>} : memref<16x1024xf32, #tpu.memory_space<vmem>>, vector<16xf32>,
        %add3A_517 = arith.addf %add3A_477, %get3A_516 : vector<16xf32>
        %mul3A_518 = arith.mulf %get3A_516, %get3A_516 : vector<16xf32>
        %add3A_519 = arith.addf %add3A_479, %mul3A_518 : vector<16xf32>
        %get3A_520 = arith.constant 0 : i32
        %get3A_521 = arith.constant 0 : i32
        %get3A_522 = tpu.memref_slice %arg10[%scan3A_174, %get3A_520, %get3A_521] : memref<2x16x1024xf32, #tpu.memory_space<vmem>> -> memref<1x16x1024xf32, #tpu.memory_space<vmem>>
        %get3A_523 = tpu.memref_squeeze %get3A_522 : memref<1x16x1024xf32, #tpu.memory_space<vmem>> -> memref<16x1024xf32, #tpu.memory_space<vmem>>
        %get3A_524 = arith.index_cast %scan3A_208 : i32 to index
        %get3A_525 = arith.constant 496 : index
        %get3A_526 = tpu.vector_load %get3A_523[%get3A_524, %get3A_525] {strides = array<i32>} : memref<16x1024xf32, #tpu.memory_space<vmem>>, vector<16xf32>,
        %add3A_527 = arith.addf %add3A_487, %get3A_526 : vector<16xf32>
        %mul3A_528 = arith.mulf %get3A_526, %get3A_526 : vector<16xf32>
        %add3A_529 = arith.addf %add3A_489, %mul3A_528 : vector<16xf32>
        %get3A_530 = arith.constant 0 : i32
        %get3A_531 = arith.constant 0 : i32
        %get3A_532 = tpu.memref_slice %arg10[%scan3A_174, %get3A_530, %get3A_531] : memref<2x16x1024xf32, #tpu.memory_space<vmem>> -> memref<1x16x1024xf32, #tpu.memory_space<vmem>>
        %get3A_533 = tpu.memref_squeeze %get3A_532 : memref<1x16x1024xf32, #tpu.memory_space<vmem>> -> memref<16x1024xf32, #tpu.memory_space<vmem>>
        %get3A_534 = arith.index_cast %scan3A_208 : i32 to index
        %get3A_535 = arith.constant 512 : index
        %get3A_536 = tpu.vector_load %get3A_533[%get3A_534, %get3A_535] {strides = array<i32>} : memref<16x1024xf32, #tpu.memory_space<vmem>>, vector<16xf32>,
        %add3A_537 = arith.addf %add3A_497, %get3A_536 : vector<16xf32>
        %mul3A_538 = arith.mulf %get3A_536, %get3A_536 : vector<16xf32>
        %add3A_539 = arith.addf %add3A_499, %mul3A_538 : vector<16xf32>
        %get3A_540 = arith.constant 0 : i32
        %get3A_541 = arith.constant 0 : i32
        %get3A_542 = tpu.memref_slice %arg10[%scan3A_174, %get3A_540, %get3A_541] : memref<2x16x1024xf32, #tpu.memory_space<vmem>> -> memref<1x16x1024xf32, #tpu.memory_space<vmem>>
        %get3A_543 = tpu.memref_squeeze %get3A_542 : memref<1x16x1024xf32, #tpu.memory_space<vmem>> -> memref<16x1024xf32, #tpu.memory_space<vmem>>
        %get3A_544 = arith.index_cast %scan3A_208 : i32 to index
        %get3A_545 = arith.constant 528 : index
        %get3A_546 = tpu.vector_load %get3A_543[%get3A_544, %get3A_545] {strides = array<i32>} : memref<16x1024xf32, #tpu.memory_space<vmem>>, vector<16xf32>,
        %add3A_547 = arith.addf %add3A_507, %get3A_546 : vector<16xf32>
        %mul3A_548 = arith.mulf %get3A_546, %get3A_546 : vector<16xf32>
        %add3A_549 = arith.addf %add3A_509, %mul3A_548 : vector<16xf32>
        %get3A_550 = arith.constant 0 : i32
        %get3A_551 = arith.constant 0 : i32
        %get3A_552 = tpu.memref_slice %arg10[%scan3A_174, %get3A_550, %get3A_551] : memref<2x16x1024xf32, #tpu.memory_space<vmem>> -> memref<1x16x1024xf32, #tpu.memory_space<vmem>>
        %get3A_553 = tpu.memref_squeeze %get3A_552 : memref<1x16x1024xf32, #tpu.memory_space<vmem>> -> memref<16x1024xf32, #tpu.memory_space<vmem>>
        %get3A_554 = arith.index_cast %scan3A_208 : i32 to index
        %get3A_555 = arith.constant 544 : index
        %get3A_556 = tpu.vector_load %get3A_553[%get3A_554, %get3A_555] {strides = array<i32>} : memref<16x1024xf32, #tpu.memory_space<vmem>>, vector<16xf32>,
        %add3A_557 = arith.addf %add3A_517, %get3A_556 : vector<16xf32>
        %mul3A_558 = arith.mulf %get3A_556, %get3A_556 : vector<16xf32>
        %add3A_559 = arith.addf %add3A_519, %mul3A_558 : vector<16xf32>
        %get3A_560 = arith.constant 0 : i32
        %get3A_561 = arith.constant 0 : i32
        %get3A_562 = tpu.memref_slice %arg10[%scan3A_174, %get3A_560, %get3A_561] : memref<2x16x1024xf32, #tpu.memory_space<vmem>> -> memref<1x16x1024xf32, #tpu.memory_space<vmem>>
        %get3A_563 = tpu.memref_squeeze %get3A_562 : memref<1x16x1024xf32, #tpu.memory_space<vmem>> -> memref<16x1024xf32, #tpu.memory_space<vmem>>
        %get3A_564 = arith.index_cast %scan3A_208 : i32 to index
        %get3A_565 = arith.constant 560 : index
        %get3A_566 = tpu.vector_load %get3A_563[%get3A_564, %get3A_565] {strides = array<i32>} : memref<16x1024xf32, #tpu.memory_space<vmem>>, vector<16xf32>,
        %add3A_567 = arith.addf %add3A_527, %get3A_566 : vector<16xf32>
        %mul3A_568 = arith.mulf %get3A_566, %get3A_566 : vector<16xf32>
        %add3A_569 = arith.addf %add3A_529, %mul3A_568 : vector<16xf32>
        %get3A_570 = arith.constant 0 : i32
        %get3A_571 = arith.constant 0 : i32
        %get3A_572 = tpu.memref_slice %arg10[%scan3A_174, %get3A_570, %get3A_571] : memref<2x16x1024xf32, #tpu.memory_space<vmem>> -> memref<1x16x1024xf32, #tpu.memory_space<vmem>>
        %get3A_573 = tpu.memref_squeeze %get3A_572 : memref<1x16x1024xf32, #tpu.memory_space<vmem>> -> memref<16x1024xf32, #tpu.memory_space<vmem>>
        %get3A_574 = arith.index_cast %scan3A_208 : i32 to index
        %get3A_575 = arith.constant 576 : index
        %get3A_576 = tpu.vector_load %get3A_573[%get3A_574, %get3A_575] {strides = array<i32>} : memref<16x1024xf32, #tpu.memory_space<vmem>>, vector<16xf32>,
        %add3A_577 = arith.addf %add3A_537, %get3A_576 : vector<16xf32>
        %mul3A_578 = arith.mulf %get3A_576, %get3A_576 : vector<16xf32>
        %add3A_579 = arith.addf %add3A_539, %mul3A_578 : vector<16xf32>
        %get3A_580 = arith.constant 0 : i32
        %get3A_581 = arith.constant 0 : i32
        %get3A_582 = tpu.memref_slice %arg10[%scan3A_174, %get3A_580, %get3A_581] : memref<2x16x1024xf32, #tpu.memory_space<vmem>> -> memref<1x16x1024xf32, #tpu.memory_space<vmem>>
        %get3A_583 = tpu.memref_squeeze %get3A_582 : memref<1x16x1024xf32, #tpu.memory_space<vmem>> -> memref<16x1024xf32, #tpu.memory_space<vmem>>
        %get3A_584 = arith.index_cast %scan3A_208 : i32 to index
        %get3A_585 = arith.constant 592 : index
        %get3A_586 = tpu.vector_load %get3A_583[%get3A_584, %get3A_585] {strides = array<i32>} : memref<16x1024xf32, #tpu.memory_space<vmem>>, vector<16xf32>,
        %add3A_587 = arith.addf %add3A_547, %get3A_586 : vector<16xf32>
        %mul3A_588 = arith.mulf %get3A_586, %get3A_586 : vector<16xf32>
        %add3A_589 = arith.addf %add3A_549, %mul3A_588 : vector<16xf32>
        %get3A_590 = arith.constant 0 : i32
        %get3A_591 = arith.constant 0 : i32
        %get3A_592 = tpu.memref_slice %arg10[%scan3A_174, %get3A_590, %get3A_591] : memref<2x16x1024xf32, #tpu.memory_space<vmem>> -> memref<1x16x1024xf32, #tpu.memory_space<vmem>>
        %get3A_593 = tpu.memref_squeeze %get3A_592 : memref<1x16x1024xf32, #tpu.memory_space<vmem>> -> memref<16x1024xf32, #tpu.memory_space<vmem>>
        %get3A_594 = arith.index_cast %scan3A_208 : i32 to index
        %get3A_595 = arith.constant 608 : index
        %get3A_596 = tpu.vector_load %get3A_593[%get3A_594, %get3A_595] {strides = array<i32>} : memref<16x1024xf32, #tpu.memory_space<vmem>>, vector<16xf32>,
        %add3A_597 = arith.addf %add3A_557, %get3A_596 : vector<16xf32>
        %mul3A_598 = arith.mulf %get3A_596, %get3A_596 : vector<16xf32>
        %add3A_599 = arith.addf %add3A_559, %mul3A_598 : vector<16xf32>
        %get3A_600 = arith.constant 0 : i32
        %get3A_601 = arith.constant 0 : i32
        %get3A_602 = tpu.memref_slice %arg10[%scan3A_174, %get3A_600, %get3A_601] : memref<2x16x1024xf32, #tpu.memory_space<vmem>> -> memref<1x16x1024xf32, #tpu.memory_space<vmem>>
        %get3A_603 = tpu.memref_squeeze %get3A_602 : memref<1x16x1024xf32, #tpu.memory_space<vmem>> -> memref<16x1024xf32, #tpu.memory_space<vmem>>
        %get3A_604 = arith.index_cast %scan3A_208 : i32 to index
        %get3A_605 = arith.constant 624 : index
        %get3A_606 = tpu.vector_load %get3A_603[%get3A_604, %get3A_605] {strides = array<i32>} : memref<16x1024xf32, #tpu.memory_space<vmem>>, vector<16xf32>,
        %add3A_607 = arith.addf %add3A_567, %get3A_606 : vector<16xf32>
        %mul3A_608 = arith.mulf %get3A_606, %get3A_606 : vector<16xf32>
        %add3A_609 = arith.addf %add3A_569, %mul3A_608 : vector<16xf32>
        %get3A_610 = arith.constant 0 : i32
        %get3A_611 = arith.constant 0 : i32
        %get3A_612 = tpu.memref_slice %arg10[%scan3A_174, %get3A_610, %get3A_611] : memref<2x16x1024xf32, #tpu.memory_space<vmem>> -> memref<1x16x1024xf32, #tpu.memory_space<vmem>>
        %get3A_613 = tpu.memref_squeeze %get3A_612 : memref<1x16x1024xf32, #tpu.memory_space<vmem>> -> memref<16x1024xf32, #tpu.memory_space<vmem>>
        %get3A_614 = arith.index_cast %scan3A_208 : i32 to index
        %get3A_615 = arith.constant 640 : index
        %get3A_616 = tpu.vector_load %get3A_613[%get3A_614, %get3A_615] {strides = array<i32>} : memref<16x1024xf32, #tpu.memory_space<vmem>>, vector<16xf32>,
        %add3A_617 = arith.addf %add3A_577, %get3A_616 : vector<16xf32>
        %mul3A_618 = arith.mulf %get3A_616, %get3A_616 : vector<16xf32>
        %add3A_619 = arith.addf %add3A_579, %mul3A_618 : vector<16xf32>
        %get3A_620 = arith.constant 0 : i32
        %get3A_621 = arith.constant 0 : i32
        %get3A_622 = tpu.memref_slice %arg10[%scan3A_174, %get3A_620, %get3A_621] : memref<2x16x1024xf32, #tpu.memory_space<vmem>> -> memref<1x16x1024xf32, #tpu.memory_space<vmem>>
        %get3A_623 = tpu.memref_squeeze %get3A_622 : memref<1x16x1024xf32, #tpu.memory_space<vmem>> -> memref<16x1024xf32, #tpu.memory_space<vmem>>
        %get3A_624 = arith.index_cast %scan3A_208 : i32 to index
        %get3A_625 = arith.constant 656 : index
        %get3A_626 = tpu.vector_load %get3A_623[%get3A_624, %get3A_625] {strides = array<i32>} : memref<16x1024xf32, #tpu.memory_space<vmem>>, vector<16xf32>,
        %add3A_627 = arith.addf %add3A_587, %get3A_626 : vector<16xf32>
        %mul3A_628 = arith.mulf %get3A_626, %get3A_626 : vector<16xf32>
        %add3A_629 = arith.addf %add3A_589, %mul3A_628 : vector<16xf32>
        %get3A_630 = arith.constant 0 : i32
        %get3A_631 = arith.constant 0 : i32
        %get3A_632 = tpu.memref_slice %arg10[%scan3A_174, %get3A_630, %get3A_631] : memref<2x16x1024xf32, #tpu.memory_space<vmem>> -> memref<1x16x1024xf32, #tpu.memory_space<vmem>>
        %get3A_633 = tpu.memref_squeeze %get3A_632 : memref<1x16x1024xf32, #tpu.memory_space<vmem>> -> memref<16x1024xf32, #tpu.memory_space<vmem>>
        %get3A_634 = arith.index_cast %scan3A_208 : i32 to index
        %get3A_635 = arith.constant 672 : index
        %get3A_636 = tpu.vector_load %get3A_633[%get3A_634, %get3A_635] {strides = array<i32>} : memref<16x1024xf32, #tpu.memory_space<vmem>>, vector<16xf32>,
        %add3A_637 = arith.addf %add3A_597, %get3A_636 : vector<16xf32>
        %mul3A_638 = arith.mulf %get3A_636, %get3A_636 : vector<16xf32>
        %add3A_639 = arith.addf %add3A_599, %mul3A_638 : vector<16xf32>
        %get3A_640 = arith.constant 0 : i32
        %get3A_641 = arith.constant 0 : i32
        %get3A_642 = tpu.memref_slice %arg10[%scan3A_174, %get3A_640, %get3A_641] : memref<2x16x1024xf32, #tpu.memory_space<vmem>> -> memref<1x16x1024xf32, #tpu.memory_space<vmem>>
        %get3A_643 = tpu.memref_squeeze %get3A_642 : memref<1x16x1024xf32, #tpu.memory_space<vmem>> -> memref<16x1024xf32, #tpu.memory_space<vmem>>
        %get3A_644 = arith.index_cast %scan3A_208 : i32 to index
        %get3A_645 = arith.constant 688 : index
        %get3A_646 = tpu.vector_load %get3A_643[%get3A_644, %get3A_645] {strides = array<i32>} : memref<16x1024xf32, #tpu.memory_space<vmem>>, vector<16xf32>,
        %add3A_647 = arith.addf %add3A_607, %get3A_646 : vector<16xf32>
        %mul3A_648 = arith.mulf %get3A_646, %get3A_646 : vector<16xf32>
        %add3A_649 = arith.addf %add3A_609, %mul3A_648 : vector<16xf32>
        %get3A_650 = arith.constant 0 : i32
        %get3A_651 = arith.constant 0 : i32
        %get3A_652 = tpu.memref_slice %arg10[%scan3A_174, %get3A_650, %get3A_651] : memref<2x16x1024xf32, #tpu.memory_space<vmem>> -> memref<1x16x1024xf32, #tpu.memory_space<vmem>>
        %get3A_653 = tpu.memref_squeeze %get3A_652 : memref<1x16x1024xf32, #tpu.memory_space<vmem>> -> memref<16x1024xf32, #tpu.memory_space<vmem>>
        %get3A_654 = arith.index_cast %scan3A_208 : i32 to index
        %get3A_655 = arith.constant 704 : index
        %get3A_656 = tpu.vector_load %get3A_653[%get3A_654, %get3A_655] {strides = array<i32>} : memref<16x1024xf32, #tpu.memory_space<vmem>>, vector<16xf32>,
        %add3A_657 = arith.addf %add3A_617, %get3A_656 : vector<16xf32>
        %mul3A_658 = arith.mulf %get3A_656, %get3A_656 : vector<16xf32>
        %add3A_659 = arith.addf %add3A_619, %mul3A_658 : vector<16xf32>
        %get3A_660 = arith.constant 0 : i32
        %get3A_661 = arith.constant 0 : i32
        %get3A_662 = tpu.memref_slice %arg10[%scan3A_174, %get3A_660, %get3A_661] : memref<2x16x1024xf32, #tpu.memory_space<vmem>> -> memref<1x16x1024xf32, #tpu.memory_space<vmem>>
        %get3A_663 = tpu.memref_squeeze %get3A_662 : memref<1x16x1024xf32, #tpu.memory_space<vmem>> -> memref<16x1024xf32, #tpu.memory_space<vmem>>
        %get3A_664 = arith.index_cast %scan3A_208 : i32 to index
        %get3A_665 = arith.constant 720 : index
        %get3A_666 = tpu.vector_load %get3A_663[%get3A_664, %get3A_665] {strides = array<i32>} : memref<16x1024xf32, #tpu.memory_space<vmem>>, vector<16xf32>,
        %add3A_667 = arith.addf %add3A_627, %get3A_666 : vector<16xf32>
        %mul3A_668 = arith.mulf %get3A_666, %get3A_666 : vector<16xf32>
        %add3A_669 = arith.addf %add3A_629, %mul3A_668 : vector<16xf32>
        %get3A_670 = arith.constant 0 : i32
        %get3A_671 = arith.constant 0 : i32
        %get3A_672 = tpu.memref_slice %arg10[%scan3A_174, %get3A_670, %get3A_671] : memref<2x16x1024xf32, #tpu.memory_space<vmem>> -> memref<1x16x1024xf32, #tpu.memory_space<vmem>>
        %get3A_673 = tpu.memref_squeeze %get3A_672 : memref<1x16x1024xf32, #tpu.memory_space<vmem>> -> memref<16x1024xf32, #tpu.memory_space<vmem>>
        %get3A_674 = arith.index_cast %scan3A_208 : i32 to index
        %get3A_675 = arith.constant 736 : index
        %get3A_676 = tpu.vector_load %get3A_673[%get3A_674, %get3A_675] {strides = array<i32>} : memref<16x1024xf32, #tpu.memory_space<vmem>>, vector<16xf32>,
        %add3A_677 = arith.addf %add3A_637, %get3A_676 : vector<16xf32>
        %mul3A_678 = arith.mulf %get3A_676, %get3A_676 : vector<16xf32>
        %add3A_679 = arith.addf %add3A_639, %mul3A_678 : vector<16xf32>
        %get3A_680 = arith.constant 0 : i32
        %get3A_681 = arith.constant 0 : i32
        %get3A_682 = tpu.memref_slice %arg10[%scan3A_174, %get3A_680, %get3A_681] : memref<2x16x1024xf32, #tpu.memory_space<vmem>> -> memref<1x16x1024xf32, #tpu.memory_space<vmem>>
        %get3A_683 = tpu.memref_squeeze %get3A_682 : memref<1x16x1024xf32, #tpu.memory_space<vmem>> -> memref<16x1024xf32, #tpu.memory_space<vmem>>
        %get3A_684 = arith.index_cast %scan3A_208 : i32 to index
        %get3A_685 = arith.constant 752 : index
        %get3A_686 = tpu.vector_load %get3A_683[%get3A_684, %get3A_685] {strides = array<i32>} : memref<16x1024xf32, #tpu.memory_space<vmem>>, vector<16xf32>,
        %add3A_687 = arith.addf %add3A_647, %get3A_686 : vector<16xf32>
        %mul3A_688 = arith.mulf %get3A_686, %get3A_686 : vector<16xf32>
        %add3A_689 = arith.addf %add3A_649, %mul3A_688 : vector<16xf32>
        %get3A_690 = arith.constant 0 : i32
        %get3A_691 = arith.constant 0 : i32
        %get3A_692 = tpu.memref_slice %arg10[%scan3A_174, %get3A_690, %get3A_691] : memref<2x16x1024xf32, #tpu.memory_space<vmem>> -> memref<1x16x1024xf32, #tpu.memory_space<vmem>>
        %get3A_693 = tpu.memref_squeeze %get3A_692 : memref<1x16x1024xf32, #tpu.memory_space<vmem>> -> memref<16x1024xf32, #tpu.memory_space<vmem>>
        %get3A_694 = arith.index_cast %scan3A_208 : i32 to index
        %get3A_695 = arith.constant 768 : index
        %get3A_696 = tpu.vector_load %get3A_693[%get3A_694, %get3A_695] {strides = array<i32>} : memref<16x1024xf32, #tpu.memory_space<vmem>>, vector<16xf32>,
        %add3A_697 = arith.addf %add3A_657, %get3A_696 : vector<16xf32>
        %mul3A_698 = arith.mulf %get3A_696, %get3A_696 : vector<16xf32>
        %add3A_699 = arith.addf %add3A_659, %mul3A_698 : vector<16xf32>
        %get3A_700 = arith.constant 0 : i32
        %get3A_701 = arith.constant 0 : i32
        %get3A_702 = tpu.memref_slice %arg10[%scan3A_174, %get3A_700, %get3A_701] : memref<2x16x1024xf32, #tpu.memory_space<vmem>> -> memref<1x16x1024xf32, #tpu.memory_space<vmem>>
        %get3A_703 = tpu.memref_squeeze %get3A_702 : memref<1x16x1024xf32, #tpu.memory_space<vmem>> -> memref<16x1024xf32, #tpu.memory_space<vmem>>
        %get3A_704 = arith.index_cast %scan3A_208 : i32 to index
        %get3A_705 = arith.constant 784 : index
        %get3A_706 = tpu.vector_load %get3A_703[%get3A_704, %get3A_705] {strides = array<i32>} : memref<16x1024xf32, #tpu.memory_space<vmem>>, vector<16xf32>,
        %add3A_707 = arith.addf %add3A_667, %get3A_706 : vector<16xf32>
        %mul3A_708 = arith.mulf %get3A_706, %get3A_706 : vector<16xf32>
        %add3A_709 = arith.addf %add3A_669, %mul3A_708 : vector<16xf32>
        %get3A_710 = arith.constant 0 : i32
        %get3A_711 = arith.constant 0 : i32
        %get3A_712 = tpu.memref_slice %arg10[%scan3A_174, %get3A_710, %get3A_711] : memref<2x16x1024xf32, #tpu.memory_space<vmem>> -> memref<1x16x1024xf32, #tpu.memory_space<vmem>>
        %get3A_713 = tpu.memref_squeeze %get3A_712 : memref<1x16x1024xf32, #tpu.memory_space<vmem>> -> memref<16x1024xf32, #tpu.memory_space<vmem>>
        %get3A_714 = arith.index_cast %scan3A_208 : i32 to index
        %get3A_715 = arith.constant 800 : index
        %get3A_716 = tpu.vector_load %get3A_713[%get3A_714, %get3A_715] {strides = array<i32>} : memref<16x1024xf32, #tpu.memory_space<vmem>>, vector<16xf32>,
        %add3A_717 = arith.addf %add3A_677, %get3A_716 : vector<16xf32>
        %mul3A_718 = arith.mulf %get3A_716, %get3A_716 : vector<16xf32>
        %add3A_719 = arith.addf %add3A_679, %mul3A_718 : vector<16xf32>
        %get3A_720 = arith.constant 0 : i32
        %get3A_721 = arith.constant 0 : i32
        %get3A_722 = tpu.memref_slice %arg10[%scan3A_174, %get3A_720, %get3A_721] : memref<2x16x1024xf32, #tpu.memory_space<vmem>> -> memref<1x16x1024xf32, #tpu.memory_space<vmem>>
        %get3A_723 = tpu.memref_squeeze %get3A_722 : memref<1x16x1024xf32, #tpu.memory_space<vmem>> -> memref<16x1024xf32, #tpu.memory_space<vmem>>
        %get3A_724 = arith.index_cast %scan3A_208 : i32 to index
        %get3A_725 = arith.constant 816 : index
        %get3A_726 = tpu.vector_load %get3A_723[%get3A_724, %get3A_725] {strides = array<i32>} : memref<16x1024xf32, #tpu.memory_space<vmem>>, vector<16xf32>,
        %add3A_727 = arith.addf %add3A_687, %get3A_726 : vector<16xf32>
        %mul3A_728 = arith.mulf %get3A_726, %get3A_726 : vector<16xf32>
        %add3A_729 = arith.addf %add3A_689, %mul3A_728 : vector<16xf32>
        %get3A_730 = arith.constant 0 : i32
        %get3A_731 = arith.constant 0 : i32
        %get3A_732 = tpu.memref_slice %arg10[%scan3A_174, %get3A_730, %get3A_731] : memref<2x16x1024xf32, #tpu.memory_space<vmem>> -> memref<1x16x1024xf32, #tpu.memory_space<vmem>>
        %get3A_733 = tpu.memref_squeeze %get3A_732 : memref<1x16x1024xf32, #tpu.memory_space<vmem>> -> memref<16x1024xf32, #tpu.memory_space<vmem>>
        %get3A_734 = arith.index_cast %scan3A_208 : i32 to index
        %get3A_735 = arith.constant 832 : index
        %get3A_736 = tpu.vector_load %get3A_733[%get3A_734, %get3A_735] {strides = array<i32>} : memref<16x1024xf32, #tpu.memory_space<vmem>>, vector<16xf32>,
        %add3A_737 = arith.addf %add3A_697, %get3A_736 : vector<16xf32>
        %mul3A_738 = arith.mulf %get3A_736, %get3A_736 : vector<16xf32>
        %add3A_739 = arith.addf %add3A_699, %mul3A_738 : vector<16xf32>
        %get3A_740 = arith.constant 0 : i32
        %get3A_741 = arith.constant 0 : i32
        %get3A_742 = tpu.memref_slice %arg10[%scan3A_174, %get3A_740, %get3A_741] : memref<2x16x1024xf32, #tpu.memory_space<vmem>> -> memref<1x16x1024xf32, #tpu.memory_space<vmem>>
        %get3A_743 = tpu.memref_squeeze %get3A_742 : memref<1x16x1024xf32, #tpu.memory_space<vmem>> -> memref<16x1024xf32, #tpu.memory_space<vmem>>
        %get3A_744 = arith.index_cast %scan3A_208 : i32 to index
        %get3A_745 = arith.constant 848 : index
        %get3A_746 = tpu.vector_load %get3A_743[%get3A_744, %get3A_745] {strides = array<i32>} : memref<16x1024xf32, #tpu.memory_space<vmem>>, vector<16xf32>,
        %add3A_747 = arith.addf %add3A_707, %get3A_746 : vector<16xf32>
        %mul3A_748 = arith.mulf %get3A_746, %get3A_746 : vector<16xf32>
        %add3A_749 = arith.addf %add3A_709, %mul3A_748 : vector<16xf32>
        %get3A_750 = arith.constant 0 : i32
        %get3A_751 = arith.constant 0 : i32
        %get3A_752 = tpu.memref_slice %arg10[%scan3A_174, %get3A_750, %get3A_751] : memref<2x16x1024xf32, #tpu.memory_space<vmem>> -> memref<1x16x1024xf32, #tpu.memory_space<vmem>>
        %get3A_753 = tpu.memref_squeeze %get3A_752 : memref<1x16x1024xf32, #tpu.memory_space<vmem>> -> memref<16x1024xf32, #tpu.memory_space<vmem>>
        %get3A_754 = arith.index_cast %scan3A_208 : i32 to index
        %get3A_755 = arith.constant 864 : index
        %get3A_756 = tpu.vector_load %get3A_753[%get3A_754, %get3A_755] {strides = array<i32>} : memref<16x1024xf32, #tpu.memory_space<vmem>>, vector<16xf32>,
        %add3A_757 = arith.addf %add3A_717, %get3A_756 : vector<16xf32>
        %mul3A_758 = arith.mulf %get3A_756, %get3A_756 : vector<16xf32>
        %add3A_759 = arith.addf %add3A_719, %mul3A_758 : vector<16xf32>
        %get3A_760 = arith.constant 0 : i32
        %get3A_761 = arith.constant 0 : i32
        %get3A_762 = tpu.memref_slice %arg10[%scan3A_174, %get3A_760, %get3A_761] : memref<2x16x1024xf32, #tpu.memory_space<vmem>> -> memref<1x16x1024xf32, #tpu.memory_space<vmem>>
        %get3A_763 = tpu.memref_squeeze %get3A_762 : memref<1x16x1024xf32, #tpu.memory_space<vmem>> -> memref<16x1024xf32, #tpu.memory_space<vmem>>
        %get3A_764 = arith.index_cast %scan3A_208 : i32 to index
        %get3A_765 = arith.constant 880 : index
        %get3A_766 = tpu.vector_load %get3A_763[%get3A_764, %get3A_765] {strides = array<i32>} : memref<16x1024xf32, #tpu.memory_space<vmem>>, vector<16xf32>,
        %add3A_767 = arith.addf %add3A_727, %get3A_766 : vector<16xf32>
        %mul3A_768 = arith.mulf %get3A_766, %get3A_766 : vector<16xf32>
        %add3A_769 = arith.addf %add3A_729, %mul3A_768 : vector<16xf32>
        %get3A_770 = arith.constant 0 : i32
        %get3A_771 = arith.constant 0 : i32
        %get3A_772 = tpu.memref_slice %arg10[%scan3A_174, %get3A_770, %get3A_771] : memref<2x16x1024xf32, #tpu.memory_space<vmem>> -> memref<1x16x1024xf32, #tpu.memory_space<vmem>>
        %get3A_773 = tpu.memref_squeeze %get3A_772 : memref<1x16x1024xf32, #tpu.memory_space<vmem>> -> memref<16x1024xf32, #tpu.memory_space<vmem>>
        %get3A_774 = arith.index_cast %scan3A_208 : i32 to index
        %get3A_775 = arith.constant 896 : index
        %get3A_776 = tpu.vector_load %get3A_773[%get3A_774, %get3A_775] {strides = array<i32>} : memref<16x1024xf32, #tpu.memory_space<vmem>>, vector<16xf32>,
        %add3A_777 = arith.addf %add3A_737, %get3A_776 : vector<16xf32>
        %mul3A_778 = arith.mulf %get3A_776, %get3A_776 : vector<16xf32>
        %add3A_779 = arith.addf %add3A_739, %mul3A_778 : vector<16xf32>
        %get3A_780 = arith.constant 0 : i32
        %get3A_781 = arith.constant 0 : i32
        %get3A_782 = tpu.memref_slice %arg10[%scan3A_174, %get3A_780, %get3A_781] : memref<2x16x1024xf32, #tpu.memory_space<vmem>> -> memref<1x16x1024xf32, #tpu.memory_space<vmem>>
        %get3A_783 = tpu.memref_squeeze %get3A_782 : memref<1x16x1024xf32, #tpu.memory_space<vmem>> -> memref<16x1024xf32, #tpu.memory_space<vmem>>
        %get3A_784 = arith.index_cast %scan3A_208 : i32 to index
        %get3A_785 = arith.constant 912 : index
        %get3A_786 = tpu.vector_load %get3A_783[%get3A_784, %get3A_785] {strides = array<i32>} : memref<16x1024xf32, #tpu.memory_space<vmem>>, vector<16xf32>,
        %add3A_787 = arith.addf %add3A_747, %get3A_786 : vector<16xf32>
        %mul3A_788 = arith.mulf %get3A_786, %get3A_786 : vector<16xf32>
        %add3A_789 = arith.addf %add3A_749, %mul3A_788 : vector<16xf32>
        %get3A_790 = arith.constant 0 : i32
        %get3A_791 = arith.constant 0 : i32
        %get3A_792 = tpu.memref_slice %arg10[%scan3A_174, %get3A_790, %get3A_791] : memref<2x16x1024xf32, #tpu.memory_space<vmem>> -> memref<1x16x1024xf32, #tpu.memory_space<vmem>>
        %get3A_793 = tpu.memref_squeeze %get3A_792 : memref<1x16x1024xf32, #tpu.memory_space<vmem>> -> memref<16x1024xf32, #tpu.memory_space<vmem>>
        %get3A_794 = arith.index_cast %scan3A_208 : i32 to index
        %get3A_795 = arith.constant 928 : index
        %get3A_796 = tpu.vector_load %get3A_793[%get3A_794, %get3A_795] {strides = array<i32>} : memref<16x1024xf32, #tpu.memory_space<vmem>>, vector<16xf32>,
        %add3A_797 = arith.addf %add3A_757, %get3A_796 : vector<16xf32>
        %mul3A_798 = arith.mulf %get3A_796, %get3A_796 : vector<16xf32>
        %add3A_799 = arith.addf %add3A_759, %mul3A_798 : vector<16xf32>
        %get3A_800 = arith.constant 0 : i32
        %get3A_801 = arith.constant 0 : i32
        %get3A_802 = tpu.memref_slice %arg10[%scan3A_174, %get3A_800, %get3A_801] : memref<2x16x1024xf32, #tpu.memory_space<vmem>> -> memref<1x16x1024xf32, #tpu.memory_space<vmem>>
        %get3A_803 = tpu.memref_squeeze %get3A_802 : memref<1x16x1024xf32, #tpu.memory_space<vmem>> -> memref<16x1024xf32, #tpu.memory_space<vmem>>
        %get3A_804 = arith.index_cast %scan3A_208 : i32 to index
        %get3A_805 = arith.constant 944 : index
        %get3A_806 = tpu.vector_load %get3A_803[%get3A_804, %get3A_805] {strides = array<i32>} : memref<16x1024xf32, #tpu.memory_space<vmem>>, vector<16xf32>,
        %add3A_807 = arith.addf %add3A_767, %get3A_806 : vector<16xf32>
        %mul3A_808 = arith.mulf %get3A_806, %get3A_806 : vector<16xf32>
        %add3A_809 = arith.addf %add3A_769, %mul3A_808 : vector<16xf32>
        %get3A_810 = arith.constant 0 : i32
        %get3A_811 = arith.constant 0 : i32
        %get3A_812 = tpu.memref_slice %arg10[%scan3A_174, %get3A_810, %get3A_811] : memref<2x16x1024xf32, #tpu.memory_space<vmem>> -> memref<1x16x1024xf32, #tpu.memory_space<vmem>>
        %get3A_813 = tpu.memref_squeeze %get3A_812 : memref<1x16x1024xf32, #tpu.memory_space<vmem>> -> memref<16x1024xf32, #tpu.memory_space<vmem>>
        %get3A_814 = arith.index_cast %scan3A_208 : i32 to index
        %get3A_815 = arith.constant 960 : index
        %get3A_816 = tpu.vector_load %get3A_813[%get3A_814, %get3A_815] {strides = array<i32>} : memref<16x1024xf32, #tpu.memory_space<vmem>>, vector<16xf32>,
        %add3A_817 = arith.addf %add3A_777, %get3A_816 : vector<16xf32>
        %mul3A_818 = arith.mulf %get3A_816, %get3A_816 : vector<16xf32>
        %add3A_819 = arith.addf %add3A_779, %mul3A_818 : vector<16xf32>
        %get3A_820 = arith.constant 0 : i32
        %get3A_821 = arith.constant 0 : i32
        %get3A_822 = tpu.memref_slice %arg10[%scan3A_174, %get3A_820, %get3A_821] : memref<2x16x1024xf32, #tpu.memory_space<vmem>> -> memref<1x16x1024xf32, #tpu.memory_space<vmem>>
        %get3A_823 = tpu.memref_squeeze %get3A_822 : memref<1x16x1024xf32, #tpu.memory_space<vmem>> -> memref<16x1024xf32, #tpu.memory_space<vmem>>
        %get3A_824 = arith.index_cast %scan3A_208 : i32 to index
        %get3A_825 = arith.constant 976 : index
        %get3A_826 = tpu.vector_load %get3A_823[%get3A_824, %get3A_825] {strides = array<i32>} : memref<16x1024xf32, #tpu.memory_space<vmem>>, vector<16xf32>,
        %add3A_827 = arith.addf %add3A_787, %get3A_826 : vector<16xf32>
        %mul3A_828 = arith.mulf %get3A_826, %get3A_826 : vector<16xf32>
        %add3A_829 = arith.addf %add3A_789, %mul3A_828 : vector<16xf32>
        %get3A_830 = arith.constant 0 : i32
        %get3A_831 = arith.constant 0 : i32
        %get3A_832 = tpu.memref_slice %arg10[%scan3A_174, %get3A_830, %get3A_831] : memref<2x16x1024xf32, #tpu.memory_space<vmem>> -> memref<1x16x1024xf32, #tpu.memory_space<vmem>>
        %get3A_833 = tpu.memref_squeeze %get3A_832 : memref<1x16x1024xf32, #tpu.memory_space<vmem>> -> memref<16x1024xf32, #tpu.memory_space<vmem>>
        %get3A_834 = arith.index_cast %scan3A_208 : i32 to index
        %get3A_835 = arith.constant 992 : index
        %get3A_836 = tpu.vector_load %get3A_833[%get3A_834, %get3A_835] {strides = array<i32>} : memref<16x1024xf32, #tpu.memory_space<vmem>>, vector<16xf32>,
        %add3A_837 = arith.addf %add3A_797, %get3A_836 : vector<16xf32>
        %mul3A_838 = arith.mulf %get3A_836, %get3A_836 : vector<16xf32>
        %add3A_839 = arith.addf %add3A_799, %mul3A_838 : vector<16xf32>
        %get3A_840 = arith.constant 0 : i32
        %get3A_841 = arith.constant 0 : i32
        %get3A_842 = tpu.memref_slice %arg10[%scan3A_174, %get3A_840, %get3A_841] : memref<2x16x1024xf32, #tpu.memory_space<vmem>> -> memref<1x16x1024xf32, #tpu.memory_space<vmem>>
        %get3A_843 = tpu.memref_squeeze %get3A_842 : memref<1x16x1024xf32, #tpu.memory_space<vmem>> -> memref<16x1024xf32, #tpu.memory_space<vmem>>
        %get3A_844 = arith.index_cast %scan3A_208 : i32 to index
        %get3A_845 = arith.constant 1008 : index
        %get3A_846 = tpu.vector_load %get3A_843[%get3A_844, %get3A_845] {strides = array<i32>} : memref<16x1024xf32, #tpu.memory_space<vmem>>, vector<16xf32>,
        %add3A_847 = arith.addf %add3A_807, %get3A_846 : vector<16xf32>
        %mul3A_848 = arith.mulf %get3A_846, %get3A_846 : vector<16xf32>
        %add3A_849 = arith.addf %add3A_809, %mul3A_848 : vector<16xf32>
        %add3A_850 = arith.addf %add3A_817, %add3A_827 : vector<16xf32>
        %add3A_851 = arith.addf %add3A_837, %add3A_847 : vector<16xf32>
        %add3A_852 = arith.addf %add3A_850, %add3A_851 : vector<16xf32>
        %add3A_853 = arith.addf %add3A_819, %add3A_829 : vector<16xf32>
        %add3A_854 = arith.addf %add3A_839, %add3A_849 : vector<16xf32>
        %add3A_855 = arith.addf %add3A_853, %add3A_854 : vector<16xf32>
        %reduce_sum3A = arith.constant true
        %reduce_sum3A_856 = vector.broadcast %reduce_sum3A : i1 to vector<16xi1>
        %reduce_sum3A_857 = tpu.scan <sum>, %add3A_852 masked %reduce_sum3A_856 : vector<16xf32>, vector<16xi1> -> vector<16xf32>
        %reduce_sum3A_858 = vector.extract %reduce_sum3A_857[15] : f32 from vector<16xf32>
        %mul3A_859 = arith.constant 9.765625E-4 : f32
        %mul3A_860 = arith.mulf %reduce_sum3A_858, %mul3A_859 : f32
        %reduce_sum3A_861 = arith.constant true
        %reduce_sum3A_862 = vector.broadcast %reduce_sum3A_861 : i1 to vector<16xi1>
        %reduce_sum3A_863 = tpu.scan <sum>, %add3A_855 masked %reduce_sum3A_862 : vector<16xf32>, vector<16xi1> -> vector<16xf32>
        %reduce_sum3A_864 = vector.extract %reduce_sum3A_863[15] : f32 from vector<16xf32>
        %mul3A_865 = arith.constant 9.765625E-4 : f32
        %mul3A_866 = arith.mulf %reduce_sum3A_864, %mul3A_865 : f32
        %mul3A_867 = arith.mulf %mul3A_860, %mul3A_860 : f32
        %sub3A = arith.subf %mul3A_866, %mul3A_867 : f32
        %swap3A = arith.index_cast %scan3A_208 : i32 to index
        %swap3A_868 = memref.load %arg13[%swap3A] : memref<16xf32, #tpu.memory_space<smem>>
        memref.store %mul3A_860, %arg13[%swap3A] : memref<16xf32, #tpu.memory_space<smem>>
        %add3A_869 = arith.constant 9.99999974E-6 : f32
        %add3A_870 = arith.addf %sub3A, %add3A_869 : f32
        %bitcast_convert_type3A = arith.bitcast %add3A_870 : f32 to i32
        %shift_right_logical3A = arith.constant 1 : i32
        %shift_right_logical3A_871 = arith.shrui %bitcast_convert_type3A, %shift_right_logical3A : i32
        %sub3A_872 = arith.constant 1597463007 : i32
        %sub3A_873 = arith.subi %sub3A_872, %shift_right_logical3A_871 : i32
        %bitcast_convert_type3A_874 = arith.bitcast %sub3A_873 : i32 to f32
        %mul3A_875 = arith.constant 5.000000e-01 : f32
        %mul3A_876 = arith.mulf %mul3A_875, %add3A_870 : f32
        %mul3A_877 = arith.mulf %mul3A_876, %bitcast_convert_type3A_874 : f32
        %mul3A_878 = arith.mulf %mul3A_877, %bitcast_convert_type3A_874 : f32
        %sub3A_879 = arith.constant 1.500000e+00 : f32
        %sub3A_880 = arith.subf %sub3A_879, %mul3A_878 : f32
        %mul3A_881 = arith.mulf %bitcast_convert_type3A_874, %sub3A_880 : f32
        %mul3A_882 = arith.constant 5.000000e-01 : f32
        %mul3A_883 = arith.mulf %mul3A_882, %add3A_870 : f32
        %mul3A_884 = arith.mulf %mul3A_883, %mul3A_881 : f32
        %mul3A_885 = arith.mulf %mul3A_884, %mul3A_881 : f32
        %sub3A_886 = arith.constant 1.500000e+00 : f32
        %sub3A_887 = arith.subf %sub3A_886, %mul3A_885 : f32
        %mul3A_888 = arith.mulf %mul3A_881, %sub3A_887 : f32
        %mul3A_889 = arith.constant 5.000000e-01 : f32
        %mul3A_890 = arith.mulf %mul3A_889, %add3A_870 : f32
        %mul3A_891 = arith.mulf %mul3A_890, %mul3A_888 : f32
        %mul3A_892 = arith.mulf %mul3A_891, %mul3A_888 : f32
        %sub3A_893 = arith.constant 1.500000e+00 : f32
        %sub3A_894 = arith.subf %sub3A_893, %mul3A_892 : f32
        %mul3A_895 = arith.mulf %mul3A_888, %sub3A_894 : f32
        %swap3A_896 = arith.index_cast %scan3A_208 : i32 to index
        %swap3A_897 = memref.load %arg14[%swap3A_896] : memref<16xf32, #tpu.memory_space<smem>>
        memref.store %mul3A_895, %arg14[%swap3A_896] : memref<16xf32, #tpu.memory_space<smem>>
        %scan3A_898 = arith.constant 0 : i32
        scf.yield %scan3A_898 : i32
      }
      %scan3A_181 = arith.constant 16 : i32
      %scan3A_182 = arith.constant 1 : i32
      %scan3A_183 = arith.constant 1 : i32
      %scan3A_184 = arith.constant 0 : i32
      %scan3A_185 = arith.constant 0 : i32
      %scan3A_186 = arith.constant 64 : i32
      %scan3A_187 = arith.addi %scan3A_185, %scan3A_186 : i32
      %scan3A_188 = arith.constant 1 : i32
      %scan3A_189 = scf.for %scan3A_208 = %scan3A_185 to %scan3A_187 step %scan3A_188 iter_args(%scan3A_209 = %scan3A_184) -> (i32)  : i32 {
        %mul3A_210 = arith.constant 16 : i32
        %mul3A_211 = arith.muli %scan3A_208, %mul3A_210 : i32
        %get3A = arith.index_cast %mul3A_211 : i32 to index
        %get3A_212 = tpu.vector_load %arg11[%get3A] {strides = array<i32>} : memref<1024xf32, #tpu.memory_space<vmem>>, vector<16xf32>,
        %get3A_213 = arith.index_cast %mul3A_211 : i32 to index
        %get3A_214 = tpu.vector_load %arg12[%get3A_213] {strides = array<i32>} : memref<1024xf32, #tpu.memory_space<vmem>>, vector<16xf32>,
        %get3A_215 = arith.constant 0 : i32
        %get3A_216 = arith.index_cast %get3A_215 : i32 to index
        %get3A_217 = memref.load %arg13[%get3A_216] : memref<16xf32, #tpu.memory_space<smem>>
        %broadcast_in_dim3A = vector.broadcast %get3A_217 : f32 to vector<16xf32>
        %get3A_218 = arith.constant 0 : i32
        %get3A_219 = arith.index_cast %get3A_218 : i32 to index
        %get3A_220 = memref.load %arg14[%get3A_219] : memref<16xf32, #tpu.memory_space<smem>>
        %broadcast_in_dim3A_221 = vector.broadcast %get3A_220 : f32 to vector<16xf32>
        %get3A_222 = arith.constant 0 : i32
        %get3A_223 = arith.constant 0 : i32
        %get3A_224 = arith.constant 0 : i32
        %get3A_225 = tpu.memref_slice %arg10[%scan3A_182, %get3A_223, %get3A_224] : memref<2x16x1024xf32, #tpu.memory_space<vmem>> -> memref<1x16x1024xf32, #tpu.memory_space<vmem>>
        %get3A_226 = tpu.memref_squeeze %get3A_225 : memref<1x16x1024xf32, #tpu.memory_space<vmem>> -> memref<16x1024xf32, #tpu.memory_space<vmem>>
        %get3A_227 = arith.index_cast %get3A_222 : i32 to index
        %get3A_228 = arith.index_cast %mul3A_211 : i32 to index
        %get3A_229 = tpu.vector_load %get3A_226[%get3A_227, %get3A_228] {strides = array<i32>} : memref<16x1024xf32, #tpu.memory_space<vmem>>, vector<16xf32>,
        %get3A_230 = arith.constant 0 : i32
        %get3A_231 = arith.constant 0 : i32
        %get3A_232 = arith.constant 0 : i32
        %get3A_233 = tpu.memref_slice %arg9[%scan3A_183, %get3A_231, %get3A_232] : memref<2x16x1024xf32, #tpu.memory_space<vmem>> -> memref<1x16x1024xf32, #tpu.memory_space<vmem>>
        %get3A_234 = tpu.memref_squeeze %get3A_233 : memref<1x16x1024xf32, #tpu.memory_space<vmem>> -> memref<16x1024xf32, #tpu.memory_space<vmem>>
        %get3A_235 = arith.index_cast %get3A_230 : i32 to index
        %get3A_236 = arith.index_cast %mul3A_211 : i32 to index
        %get3A_237 = tpu.vector_load %get3A_234[%get3A_235, %get3A_236] {strides = array<i32>} : memref<16x1024xf32, #tpu.memory_space<vmem>>, vector<16xf32>,
        %sub3A = arith.subf %get3A_229, %broadcast_in_dim3A : vector<16xf32>
        %mul3A_238 = arith.mulf %sub3A, %broadcast_in_dim3A_221 : vector<16xf32>
        %mul3A_239 = arith.mulf %mul3A_238, %get3A_212 : vector<16xf32>
        %mul3A_240 = arith.constant 3.200000e+01 : f32
        %mul3A_241 = vector.broadcast %mul3A_240 : f32 to vector<16xf32>
        %mul3A_242 = arith.mulf %get3A_237, %mul3A_241 : vector<16xf32>
        %add3A_243 = arith.addf %get3A_214, %mul3A_242 : vector<16xf32>
        %add3A_244 = arith.addf %mul3A_239, %add3A_243 : vector<16xf32>
        %swap3A = arith.constant 0 : i32
        %swap3A_245 = arith.constant 0 : i32
        %swap3A_246 = arith.constant 0 : i32
        %swap3A_247 = tpu.memref_slice %arg10[%scan3A_182, %swap3A_245, %swap3A_246] : memref<2x16x1024xf32, #tpu.memory_space<vmem>> -> memref<1x16x1024xf32, #tpu.memory_space<vmem>>
        %swap3A_248 = tpu.memref_squeeze %swap3A_247 : memref<1x16x1024xf32, #tpu.memory_space<vmem>> -> memref<16x1024xf32, #tpu.memory_space<vmem>>
        %swap3A_249 = arith.index_cast %swap3A : i32 to index
        %swap3A_250 = arith.index_cast %mul3A_211 : i32 to index
        %swap3A_251 = tpu.vector_load %swap3A_248[%swap3A_249, %swap3A_250] {strides = array<i32>} : memref<16x1024xf32, #tpu.memory_space<vmem>>, vector<16xf32>,
        tpu.vector_store %swap3A_248[%swap3A_249, %swap3A_250], %add3A_244 {strides = array<i32>} : memref<16x1024xf32, #tpu.memory_space<vmem>>, vector<16xf32>,
        %get3A_252 = arith.constant 1 : i32
        %get3A_253 = arith.index_cast %get3A_252 : i32 to index
        %get3A_254 = memref.load %arg13[%get3A_253] : memref<16xf32, #tpu.memory_space<smem>>
        %broadcast_in_dim3A_255 = vector.broadcast %get3A_254 : f32 to vector<16xf32>
        %get3A_256 = arith.constant 1 : i32
        %get3A_257 = arith.index_cast %get3A_256 : i32 to index
        %get3A_258 = memref.load %arg14[%get3A_257] : memref<16xf32, #tpu.memory_space<smem>>
        %broadcast_in_dim3A_259 = vector.broadcast %get3A_258 : f32 to vector<16xf32>
        %get3A_260 = arith.constant 1 : i32
        %get3A_261 = arith.constant 0 : i32
        %get3A_262 = arith.constant 0 : i32
        %get3A_263 = tpu.memref_slice %arg10[%scan3A_182, %get3A_261, %get3A_262] : memref<2x16x1024xf32, #tpu.memory_space<vmem>> -> memref<1x16x1024xf32, #tpu.memory_space<vmem>>
        %get3A_264 = tpu.memref_squeeze %get3A_263 : memref<1x16x1024xf32, #tpu.memory_space<vmem>> -> memref<16x1024xf32, #tpu.memory_space<vmem>>
        %get3A_265 = arith.index_cast %get3A_260 : i32 to index
        %get3A_266 = arith.index_cast %mul3A_211 : i32 to index
        %get3A_267 = tpu.vector_load %get3A_264[%get3A_265, %get3A_266] {strides = array<i32>} : memref<16x1024xf32, #tpu.memory_space<vmem>>, vector<16xf32>,
        %get3A_268 = arith.constant 1 : i32
        %get3A_269 = arith.constant 0 : i32
        %get3A_270 = arith.constant 0 : i32
        %get3A_271 = tpu.memref_slice %arg9[%scan3A_183, %get3A_269, %get3A_270] : memref<2x16x1024xf32, #tpu.memory_space<vmem>> -> memref<1x16x1024xf32, #tpu.memory_space<vmem>>
        %get3A_272 = tpu.memref_squeeze %get3A_271 : memref<1x16x1024xf32, #tpu.memory_space<vmem>> -> memref<16x1024xf32, #tpu.memory_space<vmem>>
        %get3A_273 = arith.index_cast %get3A_268 : i32 to index
        %get3A_274 = arith.index_cast %mul3A_211 : i32 to index
        %get3A_275 = tpu.vector_load %get3A_272[%get3A_273, %get3A_274] {strides = array<i32>} : memref<16x1024xf32, #tpu.memory_space<vmem>>, vector<16xf32>,
        %sub3A_276 = arith.subf %get3A_267, %broadcast_in_dim3A_255 : vector<16xf32>
        %mul3A_277 = arith.mulf %sub3A_276, %broadcast_in_dim3A_259 : vector<16xf32>
        %mul3A_278 = arith.mulf %mul3A_277, %get3A_212 : vector<16xf32>
        %mul3A_279 = arith.constant 3.200000e+01 : f32
        %mul3A_280 = vector.broadcast %mul3A_279 : f32 to vector<16xf32>
        %mul3A_281 = arith.mulf %get3A_275, %mul3A_280 : vector<16xf32>
        %add3A_282 = arith.addf %get3A_214, %mul3A_281 : vector<16xf32>
        %add3A_283 = arith.addf %mul3A_278, %add3A_282 : vector<16xf32>
        %swap3A_284 = arith.constant 1 : i32
        %swap3A_285 = arith.constant 0 : i32
        %swap3A_286 = arith.constant 0 : i32
        %swap3A_287 = tpu.memref_slice %arg10[%scan3A_182, %swap3A_285, %swap3A_286] : memref<2x16x1024xf32, #tpu.memory_space<vmem>> -> memref<1x16x1024xf32, #tpu.memory_space<vmem>>
        %swap3A_288 = tpu.memref_squeeze %swap3A_287 : memref<1x16x1024xf32, #tpu.memory_space<vmem>> -> memref<16x1024xf32, #tpu.memory_space<vmem>>
        %swap3A_289 = arith.index_cast %swap3A_284 : i32 to index
        %swap3A_290 = arith.index_cast %mul3A_211 : i32 to index
        %swap3A_291 = tpu.vector_load %swap3A_288[%swap3A_289, %swap3A_290] {strides = array<i32>} : memref<16x1024xf32, #tpu.memory_space<vmem>>, vector<16xf32>,
        tpu.vector_store %swap3A_288[%swap3A_289, %swap3A_290], %add3A_283 {strides = array<i32>} : memref<16x1024xf32, #tpu.memory_space<vmem>>, vector<16xf32>,
        %get3A_292 = arith.constant 2 : i32
        %get3A_293 = arith.index_cast %get3A_292 : i32 to index
        %get3A_294 = memref.load %arg13[%get3A_293] : memref<16xf32, #tpu.memory_space<smem>>
        %broadcast_in_dim3A_295 = vector.broadcast %get3A_294 : f32 to vector<16xf32>
        %get3A_296 = arith.constant 2 : i32
        %get3A_297 = arith.index_cast %get3A_296 : i32 to index
        %get3A_298 = memref.load %arg14[%get3A_297] : memref<16xf32, #tpu.memory_space<smem>>
        %broadcast_in_dim3A_299 = vector.broadcast %get3A_298 : f32 to vector<16xf32>
        %get3A_300 = arith.constant 2 : i32
        %get3A_301 = arith.constant 0 : i32
        %get3A_302 = arith.constant 0 : i32
        %get3A_303 = tpu.memref_slice %arg10[%scan3A_182, %get3A_301, %get3A_302] : memref<2x16x1024xf32, #tpu.memory_space<vmem>> -> memref<1x16x1024xf32, #tpu.memory_space<vmem>>
        %get3A_304 = tpu.memref_squeeze %get3A_303 : memref<1x16x1024xf32, #tpu.memory_space<vmem>> -> memref<16x1024xf32, #tpu.memory_space<vmem>>
        %get3A_305 = arith.index_cast %get3A_300 : i32 to index
        %get3A_306 = arith.index_cast %mul3A_211 : i32 to index
        %get3A_307 = tpu.vector_load %get3A_304[%get3A_305, %get3A_306] {strides = array<i32>} : memref<16x1024xf32, #tpu.memory_space<vmem>>, vector<16xf32>,
        %get3A_308 = arith.constant 2 : i32
        %get3A_309 = arith.constant 0 : i32
        %get3A_310 = arith.constant 0 : i32
        %get3A_311 = tpu.memref_slice %arg9[%scan3A_183, %get3A_309, %get3A_310] : memref<2x16x1024xf32, #tpu.memory_space<vmem>> -> memref<1x16x1024xf32, #tpu.memory_space<vmem>>
        %get3A_312 = tpu.memref_squeeze %get3A_311 : memref<1x16x1024xf32, #tpu.memory_space<vmem>> -> memref<16x1024xf32, #tpu.memory_space<vmem>>
        %get3A_313 = arith.index_cast %get3A_308 : i32 to index
        %get3A_314 = arith.index_cast %mul3A_211 : i32 to index
        %get3A_315 = tpu.vector_load %get3A_312[%get3A_313, %get3A_314] {strides = array<i32>} : memref<16x1024xf32, #tpu.memory_space<vmem>>, vector<16xf32>,
        %sub3A_316 = arith.subf %get3A_307, %broadcast_in_dim3A_295 : vector<16xf32>
        %mul3A_317 = arith.mulf %sub3A_316, %broadcast_in_dim3A_299 : vector<16xf32>
        %mul3A_318 = arith.mulf %mul3A_317, %get3A_212 : vector<16xf32>
        %mul3A_319 = arith.constant 3.200000e+01 : f32
        %mul3A_320 = vector.broadcast %mul3A_319 : f32 to vector<16xf32>
        %mul3A_321 = arith.mulf %get3A_315, %mul3A_320 : vector<16xf32>
        %add3A_322 = arith.addf %get3A_214, %mul3A_321 : vector<16xf32>
        %add3A_323 = arith.addf %mul3A_318, %add3A_322 : vector<16xf32>
        %swap3A_324 = arith.constant 2 : i32
        %swap3A_325 = arith.constant 0 : i32
        %swap3A_326 = arith.constant 0 : i32
        %swap3A_327 = tpu.memref_slice %arg10[%scan3A_182, %swap3A_325, %swap3A_326] : memref<2x16x1024xf32, #tpu.memory_space<vmem>> -> memref<1x16x1024xf32, #tpu.memory_space<vmem>>
        %swap3A_328 = tpu.memref_squeeze %swap3A_327 : memref<1x16x1024xf32, #tpu.memory_space<vmem>> -> memref<16x1024xf32, #tpu.memory_space<vmem>>
        %swap3A_329 = arith.index_cast %swap3A_324 : i32 to index
        %swap3A_330 = arith.index_cast %mul3A_211 : i32 to index
        %swap3A_331 = tpu.vector_load %swap3A_328[%swap3A_329, %swap3A_330] {strides = array<i32>} : memref<16x1024xf32, #tpu.memory_space<vmem>>, vector<16xf32>,
        tpu.vector_store %swap3A_328[%swap3A_329, %swap3A_330], %add3A_323 {strides = array<i32>} : memref<16x1024xf32, #tpu.memory_space<vmem>>, vector<16xf32>,
        %get3A_332 = arith.constant 3 : i32
        %get3A_333 = arith.index_cast %get3A_332 : i32 to index
        %get3A_334 = memref.load %arg13[%get3A_333] : memref<16xf32, #tpu.memory_space<smem>>
        %broadcast_in_dim3A_335 = vector.broadcast %get3A_334 : f32 to vector<16xf32>
        %get3A_336 = arith.constant 3 : i32
        %get3A_337 = arith.index_cast %get3A_336 : i32 to index
        %get3A_338 = memref.load %arg14[%get3A_337] : memref<16xf32, #tpu.memory_space<smem>>
        %broadcast_in_dim3A_339 = vector.broadcast %get3A_338 : f32 to vector<16xf32>
        %get3A_340 = arith.constant 3 : i32
        %get3A_341 = arith.constant 0 : i32
        %get3A_342 = arith.constant 0 : i32
        %get3A_343 = tpu.memref_slice %arg10[%scan3A_182, %get3A_341, %get3A_342] : memref<2x16x1024xf32, #tpu.memory_space<vmem>> -> memref<1x16x1024xf32, #tpu.memory_space<vmem>>
        %get3A_344 = tpu.memref_squeeze %get3A_343 : memref<1x16x1024xf32, #tpu.memory_space<vmem>> -> memref<16x1024xf32, #tpu.memory_space<vmem>>
        %get3A_345 = arith.index_cast %get3A_340 : i32 to index
        %get3A_346 = arith.index_cast %mul3A_211 : i32 to index
        %get3A_347 = tpu.vector_load %get3A_344[%get3A_345, %get3A_346] {strides = array<i32>} : memref<16x1024xf32, #tpu.memory_space<vmem>>, vector<16xf32>,
        %get3A_348 = arith.constant 3 : i32
        %get3A_349 = arith.constant 0 : i32
        %get3A_350 = arith.constant 0 : i32
        %get3A_351 = tpu.memref_slice %arg9[%scan3A_183, %get3A_349, %get3A_350] : memref<2x16x1024xf32, #tpu.memory_space<vmem>> -> memref<1x16x1024xf32, #tpu.memory_space<vmem>>
        %get3A_352 = tpu.memref_squeeze %get3A_351 : memref<1x16x1024xf32, #tpu.memory_space<vmem>> -> memref<16x1024xf32, #tpu.memory_space<vmem>>
        %get3A_353 = arith.index_cast %get3A_348 : i32 to index
        %get3A_354 = arith.index_cast %mul3A_211 : i32 to index
        %get3A_355 = tpu.vector_load %get3A_352[%get3A_353, %get3A_354] {strides = array<i32>} : memref<16x1024xf32, #tpu.memory_space<vmem>>, vector<16xf32>,
        %sub3A_356 = arith.subf %get3A_347, %broadcast_in_dim3A_335 : vector<16xf32>
        %mul3A_357 = arith.mulf %sub3A_356, %broadcast_in_dim3A_339 : vector<16xf32>
        %mul3A_358 = arith.mulf %mul3A_357, %get3A_212 : vector<16xf32>
        %mul3A_359 = arith.constant 3.200000e+01 : f32
        %mul3A_360 = vector.broadcast %mul3A_359 : f32 to vector<16xf32>
        %mul3A_361 = arith.mulf %get3A_355, %mul3A_360 : vector<16xf32>
        %add3A_362 = arith.addf %get3A_214, %mul3A_361 : vector<16xf32>
        %add3A_363 = arith.addf %mul3A_358, %add3A_362 : vector<16xf32>
        %swap3A_364 = arith.constant 3 : i32
        %swap3A_365 = arith.constant 0 : i32
        %swap3A_366 = arith.constant 0 : i32
        %swap3A_367 = tpu.memref_slice %arg10[%scan3A_182, %swap3A_365, %swap3A_366] : memref<2x16x1024xf32, #tpu.memory_space<vmem>> -> memref<1x16x1024xf32, #tpu.memory_space<vmem>>
        %swap3A_368 = tpu.memref_squeeze %swap3A_367 : memref<1x16x1024xf32, #tpu.memory_space<vmem>> -> memref<16x1024xf32, #tpu.memory_space<vmem>>
        %swap3A_369 = arith.index_cast %swap3A_364 : i32 to index
        %swap3A_370 = arith.index_cast %mul3A_211 : i32 to index
        %swap3A_371 = tpu.vector_load %swap3A_368[%swap3A_369, %swap3A_370] {strides = array<i32>} : memref<16x1024xf32, #tpu.memory_space<vmem>>, vector<16xf32>,
        tpu.vector_store %swap3A_368[%swap3A_369, %swap3A_370], %add3A_363 {strides = array<i32>} : memref<16x1024xf32, #tpu.memory_space<vmem>>, vector<16xf32>,
        %get3A_372 = arith.constant 4 : i32
        %get3A_373 = arith.index_cast %get3A_372 : i32 to index
        %get3A_374 = memref.load %arg13[%get3A_373] : memref<16xf32, #tpu.memory_space<smem>>
        %broadcast_in_dim3A_375 = vector.broadcast %get3A_374 : f32 to vector<16xf32>
        %get3A_376 = arith.constant 4 : i32
        %get3A_377 = arith.index_cast %get3A_376 : i32 to index
        %get3A_378 = memref.load %arg14[%get3A_377] : memref<16xf32, #tpu.memory_space<smem>>
        %broadcast_in_dim3A_379 = vector.broadcast %get3A_378 : f32 to vector<16xf32>
        %get3A_380 = arith.constant 4 : i32
        %get3A_381 = arith.constant 0 : i32
        %get3A_382 = arith.constant 0 : i32
        %get3A_383 = tpu.memref_slice %arg10[%scan3A_182, %get3A_381, %get3A_382] : memref<2x16x1024xf32, #tpu.memory_space<vmem>> -> memref<1x16x1024xf32, #tpu.memory_space<vmem>>
        %get3A_384 = tpu.memref_squeeze %get3A_383 : memref<1x16x1024xf32, #tpu.memory_space<vmem>> -> memref<16x1024xf32, #tpu.memory_space<vmem>>
        %get3A_385 = arith.index_cast %get3A_380 : i32 to index
        %get3A_386 = arith.index_cast %mul3A_211 : i32 to index
        %get3A_387 = tpu.vector_load %get3A_384[%get3A_385, %get3A_386] {strides = array<i32>} : memref<16x1024xf32, #tpu.memory_space<vmem>>, vector<16xf32>,
        %get3A_388 = arith.constant 4 : i32
        %get3A_389 = arith.constant 0 : i32
        %get3A_390 = arith.constant 0 : i32
        %get3A_391 = tpu.memref_slice %arg9[%scan3A_183, %get3A_389, %get3A_390] : memref<2x16x1024xf32, #tpu.memory_space<vmem>> -> memref<1x16x1024xf32, #tpu.memory_space<vmem>>
        %get3A_392 = tpu.memref_squeeze %get3A_391 : memref<1x16x1024xf32, #tpu.memory_space<vmem>> -> memref<16x1024xf32, #tpu.memory_space<vmem>>
        %get3A_393 = arith.index_cast %get3A_388 : i32 to index
        %get3A_394 = arith.index_cast %mul3A_211 : i32 to index
        %get3A_395 = tpu.vector_load %get3A_392[%get3A_393, %get3A_394] {strides = array<i32>} : memref<16x1024xf32, #tpu.memory_space<vmem>>, vector<16xf32>,
        %sub3A_396 = arith.subf %get3A_387, %broadcast_in_dim3A_375 : vector<16xf32>
        %mul3A_397 = arith.mulf %sub3A_396, %broadcast_in_dim3A_379 : vector<16xf32>
        %mul3A_398 = arith.mulf %mul3A_397, %get3A_212 : vector<16xf32>
        %mul3A_399 = arith.constant 3.200000e+01 : f32
        %mul3A_400 = vector.broadcast %mul3A_399 : f32 to vector<16xf32>
        %mul3A_401 = arith.mulf %get3A_395, %mul3A_400 : vector<16xf32>
        %add3A_402 = arith.addf %get3A_214, %mul3A_401 : vector<16xf32>
        %add3A_403 = arith.addf %mul3A_398, %add3A_402 : vector<16xf32>
        %swap3A_404 = arith.constant 4 : i32
        %swap3A_405 = arith.constant 0 : i32
        %swap3A_406 = arith.constant 0 : i32
        %swap3A_407 = tpu.memref_slice %arg10[%scan3A_182, %swap3A_405, %swap3A_406] : memref<2x16x1024xf32, #tpu.memory_space<vmem>> -> memref<1x16x1024xf32, #tpu.memory_space<vmem>>
        %swap3A_408 = tpu.memref_squeeze %swap3A_407 : memref<1x16x1024xf32, #tpu.memory_space<vmem>> -> memref<16x1024xf32, #tpu.memory_space<vmem>>
        %swap3A_409 = arith.index_cast %swap3A_404 : i32 to index
        %swap3A_410 = arith.index_cast %mul3A_211 : i32 to index
        %swap3A_411 = tpu.vector_load %swap3A_408[%swap3A_409, %swap3A_410] {strides = array<i32>} : memref<16x1024xf32, #tpu.memory_space<vmem>>, vector<16xf32>,
        tpu.vector_store %swap3A_408[%swap3A_409, %swap3A_410], %add3A_403 {strides = array<i32>} : memref<16x1024xf32, #tpu.memory_space<vmem>>, vector<16xf32>,
        %get3A_412 = arith.constant 5 : i32
        %get3A_413 = arith.index_cast %get3A_412 : i32 to index
        %get3A_414 = memref.load %arg13[%get3A_413] : memref<16xf32, #tpu.memory_space<smem>>
        %broadcast_in_dim3A_415 = vector.broadcast %get3A_414 : f32 to vector<16xf32>
        %get3A_416 = arith.constant 5 : i32
        %get3A_417 = arith.index_cast %get3A_416 : i32 to index
        %get3A_418 = memref.load %arg14[%get3A_417] : memref<16xf32, #tpu.memory_space<smem>>
        %broadcast_in_dim3A_419 = vector.broadcast %get3A_418 : f32 to vector<16xf32>
        %get3A_420 = arith.constant 5 : i32
        %get3A_421 = arith.constant 0 : i32
        %get3A_422 = arith.constant 0 : i32
        %get3A_423 = tpu.memref_slice %arg10[%scan3A_182, %get3A_421, %get3A_422] : memref<2x16x1024xf32, #tpu.memory_space<vmem>> -> memref<1x16x1024xf32, #tpu.memory_space<vmem>>
        %get3A_424 = tpu.memref_squeeze %get3A_423 : memref<1x16x1024xf32, #tpu.memory_space<vmem>> -> memref<16x1024xf32, #tpu.memory_space<vmem>>
        %get3A_425 = arith.index_cast %get3A_420 : i32 to index
        %get3A_426 = arith.index_cast %mul3A_211 : i32 to index
        %get3A_427 = tpu.vector_load %get3A_424[%get3A_425, %get3A_426] {strides = array<i32>} : memref<16x1024xf32, #tpu.memory_space<vmem>>, vector<16xf32>,
        %get3A_428 = arith.constant 5 : i32
        %get3A_429 = arith.constant 0 : i32
        %get3A_430 = arith.constant 0 : i32
        %get3A_431 = tpu.memref_slice %arg9[%scan3A_183, %get3A_429, %get3A_430] : memref<2x16x1024xf32, #tpu.memory_space<vmem>> -> memref<1x16x1024xf32, #tpu.memory_space<vmem>>
        %get3A_432 = tpu.memref_squeeze %get3A_431 : memref<1x16x1024xf32, #tpu.memory_space<vmem>> -> memref<16x1024xf32, #tpu.memory_space<vmem>>
        %get3A_433 = arith.index_cast %get3A_428 : i32 to index
        %get3A_434 = arith.index_cast %mul3A_211 : i32 to index
        %get3A_435 = tpu.vector_load %get3A_432[%get3A_433, %get3A_434] {strides = array<i32>} : memref<16x1024xf32, #tpu.memory_space<vmem>>, vector<16xf32>,
        %sub3A_436 = arith.subf %get3A_427, %broadcast_in_dim3A_415 : vector<16xf32>
        %mul3A_437 = arith.mulf %sub3A_436, %broadcast_in_dim3A_419 : vector<16xf32>
        %mul3A_438 = arith.mulf %mul3A_437, %get3A_212 : vector<16xf32>
        %mul3A_439 = arith.constant 3.200000e+01 : f32
        %mul3A_440 = vector.broadcast %mul3A_439 : f32 to vector<16xf32>
        %mul3A_441 = arith.mulf %get3A_435, %mul3A_440 : vector<16xf32>
        %add3A_442 = arith.addf %get3A_214, %mul3A_441 : vector<16xf32>
        %add3A_443 = arith.addf %mul3A_438, %add3A_442 : vector<16xf32>
        %swap3A_444 = arith.constant 5 : i32
        %swap3A_445 = arith.constant 0 : i32
        %swap3A_446 = arith.constant 0 : i32
        %swap3A_447 = tpu.memref_slice %arg10[%scan3A_182, %swap3A_445, %swap3A_446] : memref<2x16x1024xf32, #tpu.memory_space<vmem>> -> memref<1x16x1024xf32, #tpu.memory_space<vmem>>
        %swap3A_448 = tpu.memref_squeeze %swap3A_447 : memref<1x16x1024xf32, #tpu.memory_space<vmem>> -> memref<16x1024xf32, #tpu.memory_space<vmem>>
        %swap3A_449 = arith.index_cast %swap3A_444 : i32 to index
        %swap3A_450 = arith.index_cast %mul3A_211 : i32 to index
        %swap3A_451 = tpu.vector_load %swap3A_448[%swap3A_449, %swap3A_450] {strides = array<i32>} : memref<16x1024xf32, #tpu.memory_space<vmem>>, vector<16xf32>,
        tpu.vector_store %swap3A_448[%swap3A_449, %swap3A_450], %add3A_443 {strides = array<i32>} : memref<16x1024xf32, #tpu.memory_space<vmem>>, vector<16xf32>,
        %get3A_452 = arith.constant 6 : i32
        %get3A_453 = arith.index_cast %get3A_452 : i32 to index
        %get3A_454 = memref.load %arg13[%get3A_453] : memref<16xf32, #tpu.memory_space<smem>>
        %broadcast_in_dim3A_455 = vector.broadcast %get3A_454 : f32 to vector<16xf32>
        %get3A_456 = arith.constant 6 : i32
        %get3A_457 = arith.index_cast %get3A_456 : i32 to index
        %get3A_458 = memref.load %arg14[%get3A_457] : memref<16xf32, #tpu.memory_space<smem>>
        %broadcast_in_dim3A_459 = vector.broadcast %get3A_458 : f32 to vector<16xf32>
        %get3A_460 = arith.constant 6 : i32
        %get3A_461 = arith.constant 0 : i32
        %get3A_462 = arith.constant 0 : i32
        %get3A_463 = tpu.memref_slice %arg10[%scan3A_182, %get3A_461, %get3A_462] : memref<2x16x1024xf32, #tpu.memory_space<vmem>> -> memref<1x16x1024xf32, #tpu.memory_space<vmem>>
        %get3A_464 = tpu.memref_squeeze %get3A_463 : memref<1x16x1024xf32, #tpu.memory_space<vmem>> -> memref<16x1024xf32, #tpu.memory_space<vmem>>
        %get3A_465 = arith.index_cast %get3A_460 : i32 to index
        %get3A_466 = arith.index_cast %mul3A_211 : i32 to index
        %get3A_467 = tpu.vector_load %get3A_464[%get3A_465, %get3A_466] {strides = array<i32>} : memref<16x1024xf32, #tpu.memory_space<vmem>>, vector<16xf32>,
        %get3A_468 = arith.constant 6 : i32
        %get3A_469 = arith.constant 0 : i32
        %get3A_470 = arith.constant 0 : i32
        %get3A_471 = tpu.memref_slice %arg9[%scan3A_183, %get3A_469, %get3A_470] : memref<2x16x1024xf32, #tpu.memory_space<vmem>> -> memref<1x16x1024xf32, #tpu.memory_space<vmem>>
        %get3A_472 = tpu.memref_squeeze %get3A_471 : memref<1x16x1024xf32, #tpu.memory_space<vmem>> -> memref<16x1024xf32, #tpu.memory_space<vmem>>
        %get3A_473 = arith.index_cast %get3A_468 : i32 to index
        %get3A_474 = arith.index_cast %mul3A_211 : i32 to index
        %get3A_475 = tpu.vector_load %get3A_472[%get3A_473, %get3A_474] {strides = array<i32>} : memref<16x1024xf32, #tpu.memory_space<vmem>>, vector<16xf32>,
        %sub3A_476 = arith.subf %get3A_467, %broadcast_in_dim3A_455 : vector<16xf32>
        %mul3A_477 = arith.mulf %sub3A_476, %broadcast_in_dim3A_459 : vector<16xf32>
        %mul3A_478 = arith.mulf %mul3A_477, %get3A_212 : vector<16xf32>
        %mul3A_479 = arith.constant 3.200000e+01 : f32
        %mul3A_480 = vector.broadcast %mul3A_479 : f32 to vector<16xf32>
        %mul3A_481 = arith.mulf %get3A_475, %mul3A_480 : vector<16xf32>
        %add3A_482 = arith.addf %get3A_214, %mul3A_481 : vector<16xf32>
        %add3A_483 = arith.addf %mul3A_478, %add3A_482 : vector<16xf32>
        %swap3A_484 = arith.constant 6 : i32
        %swap3A_485 = arith.constant 0 : i32
        %swap3A_486 = arith.constant 0 : i32
        %swap3A_487 = tpu.memref_slice %arg10[%scan3A_182, %swap3A_485, %swap3A_486] : memref<2x16x1024xf32, #tpu.memory_space<vmem>> -> memref<1x16x1024xf32, #tpu.memory_space<vmem>>
        %swap3A_488 = tpu.memref_squeeze %swap3A_487 : memref<1x16x1024xf32, #tpu.memory_space<vmem>> -> memref<16x1024xf32, #tpu.memory_space<vmem>>
        %swap3A_489 = arith.index_cast %swap3A_484 : i32 to index
        %swap3A_490 = arith.index_cast %mul3A_211 : i32 to index
        %swap3A_491 = tpu.vector_load %swap3A_488[%swap3A_489, %swap3A_490] {strides = array<i32>} : memref<16x1024xf32, #tpu.memory_space<vmem>>, vector<16xf32>,
        tpu.vector_store %swap3A_488[%swap3A_489, %swap3A_490], %add3A_483 {strides = array<i32>} : memref<16x1024xf32, #tpu.memory_space<vmem>>, vector<16xf32>,
        %get3A_492 = arith.constant 7 : i32
        %get3A_493 = arith.index_cast %get3A_492 : i32 to index
        %get3A_494 = memref.load %arg13[%get3A_493] : memref<16xf32, #tpu.memory_space<smem>>
        %broadcast_in_dim3A_495 = vector.broadcast %get3A_494 : f32 to vector<16xf32>
        %get3A_496 = arith.constant 7 : i32
        %get3A_497 = arith.index_cast %get3A_496 : i32 to index
        %get3A_498 = memref.load %arg14[%get3A_497] : memref<16xf32, #tpu.memory_space<smem>>
        %broadcast_in_dim3A_499 = vector.broadcast %get3A_498 : f32 to vector<16xf32>
        %get3A_500 = arith.constant 7 : i32
        %get3A_501 = arith.constant 0 : i32
        %get3A_502 = arith.constant 0 : i32
        %get3A_503 = tpu.memref_slice %arg10[%scan3A_182, %get3A_501, %get3A_502] : memref<2x16x1024xf32, #tpu.memory_space<vmem>> -> memref<1x16x1024xf32, #tpu.memory_space<vmem>>
        %get3A_504 = tpu.memref_squeeze %get3A_503 : memref<1x16x1024xf32, #tpu.memory_space<vmem>> -> memref<16x1024xf32, #tpu.memory_space<vmem>>
        %get3A_505 = arith.index_cast %get3A_500 : i32 to index
        %get3A_506 = arith.index_cast %mul3A_211 : i32 to index
        %get3A_507 = tpu.vector_load %get3A_504[%get3A_505, %get3A_506] {strides = array<i32>} : memref<16x1024xf32, #tpu.memory_space<vmem>>, vector<16xf32>,
        %get3A_508 = arith.constant 7 : i32
        %get3A_509 = arith.constant 0 : i32
        %get3A_510 = arith.constant 0 : i32
        %get3A_511 = tpu.memref_slice %arg9[%scan3A_183, %get3A_509, %get3A_510] : memref<2x16x1024xf32, #tpu.memory_space<vmem>> -> memref<1x16x1024xf32, #tpu.memory_space<vmem>>
        %get3A_512 = tpu.memref_squeeze %get3A_511 : memref<1x16x1024xf32, #tpu.memory_space<vmem>> -> memref<16x1024xf32, #tpu.memory_space<vmem>>
        %get3A_513 = arith.index_cast %get3A_508 : i32 to index
        %get3A_514 = arith.index_cast %mul3A_211 : i32 to index
        %get3A_515 = tpu.vector_load %get3A_512[%get3A_513, %get3A_514] {strides = array<i32>} : memref<16x1024xf32, #tpu.memory_space<vmem>>, vector<16xf32>,
        %sub3A_516 = arith.subf %get3A_507, %broadcast_in_dim3A_495 : vector<16xf32>
        %mul3A_517 = arith.mulf %sub3A_516, %broadcast_in_dim3A_499 : vector<16xf32>
        %mul3A_518 = arith.mulf %mul3A_517, %get3A_212 : vector<16xf32>
        %mul3A_519 = arith.constant 3.200000e+01 : f32
        %mul3A_520 = vector.broadcast %mul3A_519 : f32 to vector<16xf32>
        %mul3A_521 = arith.mulf %get3A_515, %mul3A_520 : vector<16xf32>
        %add3A_522 = arith.addf %get3A_214, %mul3A_521 : vector<16xf32>
        %add3A_523 = arith.addf %mul3A_518, %add3A_522 : vector<16xf32>
        %swap3A_524 = arith.constant 7 : i32
        %swap3A_525 = arith.constant 0 : i32
        %swap3A_526 = arith.constant 0 : i32
        %swap3A_527 = tpu.memref_slice %arg10[%scan3A_182, %swap3A_525, %swap3A_526] : memref<2x16x1024xf32, #tpu.memory_space<vmem>> -> memref<1x16x1024xf32, #tpu.memory_space<vmem>>
        %swap3A_528 = tpu.memref_squeeze %swap3A_527 : memref<1x16x1024xf32, #tpu.memory_space<vmem>> -> memref<16x1024xf32, #tpu.memory_space<vmem>>
        %swap3A_529 = arith.index_cast %swap3A_524 : i32 to index
        %swap3A_530 = arith.index_cast %mul3A_211 : i32 to index
        %swap3A_531 = tpu.vector_load %swap3A_528[%swap3A_529, %swap3A_530] {strides = array<i32>} : memref<16x1024xf32, #tpu.memory_space<vmem>>, vector<16xf32>,
        tpu.vector_store %swap3A_528[%swap3A_529, %swap3A_530], %add3A_523 {strides = array<i32>} : memref<16x1024xf32, #tpu.memory_space<vmem>>, vector<16xf32>,
        %get3A_532 = arith.constant 8 : i32
        %get3A_533 = arith.index_cast %get3A_532 : i32 to index
        %get3A_534 = memref.load %arg13[%get3A_533] : memref<16xf32, #tpu.memory_space<smem>>
        %broadcast_in_dim3A_535 = vector.broadcast %get3A_534 : f32 to vector<16xf32>
        %get3A_536 = arith.constant 8 : i32
        %get3A_537 = arith.index_cast %get3A_536 : i32 to index
        %get3A_538 = memref.load %arg14[%get3A_537] : memref<16xf32, #tpu.memory_space<smem>>
        %broadcast_in_dim3A_539 = vector.broadcast %get3A_538 : f32 to vector<16xf32>
        %get3A_540 = arith.constant 8 : i32
        %get3A_541 = arith.constant 0 : i32
        %get3A_542 = arith.constant 0 : i32
        %get3A_543 = tpu.memref_slice %arg10[%scan3A_182, %get3A_541, %get3A_542] : memref<2x16x1024xf32, #tpu.memory_space<vmem>> -> memref<1x16x1024xf32, #tpu.memory_space<vmem>>
        %get3A_544 = tpu.memref_squeeze %get3A_543 : memref<1x16x1024xf32, #tpu.memory_space<vmem>> -> memref<16x1024xf32, #tpu.memory_space<vmem>>
        %get3A_545 = arith.index_cast %get3A_540 : i32 to index
        %get3A_546 = arith.index_cast %mul3A_211 : i32 to index
        %get3A_547 = tpu.vector_load %get3A_544[%get3A_545, %get3A_546] {strides = array<i32>} : memref<16x1024xf32, #tpu.memory_space<vmem>>, vector<16xf32>,
        %get3A_548 = arith.constant 8 : i32
        %get3A_549 = arith.constant 0 : i32
        %get3A_550 = arith.constant 0 : i32
        %get3A_551 = tpu.memref_slice %arg9[%scan3A_183, %get3A_549, %get3A_550] : memref<2x16x1024xf32, #tpu.memory_space<vmem>> -> memref<1x16x1024xf32, #tpu.memory_space<vmem>>
        %get3A_552 = tpu.memref_squeeze %get3A_551 : memref<1x16x1024xf32, #tpu.memory_space<vmem>> -> memref<16x1024xf32, #tpu.memory_space<vmem>>
        %get3A_553 = arith.index_cast %get3A_548 : i32 to index
        %get3A_554 = arith.index_cast %mul3A_211 : i32 to index
        %get3A_555 = tpu.vector_load %get3A_552[%get3A_553, %get3A_554] {strides = array<i32>} : memref<16x1024xf32, #tpu.memory_space<vmem>>, vector<16xf32>,
        %sub3A_556 = arith.subf %get3A_547, %broadcast_in_dim3A_535 : vector<16xf32>
        %mul3A_557 = arith.mulf %sub3A_556, %broadcast_in_dim3A_539 : vector<16xf32>
        %mul3A_558 = arith.mulf %mul3A_557, %get3A_212 : vector<16xf32>
        %mul3A_559 = arith.constant 3.200000e+01 : f32
        %mul3A_560 = vector.broadcast %mul3A_559 : f32 to vector<16xf32>
        %mul3A_561 = arith.mulf %get3A_555, %mul3A_560 : vector<16xf32>
        %add3A_562 = arith.addf %get3A_214, %mul3A_561 : vector<16xf32>
        %add3A_563 = arith.addf %mul3A_558, %add3A_562 : vector<16xf32>
        %swap3A_564 = arith.constant 8 : i32
        %swap3A_565 = arith.constant 0 : i32
        %swap3A_566 = arith.constant 0 : i32
        %swap3A_567 = tpu.memref_slice %arg10[%scan3A_182, %swap3A_565, %swap3A_566] : memref<2x16x1024xf32, #tpu.memory_space<vmem>> -> memref<1x16x1024xf32, #tpu.memory_space<vmem>>
        %swap3A_568 = tpu.memref_squeeze %swap3A_567 : memref<1x16x1024xf32, #tpu.memory_space<vmem>> -> memref<16x1024xf32, #tpu.memory_space<vmem>>
        %swap3A_569 = arith.index_cast %swap3A_564 : i32 to index
        %swap3A_570 = arith.index_cast %mul3A_211 : i32 to index
        %swap3A_571 = tpu.vector_load %swap3A_568[%swap3A_569, %swap3A_570] {strides = array<i32>} : memref<16x1024xf32, #tpu.memory_space<vmem>>, vector<16xf32>,
        tpu.vector_store %swap3A_568[%swap3A_569, %swap3A_570], %add3A_563 {strides = array<i32>} : memref<16x1024xf32, #tpu.memory_space<vmem>>, vector<16xf32>,
        %get3A_572 = arith.constant 9 : i32
        %get3A_573 = arith.index_cast %get3A_572 : i32 to index
        %get3A_574 = memref.load %arg13[%get3A_573] : memref<16xf32, #tpu.memory_space<smem>>
        %broadcast_in_dim3A_575 = vector.broadcast %get3A_574 : f32 to vector<16xf32>
        %get3A_576 = arith.constant 9 : i32
        %get3A_577 = arith.index_cast %get3A_576 : i32 to index
        %get3A_578 = memref.load %arg14[%get3A_577] : memref<16xf32, #tpu.memory_space<smem>>
        %broadcast_in_dim3A_579 = vector.broadcast %get3A_578 : f32 to vector<16xf32>
        %get3A_580 = arith.constant 9 : i32
        %get3A_581 = arith.constant 0 : i32
        %get3A_582 = arith.constant 0 : i32
        %get3A_583 = tpu.memref_slice %arg10[%scan3A_182, %get3A_581, %get3A_582] : memref<2x16x1024xf32, #tpu.memory_space<vmem>> -> memref<1x16x1024xf32, #tpu.memory_space<vmem>>
        %get3A_584 = tpu.memref_squeeze %get3A_583 : memref<1x16x1024xf32, #tpu.memory_space<vmem>> -> memref<16x1024xf32, #tpu.memory_space<vmem>>
        %get3A_585 = arith.index_cast %get3A_580 : i32 to index
        %get3A_586 = arith.index_cast %mul3A_211 : i32 to index
        %get3A_587 = tpu.vector_load %get3A_584[%get3A_585, %get3A_586] {strides = array<i32>} : memref<16x1024xf32, #tpu.memory_space<vmem>>, vector<16xf32>,
        %get3A_588 = arith.constant 9 : i32
        %get3A_589 = arith.constant 0 : i32
        %get3A_590 = arith.constant 0 : i32
        %get3A_591 = tpu.memref_slice %arg9[%scan3A_183, %get3A_589, %get3A_590] : memref<2x16x1024xf32, #tpu.memory_space<vmem>> -> memref<1x16x1024xf32, #tpu.memory_space<vmem>>
        %get3A_592 = tpu.memref_squeeze %get3A_591 : memref<1x16x1024xf32, #tpu.memory_space<vmem>> -> memref<16x1024xf32, #tpu.memory_space<vmem>>
        %get3A_593 = arith.index_cast %get3A_588 : i32 to index
        %get3A_594 = arith.index_cast %mul3A_211 : i32 to index
        %get3A_595 = tpu.vector_load %get3A_592[%get3A_593, %get3A_594] {strides = array<i32>} : memref<16x1024xf32, #tpu.memory_space<vmem>>, vector<16xf32>,
        %sub3A_596 = arith.subf %get3A_587, %broadcast_in_dim3A_575 : vector<16xf32>
        %mul3A_597 = arith.mulf %sub3A_596, %broadcast_in_dim3A_579 : vector<16xf32>
        %mul3A_598 = arith.mulf %mul3A_597, %get3A_212 : vector<16xf32>
        %mul3A_599 = arith.constant 3.200000e+01 : f32
        %mul3A_600 = vector.broadcast %mul3A_599 : f32 to vector<16xf32>
        %mul3A_601 = arith.mulf %get3A_595, %mul3A_600 : vector<16xf32>
        %add3A_602 = arith.addf %get3A_214, %mul3A_601 : vector<16xf32>
        %add3A_603 = arith.addf %mul3A_598, %add3A_602 : vector<16xf32>
        %swap3A_604 = arith.constant 9 : i32
        %swap3A_605 = arith.constant 0 : i32
        %swap3A_606 = arith.constant 0 : i32
        %swap3A_607 = tpu.memref_slice %arg10[%scan3A_182, %swap3A_605, %swap3A_606] : memref<2x16x1024xf32, #tpu.memory_space<vmem>> -> memref<1x16x1024xf32, #tpu.memory_space<vmem>>
        %swap3A_608 = tpu.memref_squeeze %swap3A_607 : memref<1x16x1024xf32, #tpu.memory_space<vmem>> -> memref<16x1024xf32, #tpu.memory_space<vmem>>
        %swap3A_609 = arith.index_cast %swap3A_604 : i32 to index
        %swap3A_610 = arith.index_cast %mul3A_211 : i32 to index
        %swap3A_611 = tpu.vector_load %swap3A_608[%swap3A_609, %swap3A_610] {strides = array<i32>} : memref<16x1024xf32, #tpu.memory_space<vmem>>, vector<16xf32>,
        tpu.vector_store %swap3A_608[%swap3A_609, %swap3A_610], %add3A_603 {strides = array<i32>} : memref<16x1024xf32, #tpu.memory_space<vmem>>, vector<16xf32>,
        %get3A_612 = arith.constant 10 : i32
        %get3A_613 = arith.index_cast %get3A_612 : i32 to index
        %get3A_614 = memref.load %arg13[%get3A_613] : memref<16xf32, #tpu.memory_space<smem>>
        %broadcast_in_dim3A_615 = vector.broadcast %get3A_614 : f32 to vector<16xf32>
        %get3A_616 = arith.constant 10 : i32
        %get3A_617 = arith.index_cast %get3A_616 : i32 to index
        %get3A_618 = memref.load %arg14[%get3A_617] : memref<16xf32, #tpu.memory_space<smem>>
        %broadcast_in_dim3A_619 = vector.broadcast %get3A_618 : f32 to vector<16xf32>
        %get3A_620 = arith.constant 10 : i32
        %get3A_621 = arith.constant 0 : i32
        %get3A_622 = arith.constant 0 : i32
        %get3A_623 = tpu.memref_slice %arg10[%scan3A_182, %get3A_621, %get3A_622] : memref<2x16x1024xf32, #tpu.memory_space<vmem>> -> memref<1x16x1024xf32, #tpu.memory_space<vmem>>
        %get3A_624 = tpu.memref_squeeze %get3A_623 : memref<1x16x1024xf32, #tpu.memory_space<vmem>> -> memref<16x1024xf32, #tpu.memory_space<vmem>>
        %get3A_625 = arith.index_cast %get3A_620 : i32 to index
        %get3A_626 = arith.index_cast %mul3A_211 : i32 to index
        %get3A_627 = tpu.vector_load %get3A_624[%get3A_625, %get3A_626] {strides = array<i32>} : memref<16x1024xf32, #tpu.memory_space<vmem>>, vector<16xf32>,
        %get3A_628 = arith.constant 10 : i32
        %get3A_629 = arith.constant 0 : i32
        %get3A_630 = arith.constant 0 : i32
        %get3A_631 = tpu.memref_slice %arg9[%scan3A_183, %get3A_629, %get3A_630] : memref<2x16x1024xf32, #tpu.memory_space<vmem>> -> memref<1x16x1024xf32, #tpu.memory_space<vmem>>
        %get3A_632 = tpu.memref_squeeze %get3A_631 : memref<1x16x1024xf32, #tpu.memory_space<vmem>> -> memref<16x1024xf32, #tpu.memory_space<vmem>>
        %get3A_633 = arith.index_cast %get3A_628 : i32 to index
        %get3A_634 = arith.index_cast %mul3A_211 : i32 to index
        %get3A_635 = tpu.vector_load %get3A_632[%get3A_633, %get3A_634] {strides = array<i32>} : memref<16x1024xf32, #tpu.memory_space<vmem>>, vector<16xf32>,
        %sub3A_636 = arith.subf %get3A_627, %broadcast_in_dim3A_615 : vector<16xf32>
        %mul3A_637 = arith.mulf %sub3A_636, %broadcast_in_dim3A_619 : vector<16xf32>
        %mul3A_638 = arith.mulf %mul3A_637, %get3A_212 : vector<16xf32>
        %mul3A_639 = arith.constant 3.200000e+01 : f32
        %mul3A_640 = vector.broadcast %mul3A_639 : f32 to vector<16xf32>
        %mul3A_641 = arith.mulf %get3A_635, %mul3A_640 : vector<16xf32>
        %add3A_642 = arith.addf %get3A_214, %mul3A_641 : vector<16xf32>
        %add3A_643 = arith.addf %mul3A_638, %add3A_642 : vector<16xf32>
        %swap3A_644 = arith.constant 10 : i32
        %swap3A_645 = arith.constant 0 : i32
        %swap3A_646 = arith.constant 0 : i32
        %swap3A_647 = tpu.memref_slice %arg10[%scan3A_182, %swap3A_645, %swap3A_646] : memref<2x16x1024xf32, #tpu.memory_space<vmem>> -> memref<1x16x1024xf32, #tpu.memory_space<vmem>>
        %swap3A_648 = tpu.memref_squeeze %swap3A_647 : memref<1x16x1024xf32, #tpu.memory_space<vmem>> -> memref<16x1024xf32, #tpu.memory_space<vmem>>
        %swap3A_649 = arith.index_cast %swap3A_644 : i32 to index
        %swap3A_650 = arith.index_cast %mul3A_211 : i32 to index
        %swap3A_651 = tpu.vector_load %swap3A_648[%swap3A_649, %swap3A_650] {strides = array<i32>} : memref<16x1024xf32, #tpu.memory_space<vmem>>, vector<16xf32>,
        tpu.vector_store %swap3A_648[%swap3A_649, %swap3A_650], %add3A_643 {strides = array<i32>} : memref<16x1024xf32, #tpu.memory_space<vmem>>, vector<16xf32>,
        %get3A_652 = arith.constant 11 : i32
        %get3A_653 = arith.index_cast %get3A_652 : i32 to index
        %get3A_654 = memref.load %arg13[%get3A_653] : memref<16xf32, #tpu.memory_space<smem>>
        %broadcast_in_dim3A_655 = vector.broadcast %get3A_654 : f32 to vector<16xf32>
        %get3A_656 = arith.constant 11 : i32
        %get3A_657 = arith.index_cast %get3A_656 : i32 to index
        %get3A_658 = memref.load %arg14[%get3A_657] : memref<16xf32, #tpu.memory_space<smem>>
        %broadcast_in_dim3A_659 = vector.broadcast %get3A_658 : f32 to vector<16xf32>
        %get3A_660 = arith.constant 11 : i32
        %get3A_661 = arith.constant 0 : i32
        %get3A_662 = arith.constant 0 : i32
        %get3A_663 = tpu.memref_slice %arg10[%scan3A_182, %get3A_661, %get3A_662] : memref<2x16x1024xf32, #tpu.memory_space<vmem>> -> memref<1x16x1024xf32, #tpu.memory_space<vmem>>
        %get3A_664 = tpu.memref_squeeze %get3A_663 : memref<1x16x1024xf32, #tpu.memory_space<vmem>> -> memref<16x1024xf32, #tpu.memory_space<vmem>>
        %get3A_665 = arith.index_cast %get3A_660 : i32 to index
        %get3A_666 = arith.index_cast %mul3A_211 : i32 to index
        %get3A_667 = tpu.vector_load %get3A_664[%get3A_665, %get3A_666] {strides = array<i32>} : memref<16x1024xf32, #tpu.memory_space<vmem>>, vector<16xf32>,
        %get3A_668 = arith.constant 11 : i32
        %get3A_669 = arith.constant 0 : i32
        %get3A_670 = arith.constant 0 : i32
        %get3A_671 = tpu.memref_slice %arg9[%scan3A_183, %get3A_669, %get3A_670] : memref<2x16x1024xf32, #tpu.memory_space<vmem>> -> memref<1x16x1024xf32, #tpu.memory_space<vmem>>
        %get3A_672 = tpu.memref_squeeze %get3A_671 : memref<1x16x1024xf32, #tpu.memory_space<vmem>> -> memref<16x1024xf32, #tpu.memory_space<vmem>>
        %get3A_673 = arith.index_cast %get3A_668 : i32 to index
        %get3A_674 = arith.index_cast %mul3A_211 : i32 to index
        %get3A_675 = tpu.vector_load %get3A_672[%get3A_673, %get3A_674] {strides = array<i32>} : memref<16x1024xf32, #tpu.memory_space<vmem>>, vector<16xf32>,
        %sub3A_676 = arith.subf %get3A_667, %broadcast_in_dim3A_655 : vector<16xf32>
        %mul3A_677 = arith.mulf %sub3A_676, %broadcast_in_dim3A_659 : vector<16xf32>
        %mul3A_678 = arith.mulf %mul3A_677, %get3A_212 : vector<16xf32>
        %mul3A_679 = arith.constant 3.200000e+01 : f32
        %mul3A_680 = vector.broadcast %mul3A_679 : f32 to vector<16xf32>
        %mul3A_681 = arith.mulf %get3A_675, %mul3A_680 : vector<16xf32>
        %add3A_682 = arith.addf %get3A_214, %mul3A_681 : vector<16xf32>
        %add3A_683 = arith.addf %mul3A_678, %add3A_682 : vector<16xf32>
        %swap3A_684 = arith.constant 11 : i32
        %swap3A_685 = arith.constant 0 : i32
        %swap3A_686 = arith.constant 0 : i32
        %swap3A_687 = tpu.memref_slice %arg10[%scan3A_182, %swap3A_685, %swap3A_686] : memref<2x16x1024xf32, #tpu.memory_space<vmem>> -> memref<1x16x1024xf32, #tpu.memory_space<vmem>>
        %swap3A_688 = tpu.memref_squeeze %swap3A_687 : memref<1x16x1024xf32, #tpu.memory_space<vmem>> -> memref<16x1024xf32, #tpu.memory_space<vmem>>
        %swap3A_689 = arith.index_cast %swap3A_684 : i32 to index
        %swap3A_690 = arith.index_cast %mul3A_211 : i32 to index
        %swap3A_691 = tpu.vector_load %swap3A_688[%swap3A_689, %swap3A_690] {strides = array<i32>} : memref<16x1024xf32, #tpu.memory_space<vmem>>, vector<16xf32>,
        tpu.vector_store %swap3A_688[%swap3A_689, %swap3A_690], %add3A_683 {strides = array<i32>} : memref<16x1024xf32, #tpu.memory_space<vmem>>, vector<16xf32>,
        %get3A_692 = arith.constant 12 : i32
        %get3A_693 = arith.index_cast %get3A_692 : i32 to index
        %get3A_694 = memref.load %arg13[%get3A_693] : memref<16xf32, #tpu.memory_space<smem>>
        %broadcast_in_dim3A_695 = vector.broadcast %get3A_694 : f32 to vector<16xf32>
        %get3A_696 = arith.constant 12 : i32
        %get3A_697 = arith.index_cast %get3A_696 : i32 to index
        %get3A_698 = memref.load %arg14[%get3A_697] : memref<16xf32, #tpu.memory_space<smem>>
        %broadcast_in_dim3A_699 = vector.broadcast %get3A_698 : f32 to vector<16xf32>
        %get3A_700 = arith.constant 12 : i32
        %get3A_701 = arith.constant 0 : i32
        %get3A_702 = arith.constant 0 : i32
        %get3A_703 = tpu.memref_slice %arg10[%scan3A_182, %get3A_701, %get3A_702] : memref<2x16x1024xf32, #tpu.memory_space<vmem>> -> memref<1x16x1024xf32, #tpu.memory_space<vmem>>
        %get3A_704 = tpu.memref_squeeze %get3A_703 : memref<1x16x1024xf32, #tpu.memory_space<vmem>> -> memref<16x1024xf32, #tpu.memory_space<vmem>>
        %get3A_705 = arith.index_cast %get3A_700 : i32 to index
        %get3A_706 = arith.index_cast %mul3A_211 : i32 to index
        %get3A_707 = tpu.vector_load %get3A_704[%get3A_705, %get3A_706] {strides = array<i32>} : memref<16x1024xf32, #tpu.memory_space<vmem>>, vector<16xf32>,
        %get3A_708 = arith.constant 12 : i32
        %get3A_709 = arith.constant 0 : i32
        %get3A_710 = arith.constant 0 : i32
        %get3A_711 = tpu.memref_slice %arg9[%scan3A_183, %get3A_709, %get3A_710] : memref<2x16x1024xf32, #tpu.memory_space<vmem>> -> memref<1x16x1024xf32, #tpu.memory_space<vmem>>
        %get3A_712 = tpu.memref_squeeze %get3A_711 : memref<1x16x1024xf32, #tpu.memory_space<vmem>> -> memref<16x1024xf32, #tpu.memory_space<vmem>>
        %get3A_713 = arith.index_cast %get3A_708 : i32 to index
        %get3A_714 = arith.index_cast %mul3A_211 : i32 to index
        %get3A_715 = tpu.vector_load %get3A_712[%get3A_713, %get3A_714] {strides = array<i32>} : memref<16x1024xf32, #tpu.memory_space<vmem>>, vector<16xf32>,
        %sub3A_716 = arith.subf %get3A_707, %broadcast_in_dim3A_695 : vector<16xf32>
        %mul3A_717 = arith.mulf %sub3A_716, %broadcast_in_dim3A_699 : vector<16xf32>
        %mul3A_718 = arith.mulf %mul3A_717, %get3A_212 : vector<16xf32>
        %mul3A_719 = arith.constant 3.200000e+01 : f32
        %mul3A_720 = vector.broadcast %mul3A_719 : f32 to vector<16xf32>
        %mul3A_721 = arith.mulf %get3A_715, %mul3A_720 : vector<16xf32>
        %add3A_722 = arith.addf %get3A_214, %mul3A_721 : vector<16xf32>
        %add3A_723 = arith.addf %mul3A_718, %add3A_722 : vector<16xf32>
        %swap3A_724 = arith.constant 12 : i32
        %swap3A_725 = arith.constant 0 : i32
        %swap3A_726 = arith.constant 0 : i32
        %swap3A_727 = tpu.memref_slice %arg10[%scan3A_182, %swap3A_725, %swap3A_726] : memref<2x16x1024xf32, #tpu.memory_space<vmem>> -> memref<1x16x1024xf32, #tpu.memory_space<vmem>>
        %swap3A_728 = tpu.memref_squeeze %swap3A_727 : memref<1x16x1024xf32, #tpu.memory_space<vmem>> -> memref<16x1024xf32, #tpu.memory_space<vmem>>
        %swap3A_729 = arith.index_cast %swap3A_724 : i32 to index
        %swap3A_730 = arith.index_cast %mul3A_211 : i32 to index
        %swap3A_731 = tpu.vector_load %swap3A_728[%swap3A_729, %swap3A_730] {strides = array<i32>} : memref<16x1024xf32, #tpu.memory_space<vmem>>, vector<16xf32>,
        tpu.vector_store %swap3A_728[%swap3A_729, %swap3A_730], %add3A_723 {strides = array<i32>} : memref<16x1024xf32, #tpu.memory_space<vmem>>, vector<16xf32>,
        %get3A_732 = arith.constant 13 : i32
        %get3A_733 = arith.index_cast %get3A_732 : i32 to index
        %get3A_734 = memref.load %arg13[%get3A_733] : memref<16xf32, #tpu.memory_space<smem>>
        %broadcast_in_dim3A_735 = vector.broadcast %get3A_734 : f32 to vector<16xf32>
        %get3A_736 = arith.constant 13 : i32
        %get3A_737 = arith.index_cast %get3A_736 : i32 to index
        %get3A_738 = memref.load %arg14[%get3A_737] : memref<16xf32, #tpu.memory_space<smem>>
        %broadcast_in_dim3A_739 = vector.broadcast %get3A_738 : f32 to vector<16xf32>
        %get3A_740 = arith.constant 13 : i32
        %get3A_741 = arith.constant 0 : i32
        %get3A_742 = arith.constant 0 : i32
        %get3A_743 = tpu.memref_slice %arg10[%scan3A_182, %get3A_741, %get3A_742] : memref<2x16x1024xf32, #tpu.memory_space<vmem>> -> memref<1x16x1024xf32, #tpu.memory_space<vmem>>
        %get3A_744 = tpu.memref_squeeze %get3A_743 : memref<1x16x1024xf32, #tpu.memory_space<vmem>> -> memref<16x1024xf32, #tpu.memory_space<vmem>>
        %get3A_745 = arith.index_cast %get3A_740 : i32 to index
        %get3A_746 = arith.index_cast %mul3A_211 : i32 to index
        %get3A_747 = tpu.vector_load %get3A_744[%get3A_745, %get3A_746] {strides = array<i32>} : memref<16x1024xf32, #tpu.memory_space<vmem>>, vector<16xf32>,
        %get3A_748 = arith.constant 13 : i32
        %get3A_749 = arith.constant 0 : i32
        %get3A_750 = arith.constant 0 : i32
        %get3A_751 = tpu.memref_slice %arg9[%scan3A_183, %get3A_749, %get3A_750] : memref<2x16x1024xf32, #tpu.memory_space<vmem>> -> memref<1x16x1024xf32, #tpu.memory_space<vmem>>
        %get3A_752 = tpu.memref_squeeze %get3A_751 : memref<1x16x1024xf32, #tpu.memory_space<vmem>> -> memref<16x1024xf32, #tpu.memory_space<vmem>>
        %get3A_753 = arith.index_cast %get3A_748 : i32 to index
        %get3A_754 = arith.index_cast %mul3A_211 : i32 to index
        %get3A_755 = tpu.vector_load %get3A_752[%get3A_753, %get3A_754] {strides = array<i32>} : memref<16x1024xf32, #tpu.memory_space<vmem>>, vector<16xf32>,
        %sub3A_756 = arith.subf %get3A_747, %broadcast_in_dim3A_735 : vector<16xf32>
        %mul3A_757 = arith.mulf %sub3A_756, %broadcast_in_dim3A_739 : vector<16xf32>
        %mul3A_758 = arith.mulf %mul3A_757, %get3A_212 : vector<16xf32>
        %mul3A_759 = arith.constant 3.200000e+01 : f32
        %mul3A_760 = vector.broadcast %mul3A_759 : f32 to vector<16xf32>
        %mul3A_761 = arith.mulf %get3A_755, %mul3A_760 : vector<16xf32>
        %add3A_762 = arith.addf %get3A_214, %mul3A_761 : vector<16xf32>
        %add3A_763 = arith.addf %mul3A_758, %add3A_762 : vector<16xf32>
        %swap3A_764 = arith.constant 13 : i32
        %swap3A_765 = arith.constant 0 : i32
        %swap3A_766 = arith.constant 0 : i32
        %swap3A_767 = tpu.memref_slice %arg10[%scan3A_182, %swap3A_765, %swap3A_766] : memref<2x16x1024xf32, #tpu.memory_space<vmem>> -> memref<1x16x1024xf32, #tpu.memory_space<vmem>>
        %swap3A_768 = tpu.memref_squeeze %swap3A_767 : memref<1x16x1024xf32, #tpu.memory_space<vmem>> -> memref<16x1024xf32, #tpu.memory_space<vmem>>
        %swap3A_769 = arith.index_cast %swap3A_764 : i32 to index
        %swap3A_770 = arith.index_cast %mul3A_211 : i32 to index
        %swap3A_771 = tpu.vector_load %swap3A_768[%swap3A_769, %swap3A_770] {strides = array<i32>} : memref<16x1024xf32, #tpu.memory_space<vmem>>, vector<16xf32>,
        tpu.vector_store %swap3A_768[%swap3A_769, %swap3A_770], %add3A_763 {strides = array<i32>} : memref<16x1024xf32, #tpu.memory_space<vmem>>, vector<16xf32>,
        %get3A_772 = arith.constant 14 : i32
        %get3A_773 = arith.index_cast %get3A_772 : i32 to index
        %get3A_774 = memref.load %arg13[%get3A_773] : memref<16xf32, #tpu.memory_space<smem>>
        %broadcast_in_dim3A_775 = vector.broadcast %get3A_774 : f32 to vector<16xf32>
        %get3A_776 = arith.constant 14 : i32
        %get3A_777 = arith.index_cast %get3A_776 : i32 to index
        %get3A_778 = memref.load %arg14[%get3A_777] : memref<16xf32, #tpu.memory_space<smem>>
        %broadcast_in_dim3A_779 = vector.broadcast %get3A_778 : f32 to vector<16xf32>
        %get3A_780 = arith.constant 14 : i32
        %get3A_781 = arith.constant 0 : i32
        %get3A_782 = arith.constant 0 : i32
        %get3A_783 = tpu.memref_slice %arg10[%scan3A_182, %get3A_781, %get3A_782] : memref<2x16x1024xf32, #tpu.memory_space<vmem>> -> memref<1x16x1024xf32, #tpu.memory_space<vmem>>
        %get3A_784 = tpu.memref_squeeze %get3A_783 : memref<1x16x1024xf32, #tpu.memory_space<vmem>> -> memref<16x1024xf32, #tpu.memory_space<vmem>>
        %get3A_785 = arith.index_cast %get3A_780 : i32 to index
        %get3A_786 = arith.index_cast %mul3A_211 : i32 to index
        %get3A_787 = tpu.vector_load %get3A_784[%get3A_785, %get3A_786] {strides = array<i32>} : memref<16x1024xf32, #tpu.memory_space<vmem>>, vector<16xf32>,
        %get3A_788 = arith.constant 14 : i32
        %get3A_789 = arith.constant 0 : i32
        %get3A_790 = arith.constant 0 : i32
        %get3A_791 = tpu.memref_slice %arg9[%scan3A_183, %get3A_789, %get3A_790] : memref<2x16x1024xf32, #tpu.memory_space<vmem>> -> memref<1x16x1024xf32, #tpu.memory_space<vmem>>
        %get3A_792 = tpu.memref_squeeze %get3A_791 : memref<1x16x1024xf32, #tpu.memory_space<vmem>> -> memref<16x1024xf32, #tpu.memory_space<vmem>>
        %get3A_793 = arith.index_cast %get3A_788 : i32 to index
        %get3A_794 = arith.index_cast %mul3A_211 : i32 to index
        %get3A_795 = tpu.vector_load %get3A_792[%get3A_793, %get3A_794] {strides = array<i32>} : memref<16x1024xf32, #tpu.memory_space<vmem>>, vector<16xf32>,
        %sub3A_796 = arith.subf %get3A_787, %broadcast_in_dim3A_775 : vector<16xf32>
        %mul3A_797 = arith.mulf %sub3A_796, %broadcast_in_dim3A_779 : vector<16xf32>
        %mul3A_798 = arith.mulf %mul3A_797, %get3A_212 : vector<16xf32>
        %mul3A_799 = arith.constant 3.200000e+01 : f32
        %mul3A_800 = vector.broadcast %mul3A_799 : f32 to vector<16xf32>
        %mul3A_801 = arith.mulf %get3A_795, %mul3A_800 : vector<16xf32>
        %add3A_802 = arith.addf %get3A_214, %mul3A_801 : vector<16xf32>
        %add3A_803 = arith.addf %mul3A_798, %add3A_802 : vector<16xf32>
        %swap3A_804 = arith.constant 14 : i32
        %swap3A_805 = arith.constant 0 : i32
        %swap3A_806 = arith.constant 0 : i32
        %swap3A_807 = tpu.memref_slice %arg10[%scan3A_182, %swap3A_805, %swap3A_806] : memref<2x16x1024xf32, #tpu.memory_space<vmem>> -> memref<1x16x1024xf32, #tpu.memory_space<vmem>>
        %swap3A_808 = tpu.memref_squeeze %swap3A_807 : memref<1x16x1024xf32, #tpu.memory_space<vmem>> -> memref<16x1024xf32, #tpu.memory_space<vmem>>
        %swap3A_809 = arith.index_cast %swap3A_804 : i32 to index
        %swap3A_810 = arith.index_cast %mul3A_211 : i32 to index
        %swap3A_811 = tpu.vector_load %swap3A_808[%swap3A_809, %swap3A_810] {strides = array<i32>} : memref<16x1024xf32, #tpu.memory_space<vmem>>, vector<16xf32>,
        tpu.vector_store %swap3A_808[%swap3A_809, %swap3A_810], %add3A_803 {strides = array<i32>} : memref<16x1024xf32, #tpu.memory_space<vmem>>, vector<16xf32>,
        %get3A_812 = arith.constant 15 : i32
        %get3A_813 = arith.index_cast %get3A_812 : i32 to index
        %get3A_814 = memref.load %arg13[%get3A_813] : memref<16xf32, #tpu.memory_space<smem>>
        %broadcast_in_dim3A_815 = vector.broadcast %get3A_814 : f32 to vector<16xf32>
        %get3A_816 = arith.constant 15 : i32
        %get3A_817 = arith.index_cast %get3A_816 : i32 to index
        %get3A_818 = memref.load %arg14[%get3A_817] : memref<16xf32, #tpu.memory_space<smem>>
        %broadcast_in_dim3A_819 = vector.broadcast %get3A_818 : f32 to vector<16xf32>
        %get3A_820 = arith.constant 15 : i32
        %get3A_821 = arith.constant 0 : i32
        %get3A_822 = arith.constant 0 : i32
        %get3A_823 = tpu.memref_slice %arg10[%scan3A_182, %get3A_821, %get3A_822] : memref<2x16x1024xf32, #tpu.memory_space<vmem>> -> memref<1x16x1024xf32, #tpu.memory_space<vmem>>
        %get3A_824 = tpu.memref_squeeze %get3A_823 : memref<1x16x1024xf32, #tpu.memory_space<vmem>> -> memref<16x1024xf32, #tpu.memory_space<vmem>>
        %get3A_825 = arith.index_cast %get3A_820 : i32 to index
        %get3A_826 = arith.index_cast %mul3A_211 : i32 to index
        %get3A_827 = tpu.vector_load %get3A_824[%get3A_825, %get3A_826] {strides = array<i32>} : memref<16x1024xf32, #tpu.memory_space<vmem>>, vector<16xf32>,
        %get3A_828 = arith.constant 15 : i32
        %get3A_829 = arith.constant 0 : i32
        %get3A_830 = arith.constant 0 : i32
        %get3A_831 = tpu.memref_slice %arg9[%scan3A_183, %get3A_829, %get3A_830] : memref<2x16x1024xf32, #tpu.memory_space<vmem>> -> memref<1x16x1024xf32, #tpu.memory_space<vmem>>
        %get3A_832 = tpu.memref_squeeze %get3A_831 : memref<1x16x1024xf32, #tpu.memory_space<vmem>> -> memref<16x1024xf32, #tpu.memory_space<vmem>>
        %get3A_833 = arith.index_cast %get3A_828 : i32 to index
        %get3A_834 = arith.index_cast %mul3A_211 : i32 to index
        %get3A_835 = tpu.vector_load %get3A_832[%get3A_833, %get3A_834] {strides = array<i32>} : memref<16x1024xf32, #tpu.memory_space<vmem>>, vector<16xf32>,
        %sub3A_836 = arith.subf %get3A_827, %broadcast_in_dim3A_815 : vector<16xf32>
        %mul3A_837 = arith.mulf %sub3A_836, %broadcast_in_dim3A_819 : vector<16xf32>
        %mul3A_838 = arith.mulf %mul3A_837, %get3A_212 : vector<16xf32>
        %mul3A_839 = arith.constant 3.200000e+01 : f32
        %mul3A_840 = vector.broadcast %mul3A_839 : f32 to vector<16xf32>
        %mul3A_841 = arith.mulf %get3A_835, %mul3A_840 : vector<16xf32>
        %add3A_842 = arith.addf %get3A_214, %mul3A_841 : vector<16xf32>
        %add3A_843 = arith.addf %mul3A_838, %add3A_842 : vector<16xf32>
        %swap3A_844 = arith.constant 15 : i32
        %swap3A_845 = arith.constant 0 : i32
        %swap3A_846 = arith.constant 0 : i32
        %swap3A_847 = tpu.memref_slice %arg10[%scan3A_182, %swap3A_845, %swap3A_846] : memref<2x16x1024xf32, #tpu.memory_space<vmem>> -> memref<1x16x1024xf32, #tpu.memory_space<vmem>>
        %swap3A_848 = tpu.memref_squeeze %swap3A_847 : memref<1x16x1024xf32, #tpu.memory_space<vmem>> -> memref<16x1024xf32, #tpu.memory_space<vmem>>
        %swap3A_849 = arith.index_cast %swap3A_844 : i32 to index
        %swap3A_850 = arith.index_cast %mul3A_211 : i32 to index
        %swap3A_851 = tpu.vector_load %swap3A_848[%swap3A_849, %swap3A_850] {strides = array<i32>} : memref<16x1024xf32, #tpu.memory_space<vmem>>, vector<16xf32>,
        tpu.vector_store %swap3A_848[%swap3A_849, %swap3A_850], %add3A_843 {strides = array<i32>} : memref<16x1024xf32, #tpu.memory_space<vmem>>, vector<16xf32>,
        %scan3A_852 = arith.constant 0 : i32
        scf.yield %scan3A_852 : i32
      }
      %scan3A_190 = arith.constant 64 : i32
      %mul3A_191 = arith.constant 16 : i32
      %mul3A_192 = arith.muli %add3A_138, %mul3A_191 : i32
      %add3A_193 = arith.addi %mul3A_2, %mul3A_192 : i32
      %dma_start3A_194 = arith.constant 1 : i32
      %dma_start3A_195 = arith.constant 0 : i32
      %dma_start3A_196 = arith.constant 0 : i32
      %dma_start3A_197 = tpu.memref_slice %arg10[%dma_start3A_194, %dma_start3A_195, %dma_start3A_196] : memref<2x16x1024xf32, #tpu.memory_space<vmem>> -> memref<1x16x1024xf32, #tpu.memory_space<vmem>>
      %dma_start3A_198 = tpu.memref_squeeze %dma_start3A_197 : memref<1x16x1024xf32, #tpu.memory_space<vmem>> -> memref<16x1024xf32, #tpu.memory_space<vmem>>
      %dma_start3A_199 = arith.constant 0 : i32
      %dma_start3A_200 = tpu.memref_slice %arg7[%add3A_193, %dma_start3A_199] : memref<16384x1024xf32, #tpu.memory_space<hbm>> -> memref<16x1024xf32, #tpu.memory_space<hbm>>
      %dma_start3A_201 = arith.constant 0 : i32
      %dma_start3A_202 = tpu.memref_slice %arg7[%add3A_193, %dma_start3A_201] : memref<16384x1024xf32, #tpu.memory_space<hbm>> -> memref<16x1024xf32, #tpu.memory_space<hbm>>
      %dma_start3A_203 = arith.constant 0 : i32
      %dma_start3A_204 = arith.constant 0 : i32
      %dma_start3A_205 = tpu.memref_slice %arg10[%dma_start3A_194, %dma_start3A_203, %dma_start3A_204] : memref<2x16x1024xf32, #tpu.memory_space<vmem>> -> memref<1x16x1024xf32, #tpu.memory_space<vmem>>
      %dma_start3A_206 = tpu.memref_squeeze %dma_start3A_205 : memref<1x16x1024xf32, #tpu.memory_space<vmem>> -> memref<16x1024xf32, #tpu.memory_space<vmem>>
      tpu.enqueue_dma source(%dma_start3A_206 : memref<16x1024xf32, #tpu.memory_space<vmem>>) target(%dma_start3A_202 : memref<16x1024xf32, #tpu.memory_space<hbm>>) target_semaphore(%arg20 : memref<!tpu.dma_semaphore, #tpu.memory_space<semaphore_mem>>)
      %scan3A_207 = arith.constant 0 : i32
      scf.yield %scan3A_207 : i32
    }
    %scan3A_34 = arith.constant 16 : i32
    %add3A_35 = arith.constant 480 : i32
    %add3A_36 = arith.addi %mul3A_2, %add3A_35 : i32
    %dma_wait3A = arith.constant 0 : i32
    %dma_wait3A_37 = arith.constant 0 : i32
    %dma_wait3A_38 = arith.constant 0 : i32
    %dma_wait3A_39 = tpu.memref_slice %arg10[%dma_wait3A, %dma_wait3A_37, %dma_wait3A_38] : memref<2x16x1024xf32, #tpu.memory_space<vmem>> -> memref<1x16x1024xf32, #tpu.memory_space<vmem>>
    %dma_wait3A_40 = tpu.memref_squeeze %dma_wait3A_39 : memref<1x16x1024xf32, #tpu.memory_space<vmem>> -> memref<16x1024xf32, #tpu.memory_space<vmem>>
    %dma_wait3A_41 = arith.constant 0 : i32
    %dma_wait3A_42 = tpu.memref_slice %arg7[%add3A_36, %dma_wait3A_41] : memref<16384x1024xf32, #tpu.memory_space<hbm>> -> memref<16x1024xf32, #tpu.memory_space<hbm>>
    %dma_wait3A_43 = arith.constant 0 : i32
    %dma_wait3A_44 = tpu.memref_slice %arg7[%add3A_36, %dma_wait3A_43] : memref<16384x1024xf32, #tpu.memory_space<hbm>> -> memref<16x1024xf32, #tpu.memory_space<hbm>>
    %dma_wait3A_45 = arith.constant 0 : i32
    %dma_wait3A_46 = arith.constant 0 : i32
    %dma_wait3A_47 = tpu.memref_slice %arg10[%dma_wait3A, %dma_wait3A_45, %dma_wait3A_46] : memref<2x16x1024xf32, #tpu.memory_space<vmem>> -> memref<1x16x1024xf32, #tpu.memory_space<vmem>>
    %dma_wait3A_48 = tpu.memref_squeeze %dma_wait3A_47 : memref<1x16x1024xf32, #tpu.memory_space<vmem>> -> memref<16x1024xf32, #tpu.memory_space<vmem>>
    tpu.wait_dma2 semaphore(%arg19 : memref<!tpu.dma_semaphore, #tpu.memory_space<semaphore_mem>>) src(%dma_wait3A_48 : memref<16x1024xf32, #tpu.memory_space<vmem>>) dst(%dma_wait3A_44 : memref<16x1024xf32, #tpu.memory_space<hbm>>)
    %add3A_49 = arith.constant 496 : i32
    %add3A_50 = arith.addi %mul3A_2, %add3A_49 : i32
    %dma_wait3A_51 = arith.constant 1 : i32
    %dma_wait3A_52 = arith.constant 0 : i32
    %dma_wait3A_53 = arith.constant 0 : i32
    %dma_wait3A_54 = tpu.memref_slice %arg10[%dma_wait3A_51, %dma_wait3A_52, %dma_wait3A_53] : memref<2x16x1024xf32, #tpu.memory_space<vmem>> -> memref<1x16x1024xf32, #tpu.memory_space<vmem>>
    %dma_wait3A_55 = tpu.memref_squeeze %dma_wait3A_54 : memref<1x16x1024xf32, #tpu.memory_space<vmem>> -> memref<16x1024xf32, #tpu.memory_space<vmem>>
    %dma_wait3A_56 = arith.constant 0 : i32
    %dma_wait3A_57 = tpu.memref_slice %arg7[%add3A_50, %dma_wait3A_56] : memref<16384x1024xf32, #tpu.memory_space<hbm>> -> memref<16x1024xf32, #tpu.memory_space<hbm>>
    %dma_wait3A_58 = arith.constant 0 : i32
    %dma_wait3A_59 = tpu.memref_slice %arg7[%add3A_50, %dma_wait3A_58] : memref<16384x1024xf32, #tpu.memory_space<hbm>> -> memref<16x1024xf32, #tpu.memory_space<hbm>>
    %dma_wait3A_60 = arith.constant 0 : i32
    %dma_wait3A_61 = arith.constant 0 : i32
    %dma_wait3A_62 = tpu.memref_slice %arg10[%dma_wait3A_51, %dma_wait3A_60, %dma_wait3A_61] : memref<2x16x1024xf32, #tpu.memory_space<vmem>> -> memref<1x16x1024xf32, #tpu.memory_space<vmem>>
    %dma_wait3A_63 = tpu.memref_squeeze %dma_wait3A_62 : memref<1x16x1024xf32, #tpu.memory_space<vmem>> -> memref<16x1024xf32, #tpu.memory_space<vmem>>
    tpu.wait_dma2 semaphore(%arg20 : memref<!tpu.dma_semaphore, #tpu.memory_space<semaphore_mem>>) src(%dma_wait3A_63 : memref<16x1024xf32, #tpu.memory_space<vmem>>) dst(%dma_wait3A_59 : memref<16x1024xf32, #tpu.memory_space<hbm>>)
    return
  }
}

</mosaic_0001>

<sc_bundles>
// kernel: kernel.3.cloned.1.call-start
scs
__scs_entry_jumppad:
0x0: {  	(pc) =	sbr.rel $0x88, $3  }
0x1: {  	(tag) =	ssettag $0x0;
	lr =	simm.s32 $0x1  }
0x2: {  	[smem:$0x3F9C] =	sst lr;
	_ =	strace $0xD0000000  }
0x3: {  	_ = 	snop  }
0x4: {  	_ = 	snop  }
0x5: {  	_ = 	snop  }
0x6: {  	_ = 	snop  }
0x7: {  	_ = 	snop  }
__scs_overlays_trampoline_lowered:
0x8: {  	[smem:$0x3FAB] =	sst s0  }
0x9: {  	[smem:$0x3FAC] =	sst s1  }
0xa: {  	[smem:$0x3FAD] =	sst s2  }
0xb: {  	[smem:$0x3FAE] =	sst s3  }
0xc: {  	[smem:$0x3FAF] =	sst s4  }
0xd: {  	[smem:$0x3FB0] =	sst s5  }
0xe: {  	[smem:$0x3FB1] =	sst s6  }
0xf: {  	[smem:$0x3FB2] =	sst s7  }
0x10: {  	[smem:$0x3FB3] =	sst s8  }
0x11: {  	[smem:$0x3FB4] =	sst s9;
	s0 =	simm.s32 @!p0 $0x0  }
0x12: {  	s1 =	sld [smem:$0x3F9A];
	s0 =	simm.s32 @p0 $0x1  }
0x13: {  	[smem:$0x3FB5] =	sst s0;
	s0 =	simm.s32 @!p1 $0x0  }
0x14: {  	s2 =	sld [smem:$0x3F99];
	s0 =	simm.s32 @p1 $0x1  }
0x15: {  	[smem:$0x3FB6] =	sst s0;
	s0 =	simm.s32 @!p2 $0x0  }
0x16: {  	s3 =	sld [smem:$0x3FDB];
	s0 =	simm.s32 @p2 $0x1  }
0x17: {  	s4 =	simm.s32 $0x1BF5;
	[smem:$0x3FB8] =	sst s0  }
0x18: {  	s0 =	sld [smem:$0x3F9B];
	_ =	swait.ge [sflag:s4], $0x0  }
0x19: {  	s7 =	sld [smem:$0x3F9C]  }
0x1a: {  	s8 =	sadd.s32 $0xFFFFE003, lr  }
0x1b: {  	s9 =	sadd.s32 $0xFFFFFEF7, lr;
	s5 =	simm.s32 $0xFFFFFFFF;
	p2 =	slt.u32 s8, $0xFFFFF086  }
0x1c: {  	p1 =	slt.u32 s9, $0xF7A;
	s5 =	simm.s32 @!p2 $0x0  }
0x1d: {  	s5 =	simm.s32 @p1 $0x1;
	p0 =	seq.s32 s7, s2  }
0x1e: {  	s7 =	smul.u32 @!p0 $0xF7A, s2;
	p2 =	seq.s32 @!p0 s5, $0x0  }
0x1f: {  	s9 =	smul.u32 $0xF7A, s1;
	s8 =	simm.s32 @!p0 $0x1BF5;
	p2 =	por !p2, p0  }
0x20: {  	[sflag:s8] =	ssyncset.s32 @!p0 $0xFFFFF086;
	s6 =	sadd.s32 @!p0 s3, s7;
	s7 =	simm.s32 @!p0 $0x108  }
0x21: {  	s3 =	sadd.s32 s3, s9;
	s6 =	sadd.s32 @!p0 $0x88, s6;
	s7 =	simm.s32 @p2 $0x1082  }
0x22: {  	[simem:s7], [sflag:s8] =	dma.local @!p0 [hbm:s6], $0xF7A  }
0x23: {  	s9 =	sor.u32 $0xD0000000, s2;
	s6 =	simm.s32 $0x108;
	_ =	swait.ge @!p0 [sflag:s8], $0x0  }
0x24: {  	s3 =	sadd.s32 $0x88, s3;
	s6 =	simm.s32 @!p1 $0x1082;
	[sflag:s4] =	ssyncset.s32 $0xFFFFF086  }
0x25: {  	[simem:s6], [sflag:s4] =	dma.local [hbm:s3], $0xF7A  }
0x26: {  	[smem:$0x3F9C] =	sst s1;
	(tag) =	ssettag s2;
	_ =	strace s9  }
0x27: {  	s1 =	sld [smem:$0x3FAC]  }
0x28: {  	s2 =	sld [smem:$0x3FAD]  }
0x29: {  	s4 =	sld [smem:$0x3FAF]  }
0x2a: {  	p0 =	seq.s32 s5, $0x0;
	s5 =	sld [smem:$0x3FB0]  }
0x2b: {  	s6 =	sld [smem:$0x3FB1]  }
0x2c: {  	s7 =	sld [smem:$0x3FB2]  }
0x2d: {  	s3 =	simm.s32 $0x108;
	s8 =	sld [smem:$0x3FB3]  }
0x2e: {  	s3 =	simm.s32 @!p0 $0x1082;
	s9 =	sld [smem:$0x3FB4]  }
0x2f: {  	lr =	sadd.s32 s0, s3;
	s0 =	sld [smem:$0x3FAB]  }
0x30: {  	s3 =	sld [smem:$0x3FAE]  }
0x31: {  	[smem:$0x3FB7] =	sst s10  }
0x32: {  	s10 =	sld [smem:$0x3FB5];
	_ =	sdelay $0x3  }
0x33: {  	p0 =	seq.s32 s10, $0x1;
	s10 =	sld [smem:$0x3FB7];
	_ =	sdelay $0x3  }
0x34: {  	[smem:$0x3FB7] =	sst s10  }
0x35: {  	s10 =	sld [smem:$0x3FB6];
	_ =	sdelay $0x3  }
0x36: {  	p1 =	seq.s32 s10, $0x1;
	s10 =	sld [smem:$0x3FB7];
	_ =	sdelay $0x3  }
0x37: {  	[smem:$0x3FB7] =	sst s10  }
0x38: {  	s10 =	sld [smem:$0x3FB8]  }
0x39: {  	_ = 	snop;
	(pc) =	sbr.ind lr, $3  }
0x3a: {  	_ = 	snop  }
0x3b: {  	_ = 	snop  }
0x3c: {  	p2 =	seq.s32 s10, $0x1;
	s10 =	sld [smem:$0x3FB7]  }
0x3d: {  	_ =	shalt  }
0x3e: {  	_ =	shalt  }
0x3f: {  	_ =	shalt  }
0x40: {  	_ =	shalt  }
0x41: {  	_ =	shalt  }
0x42: {  	_ =	shalt  }
0x43: {  	_ =	shalt  }
0x44: {  	_ =	shalt  }
0x45: {  	_ =	shalt  }
0x46: {  	_ =	shalt  }
0x47: {  	_ =	shalt  }
0x48: {  	_ =	shalt  }
0x49: {  	_ =	shalt  }
0x4a: {  	_ =	shalt  }
0x4b: {  	_ =	shalt  }
0x4c: {  	_ =	shalt  }
0x4d: {  	_ =	shalt  }
0x4e: {  	_ =	shalt  }
0x4f: {  	_ =	shalt  }
0x50: {  	_ =	shalt  }
0x51: {  	_ =	shalt  }
0x52: {  	_ =	shalt  }
0x53: {  	_ =	shalt  }
0x54: {  	_ =	shalt  }
0x55: {  	_ =	shalt  }
0x56: {  	_ =	shalt  }
0x57: {  	_ =	shalt  }
0x58: {  	_ =	shalt  }
0x59: {  	_ =	shalt  }
0x5a: {  	_ =	shalt  }
0x5b: {  	_ =	shalt  }
0x5c: {  	_ =	shalt  }
0x5d: {  	_ =	shalt  }
0x5e: {  	_ =	shalt  }
0x5f: {  	_ =	shalt  }
0x60: {  	_ =	shalt  }
0x61: {  	_ =	shalt  }
0x62: {  	_ =	shalt  }
0x63: {  	_ =	shalt  }
0x64: {  	_ =	shalt  }
0x65: {  	_ =	shalt  }
0x66: {  	_ =	shalt  }
0x67: {  	_ =	shalt  }
0x68: {  	_ =	shalt  }
0x69: {  	_ =	shalt  }
0x6a: {  	_ =	shalt  }
0x6b: {  	_ =	shalt  }
0x6c: {  	_ =	shalt  }
0x6d: {  	_ =	shalt  }
0x6e: {  	_ =	shalt  }
0x6f: {  	_ =	shalt  }
0x70: {  	_ =	shalt  }
0x71: {  	_ =	shalt  }
0x72: {  	_ =	shalt  }
0x73: {  	_ =	shalt  }
0x74: {  	_ =	shalt  }
0x75: {  	_ =	shalt  }
0x76: {  	_ =	shalt  }
0x77: {  	_ =	shalt  }
0x78: {  	_ =	shalt  }
0x79: {  	_ =	shalt  }
0x7a: {  	_ =	shalt  }
0x7b: {  	_ =	shalt  }
0x7c: {  	_ =	shalt  }
0x7d: {  	_ =	shalt  }
0x7e: {  	_ =	shalt  }
0x7f: {  	_ =	shalt  }
0x80: {  	_ =	shalt  }
0x81: {  	_ =	shalt  }
0x82: {  	_ =	shalt  }
0x83: {  	_ =	shalt  }
0x84: {  	_ =	shalt  }
0x85: {  	_ =	shalt  }
0x86: {  	_ =	shalt  }
0x87: {  	_ =	shalt  }
.Lfunc_end0:
.L_simem_size_0:
called_computation_lowered:
.L_overlay_start_0:
0x88: {  	s2 =	sld [smem:$0x3FD9]  }
0x89: {  	s3 =	sld [smem:$0x3FFE];
	_ =	sdelay $0x1  }
0x8a: {  	s1 =	srdreg.scid  }
0x8b: {  	s0 =	sand.u32 $0x1, s1  }
0x8c: {  	s17 =	sshll.u32 s0, $0xA;
	s2 =	sadd.s32 s3, s2  }
0x8d: {  	s2 =	sadd.s32 s2, s17  }
0x8e: {  	[smem:$0x3FC3] =	sst s2  }
0x8f: {  	_ = 	snop  }
0x90: {  	s2 =	sld [smem:$0x3FC9]  }
0x91: {  	s18 =	sld [smem:$0x3FC7]  }
0x92: {  	s4 =	sld [smem:$0x3FC6]  }
0x93: {  	s5 =	sld [smem:$0x3FC5]  }
0x94: {  	s6 =	sld [smem:$0x3FD0];
	(tm) =	ssettm $0x1  }
0x95: {  	s7 =	sld [smem:$0x3FFB];
	_ =	sdelay $0x3  }
0x96: {  	_ =	strace s7  }
0x97: {  	s7 =	sld [smem:$0x3FFC];
	_ =	sdelay $0x3  }
0x98: {  	_ =	strace s7  }
0x99: {  	s7 =	sld [smem:$0x3FFD];
	_ =	sdelay $0x3  }
0x9a: {  	_ =	strace s7  }
0x9b: {  	_ =	strace $0x8FFFFFFF  }
0x9c: {  	s19 =	sld [smem:$0x3FDB];
	_ =	sdelay $0x1  }
0x9d: {  	s8 =	simm.s32 $_scs_section_size  }
0x9e: {  	s9 =	simm.s32 $_size__tile_overlayer_lowered;
	s10 =	simm.s32 $_tile_overlayer_lowered  }
0x9f: {  	s22 =	simm.s32 $0x1BFF;
	s21 =	sshll.u32 s10, $0x1;
	s7 =	sadd.s32 s8, s19  }
0xa0: {  	s11 =	simm.s32 $0x0;
	s20 =	sshll.u32 s9, $0x1;
	s9 =	sadd.s32 s21, s7  }
0xa1: {  	[timem:s11], [sflag:s22] =	dma.local [hbm:s9], s20  }
0xa2: {  	_ =	swait.ge [sflag:s22], s20  }
0xa3: {  	s8 =	ssub.s32 $0x0, s20;
	[sflag:s22] =	ssyncset.done $0x0  }
0xa4: {  	[sflag:s22] =	ssyncadd.s32 s8;
	_ =	sdelay $0x1  }
0xa5: {  	s23 =	simm.s32 $0x1B8B  }
0xa6: {  	_ =	swait.ge [sflag:s23], $0x1  }
0xa7: {  	[sflag:s23] =	ssyncset.done $0x0  }
0xa8: {  	s25 =	simm.s32 $0x1B8E;
	s24 =	sld [smem:$0x3FFE];
	[sflag:s23] =	ssyncadd.s32 $0xFFFFFFFF  }
0xa9: {  	s26 =	simm.s32 $execute0_lowered;
	[smem:$0x3FD2] =	sst s25  }
0xaa: {  	s9 =	sshll.u32 s26, $0x1;
	_ =	strace $0x80000046;
	[dreg:$0x1] =	wrdreg $0xFFFFFFFF  }
0xab: {  	s28 =	simm.s32 $_size_execute0_lowered;
	s7 =	sadd.s32 s7, s9;
	[dreg:$0x0] =	wrdreg $0x0  }
0xac: {  	s9 =	sshll.u32 s28, $0x1;
	[dreg:$0x2] =	wrdreg s7  }
0xad: {  	[dreg:$0x3] =	wrdreg s9  }
0xae: {  	[dreg:$0x4] =	wrdreg $0xC0  }
0xaf: {  	_ =	task [dreg:s11], $0x5FFFF  }
0xb0: {  	[dreg:$0x1] =	wrdreg $0xFFFFFFFF  }
0xb1: {  	[dreg:$0x0] =	wrdreg $0x60  }
0xb2: {  	[dreg:$0x2] =	wrdreg s2  }
0xb3: {  	[dreg:$0x3] =	wrdreg s24  }
0xb4: {  	[dreg:$0x4] =	wrdreg s18  }
0xb5: {  	[dreg:$0x5] =	wrdreg s4  }
0xb6: {  	[dreg:$0x6] =	wrdreg s5  }
0xb7: {  	[dreg:$0x7] =	wrdreg s6  }
0xb8: {  	[dreg:$0x8] =	wrdreg $0x9  }
0xb9: {  	_ =	task.clear_ibuf [dreg:s11], $0x9FFFF;
	_ =	strace $0x90000046  }
0xba: {  	s29 =	simm.s32 $0x9;
	_ =	strace $0x80000048  }
0xbb: {  	_ =	swait.ge [sflag:s29], $0x1  }
0xbc: {  	[sflag:s29] =	ssyncadd.s32 $0xFFFFFFFF  }
0xbd: {  	_ =	strace $0x90000048  }
0xbe: {  	_ =	sfence  }
0xbf: {  	s30 =	sld [smem:$0x0];
	_ =	sdelay $0x2  }
0xc0: {  	s31 =	sshll.u32 s1, $0xD;
	s1 =	sshrl.u32 s1, $0x2  }
0xc1: {  	s3 =	sand.u32 $0x4000, s31;
	s1 =	sadd.s32 s1, s30  }
0xc2: {  	s0 =	sor.u32 s3, s0;
	s1 =	sshll.u32 s1, $0x11  }
0xc3: {  	s0 =	sor.u32 s1, s0  }
0xc4: {  	s0 =	sadd.s32 $0x8F2B, s0  }
0xc5: {  	[sflag:s0] =	ssyncadd.remote.s32 $0x1  }
0xc6: {  	_ =	sfence.sel $0xFFFF  }
0xc7: {  	[dreg:$0x0] =	wrdreg $0xFFFFFFFF;
	(pc) =	sbr.abs _section_cstart, $3  }
0xc8: {  	[dreg:$0x1] =	wrdreg $0xFFFFFFFF  }
0xc9: {  	_ =	task.clear_ibuf [dreg:s11], $0x2FFFF;
	_ =	strace $0x9FFFFFFF  }
0xca: {  	(tm) =	ssettm $0x7FFFFFFF  }
0xcb: {  	_ =	shalt  }
tec
execute0_lowered:
.L_overlay_start_1:
0x0: {  	(tag) =	ssettag $0x1  }
0x1: {  	s0 =	rddreg [dreg:$0x0]  }
0x2: {  	s1 =	rddreg [dreg:$0x1]  }
0x3: {  	s2 =	rddreg [dreg:$0x2]  }
0x4: {  	s3 =	rddreg [dreg:$0x5]  }
0x5: {  	s4 =	srdreg.scid;
	s5 =	stileid.u32  }
0x6: {  	s6 =	simm.s32 $0x0;
	s4 =	sand.u32 $0x1, s4;
	s5 =	sshll.u32 s5, $0xA  }
0x7: {  	[smem:$0x7FF] =	sst s6;
	s24 =	sadd.s32 $0x400, s1;
	s10 =	sadd.s32 $0x100, s2  }
0x8: {  	s11 =	sadd.s32 $0x200, s2;
	s12 =	sadd.s32 $0x300, s2;
	s7 =	sshll.u32 s4, $0x9  }
0x9: {  	s4 =	ssub.s32 $0x2, s4;
	_ =	strace $0x80000047;
	s23 =	sor.u32 s7, s5  }
0xa: {  	s5 =	sshrl.u32 s23, $0x3;
	[dreg:$0x7] =	wrdreg s23;
	s30 =	sor.u32 $0x20, s23  }
0xb: {  	s28 =	sshll.u32 s23, $0x7;
	s26 =	sadd.s32 s24, s5;
	[dreg:$0xb] =	wrdreg s30  }
0xc: {  	s25 =	sshrl.u32 s4, $0x1;
	s0 =	sadd.s32 s0, s28;
	[dreg:$0x8] =	wrdreg s26  }
0xd: {  	v2 =	vlaneseq.u32;
	s1 =	ssub.s32 s4, s25;
	s29 =	sadd.s32 s3, s28;
	[dreg:$0x9] =	wrdreg s0  }
0xe: {  	vm0 =	vmmov $0xffff;
	v1 =	vshrl.u32 v2, $0x3;
	s14 =	smov.u32 s24;
	s31 =	smax.u32 s1, $0x1;
	[dreg:$0xa] =	wrdreg s29  }
0xf: {  	v0 =	vand.u32 $0x7, v2;
	v2 =	vor.u32 $0x8, v2;
	v1 =	vmul.u32 $0x8, v1;
	s5 =	simm.s32 $0xC100;
	s3 =	simm.s32 $0x0;
	[dreg:$0xc] =	wrdreg s31  }
.LBB2_1:
0x10: {  	[dreg:$0xd] =	wrdreg s3  }
0x11: {  	s0 =	rddreg [dreg:$0x3]  }
0x12: {  	s1 =	simm.s32 $0x0;
	s17 =	simm.s32 $0x10100;
	s18 =	simm.s32 $0x7  }
0x13: {  	[tilespmem:s17], [sflag:$0x7] =	stream.linear.gather [hbm4b:s0+s1], $0x400, $0x38;
	[tilespmem:$0x10900] =	vst v63  }
0x14: {  	_ =	swait.ge [sflag:s18], $0x400  }
0x15: {  	[sflag:s18] =	ssyncset.done $0x0  }
0x16: {  	[sflag:s18] =	ssyncadd.s32 $0xFFFFFC00  }
0x17: {  	s4 =	simm.s32 $0x10500;
	s19 =	rddreg [dreg:$0x4]  }
0x18: {  	[tilespmem:s4], [sflag:$0x7] =	stream.linear.gather [hbm4b:s19+s1], $0x400, $0x38;
	[tilespmem:$0x10900] =	vst v63  }
0x19: {  	_ =	swait.ge [sflag:s18], $0x400  }
0x1a: {  	[sflag:s18] =	ssyncset.done $0x0  }
0x1b: {  	s20 =	rddreg [dreg:$0x8];
	[sflag:s18] =	ssyncadd.s32 $0xFFFFFC00  }
0x1c: {  	[tilespmem:s1], [sflag:$0x7] =	stream.linear.gather [hbm4b:s20+s1], $0x10, $0x38;
	[tilespmem:$0x10900] =	vst v63  }
0x1d: {  	_ =	swait.ge [sflag:s18], $0x10  }
0x1e: {  	[sflag:s18] =	ssyncset.done $0x0  }
0x1f: {  	[sflag:s18] =	ssyncadd.s32 $0xFFFFFFF0  }
0x20: {  	v3 =	vld [tilespmem:$0x0];
	_ =	sdelay $0x4  }
0x21: {  	v4 =	vshll.u32 v3, $0x3  }
0x22: {  	v3 =	vand.u32 $0x7, v3;
	v4 =	vand.u32 $0xFFFFFFC0, v4  }
0x23: {  	v3 =	vor.u32 v3, v4  }
0x24: {  	v4 =	vperm.xlane v3, v0;
	_ =	sdelay $0x1  }
0x25: {  	v4 =	vadd.s32 v1, v4;
	_ =	sdelay $0x3  }
0x26: {  	s21 =	simm.s32 $0x100  }
0x27: {  	[tilespmem:s21], [sflag:$0x1] =	stream.indirect_vreg.gather [hbm4b:s2+s1], $0x80, v4, vm0, $0xb8;
	[tilespmem:$0x10900] =	vst v63  }
0x28: {  	s22 =	simm.s32 $0x900;
	v3 =	vperm.xlane v3, v2  }
0x29: {  	[tilespmem:s22], [sflag:$0x1] =	stream.indirect_vreg.gather [hbm4b:s10+s1], $0x80, v4, vm0, $0xb8;
	[tilespmem:$0x10900] =	vst v63  }
0x2a: {  	s23 =	simm.s32 $0x1100;
	v3 =	vadd.s32 v1, v3  }
0x2b: {  	[tilespmem:s23], [sflag:$0x1] =	stream.indirect_vreg.gather [hbm4b:s11+s1], $0x80, v4, vm0, $0xb8;
	[tilespmem:$0x10900] =	vst v63  }
0x2c: {  	s24 =	simm.s32 $0x1900  }
0x2d: {  	[tilespmem:s24], [sflag:$0x1] =	stream.indirect_vreg.gather [hbm4b:s12+s1], $0x80, v4, vm0, $0xb8;
	[tilespmem:$0x10900] =	vst v63  }
0x2e: {  	s25 =	simm.s32 $0x2100  }
0x2f: {  	[tilespmem:s25], [sflag:$0x1] =	stream.indirect_vreg.gather [hbm4b:s2+s1], $0x80, v3, vm0, $0xb8;
	[tilespmem:$0x10900] =	vst v63  }
0x30: {  	s26 =	simm.s32 $0x2900  }
0x31: {  	[tilespmem:s26], [sflag:$0x1] =	stream.indirect_vreg.gather [hbm4b:s10+s1], $0x80, v3, vm0, $0xb8;
	[tilespmem:$0x10900] =	vst v63  }
0x32: {  	s28 =	simm.s32 $0x3100  }
0x33: {  	[tilespmem:s28], [sflag:$0x1] =	stream.indirect_vreg.gather [hbm4b:s11+s1], $0x80, v3, vm0, $0xb8;
	[tilespmem:$0x10900] =	vst v63  }
0x34: {  	s29 =	simm.s32 $0x3900  }
0x35: {  	[tilespmem:s29], [sflag:$0x1] =	stream.indirect_vreg.gather [hbm4b:s12+s1], $0x80, v3, vm0, $0xb8;
	[tilespmem:$0x10900] =	vst v63  }
0x36: {  	s31 =	simm.s32 $0x8100;
	s9 =	simm.s32 $0x0;
	s30 =	rddreg [dreg:$0x9]  }
0x37: {  	[tilespmem:s31], [sflag:$0x3] =	stream.linear.gather [hbm4b:s30+s1], $0x4000, $0x38;
	[tilespmem:$0x10900] =	vst v63  }
.LBB2_2:
0x38: {  	p0 =	seq.s32 s9, $0x0  }
0x39: {  	s1 =	simm.s32 @!p0 $0x6  }
0x3a: {  	s13 =	sshllo.u32 s9, $0x1;
	_ =	swait.ge @!p0 [sflag:s1], $0x4000  }
0x3b: {  	s3 =	sshll.u32 s13, $0x4;
	s0 =	rddreg [dreg:$0x7]  }
0x3c: {  	s25 =	simm.s32 $0x0;
	s3 =	sadd.s32 s0, s3  }
0x3d: {  	s16 =	simm.s32 $0x80;
	[sflag:s1] =	ssyncset.done @!p0 $0x0;
	s8 =	sshrl.u32 s3, $0x3  }
0x3e: {  	s15 =	simm.s32 $0x7;
	[sflag:s1] =	ssyncadd.s32 @!p0 $0xFFFFC000;
	s1 =	sadd.s32 s14, s8  }
0x3f: {  	[tilespmem:s16], [sflag:$0x7] =	stream.linear.gather [hbm4b:s1+s25], $0x10, $0x38;
	[tilespmem:$0x10900] =	vst v63  }
0x40: {  	_ =	swait.ge [sflag:s15], $0x10  }
0x41: {  	[sflag:s15] =	ssyncset.done $0x0  }
0x42: {  	[sflag:s15] =	ssyncadd.s32 $0xFFFFFFF0  }
0x43: {  	v3 =	vld [tilespmem:$0x80];
	_ =	sdelay $0x4  }
0x44: {  	v4 =	vshll.u32 v3, $0x3  }
0x45: {  	v3 =	vand.u32 $0x7, v3;
	v4 =	vand.u32 $0xFFFFFFC0, v4  }
0x46: {  	v3 =	vor.u32 v3, v4  }
0x47: {  	v4 =	vperm.xlane v3, v0;
	_ =	sdelay $0x1  }
0x48: {  	v4 =	vadd.s32 v1, v4;
	_ =	sdelay $0x3  }
0x49: {  	s17 =	simm.s32 $0x4100  }
0x4a: {  	[tilespmem:s17], [sflag:$0x2] =	stream.indirect_vreg.gather [hbm4b:s2+s25], $0x80, v4, vm0, $0xb8;
	[tilespmem:$0x10900] =	vst v63  }
0x4b: {  	s18 =	simm.s32 $0x4900;
	v3 =	vperm.xlane v3, v2  }
0x4c: {  	[tilespmem:s18], [sflag:$0x2] =	stream.indirect_vreg.gather [hbm4b:s10+s25], $0x80, v4, vm0, $0xb8;
	[tilespmem:$0x10900] =	vst v63  }
0x4d: {  	s19 =	simm.s32 $0x5100;
	v3 =	vadd.s32 v1, v3  }
0x4e: {  	[tilespmem:s19], [sflag:$0x2] =	stream.indirect_vreg.gather [hbm4b:s11+s25], $0x80, v4, vm0, $0xb8;
	[tilespmem:$0x10900] =	vst v63  }
0x4f: {  	s20 =	simm.s32 $0x5900  }
0x50: {  	[tilespmem:s20], [sflag:$0x2] =	stream.indirect_vreg.gather [hbm4b:s12+s25], $0x80, v4, vm0, $0xb8;
	[tilespmem:$0x10900] =	vst v63  }
0x51: {  	s21 =	simm.s32 $0x6100  }
0x52: {  	[tilespmem:s21], [sflag:$0x2] =	stream.indirect_vreg.gather [hbm4b:s2+s25], $0x80, v3, vm0, $0xb8;
	[tilespmem:$0x10900] =	vst v63  }
0x53: {  	s22 =	simm.s32 $0x6900  }
0x54: {  	[tilespmem:s22], [sflag:$0x2] =	stream.indirect_vreg.gather [hbm4b:s10+s25], $0x80, v3, vm0, $0xb8;
	[tilespmem:$0x10900] =	vst v63  }
0x55: {  	s23 =	simm.s32 $0x7100  }
0x56: {  	[tilespmem:s23], [sflag:$0x2] =	stream.indirect_vreg.gather [hbm4b:s11+s25], $0x80, v3, vm0, $0xb8;
	[tilespmem:$0x10900] =	vst v63  }
0x57: {  	s24 =	simm.s32 $0x7900;
	s26 =	sshll.u32 s3, $0x7;
	s29 =	rddreg [dreg:$0x0]  }
0x58: {  	[tilespmem:s24], [sflag:$0x2] =	stream.indirect_vreg.gather [hbm4b:s12+s25], $0x80, v3, vm0, $0xb8;
	[tilespmem:$0x10900] =	vst v63  }
0x59: {  	s3 =	simm.s32 $0x1;
	s1 =	sadd.s32 s29, s26  }
0x5a: {  	[tilespmem:s5], [sflag:$0x4] =	stream.linear.gather [hbm4b:s1+s25], $0x4000, $0x38;
	[tilespmem:$0x10900] =	vst v63  }
0x5b: {  	_ =	swait.ge [sflag:s3], $0x4000  }
0x5c: {  	[sflag:s3] =	ssyncset.done $0x0  }
0x5d: {  	s4 =	simm.s32 $0x3;
	[sflag:s3] =	ssyncadd.s32 $0xFFFFC000  }
0x5e: {  	s5 =	simm.s32 $0x0;
	_ =	swait.ge [sflag:s4], $0x4000  }
0x5f: {  	s6 =	sand.u32 $0x380, s25;
	s0 =	sand.u32 $0x2000, s5;
	[sflag:s4] =	ssyncset.done $0x0  }
0x60: {  	s1 =	sor.u32 s6, s0;
	[sflag:s4] =	ssyncadd.s32 $0xFFFFC000  }
0x61: {  	v3 =	vld [tilespmem:s1+$0x8100]  }
0x62: {  	v4 =	vld [tilespmem:s1+$0x8110]  }
0x63: {  	v5 =	vld [tilespmem:s1+$0x8120]  }
0x64: {  	v6 =	vld [tilespmem:s1+$0x8130]  }
0x65: {  	v7 =	vld [tilespmem:s1+$0x8140]  }
0x66: {  	v8 =	vld [tilespmem:s1+$0x8150]  }
0x67: {  	v9 =	vld [tilespmem:s1+$0x8160]  }
0x68: {  	v10 =	vld [tilespmem:s1+$0x8170]  }
0x69: {  	v13 =	vld [tilespmem:s1+$0x8500];
	v11 =	vmul.f32 v3, v3;
	v12 =	vmul.f32 v4, v4  }
0x6a: {  	v16 =	vld [tilespmem:s1+$0x8510];
	v14 =	vmul.f32 v5, v5;
	v15 =	vmul.f32 v6, v6  }
0x6b: {  	v19 =	vld [tilespmem:s1+$0x8520];
	v3 =	vadd.f32 $0.0e+00, v3;
	v17 =	vmul.f32 v7, v7;
	v18 =	vmul.f32 v8, v8  }
0x6c: {  	v21 =	vld [tilespmem:s1+$0x8530];
	v4 =	vadd.f32 $0.0e+00, v4;
	v5 =	vadd.f32 $0.0e+00, v5;
	v20 =	vmul.f32 v9, v9  }
0x6d: {  	v6 =	vadd.f32 $0.0e+00, v6;
	v22 =	vmul.f32 v10, v10;
	v11 =	vadd.f32 v17, v11  }
0x6e: {  	v23 =	vld [tilespmem:s1+$0x8540];
	v12 =	vadd.f32 v18, v12;
	v17 =	vmul.f32 v13, v13;
	v14 =	vadd.f32 v20, v14  }
0x6f: {  	v15 =	vadd.f32 v22, v15;
	v20 =	vmul.f32 v16, v16;
	v3 =	vadd.f32 v7, v3  }
0x70: {  	v18 =	vld [tilespmem:s1+$0x8550];
	v4 =	vadd.f32 v8, v4;
	v7 =	vmul.f32 v19, v19;
	v5 =	vadd.f32 v9, v5  }
0x71: {  	v22 =	vld [tilespmem:s1+$0x8560];
	v6 =	vadd.f32 v10, v6;
	v9 =	vmul.f32 v21, v21;
	v10 =	vadd.f32 v17, v11  }
0x72: {  	v8 =	vld [tilespmem:s1+$0x8570];
	v12 =	vadd.f32 v20, v12;
	v7 =	vadd.f32 v7, v14  }
0x73: {  	v11 =	vld [tilespmem:s1+$0x8900];
	v17 =	vmul.f32 v23, v23;
	v9 =	vadd.f32 v9, v15;
	v3 =	vadd.f32 v13, v3  }
0x74: {  	v14 =	vld [tilespmem:s1+$0x8910];
	v4 =	vadd.f32 v16, v4;
	v5 =	vadd.f32 v19, v5  }
0x75: {  	v13 =	vld [tilespmem:s1+$0x8920];
	v6 =	vadd.f32 v21, v6;
	v10 =	vadd.f32 v17, v10  }
0x76: {  	v19 =	vld [tilespmem:s1+$0x8930];
	v3 =	vadd.f32 v23, v3;
	v15 =	vmul.f32 v18, v18;
	v16 =	vmul.f32 v22, v22  }
0x77: {  	v21 =	vld [tilespmem:s1+$0x8970];
	v20 =	vmul.f32 v8, v8;
	v4 =	vadd.f32 v18, v4;
	v5 =	vadd.f32 v22, v5  }
0x78: {  	v17 =	vld [tilespmem:s1+$0x8940];
	v6 =	vadd.f32 v8, v6;
	v12 =	vadd.f32 v15, v12  }
0x79: {  	v23 =	vld [tilespmem:s1+$0x8D00];
	v7 =	vadd.f32 v16, v7;
	v9 =	vadd.f32 v20, v9  }
0x7a: {  	v15 =	vld [tilespmem:s1+$0x8950];
	v16 =	vmul.f32 v11, v11;
	v18 =	vmul.f32 v14, v14;
	v3 =	vadd.f32 v11, v3  }
0x7b: {  	v20 =	vld [tilespmem:s1+$0x8960];
	v8 =	vmul.f32 v13, v13;
	v4 =	vadd.f32 v14, v4;
	v5 =	vadd.f32 v13, v5  }
0x7c: {  	v22 =	vmul.f32 v19, v19;
	v14 =	vld [tilespmem:s1+$0x8D30];
	v6 =	vadd.f32 v19, v6;
	v10 =	vadd.f32 v16, v10  }
0x7d: {  	v19 =	vld [tilespmem:s1+$0x8D40];
	v12 =	vadd.f32 v18, v12;
	v16 =	vmul.f32 v17, v17;
	v7 =	vadd.f32 v8, v7  }
0x7e: {  	v13 =	vmul.f32 v21, v21;
	v18 =	vld [tilespmem:s1+$0x8D10];
	v8 =	vadd.f32 v22, v9;
	v3 =	vadd.f32 v17, v3  }
0x7f: {  	v22 =	vld [tilespmem:s1+$0x8D20];
	v6 =	vadd.f32 v21, v6;
	v10 =	vadd.f32 v16, v10  }
0x80: {  	v17 =	vld [tilespmem:s1+$0x8D70];
	v8 =	vadd.f32 v13, v8;
	v3 =	vadd.f32 v23, v3  }
0x81: {  	v21 =	vld [tilespmem:s1+$0x9100];
	v9 =	vmul.f32 v15, v15;
	v11 =	vmul.f32 v20, v20;
	v4 =	vadd.f32 v15, v4  }
0x82: {  	v16 =	vld [tilespmem:s1+$0x8D50];
	v5 =	vadd.f32 v20, v5;
	v20 =	vmul.f32 v14, v14;
	v6 =	vadd.f32 v14, v6  }
0x83: {  	v13 =	vld [tilespmem:s1+$0x8D60];
	v3 =	vadd.f32 v19, v3;
	v9 =	vadd.f32 v9, v12;
	v12 =	vmul.f32 v23, v23  }
0x84: {  	v7 =	vadd.f32 v11, v7;
	v11 =	vmul.f32 v18, v18;
	v8 =	vadd.f32 v20, v8;
	v20 =	vld [tilespmem:s1+$0x9120]  }
0x85: {  	v15 =	vmul.f32 v22, v22;
	v4 =	vadd.f32 v18, v4;
	v23 =	vld [tilespmem:s1+$0x9130];
	v5 =	vadd.f32 v22, v5  }
0x86: {  	v14 =	vmul.f32 v17, v17;
	v22 =	vld [tilespmem:s1+$0x9140];
	v6 =	vadd.f32 v17, v6;
	v3 =	vadd.f32 v21, v3  }
0x87: {  	v17 =	vld [tilespmem:s1+$0x9500];
	v10 =	vadd.f32 v12, v10;
	v9 =	vadd.f32 v11, v9;
	v11 =	vmul.f32 v19, v19  }
0x88: {  	v12 =	vld [tilespmem:s1+$0x9110];
	v7 =	vadd.f32 v15, v7;
	v15 =	vmul.f32 v16, v16;
	v8 =	vadd.f32 v14, v8  }
0x89: {  	v18 =	vmul.f32 v13, v13;
	v4 =	vadd.f32 v16, v4;
	v19 =	vld [tilespmem:s1+$0x9170];
	v5 =	vadd.f32 v13, v5  }
0x8a: {  	v10 =	vadd.f32 v11, v10;
	v9 =	vadd.f32 v15, v9;
	v11 =	vmul.f32 v21, v21;
	v15 =	vld [tilespmem:s1+$0x9150]  }
0x8b: {  	v7 =	vadd.f32 v18, v7;
	v18 =	vld [tilespmem:s1+$0x9160];
	v16 =	vmul.f32 v20, v20;
	v5 =	vadd.f32 v20, v5  }
0x8c: {  	v21 =	vld [tilespmem:s1+$0x9530];
	v13 =	vmul.f32 v23, v23;
	v6 =	vadd.f32 v23, v6;
	v3 =	vadd.f32 v22, v3  }
0x8d: {  	v23 =	vld [tilespmem:s1+$0x9540];
	v10 =	vadd.f32 v11, v10;
	v11 =	vmul.f32 v22, v22;
	v7 =	vadd.f32 v16, v7  }
0x8e: {  	v22 =	vld [tilespmem:s1+$0x9570];
	v14 =	vmul.f32 v12, v12;
	v8 =	vadd.f32 v13, v8;
	v4 =	vadd.f32 v12, v4  }
0x8f: {  	v16 =	vld [tilespmem:s1+$0x9520];
	v20 =	vmul.f32 v19, v19;
	v6 =	vadd.f32 v19, v6;
	v3 =	vadd.f32 v17, v3  }
0x90: {  	v19 =	vld [tilespmem:s1+$0x9900];
	v10 =	vadd.f32 v11, v10;
	v11 =	vmul.f32 v17, v17;
	v9 =	vadd.f32 v14, v9  }
0x91: {  	v17 =	vld [tilespmem:s1+$0x9930];
	v13 =	vmul.f32 v15, v15;
	v8 =	vadd.f32 v20, v8;
	v4 =	vadd.f32 v15, v4  }
0x92: {  	v14 =	vld [tilespmem:s1+$0x9510];
	v12 =	vmul.f32 v18, v18;
	v5 =	vadd.f32 v18, v5;
	v6 =	vadd.f32 v21, v6  }
0x93: {  	v20 =	vld [tilespmem:s1+$0x9560];
	v18 =	vmul.f32 v21, v21;
	v10 =	vadd.f32 v11, v10;
	v3 =	vadd.f32 v23, v3  }
0x94: {  	s7 =	sand.u32 $0x7, s25;
	v21 =	vld [tilespmem:s1+$0x9940];
	v11 =	vmul.f32 v23, v23;
	v9 =	vadd.f32 v13, v9;
	v7 =	vadd.f32 v12, v7  }
0x95: {  	s0 =	sshll.u32 s7, $0x7;
	v23 =	vld [tilespmem:s1+$0x9970];
	v8 =	vadd.f32 v18, v8;
	v6 =	vadd.f32 v22, v6;
	v15 =	vmul.f32 v16, v16  }
0x96: {  	s0 =	sadd.s32 $0x0, s0;
	v13 =	vld [tilespmem:s1+$0x9550];
	v5 =	vadd.f32 v16, v5;
	v16 =	vmul.f32 v22, v22;
	v10 =	vadd.f32 v11, v10  }
0x97: {  	s8 =	sor.u32 $0x1C00, s0;
	v18 =	vld [tilespmem:s1+$0x9920];
	v11 =	vmul.f32 v19, v19;
	v3 =	vadd.f32 v19, v3;
	v6 =	vadd.f32 v17, v6  }
0x98: {  	s18 =	sor.u32 $0x1C30, s0;
	v22 =	vld [tilespmem:s8+$0x8100];
	v12 =	vmul.f32 v14, v14;
	v7 =	vadd.f32 v15, v7;
	v4 =	vadd.f32 v14, v4  }
0x99: {  	v19 =	vld [tilespmem:s18+$0x8100];
	v14 =	vmul.f32 v20, v20;
	v8 =	vadd.f32 v16, v8;
	v5 =	vadd.f32 v20, v5  }
0x9a: {  	s15 =	sor.u32 $0x1C10, s0;
	s17 =	sor.u32 $0x1C20, s0;
	s19 =	sor.u32 $0x1C40, s0;
	v16 =	vld [tilespmem:s1+$0x9960];
	v20 =	vmul.f32 v17, v17;
	v10 =	vadd.f32 v11, v10;
	v3 =	vadd.f32 v21, v3  }
0x9b: {  	s20 =	sor.u32 $0x1C50, s0;
	s21 =	sor.u32 $0x1C60, s0;
	s0 =	sor.u32 $0x1C70, s0;
	v6 =	vadd.f32 v23, v6;
	v9 =	vadd.f32 v12, v9;
	v12 =	vld [tilespmem:s1+$0x9910];
	v15 =	vmul.f32 v13, v13  }
0x9c: {  	v11 =	vmul.f32 v21, v21;
	v21 =	vld [tilespmem:s0+$0x8100];
	v7 =	vadd.f32 v14, v7;
	v4 =	vadd.f32 v13, v4  }
0x9d: {  	v17 =	vmul.f32 v23, v23;
	v8 =	vadd.f32 v20, v8;
	v9 =	vadd.f32 v15, v9;
	v15 =	vld [tilespmem:s1+$0x9950]  }
0x9e: {  	v13 =	vmul.f32 v18, v18;
	v20 =	vld [tilespmem:s17+$0x8100];
	v5 =	vadd.f32 v18, v5;
	v10 =	vadd.f32 v11, v10  }
0x9f: {  	v18 =	vld [tilespmem:s19+$0x8100];
	v11 =	vmul.f32 v22, v22;
	v3 =	vadd.f32 v22, v3;
	v6 =	vadd.f32 v19, v6  }
0xa0: {  	v7 =	vadd.f32 v13, v7;
	v8 =	vadd.f32 v17, v8;
	v14 =	vmul.f32 v12, v12  }
0xa1: {  	v17 =	vld [tilespmem:s21+$0x8100];
	v5 =	vadd.f32 v16, v5;
	v10 =	vadd.f32 v11, v10  }
0xa2: {  	s22 =	simm.s32 $0x80;
	s4 =	simm.s32 $0x400;
	v6 =	vadd.f32 v21, v6;
	v9 =	vadd.f32 v14, v9;
	v14 =	vld [tilespmem:s15+$0x8100];
	v13 =	vmul.f32 v15, v15  }
0xa3: {  	s3 =	sand.u32 $0x380, s22;
	s23 =	sand.u32 $0x2000, s4;
	v4 =	vadd.f32 v12, v4;
	v12 =	vmul.f32 v16, v16;
	v16 =	vmul.f32 v19, v19  }
0xa4: {  	s1 =	sor.u32 s3, s23;
	v11 =	vmul.f32 v18, v18;
	v5 =	vadd.f32 v20, v5;
	v9 =	vadd.f32 v13, v9;
	v13 =	vld [tilespmem:s20+$0x8100]  }
0xa5: {  	v23 =	vld [tilespmem:s1+$0x8100];
	v19 =	vmul.f32 v21, v21;
	v3 =	vadd.f32 v18, v3;
	v7 =	vadd.f32 v12, v7  }
0xa6: {  	v22 =	vld [tilespmem:s1+$0x8130];
	v4 =	vadd.f32 v15, v4;
	v15 =	vmul.f32 v20, v20;
	v8 =	vadd.f32 v16, v8  }
0xa7: {  	v18 =	vld [tilespmem:s1+$0x8170];
	v10 =	vadd.f32 v11, v10;
	v5 =	vadd.f32 v17, v5;
	v12 =	vmul.f32 v14, v14  }
0xa8: {  	v16 =	vld [tilespmem:s1+$0x8120];
	v7 =	vadd.f32 v15, v7;
	v4 =	vadd.f32 v14, v4;
	v14 =	vmul.f32 v17, v17  }
0xa9: {  	v24 =	vld [tilespmem:s1+$0x8520];
	v8 =	vadd.f32 v19, v8;
	v9 =	vadd.f32 v12, v9;
	v15 =	vmul.f32 v13, v13  }
0xaa: {  	v20 =	vld [tilespmem:s1+$0x8140];
	v7 =	vadd.f32 v14, v7;
	v4 =	vadd.f32 v13, v4  }
0xab: {  	v19 =	vld [tilespmem:s1+$0x8160];
	v17 =	vadd.f32 $0.0e+00, v23;
	v9 =	vadd.f32 v15, v9  }
0xac: {  	v25 =	vmul.f32 v18, v18;
	v12 =	vld [tilespmem:s1+$0x8110];
	v7 =	vadd.f32 v8, v7;
	v3 =	vadd.f32 v4, v3  }
0xad: {  	v15 =	vld [tilespmem:s1+$0x8150];
	v8 =	vmul.f32 v22, v22;
	v4 =	vadd.f32 v6, v5;
	v6 =	vadd.f32 $0.0e+00, v16  }
0xae: {  	v11 =	vmul.f32 v23, v23;
	v22 =	vadd.f32 $0.0e+00, v22;
	v9 =	vadd.f32 v9, v10  }
0xaf: {  	v13 =	vmul.f32 v16, v16;
	v16 =	vld [tilespmem:s1+$0x8530];
	v3 =	vadd.f32 v4, v3;
	v8 =	vadd.f32 v25, v8  }
0xb0: {  	v21 =	vmul.f32 v20, v20;
	v10 =	vld [tilespmem:s1+$0x8500];
	v6 =	vadd.f32 v19, v6;
	v18 =	vadd.f32 v18, v22  }
0xb1: {  	v23 =	vld [tilespmem:s1+$0x8510];
	v14 =	vmul.f32 v12, v12;
	v5 =	vadd.f32 $0.0e+00, v12;
	v12 =	vmul.f32 v19, v19  }
0xb2: {  	v4 =	vld [tilespmem:s1+$0x8540];
	v7 =	vadd.f32 v7, v9;
	v6 =	vadd.f32 v24, v6;
	v9 =	vmul.f32 v15, v15  }
0xb3: {  	v22 =	vld [tilespmem:s1+$0x8930];
	v12 =	vadd.f32 v12, v13;
	v5 =	vadd.f32 v15, v5;
	v15 =	vmul.f32 v24, v24  }
0xb4: {  	v19 =	vmul.f32 v16, v16;
	v16 =	vadd.f32 v16, v18;
	(xrf2) =	vadd.scan.msk.f32 $0xffff, v7;
	v7 =	vadd.f32 v21, v11;
	v21 =	vld [tilespmem:s1+$0x8560]  }
0xb5: {  	v9 =	vadd.f32 v9, v14;
	v11 =	vmul.f32 v10, v10;
	v14 =	vld [tilespmem:s1+$0x8550];
	(xrf2) =	vadd.scan.msk.f32 $0xffff, v3;
	v3 =	vadd.f32 v20, v17  }
0xb6: {  	v13 =	vmul.f32 v23, v23;
	v17 =	vld [tilespmem:s1+$0x8570];
	v12 =	vadd.f32 v15, v12;
	v8 =	vadd.f32 v19, v8  }
0xb7: {  	v20 =	vld [tilespmem:s1+$0x8920];
	v7 =	vadd.f32 v11, v7;
	v11 =	vmul.f32 v4, v4;
	v3 =	vadd.f32 v10, v3  }
0xb8: {  	v5 =	vadd.f32 v23, v5;
	v9 =	vadd.f32 v13, v9;
	v13 =	vld [tilespmem:s1+$0x8900]  }
0xb9: {  	v19 =	vld [tilespmem:s1+$0x8910];
	v10 =	vmul.f32 v21, v21;
	v7 =	vadd.f32 v11, v7;
	v3 =	vadd.f32 v4, v3  }
0xba: {  	v11 =	vld [tilespmem:s1+$0x8940];
	v6 =	vadd.f32 v21, v6;
	v15 =	vmul.f32 v14, v14;
	v4 =	vadd.f32 v14, v5  }
0xbb: {  	v21 =	vld [tilespmem:s1+$0x8970];
	v18 =	vmul.f32 v17, v17;
	v16 =	vadd.f32 v17, v16;
	v10 =	vadd.f32 v10, v12  }
0xbc: {  	v14 =	vld [tilespmem:s1+$0x8960];
	v17 =	vmul.f32 v20, v20;
	v6 =	vadd.f32 v20, v6;
	v9 =	vadd.f32 v15, v9  }
0xbd: {  	v8 =	vadd.f32 v18, v8;
	v12 =	vmul.f32 v13, v13;
	v3 =	vadd.f32 v13, v3  }
0xbe: {  	v59 =	vld [tilespmem:s1+$0x8D00];
	v5 =	vmul.f32 v19, v19;
	v4 =	vadd.f32 v19, v4;
	v16 =	vadd.f32 v22, v16  }
0xbf: {  	v15 =	vld [tilespmem:s1+$0x8950];
	v10 =	vadd.f32 v17, v10;
	v7 =	vadd.f32 v12, v7;
	v12 =	vmul.f32 v22, v22  }
0xc0: {  	v17 =	vld [tilespmem:s1+$0x8D20];
	v18, _, _ =	vpop (xrf2);
	v5 =	vadd.f32 v5, v9;
	v9 =	vmul.f32 v11, v11;
	v3 =	vadd.f32 v11, v3  }
0xc1: {  	v20 =	vld [tilespmem:s1+$0x8D40];
	v23, _, _ =	vpop (xrf2);
	v13 =	vmul.f32 v14, v14;
	v6 =	vadd.f32 v14, v6;
	v14 =	vadd.f32 v21, v16  }
0xc2: {  	v19 =	vmul.f32 v21, v21;
	v21 =	vld [tilespmem:s1+$0x9100];
	(v2sf) =	vpush v23, $0xF;
	v8 =	vadd.f32 v12, v8  }
0xc3: {  	v23 =	vld [tilespmem:s1+$0x8D10];
	v7 =	vadd.f32 v9, v7;
	v9 =	vmul.f32 v59, v59;
	v3 =	vadd.f32 v59, v3  }
0xc4: {  	(v2sf) =	vpush v18, $0xF;
	v12 =	vmul.f32 v15, v15;
	v18 =	vld [tilespmem:s1+$0x8D30];
	v10 =	vadd.f32 v13, v10  }
0xc5: {  	v4 =	vadd.f32 v15, v4;
	v15 =	vld [tilespmem:s1+$0x8D70];
	v8 =	vadd.f32 v19, v8;
	v11 =	vmul.f32 v17, v17  }
0xc6: {  	v19 =	vld [tilespmem:s1+$0x8D60];
	v7 =	vadd.f32 v9, v7;
	v9 =	vmul.f32 v20, v20;
	v6 =	vadd.f32 v17, v6  }
0xc7: {  	v3 =	vadd.f32 v20, v3;
	v20 =	vld [tilespmem:s1+$0x9170];
	v5 =	vadd.f32 v12, v5  }
0xc8: {  	v12 =	vld [tilespmem:s1+$0x8D50];
	v10 =	vadd.f32 v11, v10;
	v7 =	vadd.f32 v9, v7  }
0xc9: {  	v9 =	vmul.f32 v21, v21;
	v13 =	vmul.f32 v23, v23;
	v4 =	vadd.f32 v23, v4;
	v23 =	vld [tilespmem:s1+$0x9130]  }
0xca: {  	v3 =	vadd.f32 v21, v3;
	v21 =	vld [tilespmem:s1+$0x9530];
	v16 =	vmul.f32 v18, v18;
	v14 =	vadd.f32 v18, v14  }
0xcb: {  	v17 =	vmul.f32 v15, v15;
	v18 =	vld [tilespmem:s1+$0x9140];
	v7 =	vadd.f32 v9, v7;
	v5 =	vadd.f32 v13, v5  }
0xcc: {  	v13 =	vld [tilespmem:s1+$0x9110];
	v22 =	vmul.f32 v19, v19;
	v6 =	vadd.f32 v19, v6;
	v8 =	vadd.f32 v16, v8  }
0xcd: {  	v11 =	vmul.f32 v12, v12;
	v16 =	vld [tilespmem:s1+$0x9120];
	v4 =	vadd.f32 v12, v4;
	v14 =	vadd.f32 v15, v14  }
0xce: {  	v19 =	vld [tilespmem:s1+$0x9500];
	v10 =	vadd.f32 v22, v10;
	v8 =	vadd.f32 v17, v8;
	v15 =	vmul.f32 v23, v23  }
0xcf: {  	v22 =	vld [tilespmem:s1+$0x9160];
	v5 =	vadd.f32 v11, v5;
	v14 =	vadd.f32 v23, v14  }
0xd0: {  	v11 =	vld [tilespmem:s1+$0x9150];
	v9 =	vmul.f32 v18, v18;
	v3 =	vadd.f32 v18, v3;
	v8 =	vadd.f32 v15, v8  }
0xd1: {  	v23 =	vld [tilespmem:s1+$0x9540];
	v17 =	vmul.f32 v13, v13;
	v4 =	vadd.f32 v13, v4;
	v14 =	vadd.f32 v20, v14  }
0xd2: {  	v18 =	vld [tilespmem:s1+$0x9570];
	v12 =	vmul.f32 v16, v16;
	v6 =	vadd.f32 v16, v6;
	v7 =	vadd.f32 v9, v7  }
0xd3: {  	v15 =	vld [tilespmem:s1+$0x9520];
	v16 =	vmul.f32 v20, v20;
	v3 =	vadd.f32 v19, v3;
	v5 =	vadd.f32 v17, v5  }
0xd4: {  	v9 =	vmul.f32 v19, v19;
	v19 =	vld [tilespmem:s1+$0x9930];
	v14 =	vadd.f32 v21, v14;
	v10 =	vadd.f32 v12, v10  }
0xd5: {  	v17 =	vld [tilespmem:s1+$0x9510];
	v13 =	vmul.f32 v22, v22;
	v8 =	vadd.f32 v16, v8;
	v4 =	vadd.f32 v11, v4  }
0xd6: {  	v12 =	vmul.f32 v11, v11;
	v16 =	vld [tilespmem:s1+$0x9560];
	v6 =	vadd.f32 v22, v6;
	v7 =	vadd.f32 v9, v7  }
0xd7: {  	v20 =	vmul.f32 v21, v21;
	v22 =	vld [tilespmem:s1+$0x9900];
	v3 =	vadd.f32 v23, v3;
	v14 =	vadd.f32 v18, v14  }
0xd8: {  	s26 =	simm.s32 $0x1;
	v9 =	vmul.f32 v23, v23;
	v5 =	vadd.f32 v12, v5;
	v10 =	vadd.f32 v13, v10  }
0xd9: {  	s24 =	sand.u32 $0x7, s26;
	v23 =	vld [tilespmem:s1+$0x9970];
	v11 =	vmul.f32 v15, v15;
	v8 =	vadd.f32 v20, v8;
	v6 =	vadd.f32 v15, v6  }
0xda: {  	s0 =	sshll.u32 s24, $0x7;
	v12 =	vld [tilespmem:s1+$0x9550];
	v15 =	vmul.f32 v18, v18;
	v7 =	vadd.f32 v9, v7;
	v14 =	vadd.f32 v19, v14  }
0xdb: {  	s0 =	sadd.s32 $0x400, s0;
	v20 =	vld [tilespmem:s1+$0x9920];
	v13 =	vmul.f32 v17, v17;
	v10 =	vadd.f32 v11, v10;
	v4 =	vadd.f32 v17, v4  }
0xdc: {  	s29 =	sor.u32 $0x1C00, s0;
	v21 =	vld [tilespmem:s1+$0x9940];
	v8 =	vadd.f32 v15, v8;
	v17 =	vmul.f32 v16, v16;
	v9 =	vmul.f32 v22, v22  }
0xdd: {  	s5 =	sor.u32 $0x1C30, s0;
	v18 =	vld [tilespmem:s29+$0x8100];
	v6 =	vadd.f32 v16, v6;
	v16 =	vmul.f32 v19, v19;
	v3 =	vadd.f32 v22, v3  }
0xde: {  	v22 =	vld [tilespmem:s5+$0x8100];
	v19 =	vmul.f32 v23, v23;
	v14 =	vadd.f32 v23, v14;
	v5 =	vadd.f32 v13, v5  }
0xdf: {  	v13 =	vld [tilespmem:s1+$0x9910];
	v11 =	vmul.f32 v12, v12;
	v10 =	vadd.f32 v17, v10;
	v4 =	vadd.f32 v12, v4  }
0xe0: {  	v17 =	vld [tilespmem:s1+$0x9960];
	v12 =	vmul.f32 v20, v20;
	v7 =	vadd.f32 v9, v7;
	v8 =	vadd.f32 v16, v8  }
0xe1: {  	s4 =	sor.u32 $0x1C20, s0;
	s6 =	sor.u32 $0x1C40, s0;
	s7 =	sor.u32 $0x1C50, s0;
	v9 =	vmul.f32 v21, v21;
	v6 =	vadd.f32 v20, v6;
	v5 =	vadd.f32 v11, v5;
	v11 =	vld [tilespmem:s1+$0x9950]  }
0xe2: {  	s8 =	sor.u32 $0x1C60, s0;
	s3 =	sor.u32 $0x1C10, s0;
	s0 =	sor.u32 $0x1C70, s0;
	v20 =	vld [tilespmem:s6+$0x8100];
	v3 =	vadd.f32 v21, v3;
	v10 =	vadd.f32 v12, v10  }
0xe3: {  	v21 =	vld [tilespmem:s0+$0x8100];
	v7 =	vadd.f32 v9, v7;
	v9 =	vmul.f32 v18, v18;
	v8 =	vadd.f32 v19, v8  }
0xe4: {  	v16 =	vld [tilespmem:s4+$0x8100];
	v3 =	vadd.f32 v18, v3;
	v14 =	vadd.f32 v22, v14;
	v15 =	vmul.f32 v13, v13  }
0xe5: {  	v4 =	vadd.f32 v13, v4;
	v7 =	vadd.f32 v9, v7  }
0xe6: {  	s17 =	simm.s32 $0x800;
	s15 =	simm.s32 $0x100;
	v13 =	vmul.f32 v17, v17;
	v5 =	vadd.f32 v15, v5;
	v15 =	vld [tilespmem:s3+$0x8100];
	v12 =	vmul.f32 v11, v11  }
0xe7: {  	s18 =	sand.u32 $0x2000, s17;
	v19 =	vld [tilespmem:s8+$0x8100];
	v6 =	vadd.f32 v17, v6;
	v17 =	vmul.f32 v22, v22;
	v3 =	vadd.f32 v20, v3;
	s3 =	sand.u32 $0x380, s15  }
0xe8: {  	v9 =	vmul.f32 v20, v20;
	v14 =	vadd.f32 v21, v14;
	s28 =	sor.u32 s3, s18;
	v5 =	vadd.f32 v12, v5;
	v12 =	vld [tilespmem:s7+$0x8100]  }
0xe9: {  	s19 =	spop (v2sf);
	v10 =	vadd.f32 v13, v10;
	v4 =	vadd.f32 v11, v4;
	v11 =	vmul.f32 v16, v16;
	v23 =	vld [tilespmem:s28+$0x8100]  }
0xea: {  	s20 =	smul.f32 $9.765625000e-04, s19;
	v8 =	vadd.f32 v17, v8;
	v6 =	vadd.f32 v16, v6;
	v16 =	vmul.f32 v21, v21;
	v20 =	vld [tilespmem:s28+$0x8170]  }
0xeb: {  	v7 =	vadd.f32 v9, v7;
	v17 =	vld [tilespmem:s28+$0x8120];
	v10 =	vadd.f32 v11, v10;
	v13 =	vmul.f32 v15, v15  }
0xec: {  	s21 =	spop (v2sf);
	s22 =	smul.f32 s20, s20;
	v8 =	vadd.f32 v16, v8;
	v16 =	vld [tilespmem:s28+$0x8160];
	v4 =	vadd.f32 v15, v4;
	v15 =	vmul.f32 v19, v19  }
0xed: {  	s0 =	smul.f32 $9.765625000e-04, s21;
	v6 =	vadd.f32 v19, v6;
	v5 =	vadd.f32 v13, v5;
	v13 =	vld [tilespmem:s28+$0x8110];
	v11 =	vmul.f32 v12, v12  }
0xee: {  	v18 =	vld [tilespmem:s28+$0x8130];
	v9 =	vmul.f32 v23, v23;
	v10 =	vadd.f32 v15, v10;
	v4 =	vadd.f32 v12, v4  }
0xef: {  	s0 =	ssub.f32 s0, s22;
	v22 =	vld [tilespmem:s28+$0x8140];
	v19 =	vadd.f32 $0.0e+00, v23;
	v61 =	vmul.f32 v20, v20;
	v5 =	vadd.f32 v11, v5  }
0xf0: {  	v23 =	vld [tilespmem:s28+$0x8510];
	v12 =	vmul.f32 v17, v17;
	v3 =	vadd.f32 v4, v3;
	v4 =	vadd.f32 v14, v6  }
0xf1: {  	s0 =	sadd.f32 $9.999999740e-06, s0;
	v11 =	vld [tilespmem:s28+$0x8150];
	v14 =	vmul.f32 v16, v16;
	v5 =	vadd.f32 v5, v7;
	v7 =	vadd.f32 v8, v10  }
0xf2: {  	v60 =	vld [tilespmem:s28+$0x8520];
	v15 =	vmul.f32 v13, v13;
	v6 =	vadd.f32 $0.0e+00, v13;
	v13 =	vadd.f32 $0.0e+00, v17  }
0xf3: {  	s23 =	sshrl.u32 s0, $0x1;
	s24 =	smul.f32 $5.000000000e-01, s0;
	v8 =	vmul.f32 v18, v18;
	v10 =	vld [tilespmem:s28+$0x8500];
	v18 =	vadd.f32 $0.0e+00, v18;
	v3 =	vadd.f32 v4, v3  }
0xf4: {  	s29 =	ssub.s32 $0x5F3759DF, s23;
	v21 =	vmul.f32 v22, v22;
	v17 =	vld [tilespmem:s28+$0x8530];
	v12 =	vadd.f32 v14, v12;
	v5 =	vadd.f32 v7, v5  }
0xf5: {  	s4 =	smul.f32 s29, s24;
	v4 =	vld [tilespmem:s28+$0x8540];
	v14 =	vmul.f32 v23, v23;
	v8 =	vadd.f32 v61, v8;
	v13 =	vadd.f32 v16, v13  }
0xf6: {  	v16 =	vadd.f32 v20, v18;
	v7 =	vmul.f32 v11, v11;
	v6 =	vadd.f32 v11, v6;
	(xrf2) =	vadd.scan.msk.f32 $0xffff, v5  }
0xf7: {  	s4 =	smul.f32 s29, s4;
	v11 =	vmul.f32 v60, v60;
	v5 =	vadd.f32 v21, v9;
	(xrf2) =	vadd.scan.msk.f32 $0xffff, v3;
	v3 =	vadd.f32 v22, v19;
	v19 =	vld [tilespmem:s28+$0x8570]  }
0xf8: {  	v21 =	vld [tilespmem:s28+$0x8560];
	v13 =	vadd.f32 v60, v13;
	v7 =	vadd.f32 v7, v15;
	v9 =	vmul.f32 v10, v10  }
0xf9: {  	s4 =	ssub.f32 $1.500000000e+00, s4;
	v15 =	vld [tilespmem:s28+$0x8550];
	v18 =	vmul.f32 v17, v17;
	v11 =	vadd.f32 v11, v12;
	v6 =	vadd.f32 v23, v6  }
0xfa: {  	v20 =	vld [tilespmem:s28+$0x8920];
	v16 =	vadd.f32 v17, v16;
	v5 =	vadd.f32 v9, v5;
	v9 =	vmul.f32 v4, v4  }
0xfb: {  	s0 =	smul.f32 s29, s4;
	v7 =	vadd.f32 v14, v7;
	v14 =	vld [tilespmem:s28+$0x8900];
	v3 =	vadd.f32 v10, v3  }
0xfc: {  	v8 =	vadd.f32 v18, v8;
	v18 =	vld [tilespmem:s28+$0x8910];
	v5 =	vadd.f32 v9, v5;
	v17 =	vmul.f32 v19, v19  }
0xfd: {  	s4 =	smul.f32 s0, s24;
	v22 =	vld [tilespmem:s28+$0x8930];
	v10 =	vmul.f32 v21, v21;
	v3 =	vadd.f32 v4, v3;
	v13 =	vadd.f32 v21, v13  }
0xfe: {  	v21 =	vld [tilespmem:s28+$0x8970];
	v12 =	vmul.f32 v15, v15;
	v4 =	vadd.f32 v15, v6;
	v16 =	vadd.f32 v19, v16  }
0xff: {  	s4 =	smul.f32 s4, s0;
	v15 =	vld [tilespmem:s28+$0x8960];
	v9 =	vadd.f32 v10, v11;
	v13 =	vadd.f32 v20, v13  }
0x100: {  	v19 =	vmul.f32 v20, v20;
	v11 =	vld [tilespmem:s28+$0x8950];
	v7 =	vadd.f32 v12, v7;
	v8 =	vadd.f32 v17, v8;
	v17, _, _ =	vpop (xrf2)  }
0x101: {  	s4 =	ssub.f32 $1.500000000e+00, s4;
	v12 =	vld [tilespmem:s28+$0x8940];
	v10 =	vmul.f32 v14, v14;
	v3 =	vadd.f32 v14, v3;
	v14 =	vadd.f32 v18, v4;
	v23, _, _ =	vpop (xrf2)  }
0x102: {  	v62 =	vld [tilespmem:s28+$0x8D00];
	v6 =	vmul.f32 v18, v18;
	v16 =	vadd.f32 v22, v16;
	(v2sf) =	vpush v23, $0xF  }
0x103: {  	v63 =	vld [tilespmem:s28+$0x8D10];
	s0 =	smul.f32 s4, s0;
	v5 =	vadd.f32 v10, v5;
	v10 =	vmul.f32 v22, v22;
	(v2sf) =	vpush v17, $0xF  }
0x104: {  	v9 =	vadd.f32 v19, v9;
	v7 =	vadd.f32 v6, v7;
	v6 =	vld [tilespmem:s28+$0x8D20];
	v18 =	vmul.f32 v15, v15  }
0x105: {  	s3 =	smul.f32 s0, s24;
	v19 =	vmul.f32 v21, v21;
	v13 =	vadd.f32 v15, v13;
	v8 =	vadd.f32 v10, v8;
	v10 =	vld [tilespmem:s28+$0x8D30]  }
0x106: {  	v4 =	vld [tilespmem:s28+$0x8D40];
	v23 =	vmul.f32 v12, v12;
	v17 =	vmul.f32 v11, v11;
	v18 =	vadd.f32 v18, v9  }
0x107: {  	s3 =	smul.f32 s3, s0;
	v9 =	vld [tilespmem:s28+$0x8D60];
	v12 =	vadd.f32 v12, v3;
	v8 =	vadd.f32 v19, v8  }
0x108: {  	v20 =	vmul.f32 v62, v62;
	v5 =	vadd.f32 v23, v5;
	v17 =	vadd.f32 v17, v7;
	v7 =	vld [tilespmem:s28+$0x8D50]  }
0x109: {  	s3 =	ssub.f32 $1.500000000e+00, s3;
	v19 =	vmul.f32 v63, v63;
	v23 =	vadd.f32 v11, v14;
	v22 =	vmul.f32 v6, v6;
	v11 =	vld [tilespmem:s28+$0x8D70]  }
0x10a: {  	v3 =	vld [tilespmem:s28+$0x9100];
	v14 =	vadd.f32 v21, v16;
	v21 =	vmul.f32 v10, v10;
	v15 =	vadd.f32 v20, v5  }
0x10b: {  	s0 =	smul.f32 s3, s0;
	v16 =	vadd.f32 v19, v17;
	v5 =	vld [tilespmem:s28+$0x9110];
	v17 =	vadd.f32 v22, v18  }
0x10c: {  	s30 =	simm.s32 $0x400;
	[smem:s25] =	sst s20;
	v19 =	vmul.f32 v4, v4;
	v20 =	vadd.f32 v62, v12;
	v18 =	vadd.f32 v21, v8;
	v8 =	vld [tilespmem:s28+$0x9120]  }
0x10d: {  	s31 =	simm.s32 $0xFFFFC800;
	s1 =	simm.s32 $0x180;
	[smem:s16] =	sst s0;
	v12 =	vld [tilespmem:s28+$0x9130];
	v21 =	vadd.f32 v63, v23;
	v23 =	vmul.f32 v9, v9;
	v22 =	vmul.f32 v7, v7  }
.LBB2_3:
0x10e: {  	p0 =	seq.s32 s1, $0x780;
	v6 =	vadd.f32 v6, v13;
	v10 =	vadd.f32 v10, v14;
	v13 =	vmul.f32 v11, v11;
	v14 =	vld [tilespmem:s28+$0x9140]  }
0x10f: {  	v15 =	vadd.f32 v19, v15;
	v16 =	vadd.f32 v22, v16;
	v19 =	vmul.f32 v3, v3;
	v22 =	vld [tilespmem:s28+$0x9150]  }
0x110: {  	v17 =	vadd.f32 v23, v17;
	v13 =	vadd.f32 v13, v18;
	v18 =	vmul.f32 v5, v5;
	v23 =	vld [tilespmem:s28+$0x9160]  }
0x111: {  	v4 =	vadd.f32 v4, v20;
	v7 =	vadd.f32 v7, v21;
	v20 =	vmul.f32 v8, v8;
	v21 =	vld [tilespmem:s28+$0x9170];
	s0 =	spop (v2sf)  }
0x112: {  	v6 =	vadd.f32 v9, v6;
	v9 =	vadd.f32 v11, v10;
	v10 =	vmul.f32 v12, v12;
	v11 =	vld [tilespmem:s28+$0x9500];
	s4 =	smul.f32 $9.765625000e-04, s0;
	s0 =	spop (v2sf)  }
0x113: {  	v15 =	vadd.f32 v19, v15;
	v16 =	vadd.f32 v18, v16;
	v18 =	vmul.f32 v14, v14;
	v19 =	vld [tilespmem:s28+$0x9510];
	s0 =	smul.f32 $9.765625000e-04, s0  }
0x114: {  	v17 =	vadd.f32 v20, v17;
	v10 =	vadd.f32 v10, v13;
	v13 =	vmul.f32 v22, v22;
	v20 =	vld [tilespmem:s28+$0x9520];
	s3 =	smul.f32 s4, s4  }
0x115: {  	v3 =	vadd.f32 v3, v4;
	v4 =	vadd.f32 v5, v7;
	v5 =	vmul.f32 v23, v23;
	v7 =	vld [tilespmem:s28+$0x9530]  }
0x116: {  	v6 =	vadd.f32 v8, v6;
	v8 =	vadd.f32 v12, v9;
	v9 =	vmul.f32 v21, v21;
	v12 =	vld [tilespmem:s28+$0x9540];
	s0 =	ssub.f32 s0, s3  }
0x117: {  	v15 =	vadd.f32 v18, v15;
	v13 =	vadd.f32 v13, v16;
	v16 =	vmul.f32 v11, v11;
	v18 =	vld [tilespmem:s28+$0x9550]  }
0x118: {  	v5 =	vadd.f32 v5, v17;
	v9 =	vadd.f32 v9, v10;
	v10 =	vmul.f32 v19, v19;
	v17 =	vld [tilespmem:s28+$0x9560];
	s0 =	sadd.f32 $9.999999740e-06, s0  }
0x119: {  	v3 =	vadd.f32 v14, v3;
	v4 =	vadd.f32 v22, v4;
	v14 =	vmul.f32 v20, v20;
	v22 =	vld [tilespmem:s28+$0x9570]  }
0x11a: {  	v6 =	vadd.f32 v23, v6;
	v8 =	vadd.f32 v21, v8;
	v21 =	vmul.f32 v7, v7;
	v23 =	vld [tilespmem:s28+$0x9900];
	s5 =	sshrl.u32 s0, $0x1;
	s3 =	smul.f32 $5.000000000e-01, s0  }
0x11b: {  	v15 =	vadd.f32 v16, v15;
	v10 =	vadd.f32 v10, v13;
	v13 =	vmul.f32 v12, v12;
	v16 =	vld [tilespmem:s28+$0x9910];
	s0 =	ssub.s32 $0x5F3759DF, s5  }
0x11c: {  	v5 =	vadd.f32 v14, v5;
	v9 =	vadd.f32 v21, v9;
	v14 =	vmul.f32 v18, v18;
	v21 =	vld [tilespmem:s28+$0x9920];
	s5 =	smul.f32 s0, s3  }
0x11d: {  	s26 =	sadd.s32 $0x1, s26;
	v3 =	vadd.f32 v11, v3;
	v4 =	vadd.f32 v19, v4;
	v11 =	vmul.f32 v17, v17;
	v19 =	vld [tilespmem:s28+$0x9930]  }
0x11e: {  	s6 =	sand.u32 $0x7, s26;
	v6 =	vadd.f32 v20, v6;
	v7 =	vadd.f32 v7, v8;
	v8 =	vmul.f32 v22, v22;
	v20 =	vld [tilespmem:s28+$0x9940];
	s5 =	smul.f32 s0, s5  }
0x11f: {  	s30 =	sadd.s32 $0x400, s30;
	s6 =	sshll.u32 s6, $0x7;
	v13 =	vadd.f32 v13, v15;
	v10 =	vadd.f32 v14, v10;
	v14 =	vmul.f32 v23, v23;
	v15 =	vld [tilespmem:s28+$0x9950]  }
0x120: {  	s6 =	sadd.s32 s6, s30;
	v5 =	vadd.f32 v11, v5;
	v8 =	vadd.f32 v8, v9;
	v9 =	vmul.f32 v16, v16;
	v11 =	vld [tilespmem:s28+$0x9960];
	s5 =	ssub.f32 $1.500000000e+00, s5  }
0x121: {  	s7 =	sor.u32 $0x1C00, s6;
	v3 =	vadd.f32 v12, v3;
	v4 =	vadd.f32 v18, v4;
	v12 =	vmul.f32 v21, v21;
	v18 =	vld [tilespmem:s28+$0x9970]  }
0x122: {  	v6 =	vadd.f32 v17, v6;
	v7 =	vadd.f32 v22, v7;
	v17 =	vmul.f32 v19, v19;
	v22 =	vld [tilespmem:s7+$0x8100];
	s7 =	sor.u32 $0x1C10, s6;
	s0 =	smul.f32 s0, s5  }
0x123: {  	v13 =	vadd.f32 v14, v13;
	v9 =	vadd.f32 v9, v10;
	s5 =	sor.u32 $0x1C20, s6;
	v10 =	vmul.f32 v20, v20;
	v14 =	vld [tilespmem:s7+$0x8100]  }
0x124: {  	v5 =	vadd.f32 v12, v5;
	v8 =	vadd.f32 v17, v8;
	v12 =	vmul.f32 v15, v15;
	v17 =	vld [tilespmem:s5+$0x8100];
	s5 =	sor.u32 $0x1C30, s6;
	s7 =	smul.f32 s0, s3  }
0x125: {  	v3 =	vadd.f32 v23, v3;
	v4 =	vadd.f32 v16, v4;
	v16 =	vmul.f32 v11, v11;
	v23 =	vld [tilespmem:s5+$0x8100];
	s5 =	sor.u32 $0x1C40, s6  }
0x126: {  	v6 =	vadd.f32 v21, v6;
	v7 =	vadd.f32 v19, v7;
	v19 =	vmul.f32 v18, v18;
	v21 =	vld [tilespmem:s5+$0x8100];
	s5 =	sor.u32 $0x1C50, s6;
	s7 =	smul.f32 s7, s0  }
0x127: {  	s31 =	sadd.s32 $0x400, s31;
	v10 =	vadd.f32 v10, v13;
	v9 =	vadd.f32 v12, v9;
	v12 =	vmul.f32 v22, v22;
	v13 =	vld [tilespmem:s5+$0x8100];
	s5 =	sor.u32 $0x1C60, s6  }
0x128: {  	s8 =	sadd.s32 $0x4000, s31;
	v5 =	vadd.f32 v16, v5;
	v8 =	vadd.f32 v19, v8;
	v16 =	vmul.f32 v14, v14;
	v19 =	vld [tilespmem:s5+$0x8100];
	s5 =	sor.u32 $0x1C70, s6;
	s6 =	ssub.f32 $1.500000000e+00, s7  }
0x129: {  	v3 =	vadd.f32 v20, v3;
	v4 =	vadd.f32 v15, v4;
	s7 =	sand.u32 $0x2000, s8;
	s8 =	sand.u32 $0x380, s1;
	v15 =	vmul.f32 v17, v17;
	v20 =	vld [tilespmem:s5+$0x8100]  }
0x12a: {  	v6 =	vadd.f32 v11, v6;
	v7 =	vadd.f32 v18, v7;
	s28 =	sor.u32 s8, s7;
	v11 =	vmul.f32 v23, v23;
	s0 =	smul.f32 s6, s0  }
0x12b: {  	v10 =	vadd.f32 v12, v10;
	v9 =	vadd.f32 v16, v9;
	v18 =	vld [tilespmem:s28+$0x8100];
	v12 =	vmul.f32 v21, v21  }
0x12c: {  	v5 =	vadd.f32 v15, v5;
	v16 =	vld [tilespmem:s28+$0x8110];
	v8 =	vadd.f32 v11, v8;
	v11 =	vmul.f32 v13, v13;
	s3 =	smul.f32 s0, s3  }
0x12d: {  	v3 =	vadd.f32 v22, v3;
	v4 =	vadd.f32 v14, v4;
	v15 =	vld [tilespmem:s28+$0x8120];
	v14 =	vmul.f32 v19, v19  }
0x12e: {  	v6 =	vadd.f32 v17, v6;
	v7 =	vadd.f32 v23, v7;
	v22 =	vld [tilespmem:s28+$0x8130];
	v17 =	vmul.f32 v20, v20;
	s3 =	smul.f32 s3, s0  }
0x12f: {  	v10 =	vadd.f32 v12, v10;
	v9 =	vadd.f32 v11, v9;
	v23 =	vld [tilespmem:s28+$0x8140]  }
0x130: {  	v5 =	vadd.f32 v14, v5;
	v11 =	vmul.f32 v18, v18;
	v12 =	vld [tilespmem:s28+$0x8150];
	v8 =	vadd.f32 v17, v8;
	s3 =	ssub.f32 $1.500000000e+00, s3  }
0x131: {  	v3 =	vadd.f32 v21, v3;
	v4 =	vadd.f32 v13, v4;
	v14 =	vmul.f32 v16, v16;
	v17 =	vld [tilespmem:s28+$0x8160]  }
0x132: {  	s25 =	sadd.s32 $0x1, s25;
	v9 =	vadd.f32 v9, v10;
	v13 =	vmul.f32 v15, v15;
	v21 =	vld [tilespmem:s28+$0x8170];
	v5 =	vadd.f32 v8, v5;
	s0 =	smul.f32 s3, s0  }
0x133: {  	s16 =	sadd.s32 $0x1, s16;
	v6 =	vadd.f32 v19, v6;
	v7 =	vadd.f32 v20, v7;
	v8 =	vmul.f32 v22, v22;
	v10 =	vld [tilespmem:s28+$0x8500];
	[smem:s25] =	sst s4  }
0x134: {  	v18 =	vadd.f32 $0.0e+00, v18;
	v19 =	vmul.f32 v23, v23;
	v20 =	vld [tilespmem:s28+$0x8510];
	v5 =	vadd.f32 v5, v9;
	[smem:s16] =	sst s0  }
0x135: {  	v3 =	vadd.f32 v4, v3;
	v4 =	vadd.f32 v7, v6;
	v9 =	vmul.f32 v12, v12;
	v24 =	vld [tilespmem:s28+$0x8520]  }
0x136: {  	v6 =	vadd.f32 $0.0e+00, v16;
	v7 =	vadd.f32 $0.0e+00, v15;
	v15 =	vmul.f32 v17, v17;
	v16 =	vld [tilespmem:s28+$0x8530];
	(xrf2) =	vadd.scan.msk.f32 $0xffff, v5  }
0x137: {  	v3 =	vadd.f32 v4, v3;
	v5 =	vadd.f32 $0.0e+00, v22;
	v22 =	vmul.f32 v21, v21;
	v25 =	vld [tilespmem:s28+$0x8540]  }
0x138: {  	v4 =	vadd.f32 v19, v11;
	v9 =	vadd.f32 v9, v14;
	v11 =	vmul.f32 v10, v10;
	v14 =	vld [tilespmem:s28+$0x8550]  }
0x139: {  	v13 =	vadd.f32 v15, v13;
	v8 =	vadd.f32 v22, v8;
	v15 =	vmul.f32 v20, v20;
	v19 =	vld [tilespmem:s28+$0x8560];
	(xrf2) =	vadd.scan.msk.f32 $0xffff, v3  }
0x13a: {  	v6 =	vadd.f32 v12, v6;
	v3 =	vadd.f32 v23, v18;
	v12 =	vmul.f32 v24, v24;
	v18 =	vld [tilespmem:s28+$0x8570]  }
0x13b: {  	v7 =	vadd.f32 v17, v7;
	v5 =	vadd.f32 v21, v5;
	v17 =	vmul.f32 v16, v16  }
0x13c: {  	v4 =	vadd.f32 v11, v4;
	v9 =	vadd.f32 v15, v9;
	v11 =	vmul.f32 v25, v25;
	v15 =	vld [tilespmem:s28+$0x8900]  }
0x13d: {  	v12 =	vadd.f32 v12, v13;
	v8 =	vadd.f32 v17, v8;
	v22 =	vmul.f32 v14, v14;
	v17 =	vld [tilespmem:s28+$0x8910]  }
0x13e: {  	v6 =	vadd.f32 v20, v6;
	v3 =	vadd.f32 v10, v3;
	v10 =	vmul.f32 v19, v19;
	v20 =	vld [tilespmem:s28+$0x8920]  }
0x13f: {  	v7 =	vadd.f32 v24, v7;
	v5 =	vadd.f32 v16, v5;
	v16 =	vmul.f32 v18, v18;
	v21 =	vld [tilespmem:s28+$0x8930]  }
0x140: {  	v4 =	vadd.f32 v11, v4;
	v9 =	vadd.f32 v22, v9;
	v11 =	vld [tilespmem:s28+$0x8940];
	v13, _, _ =	vpop (xrf2)  }
0x141: {  	v10 =	vadd.f32 v10, v12;
	v8 =	vadd.f32 v16, v8;
	v12 =	vmul.f32 v15, v15;
	v16 =	vld [tilespmem:s28+$0x8950]  }
0x142: {  	v3 =	vadd.f32 v25, v3;
	v14 =	vadd.f32 v14, v6;
	v6 =	vmul.f32 v17, v17;
	v22 =	vld [tilespmem:s28+$0x8960]  }
0x143: {  	v7 =	vadd.f32 v19, v7;
	v5 =	vadd.f32 v18, v5;
	v18 =	vmul.f32 v20, v20;
	v19 =	vld [tilespmem:s28+$0x8970];
	v23, _, _ =	vpop (xrf2)  }
0x144: {  	v12 =	vadd.f32 v12, v4;
	v4 =	vmul.f32 v21, v21;
	v24 =	vld [tilespmem:s28+$0x8D00];
	(v2sf) =	vpush v23, $0xF  }
0x145: {  	v9 =	vadd.f32 v6, v9;
	v23 =	vmul.f32 v11, v11;
	v25 =	vld [tilespmem:s28+$0x8D10];
	(v2sf) =	vpush v13, $0xF  }
0x146: {  	v13 =	vadd.f32 v18, v10;
	v8 =	vadd.f32 v4, v8;
	v18 =	vmul.f32 v16, v16;
	v6 =	vld [tilespmem:s28+$0x8D20]  }
0x147: {  	v3 =	vadd.f32 v15, v3;
	v14 =	vadd.f32 v17, v14;
	v15 =	vmul.f32 v22, v22;
	v10 =	vld [tilespmem:s28+$0x8D30]  }
0x148: {  	v17 =	vadd.f32 v20, v7;
	v5 =	vadd.f32 v21, v5;
	v20 =	vmul.f32 v19, v19;
	v4 =	vld [tilespmem:s28+$0x8D40]  }
0x149: {  	v12 =	vadd.f32 v23, v12;
	v18 =	vadd.f32 v18, v9;
	v21 =	vmul.f32 v24, v24;
	v7 =	vld [tilespmem:s28+$0x8D50]  }
0x14a: {  	v23 =	vadd.f32 v15, v13;
	v8 =	vadd.f32 v20, v8;
	v20 =	vmul.f32 v25, v25;
	v9 =	vld [tilespmem:s28+$0x8D60]  }
.Ltmp0:
0x14b: {  	v26 =	vadd.f32 v11, v3;
	v27 =	vadd.f32 v16, v14;
	v28 =	vmul.f32 v6, v6;
	v11 =	vld [tilespmem:s28+$0x8D70];
	(pc) =	sbr.rel @!p0 .LBB2_3-.Ltmp0, $4  }
0x14c: {  	v14 =	vadd.f32 v19, v5;
	v13 =	vadd.f32 v22, v17;
	v22 =	vmul.f32 v10, v10;
	v3 =	vld [tilespmem:s28+$0x9100]  }
0x14d: {  	v15 =	vadd.f32 v21, v12;
	v16 =	vadd.f32 v20, v18;
	v19 =	vmul.f32 v4, v4;
	v5 =	vld [tilespmem:s28+$0x9110]  }
0x14e: {  	v17 =	vadd.f32 v28, v23;
	v18 =	vadd.f32 v22, v8;
	v22 =	vmul.f32 v7, v7;
	v8 =	vld [tilespmem:s28+$0x9120]  }
0x14f: {  	s1 =	sadd.s32 $0x80, s1;
	v21 =	vadd.f32 v25, v27;
	v20 =	vadd.f32 v24, v26;
	v23 =	vmul.f32 v9, v9;
	v12 =	vld [tilespmem:s28+$0x9130]  }
0x150: {  	v6 =	vadd.f32 v6, v13;
	v10 =	vadd.f32 v10, v14  }
0x151: {  	v13 =	vmul.f32 v11, v11;
	v15 =	vadd.f32 v19, v15;
	v16 =	vadd.f32 v22, v16  }
0x152: {  	v14 =	vld [tilespmem:s28+$0x9140];
	v17 =	vadd.f32 v23, v17;
	v4 =	vadd.f32 v4, v20  }
0x153: {  	v22 =	vld [tilespmem:s28+$0x9150];
	v19 =	vmul.f32 v3, v3;
	v7 =	vadd.f32 v7, v21;
	v13 =	vadd.f32 v13, v18  }
0x154: {  	v23 =	vld [tilespmem:s28+$0x9160];
	v18 =	vmul.f32 v5, v5;
	v6 =	vadd.f32 v9, v6;
	v9 =	vadd.f32 v11, v10  }
0x155: {  	v21 =	vld [tilespmem:s28+$0x9170];
	v15 =	vadd.f32 v19, v15;
	v3 =	vadd.f32 v3, v4  }
0x156: {  	v11 =	vld [tilespmem:s28+$0x9500];
	v20 =	vmul.f32 v8, v8;
	v4 =	vadd.f32 v5, v7;
	v16 =	vadd.f32 v18, v16  }
0x157: {  	v19 =	vld [tilespmem:s28+$0x9510];
	v10 =	vmul.f32 v12, v12;
	v6 =	vadd.f32 v8, v6;
	v8 =	vadd.f32 v12, v9  }
0x158: {  	v7 =	vld [tilespmem:s28+$0x9530];
	v18 =	vmul.f32 v14, v14;
	v17 =	vadd.f32 v20, v17;
	v3 =	vadd.f32 v14, v3  }
0x159: {  	v12 =	vld [tilespmem:s28+$0x9540];
	v4 =	vadd.f32 v22, v4;
	v10 =	vadd.f32 v10, v13;
	v13 =	vmul.f32 v22, v22  }
0x15a: {  	v20 =	vld [tilespmem:s28+$0x9520];
	v5 =	vmul.f32 v23, v23;
	v6 =	vadd.f32 v23, v6;
	v8 =	vadd.f32 v21, v8  }
0x15b: {  	v9 =	vmul.f32 v21, v21;
	v22 =	vld [tilespmem:s28+$0x9570];
	v15 =	vadd.f32 v18, v15;
	v3 =	vadd.f32 v11, v3  }
0x15c: {  	v23 =	vld [tilespmem:s28+$0x9900];
	v13 =	vadd.f32 v13, v16;
	v16 =	vmul.f32 v11, v11;
	v5 =	vadd.f32 v5, v17  }
0x15d: {  	v18 =	vld [tilespmem:s28+$0x9550];
	v9 =	vadd.f32 v9, v10;
	v10 =	vmul.f32 v19, v19;
	v4 =	vadd.f32 v19, v4  }
0x15e: {  	s0 =	sadd.s32 $0x1, s26;
	v17 =	vld [tilespmem:s28+$0x9560];
	v21 =	vmul.f32 v7, v7;
	v7 =	vadd.f32 v7, v8;
	v3 =	vadd.f32 v12, v3  }
0x15f: {  	s0 =	sand.u32 $0x7, s0;
	v19 =	vld [tilespmem:s28+$0x9930];
	v14 =	vmul.f32 v20, v20;
	v15 =	vadd.f32 v16, v15;
	v10 =	vadd.f32 v10, v13  }
0x160: {  	s1 =	sadd.s32 $0x400, s30;
	s0 =	sshll.u32 s0, $0x7;
	v13 =	vmul.f32 v12, v12;
	v16 =	vld [tilespmem:s28+$0x9910];
	v9 =	vadd.f32 v21, v9;
	v6 =	vadd.f32 v20, v6  }
0x161: {  	s0 =	sadd.s32 s0, s1;
	v21 =	vld [tilespmem:s28+$0x9920];
	v8 =	vmul.f32 v22, v22;
	v7 =	vadd.f32 v22, v7;
	v3 =	vadd.f32 v23, v3  }
0x162: {  	s1 =	sor.u32 $0x1C00, s0;
	v20 =	vld [tilespmem:s28+$0x9940];
	v5 =	vadd.f32 v14, v5;
	v14 =	vmul.f32 v18, v18;
	v13 =	vadd.f32 v13, v15  }
0x163: {  	v22 =	vld [tilespmem:s1+$0x8100];
	v4 =	vadd.f32 v18, v4;
	v11 =	vmul.f32 v17, v17;
	v8 =	vadd.f32 v8, v9  }
0x164: {  	v15 =	vld [tilespmem:s28+$0x9950];
	v6 =	vadd.f32 v17, v6;
	v17 =	vmul.f32 v19, v19;
	v7 =	vadd.f32 v19, v7  }
0x165: {  	s4 =	sor.u32 $0x1C30, s0;
	v18 =	vld [tilespmem:s28+$0x9970];
	v10 =	vadd.f32 v14, v10;
	v14 =	vmul.f32 v23, v23;
	v5 =	vadd.f32 v11, v5  }
0x166: {  	v23 =	vld [tilespmem:s4+$0x8100];
	v9 =	vmul.f32 v16, v16;
	v8 =	vadd.f32 v17, v8;
	v4 =	vadd.f32 v16, v4  }
0x167: {  	s3 =	sor.u32 $0x1C20, s0;
	v11 =	vld [tilespmem:s28+$0x9960];
	v12 =	vmul.f32 v21, v21;
	v6 =	vadd.f32 v21, v6;
	v3 =	vadd.f32 v20, v3  }
0x168: {  	s5 =	sor.u32 $0x1C40, s0;
	v17 =	vld [tilespmem:s3+$0x8100];
	v13 =	vadd.f32 v14, v13;
	v9 =	vadd.f32 v9, v10;
	v10 =	vmul.f32 v20, v20  }
0x169: {  	s31 =	sor.u32 $0x1C10, s0;
	v21 =	vld [tilespmem:s5+$0x8100];
	v5 =	vadd.f32 v12, v5;
	v12 =	vmul.f32 v15, v15;
	v4 =	vadd.f32 v15, v4  }
0x16a: {  	s6 =	sor.u32 $0x1C50, s0;
	s7 =	sor.u32 $0x1C60, s0;
	s0 =	sor.u32 $0x1C70, s0;
	v14 =	vld [tilespmem:s31+$0x8100];
	v19 =	vmul.f32 v18, v18;
	v7 =	vadd.f32 v18, v7;
	v3 =	vadd.f32 v22, v3  }
0x16b: {  	v20 =	vld [tilespmem:s0+$0x8100];
	v10 =	vadd.f32 v10, v13;
	v9 =	vadd.f32 v12, v9  }
0x16c: {  	v12 =	vmul.f32 v22, v22;
	v13 =	vld [tilespmem:s6+$0x8100];
	v8 =	vadd.f32 v19, v8;
	v7 =	vadd.f32 v23, v7  }
0x16d: {  	v19 =	vld [tilespmem:s7+$0x8100];
	v16 =	vmul.f32 v11, v11;
	v15 =	vmul.f32 v17, v17;
	v6 =	vadd.f32 v11, v6  }
0x16e: {  	v11 =	vmul.f32 v23, v23;
	v3 =	vadd.f32 v21, v3;
	v10 =	vadd.f32 v12, v10  }
0x16f: {  	v4 =	vadd.f32 v14, v4;
	v5 =	vadd.f32 v16, v5;
	v16 =	vmul.f32 v14, v14  }
0x170: {  	v12 =	vmul.f32 v21, v21;
	v8 =	vadd.f32 v11, v8;
	v6 =	vadd.f32 v17, v6  }
0x171: {  	v7 =	vadd.f32 v20, v7;
	v9 =	vadd.f32 v16, v9;
	v11 =	vmul.f32 v13, v13  }
0x172: {  	v5 =	vadd.f32 v15, v5;
	v14 =	vmul.f32 v19, v19;
	v15 =	vmul.f32 v20, v20  }
0x173: {  	v10 =	vadd.f32 v12, v10;
	v9 =	vadd.f32 v11, v9  }
0x174: {  	v5 =	vadd.f32 v14, v5;
	v8 =	vadd.f32 v15, v8  }
0x175: {  	v4 =	vadd.f32 v13, v4;
	v6 =	vadd.f32 v19, v6  }
0x176: {  	v9 =	vadd.f32 v9, v10;
	v5 =	vadd.f32 v8, v5  }
0x177: {  	v3 =	vadd.f32 v4, v3;
	v4 =	vadd.f32 v7, v6  }
0x178: {  	v5 =	vadd.f32 v5, v9  }
0x179: {  	v3 =	vadd.f32 v4, v3  }
0x17a: {  	(xrf2) =	vadd.scan.msk.f32 $0xffff, v5  }
0x17b: {  	(xrf2) =	vadd.scan.msk.f32 $0xffff, v3;
	_ =	sdelay $0x8  }
0x17c: {  	v3, _, _ =	vpop (xrf2)  }
0x17d: {  	v4, _, _ =	vpop (xrf2)  }
0x17e: {  	(v2sf) =	vpush v4, $0xF  }
0x17f: {  	(v2sf) =	vpush v3, $0xF;
	_ =	sdelay $0xa  }
0x180: {  	s8 =	spop (v2sf)  }
0x181: {  	s15 =	spop (v2sf);
	s0 =	smul.f32 $9.765625000e-04, s8  }
0x182: {  	s1 =	smul.f32 $9.765625000e-04, s15  }
0x183: {  	s3 =	smul.f32 s0, s0;
	s4 =	spop (v2sf)  }
0x184: {  	s4 =	smul.f32 $9.765625000e-04, s4;
	s5 =	spop (v2sf)  }
0x185: {  	s1 =	ssub.f32 s1, s3;
	s17 =	smul.f32 $9.765625000e-04, s5  }
0x186: {  	s18 =	smul.f32 s4, s4  }
0x187: {  	s1 =	sadd.f32 $9.999999740e-06, s1  }
0x188: {  	s3 =	ssub.f32 s17, s18  }
0x189: {  	s19 =	sshrl.u32 s1, $0x1;
	s1 =	smul.f32 $5.000000000e-01, s1  }
0x18a: {  	s5 =	ssub.s32 $0x5F3759DF, s19;
	s3 =	sadd.f32 $9.999999740e-06, s3  }
0x18b: {  	s6 =	smul.f32 s5, s1  }
0x18c: {  	s7 =	sshrl.u32 s3, $0x1;
	s3 =	smul.f32 $5.000000000e-01, s3  }
0x18d: {  	s6 =	smul.f32 s5, s6;
	s7 =	ssub.s32 $0x5F3759DF, s7  }
0x18e: {  	s8 =	smul.f32 s7, s3  }
0x18f: {  	s6 =	ssub.f32 $1.500000000e+00, s6  }
0x190: {  	s8 =	smul.f32 s7, s8  }
0x191: {  	s5 =	smul.f32 s5, s6  }
0x192: {  	s20 =	ssub.f32 $1.500000000e+00, s8  }
0x193: {  	s21 =	smul.f32 s5, s1  }
0x194: {  	s6 =	smul.f32 s7, s20  }
0x195: {  	s22 =	smul.f32 s21, s5  }
0x196: {  	s23 =	smul.f32 s6, s3  }
0x197: {  	s7 =	ssub.f32 $1.500000000e+00, s22  }
0x198: {  	s8 =	smul.f32 s23, s6  }
0x199: {  	s5 =	smul.f32 s7, s5  }
0x19a: {  	s24 =	ssub.f32 $1.500000000e+00, s8  }
0x19b: {  	s1 =	smul.f32 s5, s1  }
0x19c: {  	s6 =	smul.f32 s24, s6  }
0x19d: {  	s1 =	smul.f32 s1, s5  }
0x19e: {  	s3 =	smul.f32 s6, s3;
	_ =	sdelay $0x1  }
0x19f: {  	s1 =	ssub.f32 $1.500000000e+00, s1;
	s3 =	smul.f32 s3, s6  }
0x1a0: {  	_ = 	snop  }
0x1a1: {  	s26 =	sadd.s32 $0x1, s25;
	s1 =	smul.f32 s1, s5;
	s3 =	ssub.f32 $1.500000000e+00, s3  }
0x1a2: {  	s29 =	sadd.s32 $0x1, s16;
	[smem:s26] =	sst s0  }
0x1a3: {  	s31 =	sadd.s32 $0x1, s26;
	[smem:s29] =	sst s1;
	s30 =	smul.f32 s3, s6  }
0x1a4: {  	s0 =	sadd.s32 $0x1, s29;
	[smem:s31] =	sst s4  }
0x1a5: {  	[smem:s0] =	sst s30  }
0x1a6: {  	s16 =	sld [smem:$0x81];
	_ =	sdelay $0x1  }
0x1a7: {  	s30 =	sld [smem:$0x83]  }
0x1a8: {  	v11 =	vmov s16;
	s16 =	sld [smem:$0xD]  }
0x1a9: {  	s29 =	sld [smem:$0x6]  }
0x1aa: {  	s1 =	sld [smem:$0x0]  }
0x1ab: {  	v26 =	vmov s16;
	s16 =	simm.s32 $0x0  }
0x1ac: {  	v17 =	vmov s30;
	v25 =	vmov s29;
	s29 =	sand.u32 $0x70, s16;
	s30 =	sand.u32 $0x1C00, s16  }
0x1ad: {  	s3 =	sld [smem:$0x80];
	v7 =	vmov s1;
	s1 =	sor.u32 s29, s30  }
0x1ae: {  	s4 =	sld [smem:$0x1];
	v36 =	vld [tilespmem:s1+$0x8200]  }
0x1af: {  	s25 =	sld [smem:$0x2];
	v37 =	vld [tilespmem:s1+$0x8100]  }
0x1b0: {  	s26 =	sld [smem:$0x82];
	v23 =	vld [tilespmem:s1+$0x8400]  }
0x1b1: {  	s28 =	sld [smem:$0x3];
	v38 =	vld [tilespmem:s1+$0x8380]  }
0x1b2: {  	s31 =	sld [smem:$0x4];
	v39 =	vld [tilespmem:s1+$0x8300]  }
0x1b3: {  	s5 =	sld [smem:$0x84];
	v40 =	vld [tilespmem:s1+$0x8180]  }
0x1b4: {  	s17 =	sld [smem:$0x5];
	v42 =	vld [tilespmem:s1+$0x380]  }
0x1b5: {  	s19 =	sld [smem:$0x85];
	v43 =	vld [tilespmem:s1+$0x200]  }
0x1b6: {  	s0 =	sld [smem:$0x86];
	v45 =	vld [tilespmem:s1+$0x300]  }
0x1b7: {  	v12 =	vmov s25;
	s25 =	sld [smem:$0xF];
	v47 =	vld [tilespmem:s1+$0x280]  }
0x1b8: {  	v8 =	vmov s3;
	v9 =	vmov s4;
	v14 =	vmov s26;
	s26 =	sld [smem:$0x8F];
	v48 =	vld [tilespmem:s1+$0x180]  }
0x1b9: {  	v15 =	vmov s28;
	v20 =	vmov s31;
	v21 =	vmov s5;
	v49 =	vld [tilespmem:s1+$0x400]  }
0x1ba: {  	v22 =	vmov s17;
	v24 =	vmov s19;
	v27 =	vmov s0;
	v50 =	vld [tilespmem:s1+$0x100]  }
0x1bb: {  	v4 =	vmov s25;
	v3 =	vmov s26;
	s25 =	simm.s32 $0x10100;
	v41 =	vld [tilespmem:s1+$0x8280];
	v39 =	vsub.f32 v39, v20  }
0x1bc: {  	s26 =	simm.s32 $0x10500;
	v44 =	vsub.f32 v23, v25;
	v23 =	vld [tilespmem:s25+$0x0];
	v43 =	vmul.f32 $3.200000000e+01, v43;
	v45 =	vmul.f32 $3.200000000e+01, v45  }
0x1bd: {  	v46 =	vsub.f32 v36, v12;
	v36 =	vld [tilespmem:s26+$0x0];
	v42 =	vmul.f32 $3.200000000e+01, v42;
	v47 =	vmul.f32 $3.200000000e+01, v47  }
0x1be: {  	v40 =	vsub.f32 v40, v9;
	v54 =	vmul.f32 $3.200000000e+01, v48;
	v55 =	vmul.f32 $3.200000000e+01, v49  }
0x1bf: {  	v38 =	vsub.f32 v38, v22;
	v57 =	vmul.f32 $3.200000000e+01, v50;
	v39 =	vmul.f32 v21, v39  }
0x1c0: {  	v41 =	vsub.f32 v41, v15;
	v44 =	vmul.f32 v27, v44;
	v46 =	vmul.f32 v14, v46  }
0x1c1: {  	v37 =	vsub.f32 v37, v7;
	v40 =	vmul.f32 v11, v40;
	v38 =	vmul.f32 v24, v38  }
0x1c2: {  	v41 =	vmul.f32 v17, v41;
	v46 =	vmul.f32 v46, v23;
	v43 =	vadd.f32 v43, v36  }
0x1c3: {  	v37 =	vmul.f32 v8, v37;
	v38 =	vmul.f32 v38, v23;
	v42 =	vadd.f32 v42, v36  }
0x1c4: {  	v41 =	vmul.f32 v41, v23;
	v47 =	vadd.f32 v47, v36;
	v43 =	vadd.f32 v43, v46  }
0x1c5: {  	v40 =	vmul.f32 v40, v23;
	v56 =	vadd.f32 v54, v36;
	v38 =	vadd.f32 v42, v38  }
0x1c6: {  	v39 =	vmul.f32 v39, v23;
	v60 =	vadd.f32 v45, v36;
	v41 =	vadd.f32 v47, v41;
	[tilespmem:s1+$0x8200] =	vst v43  }
0x1c7: {  	v61 =	vadd.f32 v57, v36;
	v37 =	vmul.f32 v37, v23;
	v59 =	vadd.f32 v56, v40;
	[tilespmem:s1+$0x8380] =	vst v38  }
0x1c8: {  	s4 =	sld [smem:$0x8C];
	v44 =	vmul.f32 v44, v23;
	v58 =	vadd.f32 v55, v36;
	v62 =	vadd.f32 v60, v39;
	[tilespmem:s1+$0x8280] =	vst v41  }
0x1c9: {  	v37 =	vadd.f32 v61, v37;
	[tilespmem:s1+$0x8180] =	vst v59  }
0x1ca: {  	v43 =	vadd.f32 v58, v44;
	[tilespmem:s1+$0x8300] =	vst v62  }
0x1cb: {  	v13 =	vmov s4;
	s4 =	sor.u32 s16, s16;
	[tilespmem:s1+$0x8100] =	vst v37  }
0x1cc: {  	s31 =	sor.u32 $0x380, s4;
	[tilespmem:s1+$0x8400] =	vst v43  }
0x1cd: {  	v37 =	vld [tilespmem:s31+$0x8100]  }
0x1ce: {  	s7 =	sld [smem:$0x7]  }
0x1cf: {  	v38 =	vld [tilespmem:s31+$0x100]  }
0x1d0: {  	s15 =	sld [smem:$0x87]  }
0x1d1: {  	v28 =	vmov s7  }
0x1d2: {  	v37 =	vsub.f32 v37, v28  }
0x1d3: {  	s20 =	sld [smem:$0x8];
	v30 =	vmov s15  }
0x1d4: {  	s6 =	sld [smem:$0x88];
	v38 =	vmul.f32 $3.200000000e+01, v38;
	v37 =	vmul.f32 v30, v37  }
0x1d5: {  	s21 =	sld [smem:$0x9]  }
0x1d6: {  	s22 =	sld [smem:$0x89];
	v38 =	vadd.f32 v38, v36;
	v37 =	vmul.f32 v37, v23  }
0x1d7: {  	s23 =	sld [smem:$0xA]  }
0x1d8: {  	s24 =	sld [smem:$0x8A];
	v37 =	vadd.f32 v38, v37  }
0x1d9: {  	s18 =	sld [smem:$0xB]  }
0x1da: {  	s8 =	sld [smem:$0x8B];
	[tilespmem:s31+$0x8100] =	vst v37  }
0x1db: {  	s3 =	sld [smem:$0xC];
	v37 =	vld [tilespmem:s1+$0xA100]  }
0x1dc: {  	s17 =	sld [smem:$0x8D];
	v63 =	vld [tilespmem:s1+$0xA180]  }
0x1dd: {  	s19 =	sld [smem:$0xE];
	v32 =	vmov s20;
	v6 =	vmov s6;
	v42 =	vld [tilespmem:s1+$0xA200]  }
0x1de: {  	s20 =	sld [smem:$0x8E];
	v34 =	vmov s21;
	v31 =	vmov s22;
	v35 =	vmov s23;
	v40 =	vld [tilespmem:s1+$0xA280]  }
0x1df: {  	v33 =	vmov s24;
	v29 =	vmov s18;
	v5 =	vmov s8;
	v41 =	vld [tilespmem:s1+$0x2200]  }
0x1e0: {  	v18 =	vmov s3;
	v19 =	vmov s17;
	v16 =	vmov s19;
	v39 =	vld [tilespmem:s1+$0x2280]  }
0x1e1: {  	s28 =	simm.s32 $0x10;
	v10 =	vmov s20;
	v38 =	vld [tilespmem:s1+$0x2380];
	v37 =	vsub.f32 v37, v32;
	v43 =	vsub.f32 v63, v34  }
.LBB2_5:
0x1e2: {  	v42 =	vsub.f32 v42, v35;
	v44 =	vld [tilespmem:s1+$0xA380];
	s16 =	sadd.s32 $0x80, s16;
	s25 =	sadd.s32 $0x10, s25;
	s26 =	sadd.s32 $0x10, s26  }
0x1e3: {  	p0 =	sne.s32 s28, $0x3F0;
	s30 =	smov.u32 s28;
	s28 =	sadd.s32 $0x10, s28;
	v45 =	vld [tilespmem:s1+$0x2180];
	v43 =	vmul.f32 v31, v43;
	v40 =	vsub.f32 v40, v29  }
0x1e4: {  	v42 =	vmul.f32 v33, v42;
	v41 =	vmul.f32 $3.200000000e+01, v41;
	v46 =	vld [tilespmem:s1+$0xA300]  }
0x1e5: {  	v43 =	vmul.f32 v43, v23;
	v39 =	vmul.f32 $3.200000000e+01, v39;
	v47 =	vld [tilespmem:s1+$0x2300]  }
0x1e6: {  	v42 =	vmul.f32 v42, v23;
	v41 =	vadd.f32 v41, v36;
	v38 =	vmul.f32 $3.200000000e+01, v38;
	v48 =	vld [tilespmem:s1+$0xA400]  }
0x1e7: {  	v39 =	vadd.f32 v39, v36;
	v49 =	vld [tilespmem:s1+$0x2400]  }
0x1e8: {  	v50 =	vld [tilespmem:s1+$0x2100];
	v45 =	vmul.f32 $3.200000000e+01, v45;
	v41 =	vadd.f32 v41, v42;
	v42 =	vsub.f32 v44, v26  }
0x1e9: {  	v38 =	vadd.f32 v38, v36;
	v44 =	vsub.f32 v46, v18  }
0x1ea: {  	v45 =	vadd.f32 v45, v36;
	[tilespmem:s1+$0xA200] =	vst v41;
	v41 =	vmul.f32 $3.200000000e+01, v47;
	v42 =	vmul.f32 v19, v42  }
0x1eb: {  	v37 =	vmul.f32 v6, v37;
	v44 =	vmul.f32 v13, v44;
	v46 =	vsub.f32 v48, v16  }
0x1ec: {  	v43 =	vadd.f32 v45, v43;
	v42 =	vmul.f32 v42, v23;
	v45 =	vmul.f32 $3.200000000e+01, v49  }
0x1ed: {  	v41 =	vadd.f32 v41, v36;
	v44 =	vmul.f32 v44, v23;
	v46 =	vmul.f32 v10, v46  }
0x1ee: {  	v40 =	vmul.f32 v5, v40;
	v47 =	vmul.f32 $3.200000000e+01, v50;
	[tilespmem:s1+$0xA180] =	vst v43;
	v38 =	vadd.f32 v38, v42  }
0x1ef: {  	v43 =	vadd.f32 v45, v36;
	v41 =	vadd.f32 v41, v44;
	v42 =	vmul.f32 v46, v23  }
0x1f0: {  	v37 =	vmul.f32 v37, v23;
	v40 =	vmul.f32 v40, v23;
	v44 =	vadd.f32 v47, v36;
	[tilespmem:s1+$0xA380] =	vst v38  }
0x1f1: {  	[tilespmem:s1+$0xA300] =	vst v41;
	v38 =	vadd.f32 v43, v42  }
0x1f2: {  	v39 =	vadd.f32 v39, v40;
	v37 =	vadd.f32 v44, v37  }
0x1f3: {  	[tilespmem:s1+$0xA400] =	vst v38  }
0x1f4: {  	[tilespmem:s1+$0xA280] =	vst v39  }
0x1f5: {  	s0 =	sor.u32 $0x2380, s4;
	[tilespmem:s1+$0xA100] =	vst v37  }
0x1f6: {  	v37 =	vld [tilespmem:s0+$0x8100]  }
0x1f7: {  	v38 =	vld [tilespmem:s0+$0x100]  }
0x1f8: {  	s3 =	sand.u32 $0x1C00, s16;
	s1 =	sand.u32 $0x70, s30  }
0x1f9: {  	s1 =	sor.u32 s1, s3  }
0x1fa: {  	v39 =	vld [tilespmem:s1+$0x8200]  }
0x1fb: {  	v40 =	vld [tilespmem:s1+$0x8100];
	v37 =	vsub.f32 v37, v4  }
0x1fc: {  	v41 =	vld [tilespmem:s1+$0x8400];
	v38 =	vmul.f32 $3.200000000e+01, v38  }
0x1fd: {  	v42 =	vld [tilespmem:s1+$0x8380];
	v37 =	vmul.f32 v3, v37  }
0x1fe: {  	v43 =	vld [tilespmem:s1+$0x8180];
	v36 =	vadd.f32 v38, v36  }
0x1ff: {  	v38 =	vld [tilespmem:s1+$0x8300];
	v23 =	vmul.f32 v37, v23  }
0x200: {  	v37 =	vld [tilespmem:s1+$0x8280]  }
0x201: {  	v23 =	vadd.f32 v36, v23;
	_ =	sdelay $0x1  }
0x202: {  	[tilespmem:s0+$0x8100] =	vst v23  }
0x203: {  	v36 =	vsub.f32 v38, v20;
	v38 =	vld [tilespmem:s1+$0x380]  }
0x204: {  	v44 =	vld [tilespmem:s1+$0x200]  }
0x205: {  	v41 =	vsub.f32 v41, v25;
	v45 =	vld [tilespmem:s1+$0x300]  }
0x206: {  	v39 =	vsub.f32 v39, v12;
	v42 =	vsub.f32 v42, v22;
	v46 =	vmul.f32 v21, v36;
	v23 =	vld [tilespmem:s25+$0x0]  }
0x207: {  	v43 =	vsub.f32 v43, v9;
	v41 =	vmul.f32 v27, v41;
	v36 =	vld [tilespmem:s26+$0x0]  }
0x208: {  	v40 =	vsub.f32 v40, v7;
	v47 =	vld [tilespmem:s1+$0x100]  }
0x209: {  	v39 =	vmul.f32 v14, v39;
	v43 =	vmul.f32 v11, v43;
	v37 =	vsub.f32 v37, v15;
	v48 =	vld [tilespmem:s1+$0x280]  }
0x20a: {  	v42 =	vmul.f32 v24, v42;
	v44 =	vmul.f32 $3.200000000e+01, v44;
	v49 =	vld [tilespmem:s1+$0x400]  }
0x20b: {  	v50 =	vld [tilespmem:s1+$0x180];
	v39 =	vmul.f32 v39, v23;
	v41 =	vmul.f32 v41, v23  }
0x20c: {  	v37 =	vmul.f32 v17, v37;
	v45 =	vmul.f32 $3.200000000e+01, v45;
	v44 =	vadd.f32 v44, v36  }
0x20d: {  	v38 =	vmul.f32 $3.200000000e+01, v38;
	v42 =	vmul.f32 v42, v23  }
0x20e: {  	v40 =	vmul.f32 v8, v40;
	v47 =	vmul.f32 $3.200000000e+01, v47;
	v39 =	vadd.f32 v44, v39  }
0x20f: {  	v38 =	vadd.f32 v38, v36;
	v44 =	vmul.f32 $3.200000000e+01, v48;
	v48 =	vmul.f32 $3.200000000e+01, v49  }
0x210: {  	v37 =	vmul.f32 v37, v23;
	v47 =	vadd.f32 v47, v36;
	v49 =	vmul.f32 $3.200000000e+01, v50;
	[tilespmem:s1+$0x8200] =	vst v39  }
0x211: {  	v38 =	vadd.f32 v38, v42;
	v39 =	vmul.f32 v40, v23;
	v40 =	vadd.f32 v44, v36  }
0x212: {  	v42 =	vmul.f32 v43, v23;
	v44 =	vadd.f32 v48, v36;
	v43 =	vadd.f32 v49, v36  }
0x213: {  	v39 =	vadd.f32 v47, v39;
	v37 =	vadd.f32 v40, v37;
	v40 =	vmul.f32 v46, v23;
	[tilespmem:s1+$0x8380] =	vst v38  }
0x214: {  	v41 =	vadd.f32 v44, v41;
	v38 =	vadd.f32 v43, v42  }
0x215: {  	[tilespmem:s1+$0x8280] =	vst v37;
	v37 =	vadd.f32 v45, v36  }
0x216: {  	[tilespmem:s1+$0x8180] =	vst v38  }
0x217: {  	v37 =	vadd.f32 v37, v40;
	[tilespmem:s1+$0x8400] =	vst v41;
	_ =	sdelay $0x1  }
0x218: {  	s4 =	sor.u32 s30, s16;
	[tilespmem:s1+$0x8300] =	vst v37  }
0x219: {  	s0 =	sor.u32 $0x380, s4;
	[tilespmem:s1+$0x8100] =	vst v39  }
0x21a: {  	v37 =	vld [tilespmem:s0+$0x8100]  }
0x21b: {  	v38 =	vld [tilespmem:s0+$0x100];
	_ =	sdelay $0x3  }
0x21c: {  	v37 =	vsub.f32 v37, v28;
	_ =	sdelay $0x1  }
0x21d: {  	v38 =	vmul.f32 $3.200000000e+01, v38;
	v37 =	vmul.f32 v30, v37;
	_ =	sdelay $0x1  }
0x21e: {  	v38 =	vadd.f32 v38, v36;
	v37 =	vmul.f32 v37, v23;
	_ =	sdelay $0x1  }
0x21f: {  	v37 =	vadd.f32 v38, v37;
	_ =	sdelay $0x1  }
0x220: {  	[tilespmem:s0+$0x8100] =	vst v37  }
0x221: {  	v37 =	vld [tilespmem:s1+$0xA100]  }
0x222: {  	v38 =	vld [tilespmem:s1+$0xA180]  }
.Ltmp1:
0x223: {  	v42 =	vld [tilespmem:s1+$0xA200];
	(pc) =	sbr.rel @p0 .LBB2_5-.Ltmp1, $4  }
0x224: {  	v40 =	vld [tilespmem:s1+$0xA280]  }
0x225: {  	v41 =	vld [tilespmem:s1+$0x2200]  }
0x226: {  	v37 =	vsub.f32 v37, v32;
	v39 =	vld [tilespmem:s1+$0x2280]  }
0x227: {  	v43 =	vsub.f32 v38, v34;
	v38 =	vld [tilespmem:s1+$0x2380]  }
0x228: {  	v7 =	vld [tilespmem:s1+$0xA380]  }
0x229: {  	v8 =	vsub.f32 v42, v35;
	v9 =	vld [tilespmem:s1+$0x2180]  }
0x22a: {  	v12 =	vld [tilespmem:s1+$0xA300];
	v6 =	vmul.f32 v6, v37;
	v11 =	vmul.f32 v31, v43  }
0x22b: {  	v15 =	vld [tilespmem:s1+$0x2300];
	v17 =	vsub.f32 v40, v29;
	v8 =	vmul.f32 v33, v8;
	v14 =	vmul.f32 $3.200000000e+01, v41  }
0x22c: {  	v20 =	vld [tilespmem:s1+$0xA400];
	v11 =	vmul.f32 v11, v23;
	v22 =	vmul.f32 $3.200000000e+01, v39  }
0x22d: {  	v21 =	vld [tilespmem:s1+$0x2400];
	v5 =	vmul.f32 v5, v17;
	v8 =	vmul.f32 v8, v23;
	v14 =	vadd.f32 v14, v36  }
0x22e: {  	v24 =	vmul.f32 $3.200000000e+01, v38;
	v9 =	vmul.f32 $3.200000000e+01, v9;
	v7 =	vsub.f32 v7, v26  }
0x22f: {  	v25 =	vld [tilespmem:s1+$0x2100];
	v12 =	vsub.f32 v12, v18;
	v5 =	vmul.f32 v5, v23;
	v8 =	vadd.f32 v14, v8  }
0x230: {  	v14 =	vmul.f32 $3.200000000e+01, v15;
	v9 =	vadd.f32 v9, v36;
	v7 =	vmul.f32 v19, v7  }
0x231: {  	v15 =	vadd.f32 v24, v36;
	v12 =	vmul.f32 v13, v12;
	v13 =	vsub.f32 v20, v16  }
0x232: {  	v16 =	vmul.f32 $3.200000000e+01, v21;
	v7 =	vmul.f32 v7, v23;
	v9 =	vadd.f32 v9, v11  }
0x233: {  	v11 =	vmul.f32 v12, v23;
	v10 =	vmul.f32 v10, v13;
	v12 =	vadd.f32 v14, v36  }
0x234: {  	[tilespmem:s1+$0xA200] =	vst v8;
	v13 =	vmul.f32 $3.200000000e+01, v25;
	v14 =	vadd.f32 v22, v36;
	v7 =	vadd.f32 v15, v7  }
0x235: {  	v8 =	vmul.f32 v10, v23;
	v10 =	vadd.f32 v16, v36;
	[tilespmem:s1+$0xA180] =	vst v9;
	v9 =	vadd.f32 v12, v11  }
0x236: {  	v6 =	vmul.f32 v6, v23;
	v11 =	vadd.f32 v13, v36;
	v5 =	vadd.f32 v14, v5;
	[tilespmem:s1+$0xA380] =	vst v7  }
0x237: {  	v7 =	vadd.f32 v10, v8;
	[tilespmem:s1+$0xA300] =	vst v9  }
0x238: {  	v6 =	vadd.f32 v11, v6;
	[tilespmem:s1+$0xA280] =	vst v5  }
0x239: {  	[tilespmem:s1+$0xA400] =	vst v7  }
0x23a: {  	s0 =	sor.u32 $0x2380, s4;
	[tilespmem:s1+$0xA100] =	vst v6  }
0x23b: {  	v5 =	vld [tilespmem:s0+$0x8100];
	_ =	sdelay $0x1  }
0x23c: {  	v6 =	vld [tilespmem:s0+$0x100];
	_ =	sdelay $0x2  }
0x23d: {  	v4 =	vsub.f32 v5, v4;
	_ =	sdelay $0x1  }
0x23e: {  	v5 =	vmul.f32 $3.200000000e+01, v6;
	v3 =	vmul.f32 v3, v4;
	_ =	sdelay $0x1  }
0x23f: {  	v4 =	vadd.f32 v5, v36;
	v3 =	vmul.f32 v3, v23;
	_ =	sdelay $0x1  }
0x240: {  	v3 =	vadd.f32 v4, v3  }
0x241: {  	s25 =	sshll.u32 s9, $0xC;
	s26 =	rddreg [dreg:$0xa];
	s29 =	simm.s32 $0x0  }
0x242: {  	s3 =	simm.s32 $0x8100;
	p0 =	seq.s32 s9, $0xF;
	[tilespmem:s0+$0x8100] =	vst v3;
	s0 =	sadd.s32 s25, s26  }
0x243: {  	[hbm4b:s0+s29] =	stream.linear.scatter [tilespmem:s3], [sflag:$0x5], $0x4000, $0x38;
	[tilespmem:$0x10900] =	vst v63  }
0x244: {  	s0 =	simm.s32 @!p0 $0x5  }
0x245: {  	_ =	swait.ge @!p0 [sflag:s0], $0x4000  }
0x246: {  	s1 =	sshll.u32 @!p0 s9, $0x5;
	s3 =	rddreg [dreg:$0xb]  }
0x247: {  	s1 =	sadd.s32 @!p0 s1, s3  }
0x248: {  	[sflag:s0] =	ssyncset.done @!p0 $0x0;
	s3 =	sshrl.u32 @!p0 s1, $0x3  }
0x249: {  	[sflag:s0] =	ssyncadd.s32 @!p0 $0xFFFFC000;
	s0 =	sadd.s32 @!p0 s14, s3;
	s3 =	simm.s32 @!p0 $0x0  }
0x24a: {  	[tilespmem:s3], [sflag:$0x7] =	stream.linear.gather @!p0 [hbm4b:s0+s3], $0x10, $0x38;
	[tilespmem:$0x10900] =	vst v63  }
0x24b: {  	s0 =	simm.s32 @!p0 $0x7  }
0x24c: {  	_ =	swait.ge @!p0 [sflag:s0], $0x10  }
0x24d: {  	[sflag:s0] =	ssyncset.done @!p0 $0x0  }
0x24e: {  	[sflag:s0] =	ssyncadd.s32 @!p0 $0xFFFFFFF0  }
0x24f: {  	v3 =	vld @!p0 [tilespmem:$0x0];
	_ =	sdelay $0x4  }
0x250: {  	v4 =	vshll.u32 @!p0 v3, $0x3  }
0x251: {  	v5 =	vlaneseq.u32 @!p0;
	v3 =	vand.u32 @!p0 $0x7, v3;
	v4 =	vand.u32 @!p0 $0xFFFFFFC0, v4  }
0x252: {  	v6 =	vshrl.u32 @!p0 v5, $0x3;
	v3 =	vor.u32 @!p0 v3, v4;
	v4 =	vand.u32 @!p0 $0x7, v5  }
0x253: {  	v6 =	vmul.u32 @!p0 $0x8, v6;
	v4 =	vperm.xlane @!p0 v3, v4;
	_ =	sdelay $0x1  }
0x254: {  	v4 =	vadd.s32 @!p0 v6, v4;
	_ =	sdelay $0x3  }
0x255: {  	vm1 =	vmmov @!p0 $0xffff;
	s0 =	simm.s32 @!p0 $0x100  }
0x256: {  	v5 =	vor.u32 @!p0 $0x8, v5;
	[tilespmem:s0], [sflag:$0x1] =	stream.indirect_vreg.gather @!p0 [hbm4b:s2+s3], $0x80, v4, vm1, $0xb8;
	[tilespmem:$0x10900] =	vst v63  }
0x257: {  	v3 =	vperm.xlane @!p0 v3, v5;
	s0 =	simm.s32 @!p0 $0x900  }
0x258: {  	[tilespmem:s0], [sflag:$0x1] =	stream.indirect_vreg.gather @!p0 [hbm4b:s10+s3], $0x80, v4, vm1, $0xb8;
	[tilespmem:$0x10900] =	vst v63  }
0x259: {  	v3 =	vadd.s32 @!p0 v6, v3;
	s0 =	simm.s32 @!p0 $0x1100  }
0x25a: {  	[tilespmem:s0], [sflag:$0x1] =	stream.indirect_vreg.gather @!p0 [hbm4b:s11+s3], $0x80, v4, vm1, $0xb8;
	[tilespmem:$0x10900] =	vst v63  }
0x25b: {  	s0 =	simm.s32 @!p0 $0x1900  }
0x25c: {  	[tilespmem:s0], [sflag:$0x1] =	stream.indirect_vreg.gather @!p0 [hbm4b:s12+s3], $0x80, v4, vm1, $0xb8;
	[tilespmem:$0x10900] =	vst v63  }
0x25d: {  	s0 =	simm.s32 @!p0 $0x2100  }
0x25e: {  	[tilespmem:s0], [sflag:$0x1] =	stream.indirect_vreg.gather @!p0 [hbm4b:s2+s3], $0x80, v3, vm1, $0xb8;
	[tilespmem:$0x10900] =	vst v63  }
0x25f: {  	s0 =	simm.s32 @!p0 $0x2900  }
0x260: {  	[tilespmem:s0], [sflag:$0x1] =	stream.indirect_vreg.gather @!p0 [hbm4b:s10+s3], $0x80, v3, vm1, $0xb8;
	[tilespmem:$0x10900] =	vst v63  }
0x261: {  	s0 =	simm.s32 @!p0 $0x3100  }
0x262: {  	[tilespmem:s0], [sflag:$0x1] =	stream.indirect_vreg.gather @!p0 [hbm4b:s11+s3], $0x80, v3, vm1, $0xb8;
	[tilespmem:$0x10900] =	vst v63  }
0x263: {  	s0 =	simm.s32 @!p0 $0x3900  }
0x264: {  	[tilespmem:s0], [sflag:$0x1] =	stream.indirect_vreg.gather @!p0 [hbm4b:s12+s3], $0x80, v3, vm1, $0xb8;
	[tilespmem:$0x10900] =	vst v63  }
0x265: {  	s0 =	sshll.u32 @!p0 s1, $0x7;
	s1 =	rddreg [dreg:$0x0]  }
0x266: {  	s0 =	sadd.s32 @!p0 s1, s0;
	s1 =	simm.s32 @!p0 $0x8100  }
0x267: {  	[tilespmem:s1], [sflag:$0x3] =	stream.linear.gather @!p0 [hbm4b:s0+s3], $0x4000, $0x38;
	[tilespmem:$0x10900] =	vst v63  }
0x268: {  	s1 =	simm.s32 $0x2  }
0x269: {  	_ =	swait.ge [sflag:s1], $0x4000  }
0x26a: {  	[sflag:s1] =	ssyncset.done $0x0  }
0x26b: {  	s3 =	simm.s32 $0x4;
	[sflag:s1] =	ssyncadd.s32 $0xFFFFC000  }
0x26c: {  	s4 =	simm.s32 $0x0;
	s25 =	simm.s32 $0x0;
	_ =	swait.ge [sflag:s3], $0x4000  }
0x26d: {  	s5 =	sand.u32 $0x380, s25;
	s0 =	sand.u32 $0x2000, s4;
	[sflag:s3] =	ssyncset.done $0x0  }
0x26e: {  	s1 =	sor.u32 s5, s0;
	[sflag:s3] =	ssyncadd.s32 $0xFFFFC000  }
0x26f: {  	v3 =	vld [tilespmem:s1+$0xC100]  }
0x270: {  	v4 =	vld [tilespmem:s1+$0xC110]  }
0x271: {  	v5 =	vld [tilespmem:s1+$0xC120]  }
0x272: {  	v6 =	vld [tilespmem:s1+$0xC130]  }
0x273: {  	v7 =	vld [tilespmem:s1+$0xC140]  }
0x274: {  	v8 =	vld [tilespmem:s1+$0xC150]  }
0x275: {  	v9 =	vld [tilespmem:s1+$0xC160]  }
0x276: {  	v10 =	vld [tilespmem:s1+$0xC170]  }
0x277: {  	v13 =	vld [tilespmem:s1+$0xC500];
	v11 =	vmul.f32 v3, v3;
	v12 =	vmul.f32 v4, v4  }
0x278: {  	v16 =	vld [tilespmem:s1+$0xC510];
	v14 =	vmul.f32 v5, v5;
	v15 =	vmul.f32 v6, v6  }
0x279: {  	v19 =	vld [tilespmem:s1+$0xC520];
	v3 =	vadd.f32 $0.0e+00, v3;
	v17 =	vmul.f32 v7, v7;
	v18 =	vmul.f32 v8, v8  }
0x27a: {  	v21 =	vld [tilespmem:s1+$0xC530];
	v4 =	vadd.f32 $0.0e+00, v4;
	v5 =	vadd.f32 $0.0e+00, v5;
	v20 =	vmul.f32 v9, v9  }
0x27b: {  	v6 =	vadd.f32 $0.0e+00, v6;
	v22 =	vmul.f32 v10, v10;
	v11 =	vadd.f32 v17, v11  }
0x27c: {  	v23 =	vld [tilespmem:s1+$0xC540];
	v12 =	vadd.f32 v18, v12;
	v17 =	vmul.f32 v13, v13;
	v14 =	vadd.f32 v20, v14  }
0x27d: {  	v15 =	vadd.f32 v22, v15;
	v20 =	vmul.f32 v16, v16;
	v3 =	vadd.f32 v7, v3  }
0x27e: {  	v18 =	vld [tilespmem:s1+$0xC550];
	v4 =	vadd.f32 v8, v4;
	v7 =	vmul.f32 v19, v19;
	v5 =	vadd.f32 v9, v5  }
0x27f: {  	v22 =	vld [tilespmem:s1+$0xC560];
	v6 =	vadd.f32 v10, v6;
	v9 =	vmul.f32 v21, v21;
	v10 =	vadd.f32 v17, v11  }
0x280: {  	v8 =	vld [tilespmem:s1+$0xC570];
	v12 =	vadd.f32 v20, v12;
	v7 =	vadd.f32 v7, v14  }
0x281: {  	v11 =	vld [tilespmem:s1+$0xC900];
	v17 =	vmul.f32 v23, v23;
	v9 =	vadd.f32 v9, v15;
	v3 =	vadd.f32 v13, v3  }
0x282: {  	v14 =	vld [tilespmem:s1+$0xC910];
	v4 =	vadd.f32 v16, v4;
	v5 =	vadd.f32 v19, v5  }
0x283: {  	v13 =	vld [tilespmem:s1+$0xC920];
	v6 =	vadd.f32 v21, v6;
	v10 =	vadd.f32 v17, v10  }
0x284: {  	v19 =	vld [tilespmem:s1+$0xC930];
	v3 =	vadd.f32 v23, v3;
	v15 =	vmul.f32 v18, v18;
	v16 =	vmul.f32 v22, v22  }
0x285: {  	v21 =	vld [tilespmem:s1+$0xC970];
	v20 =	vmul.f32 v8, v8;
	v4 =	vadd.f32 v18, v4;
	v5 =	vadd.f32 v22, v5  }
0x286: {  	v17 =	vld [tilespmem:s1+$0xC940];
	v6 =	vadd.f32 v8, v6;
	v12 =	vadd.f32 v15, v12  }
0x287: {  	v23 =	vld [tilespmem:s1+$0xCD00];
	v7 =	vadd.f32 v16, v7;
	v9 =	vadd.f32 v20, v9  }
0x288: {  	v15 =	vld [tilespmem:s1+$0xC950];
	v16 =	vmul.f32 v11, v11;
	v18 =	vmul.f32 v14, v14;
	v3 =	vadd.f32 v11, v3  }
0x289: {  	v20 =	vld [tilespmem:s1+$0xC960];
	v8 =	vmul.f32 v13, v13;
	v4 =	vadd.f32 v14, v4;
	v5 =	vadd.f32 v13, v5  }
0x28a: {  	v22 =	vmul.f32 v19, v19;
	v14 =	vld [tilespmem:s1+$0xCD30];
	v6 =	vadd.f32 v19, v6;
	v10 =	vadd.f32 v16, v10  }
0x28b: {  	v19 =	vld [tilespmem:s1+$0xCD40];
	v12 =	vadd.f32 v18, v12;
	v16 =	vmul.f32 v17, v17;
	v7 =	vadd.f32 v8, v7  }
0x28c: {  	v13 =	vmul.f32 v21, v21;
	v18 =	vld [tilespmem:s1+$0xCD10];
	v8 =	vadd.f32 v22, v9;
	v3 =	vadd.f32 v17, v3  }
0x28d: {  	v22 =	vld [tilespmem:s1+$0xCD20];
	v6 =	vadd.f32 v21, v6;
	v10 =	vadd.f32 v16, v10  }
0x28e: {  	v17 =	vld [tilespmem:s1+$0xCD70];
	v8 =	vadd.f32 v13, v8;
	v3 =	vadd.f32 v23, v3  }
0x28f: {  	v21 =	vld [tilespmem:s1+$0xD100];
	v9 =	vmul.f32 v15, v15;
	v11 =	vmul.f32 v20, v20;
	v4 =	vadd.f32 v15, v4  }
0x290: {  	v16 =	vld [tilespmem:s1+$0xCD50];
	v5 =	vadd.f32 v20, v5;
	v20 =	vmul.f32 v14, v14;
	v6 =	vadd.f32 v14, v6  }
0x291: {  	v13 =	vld [tilespmem:s1+$0xCD60];
	v3 =	vadd.f32 v19, v3;
	v9 =	vadd.f32 v9, v12;
	v12 =	vmul.f32 v23, v23  }
0x292: {  	v7 =	vadd.f32 v11, v7;
	v11 =	vmul.f32 v18, v18;
	v8 =	vadd.f32 v20, v8;
	v20 =	vld [tilespmem:s1+$0xD120]  }
0x293: {  	v15 =	vmul.f32 v22, v22;
	v4 =	vadd.f32 v18, v4;
	v23 =	vld [tilespmem:s1+$0xD130];
	v5 =	vadd.f32 v22, v5  }
0x294: {  	v14 =	vmul.f32 v17, v17;
	v22 =	vld [tilespmem:s1+$0xD140];
	v6 =	vadd.f32 v17, v6;
	v3 =	vadd.f32 v21, v3  }
0x295: {  	v17 =	vld [tilespmem:s1+$0xD500];
	v10 =	vadd.f32 v12, v10;
	v9 =	vadd.f32 v11, v9;
	v11 =	vmul.f32 v19, v19  }
0x296: {  	v12 =	vld [tilespmem:s1+$0xD110];
	v7 =	vadd.f32 v15, v7;
	v15 =	vmul.f32 v16, v16;
	v8 =	vadd.f32 v14, v8  }
0x297: {  	v18 =	vmul.f32 v13, v13;
	v4 =	vadd.f32 v16, v4;
	v19 =	vld [tilespmem:s1+$0xD170];
	v5 =	vadd.f32 v13, v5  }
0x298: {  	v10 =	vadd.f32 v11, v10;
	v9 =	vadd.f32 v15, v9;
	v11 =	vmul.f32 v21, v21;
	v15 =	vld [tilespmem:s1+$0xD150]  }
0x299: {  	v7 =	vadd.f32 v18, v7;
	v18 =	vld [tilespmem:s1+$0xD160];
	v16 =	vmul.f32 v20, v20;
	v5 =	vadd.f32 v20, v5  }
0x29a: {  	v21 =	vld [tilespmem:s1+$0xD530];
	v13 =	vmul.f32 v23, v23;
	v6 =	vadd.f32 v23, v6;
	v3 =	vadd.f32 v22, v3  }
0x29b: {  	v23 =	vld [tilespmem:s1+$0xD540];
	v10 =	vadd.f32 v11, v10;
	v11 =	vmul.f32 v22, v22;
	v7 =	vadd.f32 v16, v7  }
0x29c: {  	v22 =	vld [tilespmem:s1+$0xD570];
	v14 =	vmul.f32 v12, v12;
	v8 =	vadd.f32 v13, v8;
	v4 =	vadd.f32 v12, v4  }
0x29d: {  	v16 =	vld [tilespmem:s1+$0xD520];
	v20 =	vmul.f32 v19, v19;
	v6 =	vadd.f32 v19, v6;
	v3 =	vadd.f32 v17, v3  }
0x29e: {  	v19 =	vld [tilespmem:s1+$0xD900];
	v10 =	vadd.f32 v11, v10;
	v11 =	vmul.f32 v17, v17;
	v9 =	vadd.f32 v14, v9  }
0x29f: {  	v17 =	vld [tilespmem:s1+$0xD930];
	v13 =	vmul.f32 v15, v15;
	v8 =	vadd.f32 v20, v8;
	v4 =	vadd.f32 v15, v4  }
0x2a0: {  	v14 =	vld [tilespmem:s1+$0xD510];
	v12 =	vmul.f32 v18, v18;
	v5 =	vadd.f32 v18, v5;
	v6 =	vadd.f32 v21, v6  }
0x2a1: {  	v20 =	vld [tilespmem:s1+$0xD560];
	v18 =	vmul.f32 v21, v21;
	v10 =	vadd.f32 v11, v10;
	v3 =	vadd.f32 v23, v3  }
0x2a2: {  	s6 =	sand.u32 $0x7, s25;
	v21 =	vld [tilespmem:s1+$0xD940];
	v11 =	vmul.f32 v23, v23;
	v9 =	vadd.f32 v13, v9;
	v7 =	vadd.f32 v12, v7  }
0x2a3: {  	s0 =	sshll.u32 s6, $0x7;
	v23 =	vld [tilespmem:s1+$0xD970];
	v8 =	vadd.f32 v18, v8;
	v6 =	vadd.f32 v22, v6;
	v15 =	vmul.f32 v16, v16  }
0x2a4: {  	s0 =	sadd.s32 $0x0, s0;
	v13 =	vld [tilespmem:s1+$0xD550];
	v5 =	vadd.f32 v16, v5;
	v16 =	vmul.f32 v22, v22;
	v10 =	vadd.f32 v11, v10  }
0x2a5: {  	s7 =	sor.u32 $0x1C00, s0;
	v18 =	vld [tilespmem:s1+$0xD920];
	v11 =	vmul.f32 v19, v19;
	v3 =	vadd.f32 v19, v3;
	v6 =	vadd.f32 v17, v6  }
0x2a6: {  	s17 =	sor.u32 $0x1C30, s0;
	v22 =	vld [tilespmem:s7+$0xC100];
	v12 =	vmul.f32 v14, v14;
	v7 =	vadd.f32 v15, v7;
	v4 =	vadd.f32 v14, v4  }
0x2a7: {  	v19 =	vld [tilespmem:s17+$0xC100];
	v14 =	vmul.f32 v20, v20;
	v8 =	vadd.f32 v16, v8;
	v5 =	vadd.f32 v20, v5  }
0x2a8: {  	s8 =	sor.u32 $0x1C10, s0;
	s15 =	sor.u32 $0x1C20, s0;
	s18 =	sor.u32 $0x1C40, s0;
	v16 =	vld [tilespmem:s1+$0xD960];
	v20 =	vmul.f32 v17, v17;
	v10 =	vadd.f32 v11, v10;
	v3 =	vadd.f32 v21, v3  }
0x2a9: {  	s19 =	sor.u32 $0x1C50, s0;
	s20 =	sor.u32 $0x1C60, s0;
	s0 =	sor.u32 $0x1C70, s0;
	v6 =	vadd.f32 v23, v6;
	v9 =	vadd.f32 v12, v9;
	v12 =	vld [tilespmem:s1+$0xD910];
	v15 =	vmul.f32 v13, v13  }
0x2aa: {  	v11 =	vmul.f32 v21, v21;
	v21 =	vld [tilespmem:s0+$0xC100];
	v7 =	vadd.f32 v14, v7;
	v4 =	vadd.f32 v13, v4  }
0x2ab: {  	v17 =	vmul.f32 v23, v23;
	v8 =	vadd.f32 v20, v8;
	v9 =	vadd.f32 v15, v9;
	v15 =	vld [tilespmem:s1+$0xD950]  }
0x2ac: {  	v13 =	vmul.f32 v18, v18;
	v20 =	vld [tilespmem:s15+$0xC100];
	v5 =	vadd.f32 v18, v5;
	v10 =	vadd.f32 v11, v10  }
0x2ad: {  	v18 =	vld [tilespmem:s18+$0xC100];
	v11 =	vmul.f32 v22, v22;
	v3 =	vadd.f32 v22, v3;
	v6 =	vadd.f32 v19, v6  }
0x2ae: {  	v7 =	vadd.f32 v13, v7;
	v8 =	vadd.f32 v17, v8;
	v14 =	vmul.f32 v12, v12  }
0x2af: {  	v17 =	vld [tilespmem:s20+$0xC100];
	v5 =	vadd.f32 v16, v5;
	v10 =	vadd.f32 v11, v10  }
0x2b0: {  	s21 =	simm.s32 $0x80;
	s22 =	simm.s32 $0x400;
	v6 =	vadd.f32 v21, v6;
	v9 =	vadd.f32 v14, v9;
	v14 =	vld [tilespmem:s8+$0xC100];
	v13 =	vmul.f32 v15, v15  }
0x2b1: {  	s23 =	sand.u32 $0x2000, s22;
	s3 =	sand.u32 $0x380, s21;
	v4 =	vadd.f32 v12, v4;
	v12 =	vmul.f32 v16, v16;
	v16 =	vmul.f32 v19, v19  }
0x2b2: {  	s1 =	sor.u32 s3, s23;
	v11 =	vmul.f32 v18, v18;
	v5 =	vadd.f32 v20, v5;
	v9 =	vadd.f32 v13, v9;
	v13 =	vld [tilespmem:s19+$0xC100]  }
0x2b3: {  	v23 =	vld [tilespmem:s1+$0xC100];
	v19 =	vmul.f32 v21, v21;
	v3 =	vadd.f32 v18, v3;
	v7 =	vadd.f32 v12, v7  }
0x2b4: {  	v22 =	vld [tilespmem:s1+$0xC130];
	v4 =	vadd.f32 v15, v4;
	v15 =	vmul.f32 v20, v20;
	v8 =	vadd.f32 v16, v8  }
0x2b5: {  	v18 =	vld [tilespmem:s1+$0xC170];
	v10 =	vadd.f32 v11, v10;
	v5 =	vadd.f32 v17, v5;
	v12 =	vmul.f32 v14, v14  }
0x2b6: {  	v16 =	vld [tilespmem:s1+$0xC120];
	v7 =	vadd.f32 v15, v7;
	v4 =	vadd.f32 v14, v4;
	v14 =	vmul.f32 v17, v17  }
0x2b7: {  	v57 =	vld [tilespmem:s1+$0xC520];
	v8 =	vadd.f32 v19, v8;
	v9 =	vadd.f32 v12, v9;
	v15 =	vmul.f32 v13, v13  }
0x2b8: {  	v20 =	vld [tilespmem:s1+$0xC140];
	v7 =	vadd.f32 v14, v7;
	v4 =	vadd.f32 v13, v4  }
0x2b9: {  	v19 =	vld [tilespmem:s1+$0xC160];
	v17 =	vadd.f32 $0.0e+00, v23;
	v9 =	vadd.f32 v15, v9  }
0x2ba: {  	v58 =	vmul.f32 v18, v18;
	v12 =	vld [tilespmem:s1+$0xC110];
	v7 =	vadd.f32 v8, v7;
	v3 =	vadd.f32 v4, v3  }
0x2bb: {  	v15 =	vld [tilespmem:s1+$0xC150];
	v8 =	vmul.f32 v22, v22;
	v4 =	vadd.f32 v6, v5;
	v6 =	vadd.f32 $0.0e+00, v16  }
0x2bc: {  	v11 =	vmul.f32 v23, v23;
	v22 =	vadd.f32 $0.0e+00, v22;
	v9 =	vadd.f32 v9, v10  }
0x2bd: {  	v13 =	vmul.f32 v16, v16;
	v16 =	vld [tilespmem:s1+$0xC530];
	v3 =	vadd.f32 v4, v3;
	v8 =	vadd.f32 v58, v8  }
0x2be: {  	v21 =	vmul.f32 v20, v20;
	v10 =	vld [tilespmem:s1+$0xC500];
	v6 =	vadd.f32 v19, v6;
	v18 =	vadd.f32 v18, v22  }
0x2bf: {  	v23 =	vld [tilespmem:s1+$0xC510];
	v14 =	vmul.f32 v12, v12;
	v5 =	vadd.f32 $0.0e+00, v12;
	v12 =	vmul.f32 v19, v19  }
0x2c0: {  	v4 =	vld [tilespmem:s1+$0xC540];
	v7 =	vadd.f32 v7, v9;
	v6 =	vadd.f32 v57, v6;
	v9 =	vmul.f32 v15, v15  }
0x2c1: {  	v22 =	vld [tilespmem:s1+$0xC930];
	v12 =	vadd.f32 v12, v13;
	v5 =	vadd.f32 v15, v5;
	v15 =	vmul.f32 v57, v57  }
0x2c2: {  	v19 =	vmul.f32 v16, v16;
	v16 =	vadd.f32 v16, v18;
	(xrf2) =	vadd.scan.msk.f32 $0xffff, v7;
	v7 =	vadd.f32 v21, v11;
	v21 =	vld [tilespmem:s1+$0xC560]  }
0x2c3: {  	v9 =	vadd.f32 v9, v14;
	v11 =	vmul.f32 v10, v10;
	v14 =	vld [tilespmem:s1+$0xC550];
	(xrf2) =	vadd.scan.msk.f32 $0xffff, v3;
	v3 =	vadd.f32 v20, v17  }
0x2c4: {  	v13 =	vmul.f32 v23, v23;
	v17 =	vld [tilespmem:s1+$0xC570];
	v12 =	vadd.f32 v15, v12;
	v8 =	vadd.f32 v19, v8  }
0x2c5: {  	v20 =	vld [tilespmem:s1+$0xC920];
	v7 =	vadd.f32 v11, v7;
	v11 =	vmul.f32 v4, v4;
	v3 =	vadd.f32 v10, v3  }
0x2c6: {  	v5 =	vadd.f32 v23, v5;
	v9 =	vadd.f32 v13, v9;
	v13 =	vld [tilespmem:s1+$0xC900]  }
0x2c7: {  	v19 =	vld [tilespmem:s1+$0xC910];
	v10 =	vmul.f32 v21, v21;
	v7 =	vadd.f32 v11, v7;
	v3 =	vadd.f32 v4, v3  }
0x2c8: {  	v11 =	vld [tilespmem:s1+$0xC940];
	v6 =	vadd.f32 v21, v6;
	v15 =	vmul.f32 v14, v14;
	v4 =	vadd.f32 v14, v5  }
0x2c9: {  	v21 =	vld [tilespmem:s1+$0xC970];
	v18 =	vmul.f32 v17, v17;
	v16 =	vadd.f32 v17, v16;
	v10 =	vadd.f32 v10, v12  }
0x2ca: {  	v14 =	vld [tilespmem:s1+$0xC960];
	v17 =	vmul.f32 v20, v20;
	v6 =	vadd.f32 v20, v6;
	v9 =	vadd.f32 v15, v9  }
0x2cb: {  	v8 =	vadd.f32 v18, v8;
	v12 =	vmul.f32 v13, v13;
	v3 =	vadd.f32 v13, v3  }
0x2cc: {  	v59 =	vld [tilespmem:s1+$0xCD00];
	v5 =	vmul.f32 v19, v19;
	v4 =	vadd.f32 v19, v4;
	v16 =	vadd.f32 v22, v16  }
0x2cd: {  	v15 =	vld [tilespmem:s1+$0xC950];
	v10 =	vadd.f32 v17, v10;
	v7 =	vadd.f32 v12, v7;
	v12 =	vmul.f32 v22, v22  }
0x2ce: {  	v17 =	vld [tilespmem:s1+$0xCD20];
	v18, _, _ =	vpop (xrf2);
	v5 =	vadd.f32 v5, v9;
	v9 =	vmul.f32 v11, v11;
	v3 =	vadd.f32 v11, v3  }
0x2cf: {  	v20 =	vld [tilespmem:s1+$0xCD40];
	v23, _, _ =	vpop (xrf2);
	v13 =	vmul.f32 v14, v14;
	v6 =	vadd.f32 v14, v6;
	v14 =	vadd.f32 v21, v16  }
0x2d0: {  	v19 =	vmul.f32 v21, v21;
	v21 =	vld [tilespmem:s1+$0xD100];
	(v2sf) =	vpush v23, $0xF;
	v8 =	vadd.f32 v12, v8  }
0x2d1: {  	v23 =	vld [tilespmem:s1+$0xCD10];
	v7 =	vadd.f32 v9, v7;
	v9 =	vmul.f32 v59, v59;
	v3 =	vadd.f32 v59, v3  }
0x2d2: {  	(v2sf) =	vpush v18, $0xF;
	v12 =	vmul.f32 v15, v15;
	v18 =	vld [tilespmem:s1+$0xCD30];
	v10 =	vadd.f32 v13, v10  }
0x2d3: {  	v4 =	vadd.f32 v15, v4;
	v15 =	vld [tilespmem:s1+$0xCD70];
	v8 =	vadd.f32 v19, v8;
	v11 =	vmul.f32 v17, v17  }
0x2d4: {  	v19 =	vld [tilespmem:s1+$0xCD60];
	v7 =	vadd.f32 v9, v7;
	v9 =	vmul.f32 v20, v20;
	v6 =	vadd.f32 v17, v6  }
0x2d5: {  	v3 =	vadd.f32 v20, v3;
	v20 =	vld [tilespmem:s1+$0xD170];
	v5 =	vadd.f32 v12, v5  }
0x2d6: {  	v12 =	vld [tilespmem:s1+$0xCD50];
	v10 =	vadd.f32 v11, v10;
	v7 =	vadd.f32 v9, v7  }
0x2d7: {  	v9 =	vmul.f32 v21, v21;
	v13 =	vmul.f32 v23, v23;
	v4 =	vadd.f32 v23, v4;
	v23 =	vld [tilespmem:s1+$0xD130]  }
0x2d8: {  	v3 =	vadd.f32 v21, v3;
	v21 =	vld [tilespmem:s1+$0xD530];
	v16 =	vmul.f32 v18, v18;
	v14 =	vadd.f32 v18, v14  }
0x2d9: {  	v17 =	vmul.f32 v15, v15;
	v18 =	vld [tilespmem:s1+$0xD140];
	v7 =	vadd.f32 v9, v7;
	v5 =	vadd.f32 v13, v5  }
0x2da: {  	v13 =	vld [tilespmem:s1+$0xD110];
	v22 =	vmul.f32 v19, v19;
	v6 =	vadd.f32 v19, v6;
	v8 =	vadd.f32 v16, v8  }
0x2db: {  	v11 =	vmul.f32 v12, v12;
	v16 =	vld [tilespmem:s1+$0xD120];
	v4 =	vadd.f32 v12, v4;
	v14 =	vadd.f32 v15, v14  }
0x2dc: {  	v19 =	vld [tilespmem:s1+$0xD500];
	v10 =	vadd.f32 v22, v10;
	v8 =	vadd.f32 v17, v8;
	v15 =	vmul.f32 v23, v23  }
0x2dd: {  	v22 =	vld [tilespmem:s1+$0xD160];
	v5 =	vadd.f32 v11, v5;
	v14 =	vadd.f32 v23, v14  }
0x2de: {  	v11 =	vld [tilespmem:s1+$0xD150];
	v9 =	vmul.f32 v18, v18;
	v3 =	vadd.f32 v18, v3;
	v8 =	vadd.f32 v15, v8  }
0x2df: {  	v23 =	vld [tilespmem:s1+$0xD540];
	v17 =	vmul.f32 v13, v13;
	v4 =	vadd.f32 v13, v4;
	v14 =	vadd.f32 v20, v14  }
0x2e0: {  	v18 =	vld [tilespmem:s1+$0xD570];
	v12 =	vmul.f32 v16, v16;
	v6 =	vadd.f32 v16, v6;
	v7 =	vadd.f32 v9, v7  }
0x2e1: {  	v15 =	vld [tilespmem:s1+$0xD520];
	v16 =	vmul.f32 v20, v20;
	v3 =	vadd.f32 v19, v3;
	v5 =	vadd.f32 v17, v5  }
0x2e2: {  	v9 =	vmul.f32 v19, v19;
	v19 =	vld [tilespmem:s1+$0xD930];
	v14 =	vadd.f32 v21, v14;
	v10 =	vadd.f32 v12, v10  }
0x2e3: {  	v17 =	vld [tilespmem:s1+$0xD510];
	v13 =	vmul.f32 v22, v22;
	v8 =	vadd.f32 v16, v8;
	v4 =	vadd.f32 v11, v4  }
0x2e4: {  	v12 =	vmul.f32 v11, v11;
	v16 =	vld [tilespmem:s1+$0xD560];
	v6 =	vadd.f32 v22, v6;
	v7 =	vadd.f32 v9, v7  }
0x2e5: {  	v20 =	vmul.f32 v21, v21;
	v22 =	vld [tilespmem:s1+$0xD900];
	v3 =	vadd.f32 v23, v3;
	v14 =	vadd.f32 v18, v14  }
0x2e6: {  	s26 =	simm.s32 $0x1;
	v9 =	vmul.f32 v23, v23;
	v5 =	vadd.f32 v12, v5;
	v10 =	vadd.f32 v13, v10  }
0x2e7: {  	s24 =	sand.u32 $0x7, s26;
	v23 =	vld [tilespmem:s1+$0xD970];
	v11 =	vmul.f32 v15, v15;
	v8 =	vadd.f32 v20, v8;
	v6 =	vadd.f32 v15, v6  }
0x2e8: {  	s0 =	sshll.u32 s24, $0x7;
	v12 =	vld [tilespmem:s1+$0xD550];
	v15 =	vmul.f32 v18, v18;
	v7 =	vadd.f32 v9, v7;
	v14 =	vadd.f32 v19, v14  }
0x2e9: {  	s0 =	sadd.s32 $0x400, s0;
	v20 =	vld [tilespmem:s1+$0xD920];
	v13 =	vmul.f32 v17, v17;
	v10 =	vadd.f32 v11, v10;
	v4 =	vadd.f32 v17, v4  }
0x2ea: {  	s29 =	sor.u32 $0x1C00, s0;
	v21 =	vld [tilespmem:s1+$0xD940];
	v8 =	vadd.f32 v15, v8;
	v17 =	vmul.f32 v16, v16;
	v9 =	vmul.f32 v22, v22  }
0x2eb: {  	s5 =	sor.u32 $0x1C30, s0;
	v18 =	vld [tilespmem:s29+$0xC100];
	v6 =	vadd.f32 v16, v6;
	v16 =	vmul.f32 v19, v19;
	v3 =	vadd.f32 v22, v3  }
0x2ec: {  	v22 =	vld [tilespmem:s5+$0xC100];
	v19 =	vmul.f32 v23, v23;
	v14 =	vadd.f32 v23, v14;
	v5 =	vadd.f32 v13, v5  }
0x2ed: {  	v13 =	vld [tilespmem:s1+$0xD910];
	v11 =	vmul.f32 v12, v12;
	v10 =	vadd.f32 v17, v10;
	v4 =	vadd.f32 v12, v4  }
0x2ee: {  	v17 =	vld [tilespmem:s1+$0xD960];
	v12 =	vmul.f32 v20, v20;
	v7 =	vadd.f32 v9, v7;
	v8 =	vadd.f32 v16, v8  }
0x2ef: {  	s4 =	sor.u32 $0x1C20, s0;
	s6 =	sor.u32 $0x1C40, s0;
	s7 =	sor.u32 $0x1C50, s0;
	v9 =	vmul.f32 v21, v21;
	v6 =	vadd.f32 v20, v6;
	v5 =	vadd.f32 v11, v5;
	v11 =	vld [tilespmem:s1+$0xD950]  }
0x2f0: {  	s3 =	sor.u32 $0x1C10, s0;
	s8 =	sor.u32 $0x1C60, s0;
	s0 =	sor.u32 $0x1C70, s0;
	v20 =	vld [tilespmem:s6+$0xC100];
	v3 =	vadd.f32 v21, v3;
	v10 =	vadd.f32 v12, v10  }
0x2f1: {  	v21 =	vld [tilespmem:s0+$0xC100];
	v7 =	vadd.f32 v9, v7;
	v9 =	vmul.f32 v18, v18;
	v8 =	vadd.f32 v19, v8  }
0x2f2: {  	v16 =	vld [tilespmem:s4+$0xC100];
	v3 =	vadd.f32 v18, v3;
	v14 =	vadd.f32 v22, v14;
	v15 =	vmul.f32 v13, v13  }
0x2f3: {  	v4 =	vadd.f32 v13, v4;
	v7 =	vadd.f32 v9, v7  }
0x2f4: {  	s17 =	simm.s32 $0x800;
	s15 =	simm.s32 $0x100;
	v13 =	vmul.f32 v17, v17;
	v5 =	vadd.f32 v15, v5;
	v15 =	vld [tilespmem:s3+$0xC100];
	v12 =	vmul.f32 v11, v11  }
0x2f5: {  	s18 =	sand.u32 $0x2000, s17;
	v19 =	vld [tilespmem:s8+$0xC100];
	v6 =	vadd.f32 v17, v6;
	v17 =	vmul.f32 v22, v22;
	v3 =	vadd.f32 v20, v3;
	s3 =	sand.u32 $0x380, s15  }
0x2f6: {  	v9 =	vmul.f32 v20, v20;
	v14 =	vadd.f32 v21, v14;
	s28 =	sor.u32 s3, s18;
	v5 =	vadd.f32 v12, v5;
	v12 =	vld [tilespmem:s7+$0xC100]  }
0x2f7: {  	s19 =	spop (v2sf);
	v10 =	vadd.f32 v13, v10;
	v4 =	vadd.f32 v11, v4;
	v11 =	vmul.f32 v16, v16;
	v23 =	vld [tilespmem:s28+$0xC100]  }
0x2f8: {  	s20 =	smul.f32 $9.765625000e-04, s19;
	v8 =	vadd.f32 v17, v8;
	v6 =	vadd.f32 v16, v6;
	v16 =	vmul.f32 v21, v21;
	v20 =	vld [tilespmem:s28+$0xC170]  }
0x2f9: {  	v7 =	vadd.f32 v9, v7;
	v17 =	vld [tilespmem:s28+$0xC120];
	v10 =	vadd.f32 v11, v10;
	v13 =	vmul.f32 v15, v15  }
0x2fa: {  	s21 =	spop (v2sf);
	s22 =	smul.f32 s20, s20;
	v8 =	vadd.f32 v16, v8;
	v16 =	vld [tilespmem:s28+$0xC160];
	v4 =	vadd.f32 v15, v4;
	v15 =	vmul.f32 v19, v19  }
0x2fb: {  	s0 =	smul.f32 $9.765625000e-04, s21;
	v6 =	vadd.f32 v19, v6;
	v5 =	vadd.f32 v13, v5;
	v13 =	vld [tilespmem:s28+$0xC110];
	v11 =	vmul.f32 v12, v12  }
0x2fc: {  	v18 =	vld [tilespmem:s28+$0xC130];
	v9 =	vmul.f32 v23, v23;
	v10 =	vadd.f32 v15, v10;
	v4 =	vadd.f32 v12, v4  }
0x2fd: {  	s0 =	ssub.f32 s0, s22;
	v22 =	vld [tilespmem:s28+$0xC140];
	v19 =	vadd.f32 $0.0e+00, v23;
	v61 =	vmul.f32 v20, v20;
	v5 =	vadd.f32 v11, v5  }
0x2fe: {  	v23 =	vld [tilespmem:s28+$0xC510];
	v12 =	vmul.f32 v17, v17;
	v3 =	vadd.f32 v4, v3;
	v4 =	vadd.f32 v14, v6  }
0x2ff: {  	s0 =	sadd.f32 $9.999999740e-06, s0;
	v11 =	vld [tilespmem:s28+$0xC150];
	v14 =	vmul.f32 v16, v16;
	v5 =	vadd.f32 v5, v7;
	v7 =	vadd.f32 v8, v10  }
0x300: {  	v60 =	vld [tilespmem:s28+$0xC520];
	v15 =	vmul.f32 v13, v13;
	v6 =	vadd.f32 $0.0e+00, v13;
	v13 =	vadd.f32 $0.0e+00, v17  }
0x301: {  	s23 =	sshrl.u32 s0, $0x1;
	s24 =	smul.f32 $5.000000000e-01, s0;
	v8 =	vmul.f32 v18, v18;
	v10 =	vld [tilespmem:s28+$0xC500];
	v18 =	vadd.f32 $0.0e+00, v18;
	v3 =	vadd.f32 v4, v3  }
0x302: {  	s29 =	ssub.s32 $0x5F3759DF, s23;
	v21 =	vmul.f32 v22, v22;
	v17 =	vld [tilespmem:s28+$0xC530];
	v12 =	vadd.f32 v14, v12;
	v5 =	vadd.f32 v7, v5  }
0x303: {  	s4 =	smul.f32 s29, s24;
	v4 =	vld [tilespmem:s28+$0xC540];
	v14 =	vmul.f32 v23, v23;
	v8 =	vadd.f32 v61, v8;
	v13 =	vadd.f32 v16, v13  }
0x304: {  	v16 =	vadd.f32 v20, v18;
	v7 =	vmul.f32 v11, v11;
	v6 =	vadd.f32 v11, v6;
	(xrf2) =	vadd.scan.msk.f32 $0xffff, v5  }
0x305: {  	s4 =	smul.f32 s29, s4;
	v11 =	vmul.f32 v60, v60;
	v5 =	vadd.f32 v21, v9;
	(xrf2) =	vadd.scan.msk.f32 $0xffff, v3;
	v3 =	vadd.f32 v22, v19;
	v19 =	vld [tilespmem:s28+$0xC570]  }
0x306: {  	v21 =	vld [tilespmem:s28+$0xC560];
	v13 =	vadd.f32 v60, v13;
	v7 =	vadd.f32 v7, v15;
	v9 =	vmul.f32 v10, v10  }
0x307: {  	s4 =	ssub.f32 $1.500000000e+00, s4;
	v15 =	vld [tilespmem:s28+$0xC550];
	v18 =	vmul.f32 v17, v17;
	v11 =	vadd.f32 v11, v12;
	v6 =	vadd.f32 v23, v6  }
0x308: {  	v20 =	vld [tilespmem:s28+$0xC920];
	v16 =	vadd.f32 v17, v16;
	v5 =	vadd.f32 v9, v5;
	v9 =	vmul.f32 v4, v4  }
0x309: {  	s0 =	smul.f32 s29, s4;
	v7 =	vadd.f32 v14, v7;
	v14 =	vld [tilespmem:s28+$0xC900];
	v3 =	vadd.f32 v10, v3  }
0x30a: {  	v8 =	vadd.f32 v18, v8;
	v18 =	vld [tilespmem:s28+$0xC910];
	v5 =	vadd.f32 v9, v5;
	v17 =	vmul.f32 v19, v19  }
0x30b: {  	s4 =	smul.f32 s0, s24;
	v22 =	vld [tilespmem:s28+$0xC930];
	v10 =	vmul.f32 v21, v21;
	v3 =	vadd.f32 v4, v3;
	v13 =	vadd.f32 v21, v13  }
0x30c: {  	v21 =	vld [tilespmem:s28+$0xC970];
	v12 =	vmul.f32 v15, v15;
	v4 =	vadd.f32 v15, v6;
	v16 =	vadd.f32 v19, v16  }
0x30d: {  	s4 =	smul.f32 s4, s0;
	v15 =	vld [tilespmem:s28+$0xC960];
	v9 =	vadd.f32 v10, v11;
	v13 =	vadd.f32 v20, v13  }
0x30e: {  	v19 =	vmul.f32 v20, v20;
	v11 =	vld [tilespmem:s28+$0xC950];
	v7 =	vadd.f32 v12, v7;
	v8 =	vadd.f32 v17, v8;
	v17, _, _ =	vpop (xrf2)  }
0x30f: {  	s4 =	ssub.f32 $1.500000000e+00, s4;
	v12 =	vld [tilespmem:s28+$0xC940];
	v10 =	vmul.f32 v14, v14;
	v3 =	vadd.f32 v14, v3;
	v14 =	vadd.f32 v18, v4;
	v23, _, _ =	vpop (xrf2)  }
0x310: {  	v62 =	vld [tilespmem:s28+$0xCD00];
	v6 =	vmul.f32 v18, v18;
	v16 =	vadd.f32 v22, v16;
	(v2sf) =	vpush v23, $0xF  }
0x311: {  	v63 =	vld [tilespmem:s28+$0xCD10];
	s0 =	smul.f32 s4, s0;
	v5 =	vadd.f32 v10, v5;
	v10 =	vmul.f32 v22, v22;
	(v2sf) =	vpush v17, $0xF  }
0x312: {  	v9 =	vadd.f32 v19, v9;
	v7 =	vadd.f32 v6, v7;
	v6 =	vld [tilespmem:s28+$0xCD20];
	v18 =	vmul.f32 v15, v15  }
0x313: {  	s3 =	smul.f32 s0, s24;
	v19 =	vmul.f32 v21, v21;
	v13 =	vadd.f32 v15, v13;
	v8 =	vadd.f32 v10, v8;
	v10 =	vld [tilespmem:s28+$0xCD30]  }
0x314: {  	v4 =	vld [tilespmem:s28+$0xCD40];
	v23 =	vmul.f32 v12, v12;
	v17 =	vmul.f32 v11, v11;
	v18 =	vadd.f32 v18, v9  }
0x315: {  	s3 =	smul.f32 s3, s0;
	v9 =	vld [tilespmem:s28+$0xCD60];
	v12 =	vadd.f32 v12, v3;
	v8 =	vadd.f32 v19, v8  }
0x316: {  	v20 =	vmul.f32 v62, v62;
	v5 =	vadd.f32 v23, v5;
	v17 =	vadd.f32 v17, v7;
	v7 =	vld [tilespmem:s28+$0xCD50]  }
0x317: {  	s3 =	ssub.f32 $1.500000000e+00, s3;
	v19 =	vmul.f32 v63, v63;
	v23 =	vadd.f32 v11, v14;
	v22 =	vmul.f32 v6, v6;
	v11 =	vld [tilespmem:s28+$0xCD70]  }
0x318: {  	v3 =	vld [tilespmem:s28+$0xD100];
	v14 =	vadd.f32 v21, v16;
	v21 =	vmul.f32 v10, v10;
	v15 =	vadd.f32 v20, v5  }
0x319: {  	s0 =	smul.f32 s3, s0;
	v16 =	vadd.f32 v19, v17;
	v5 =	vld [tilespmem:s28+$0xD110];
	v17 =	vadd.f32 v22, v18  }
0x31a: {  	s16 =	simm.s32 $0x80;
	s30 =	simm.s32 $0x400;
	[smem:s25] =	sst s20;
	v19 =	vmul.f32 v4, v4;
	v20 =	vadd.f32 v62, v12;
	v18 =	vadd.f32 v21, v8;
	v8 =	vld [tilespmem:s28+$0xD120]  }
0x31b: {  	s31 =	simm.s32 $0xFFFFC800;
	s1 =	simm.s32 $0x180;
	[smem:s16] =	sst s0;
	v12 =	vld [tilespmem:s28+$0xD130];
	v21 =	vadd.f32 v63, v23;
	v23 =	vmul.f32 v9, v9;
	v22 =	vmul.f32 v7, v7  }
.LBB2_7:
0x31c: {  	p0 =	seq.s32 s1, $0x780;
	v6 =	vadd.f32 v6, v13;
	v10 =	vadd.f32 v10, v14;
	v13 =	vmul.f32 v11, v11;
	v14 =	vld [tilespmem:s28+$0xD140]  }
0x31d: {  	v15 =	vadd.f32 v19, v15;
	v16 =	vadd.f32 v22, v16;
	v19 =	vmul.f32 v3, v3;
	v22 =	vld [tilespmem:s28+$0xD150]  }
0x31e: {  	v17 =	vadd.f32 v23, v17;
	v13 =	vadd.f32 v13, v18;
	v18 =	vmul.f32 v5, v5;
	v23 =	vld [tilespmem:s28+$0xD160]  }
0x31f: {  	v4 =	vadd.f32 v4, v20;
	v7 =	vadd.f32 v7, v21;
	v20 =	vmul.f32 v8, v8;
	v21 =	vld [tilespmem:s28+$0xD170];
	s0 =	spop (v2sf)  }
0x320: {  	v6 =	vadd.f32 v9, v6;
	v9 =	vadd.f32 v11, v10;
	v10 =	vmul.f32 v12, v12;
	v11 =	vld [tilespmem:s28+$0xD500];
	s4 =	smul.f32 $9.765625000e-04, s0;
	s0 =	spop (v2sf)  }
0x321: {  	v15 =	vadd.f32 v19, v15;
	v16 =	vadd.f32 v18, v16;
	v18 =	vmul.f32 v14, v14;
	v19 =	vld [tilespmem:s28+$0xD510];
	s0 =	smul.f32 $9.765625000e-04, s0  }
0x322: {  	v17 =	vadd.f32 v20, v17;
	v10 =	vadd.f32 v10, v13;
	v13 =	vmul.f32 v22, v22;
	v20 =	vld [tilespmem:s28+$0xD520];
	s3 =	smul.f32 s4, s4  }
0x323: {  	v3 =	vadd.f32 v3, v4;
	v4 =	vadd.f32 v5, v7;
	v5 =	vmul.f32 v23, v23;
	v7 =	vld [tilespmem:s28+$0xD530]  }
0x324: {  	v6 =	vadd.f32 v8, v6;
	v8 =	vadd.f32 v12, v9;
	v9 =	vmul.f32 v21, v21;
	v12 =	vld [tilespmem:s28+$0xD540];
	s0 =	ssub.f32 s0, s3  }
0x325: {  	v15 =	vadd.f32 v18, v15;
	v13 =	vadd.f32 v13, v16;
	v16 =	vmul.f32 v11, v11;
	v18 =	vld [tilespmem:s28+$0xD550]  }
0x326: {  	v5 =	vadd.f32 v5, v17;
	v9 =	vadd.f32 v9, v10;
	v10 =	vmul.f32 v19, v19;
	v17 =	vld [tilespmem:s28+$0xD560];
	s0 =	sadd.f32 $9.999999740e-06, s0  }
0x327: {  	v3 =	vadd.f32 v14, v3;
	v4 =	vadd.f32 v22, v4;
	v14 =	vmul.f32 v20, v20;
	v22 =	vld [tilespmem:s28+$0xD570]  }
0x328: {  	v6 =	vadd.f32 v23, v6;
	v8 =	vadd.f32 v21, v8;
	v21 =	vmul.f32 v7, v7;
	v23 =	vld [tilespmem:s28+$0xD900];
	s5 =	sshrl.u32 s0, $0x1;
	s3 =	smul.f32 $5.000000000e-01, s0  }
0x329: {  	v15 =	vadd.f32 v16, v15;
	v10 =	vadd.f32 v10, v13;
	v13 =	vmul.f32 v12, v12;
	v16 =	vld [tilespmem:s28+$0xD910];
	s0 =	ssub.s32 $0x5F3759DF, s5  }
0x32a: {  	v5 =	vadd.f32 v14, v5;
	v9 =	vadd.f32 v21, v9;
	v14 =	vmul.f32 v18, v18;
	v21 =	vld [tilespmem:s28+$0xD920];
	s5 =	smul.f32 s0, s3  }
0x32b: {  	s26 =	sadd.s32 $0x1, s26;
	v3 =	vadd.f32 v11, v3;
	v4 =	vadd.f32 v19, v4;
	v11 =	vmul.f32 v17, v17;
	v19 =	vld [tilespmem:s28+$0xD930]  }
0x32c: {  	s6 =	sand.u32 $0x7, s26;
	v6 =	vadd.f32 v20, v6;
	v7 =	vadd.f32 v7, v8;
	v8 =	vmul.f32 v22, v22;
	v20 =	vld [tilespmem:s28+$0xD940];
	s5 =	smul.f32 s0, s5  }
0x32d: {  	s30 =	sadd.s32 $0x400, s30;
	s6 =	sshll.u32 s6, $0x7;
	v13 =	vadd.f32 v13, v15;
	v10 =	vadd.f32 v14, v10;
	v14 =	vmul.f32 v23, v23;
	v15 =	vld [tilespmem:s28+$0xD950]  }
0x32e: {  	s6 =	sadd.s32 s6, s30;
	v5 =	vadd.f32 v11, v5;
	v8 =	vadd.f32 v8, v9;
	v9 =	vmul.f32 v16, v16;
	v11 =	vld [tilespmem:s28+$0xD960];
	s5 =	ssub.f32 $1.500000000e+00, s5  }
0x32f: {  	s7 =	sor.u32 $0x1C00, s6;
	v3 =	vadd.f32 v12, v3;
	v4 =	vadd.f32 v18, v4;
	v12 =	vmul.f32 v21, v21;
	v18 =	vld [tilespmem:s28+$0xD970]  }
0x330: {  	v6 =	vadd.f32 v17, v6;
	v7 =	vadd.f32 v22, v7;
	v17 =	vmul.f32 v19, v19;
	v22 =	vld [tilespmem:s7+$0xC100];
	s7 =	sor.u32 $0x1C10, s6;
	s0 =	smul.f32 s0, s5  }
0x331: {  	v13 =	vadd.f32 v14, v13;
	v9 =	vadd.f32 v9, v10;
	s5 =	sor.u32 $0x1C20, s6;
	v10 =	vmul.f32 v20, v20;
	v14 =	vld [tilespmem:s7+$0xC100]  }
0x332: {  	v5 =	vadd.f32 v12, v5;
	v8 =	vadd.f32 v17, v8;
	v12 =	vmul.f32 v15, v15;
	v17 =	vld [tilespmem:s5+$0xC100];
	s5 =	sor.u32 $0x1C30, s6;
	s7 =	smul.f32 s0, s3  }
0x333: {  	v3 =	vadd.f32 v23, v3;
	v4 =	vadd.f32 v16, v4;
	v16 =	vmul.f32 v11, v11;
	v23 =	vld [tilespmem:s5+$0xC100];
	s5 =	sor.u32 $0x1C40, s6  }
0x334: {  	v6 =	vadd.f32 v21, v6;
	v7 =	vadd.f32 v19, v7;
	v19 =	vmul.f32 v18, v18;
	v21 =	vld [tilespmem:s5+$0xC100];
	s5 =	sor.u32 $0x1C50, s6;
	s7 =	smul.f32 s7, s0  }
0x335: {  	s31 =	sadd.s32 $0x400, s31;
	v10 =	vadd.f32 v10, v13;
	v9 =	vadd.f32 v12, v9;
	v12 =	vmul.f32 v22, v22;
	v13 =	vld [tilespmem:s5+$0xC100];
	s5 =	sor.u32 $0x1C60, s6  }
0x336: {  	s8 =	sadd.s32 $0x4000, s31;
	v5 =	vadd.f32 v16, v5;
	v8 =	vadd.f32 v19, v8;
	v16 =	vmul.f32 v14, v14;
	v19 =	vld [tilespmem:s5+$0xC100];
	s5 =	sor.u32 $0x1C70, s6;
	s6 =	ssub.f32 $1.500000000e+00, s7  }
0x337: {  	v3 =	vadd.f32 v20, v3;
	v4 =	vadd.f32 v15, v4;
	s7 =	sand.u32 $0x2000, s8;
	s8 =	sand.u32 $0x380, s1;
	v15 =	vmul.f32 v17, v17;
	v20 =	vld [tilespmem:s5+$0xC100]  }
0x338: {  	v6 =	vadd.f32 v11, v6;
	v7 =	vadd.f32 v18, v7;
	s28 =	sor.u32 s8, s7;
	v11 =	vmul.f32 v23, v23;
	s0 =	smul.f32 s6, s0  }
0x339: {  	v10 =	vadd.f32 v12, v10;
	v9 =	vadd.f32 v16, v9;
	v18 =	vld [tilespmem:s28+$0xC100];
	v12 =	vmul.f32 v21, v21  }
0x33a: {  	v5 =	vadd.f32 v15, v5;
	v16 =	vld [tilespmem:s28+$0xC110];
	v8 =	vadd.f32 v11, v8;
	v11 =	vmul.f32 v13, v13;
	s3 =	smul.f32 s0, s3  }
0x33b: {  	v3 =	vadd.f32 v22, v3;
	v4 =	vadd.f32 v14, v4;
	v15 =	vld [tilespmem:s28+$0xC120];
	v14 =	vmul.f32 v19, v19  }
0x33c: {  	v6 =	vadd.f32 v17, v6;
	v7 =	vadd.f32 v23, v7;
	v22 =	vld [tilespmem:s28+$0xC130];
	v17 =	vmul.f32 v20, v20;
	s3 =	smul.f32 s3, s0  }
0x33d: {  	v10 =	vadd.f32 v12, v10;
	v9 =	vadd.f32 v11, v9;
	v23 =	vld [tilespmem:s28+$0xC140]  }
0x33e: {  	v5 =	vadd.f32 v14, v5;
	v11 =	vmul.f32 v18, v18;
	v12 =	vld [tilespmem:s28+$0xC150];
	v8 =	vadd.f32 v17, v8;
	s3 =	ssub.f32 $1.500000000e+00, s3  }
0x33f: {  	v3 =	vadd.f32 v21, v3;
	v4 =	vadd.f32 v13, v4;
	v14 =	vmul.f32 v16, v16;
	v17 =	vld [tilespmem:s28+$0xC160]  }
0x340: {  	s25 =	sadd.s32 $0x1, s25;
	v9 =	vadd.f32 v9, v10;
	v13 =	vmul.f32 v15, v15;
	v21 =	vld [tilespmem:s28+$0xC170];
	v5 =	vadd.f32 v8, v5;
	s0 =	smul.f32 s3, s0  }
0x341: {  	s16 =	sadd.s32 $0x1, s16;
	v6 =	vadd.f32 v19, v6;
	v7 =	vadd.f32 v20, v7;
	v8 =	vmul.f32 v22, v22;
	v10 =	vld [tilespmem:s28+$0xC500];
	[smem:s25] =	sst s4  }
0x342: {  	v18 =	vadd.f32 $0.0e+00, v18;
	v19 =	vmul.f32 v23, v23;
	v20 =	vld [tilespmem:s28+$0xC510];
	v5 =	vadd.f32 v5, v9;
	[smem:s16] =	sst s0  }
0x343: {  	v3 =	vadd.f32 v4, v3;
	v4 =	vadd.f32 v7, v6;
	v9 =	vmul.f32 v12, v12;
	v24 =	vld [tilespmem:s28+$0xC520]  }
0x344: {  	v6 =	vadd.f32 $0.0e+00, v16;
	v7 =	vadd.f32 $0.0e+00, v15;
	v15 =	vmul.f32 v17, v17;
	v16 =	vld [tilespmem:s28+$0xC530];
	(xrf2) =	vadd.scan.msk.f32 $0xffff, v5  }
0x345: {  	v3 =	vadd.f32 v4, v3;
	v5 =	vadd.f32 $0.0e+00, v22;
	v22 =	vmul.f32 v21, v21;
	v25 =	vld [tilespmem:s28+$0xC540]  }
0x346: {  	v4 =	vadd.f32 v19, v11;
	v9 =	vadd.f32 v9, v14;
	v11 =	vmul.f32 v10, v10;
	v14 =	vld [tilespmem:s28+$0xC550]  }
0x347: {  	v13 =	vadd.f32 v15, v13;
	v8 =	vadd.f32 v22, v8;
	v15 =	vmul.f32 v20, v20;
	v19 =	vld [tilespmem:s28+$0xC560];
	(xrf2) =	vadd.scan.msk.f32 $0xffff, v3  }
0x348: {  	v6 =	vadd.f32 v12, v6;
	v3 =	vadd.f32 v23, v18;
	v12 =	vmul.f32 v24, v24;
	v18 =	vld [tilespmem:s28+$0xC570]  }
0x349: {  	v7 =	vadd.f32 v17, v7;
	v5 =	vadd.f32 v21, v5;
	v17 =	vmul.f32 v16, v16  }
0x34a: {  	v4 =	vadd.f32 v11, v4;
	v9 =	vadd.f32 v15, v9;
	v11 =	vmul.f32 v25, v25;
	v15 =	vld [tilespmem:s28+$0xC900]  }
0x34b: {  	v12 =	vadd.f32 v12, v13;
	v8 =	vadd.f32 v17, v8;
	v22 =	vmul.f32 v14, v14;
	v17 =	vld [tilespmem:s28+$0xC910]  }
0x34c: {  	v6 =	vadd.f32 v20, v6;
	v3 =	vadd.f32 v10, v3;
	v10 =	vmul.f32 v19, v19;
	v20 =	vld [tilespmem:s28+$0xC920]  }
0x34d: {  	v7 =	vadd.f32 v24, v7;
	v5 =	vadd.f32 v16, v5;
	v16 =	vmul.f32 v18, v18;
	v21 =	vld [tilespmem:s28+$0xC930]  }
0x34e: {  	v4 =	vadd.f32 v11, v4;
	v9 =	vadd.f32 v22, v9;
	v11 =	vld [tilespmem:s28+$0xC940];
	v13, _, _ =	vpop (xrf2)  }
0x34f: {  	v10 =	vadd.f32 v10, v12;
	v8 =	vadd.f32 v16, v8;
	v12 =	vmul.f32 v15, v15;
	v16 =	vld [tilespmem:s28+$0xC950]  }
0x350: {  	v3 =	vadd.f32 v25, v3;
	v14 =	vadd.f32 v14, v6;
	v6 =	vmul.f32 v17, v17;
	v22 =	vld [tilespmem:s28+$0xC960]  }
0x351: {  	v7 =	vadd.f32 v19, v7;
	v5 =	vadd.f32 v18, v5;
	v18 =	vmul.f32 v20, v20;
	v19 =	vld [tilespmem:s28+$0xC970];
	v23, _, _ =	vpop (xrf2)  }
0x352: {  	v12 =	vadd.f32 v12, v4;
	v4 =	vmul.f32 v21, v21;
	v24 =	vld [tilespmem:s28+$0xCD00];
	(v2sf) =	vpush v23, $0xF  }
0x353: {  	v9 =	vadd.f32 v6, v9;
	v23 =	vmul.f32 v11, v11;
	v25 =	vld [tilespmem:s28+$0xCD10];
	(v2sf) =	vpush v13, $0xF  }
0x354: {  	v13 =	vadd.f32 v18, v10;
	v8 =	vadd.f32 v4, v8;
	v18 =	vmul.f32 v16, v16;
	v6 =	vld [tilespmem:s28+$0xCD20]  }
0x355: {  	v3 =	vadd.f32 v15, v3;
	v14 =	vadd.f32 v17, v14;
	v15 =	vmul.f32 v22, v22;
	v10 =	vld [tilespmem:s28+$0xCD30]  }
0x356: {  	v17 =	vadd.f32 v20, v7;
	v5 =	vadd.f32 v21, v5;
	v20 =	vmul.f32 v19, v19;
	v4 =	vld [tilespmem:s28+$0xCD40]  }
0x357: {  	v12 =	vadd.f32 v23, v12;
	v18 =	vadd.f32 v18, v9;
	v21 =	vmul.f32 v24, v24;
	v7 =	vld [tilespmem:s28+$0xCD50]  }
0x358: {  	v23 =	vadd.f32 v15, v13;
	v8 =	vadd.f32 v20, v8;
	v20 =	vmul.f32 v25, v25;
	v9 =	vld [tilespmem:s28+$0xCD60]  }
.Ltmp2:
0x359: {  	v26 =	vadd.f32 v11, v3;
	v27 =	vadd.f32 v16, v14;
	v28 =	vmul.f32 v6, v6;
	v11 =	vld [tilespmem:s28+$0xCD70];
	(pc) =	sbr.rel @!p0 .LBB2_7-.Ltmp2, $4  }
0x35a: {  	v14 =	vadd.f32 v19, v5;
	v13 =	vadd.f32 v22, v17;
	v22 =	vmul.f32 v10, v10;
	v3 =	vld [tilespmem:s28+$0xD100]  }
0x35b: {  	v15 =	vadd.f32 v21, v12;
	v16 =	vadd.f32 v20, v18;
	v19 =	vmul.f32 v4, v4;
	v5 =	vld [tilespmem:s28+$0xD110]  }
0x35c: {  	v17 =	vadd.f32 v28, v23;
	v18 =	vadd.f32 v22, v8;
	v22 =	vmul.f32 v7, v7;
	v8 =	vld [tilespmem:s28+$0xD120]  }
0x35d: {  	s1 =	sadd.s32 $0x80, s1;
	v21 =	vadd.f32 v25, v27;
	v20 =	vadd.f32 v24, v26;
	v23 =	vmul.f32 v9, v9;
	v12 =	vld [tilespmem:s28+$0xD130]  }
0x35e: {  	v6 =	vadd.f32 v6, v13;
	v10 =	vadd.f32 v10, v14  }
0x35f: {  	v13 =	vmul.f32 v11, v11;
	v15 =	vadd.f32 v19, v15;
	v16 =	vadd.f32 v22, v16  }
0x360: {  	v14 =	vld [tilespmem:s28+$0xD140];
	v17 =	vadd.f32 v23, v17;
	v4 =	vadd.f32 v4, v20  }
0x361: {  	v22 =	vld [tilespmem:s28+$0xD150];
	v19 =	vmul.f32 v3, v3;
	v7 =	vadd.f32 v7, v21;
	v13 =	vadd.f32 v13, v18  }
0x362: {  	v23 =	vld [tilespmem:s28+$0xD160];
	v18 =	vmul.f32 v5, v5;
	v6 =	vadd.f32 v9, v6;
	v9 =	vadd.f32 v11, v10  }
0x363: {  	v21 =	vld [tilespmem:s28+$0xD170];
	v15 =	vadd.f32 v19, v15;
	v3 =	vadd.f32 v3, v4  }
0x364: {  	v11 =	vld [tilespmem:s28+$0xD500];
	v20 =	vmul.f32 v8, v8;
	v4 =	vadd.f32 v5, v7;
	v16 =	vadd.f32 v18, v16  }
0x365: {  	v19 =	vld [tilespmem:s28+$0xD510];
	v10 =	vmul.f32 v12, v12;
	v6 =	vadd.f32 v8, v6;
	v8 =	vadd.f32 v12, v9  }
0x366: {  	v7 =	vld [tilespmem:s28+$0xD530];
	v18 =	vmul.f32 v14, v14;
	v17 =	vadd.f32 v20, v17;
	v3 =	vadd.f32 v14, v3  }
0x367: {  	v12 =	vld [tilespmem:s28+$0xD540];
	v4 =	vadd.f32 v22, v4;
	v10 =	vadd.f32 v10, v13;
	v13 =	vmul.f32 v22, v22  }
0x368: {  	v20 =	vld [tilespmem:s28+$0xD520];
	v5 =	vmul.f32 v23, v23;
	v6 =	vadd.f32 v23, v6;
	v8 =	vadd.f32 v21, v8  }
0x369: {  	v9 =	vmul.f32 v21, v21;
	v22 =	vld [tilespmem:s28+$0xD570];
	v15 =	vadd.f32 v18, v15;
	v3 =	vadd.f32 v11, v3  }
0x36a: {  	v23 =	vld [tilespmem:s28+$0xD900];
	v13 =	vadd.f32 v13, v16;
	v16 =	vmul.f32 v11, v11;
	v5 =	vadd.f32 v5, v17  }
0x36b: {  	v18 =	vld [tilespmem:s28+$0xD550];
	v9 =	vadd.f32 v9, v10;
	v10 =	vmul.f32 v19, v19;
	v4 =	vadd.f32 v19, v4  }
0x36c: {  	s0 =	sadd.s32 $0x1, s26;
	v17 =	vld [tilespmem:s28+$0xD560];
	v21 =	vmul.f32 v7, v7;
	v7 =	vadd.f32 v7, v8;
	v3 =	vadd.f32 v12, v3  }
0x36d: {  	s0 =	sand.u32 $0x7, s0;
	v19 =	vld [tilespmem:s28+$0xD930];
	v14 =	vmul.f32 v20, v20;
	v15 =	vadd.f32 v16, v15;
	v10 =	vadd.f32 v10, v13  }
0x36e: {  	s1 =	sadd.s32 $0x400, s30;
	s0 =	sshll.u32 s0, $0x7;
	v13 =	vmul.f32 v12, v12;
	v16 =	vld [tilespmem:s28+$0xD910];
	v9 =	vadd.f32 v21, v9;
	v6 =	vadd.f32 v20, v6  }
0x36f: {  	s0 =	sadd.s32 s0, s1;
	v21 =	vld [tilespmem:s28+$0xD920];
	v8 =	vmul.f32 v22, v22;
	v7 =	vadd.f32 v22, v7;
	v3 =	vadd.f32 v23, v3  }
0x370: {  	s1 =	sor.u32 $0x1C00, s0;
	v20 =	vld [tilespmem:s28+$0xD940];
	v5 =	vadd.f32 v14, v5;
	v14 =	vmul.f32 v18, v18;
	v13 =	vadd.f32 v13, v15  }
0x371: {  	v22 =	vld [tilespmem:s1+$0xC100];
	v4 =	vadd.f32 v18, v4;
	v11 =	vmul.f32 v17, v17;
	v8 =	vadd.f32 v8, v9  }
0x372: {  	v15 =	vld [tilespmem:s28+$0xD950];
	v6 =	vadd.f32 v17, v6;
	v17 =	vmul.f32 v19, v19;
	v7 =	vadd.f32 v19, v7  }
0x373: {  	s4 =	sor.u32 $0x1C30, s0;
	v18 =	vld [tilespmem:s28+$0xD970];
	v10 =	vadd.f32 v14, v10;
	v14 =	vmul.f32 v23, v23;
	v5 =	vadd.f32 v11, v5  }
0x374: {  	v23 =	vld [tilespmem:s4+$0xC100];
	v9 =	vmul.f32 v16, v16;
	v8 =	vadd.f32 v17, v8;
	v4 =	vadd.f32 v16, v4  }
0x375: {  	s3 =	sor.u32 $0x1C20, s0;
	v11 =	vld [tilespmem:s28+$0xD960];
	v12 =	vmul.f32 v21, v21;
	v6 =	vadd.f32 v21, v6;
	v3 =	vadd.f32 v20, v3  }
0x376: {  	s5 =	sor.u32 $0x1C40, s0;
	v17 =	vld [tilespmem:s3+$0xC100];
	v13 =	vadd.f32 v14, v13;
	v9 =	vadd.f32 v9, v10;
	v10 =	vmul.f32 v20, v20  }
0x377: {  	s31 =	sor.u32 $0x1C10, s0;
	v21 =	vld [tilespmem:s5+$0xC100];
	v5 =	vadd.f32 v12, v5;
	v12 =	vmul.f32 v15, v15;
	v4 =	vadd.f32 v15, v4  }
0x378: {  	s6 =	sor.u32 $0x1C50, s0;
	s7 =	sor.u32 $0x1C60, s0;
	s0 =	sor.u32 $0x1C70, s0;
	v14 =	vld [tilespmem:s31+$0xC100];
	v19 =	vmul.f32 v18, v18;
	v7 =	vadd.f32 v18, v7;
	v3 =	vadd.f32 v22, v3  }
0x379: {  	v20 =	vld [tilespmem:s0+$0xC100];
	v10 =	vadd.f32 v10, v13;
	v9 =	vadd.f32 v12, v9  }
0x37a: {  	v12 =	vmul.f32 v22, v22;
	v13 =	vld [tilespmem:s6+$0xC100];
	v8 =	vadd.f32 v19, v8;
	v7 =	vadd.f32 v23, v7  }
0x37b: {  	v19 =	vld [tilespmem:s7+$0xC100];
	v16 =	vmul.f32 v11, v11;
	v15 =	vmul.f32 v17, v17;
	v6 =	vadd.f32 v11, v6  }
0x37c: {  	v11 =	vmul.f32 v23, v23;
	v3 =	vadd.f32 v21, v3;
	v10 =	vadd.f32 v12, v10  }
0x37d: {  	v4 =	vadd.f32 v14, v4;
	v5 =	vadd.f32 v16, v5;
	v16 =	vmul.f32 v14, v14  }
0x37e: {  	v12 =	vmul.f32 v21, v21;
	v8 =	vadd.f32 v11, v8;
	v6 =	vadd.f32 v17, v6  }
0x37f: {  	v7 =	vadd.f32 v20, v7;
	v9 =	vadd.f32 v16, v9;
	v11 =	vmul.f32 v13, v13  }
0x380: {  	v5 =	vadd.f32 v15, v5;
	v14 =	vmul.f32 v19, v19;
	v15 =	vmul.f32 v20, v20  }
0x381: {  	v10 =	vadd.f32 v12, v10;
	v9 =	vadd.f32 v11, v9  }
0x382: {  	v5 =	vadd.f32 v14, v5;
	v8 =	vadd.f32 v15, v8  }
0x383: {  	v4 =	vadd.f32 v13, v4;
	v6 =	vadd.f32 v19, v6  }
0x384: {  	v9 =	vadd.f32 v9, v10;
	v5 =	vadd.f32 v8, v5  }
0x385: {  	v3 =	vadd.f32 v4, v3;
	v4 =	vadd.f32 v7, v6  }
0x386: {  	v5 =	vadd.f32 v5, v9  }
0x387: {  	v3 =	vadd.f32 v4, v3  }
0x388: {  	(xrf2) =	vadd.scan.msk.f32 $0xffff, v5  }
0x389: {  	(xrf2) =	vadd.scan.msk.f32 $0xffff, v3;
	_ =	sdelay $0x8  }
0x38a: {  	v3, _, _ =	vpop (xrf2)  }
0x38b: {  	v4, _, _ =	vpop (xrf2)  }
0x38c: {  	(v2sf) =	vpush v4, $0xF  }
0x38d: {  	(v2sf) =	vpush v3, $0xF;
	_ =	sdelay $0xa  }
0x38e: {  	s8 =	spop (v2sf)  }
0x38f: {  	s15 =	spop (v2sf);
	s0 =	smul.f32 $9.765625000e-04, s8  }
0x390: {  	s1 =	smul.f32 $9.765625000e-04, s15  }
0x391: {  	s3 =	smul.f32 s0, s0;
	s4 =	spop (v2sf)  }
0x392: {  	s4 =	smul.f32 $9.765625000e-04, s4;
	s5 =	spop (v2sf)  }
0x393: {  	s1 =	ssub.f32 s1, s3;
	s17 =	smul.f32 $9.765625000e-04, s5  }
0x394: {  	s18 =	smul.f32 s4, s4  }
0x395: {  	s1 =	sadd.f32 $9.999999740e-06, s1  }
0x396: {  	s3 =	ssub.f32 s17, s18  }
0x397: {  	s19 =	sshrl.u32 s1, $0x1;
	s1 =	smul.f32 $5.000000000e-01, s1  }
0x398: {  	s5 =	ssub.s32 $0x5F3759DF, s19;
	s3 =	sadd.f32 $9.999999740e-06, s3  }
0x399: {  	s6 =	smul.f32 s5, s1  }
0x39a: {  	s7 =	sshrl.u32 s3, $0x1;
	s3 =	smul.f32 $5.000000000e-01, s3  }
0x39b: {  	s6 =	smul.f32 s5, s6;
	s7 =	ssub.s32 $0x5F3759DF, s7  }
0x39c: {  	s8 =	smul.f32 s7, s3  }
0x39d: {  	s6 =	ssub.f32 $1.500000000e+00, s6  }
0x39e: {  	s8 =	smul.f32 s7, s8  }
0x39f: {  	s5 =	smul.f32 s5, s6  }
0x3a0: {  	s20 =	ssub.f32 $1.500000000e+00, s8  }
0x3a1: {  	s21 =	smul.f32 s5, s1  }
0x3a2: {  	s6 =	smul.f32 s7, s20  }
0x3a3: {  	s22 =	smul.f32 s21, s5  }
0x3a4: {  	s23 =	smul.f32 s6, s3  }
0x3a5: {  	s7 =	ssub.f32 $1.500000000e+00, s22  }
0x3a6: {  	s8 =	smul.f32 s23, s6  }
0x3a7: {  	s5 =	smul.f32 s7, s5  }
0x3a8: {  	s24 =	ssub.f32 $1.500000000e+00, s8  }
0x3a9: {  	s1 =	smul.f32 s5, s1  }
0x3aa: {  	s6 =	smul.f32 s24, s6  }
0x3ab: {  	s1 =	smul.f32 s1, s5  }
0x3ac: {  	s3 =	smul.f32 s6, s3;
	_ =	sdelay $0x1  }
0x3ad: {  	s1 =	ssub.f32 $1.500000000e+00, s1;
	s3 =	smul.f32 s3, s6  }
0x3ae: {  	_ = 	snop  }
0x3af: {  	s26 =	sadd.s32 $0x1, s25;
	s1 =	smul.f32 s1, s5;
	s3 =	ssub.f32 $1.500000000e+00, s3  }
0x3b0: {  	s29 =	sadd.s32 $0x1, s16;
	[smem:s26] =	sst s0  }
0x3b1: {  	s31 =	sadd.s32 $0x1, s26;
	[smem:s29] =	sst s1;
	s30 =	smul.f32 s3, s6  }
0x3b2: {  	s0 =	sadd.s32 $0x1, s29;
	[smem:s31] =	sst s4  }
0x3b3: {  	[smem:s0] =	sst s30  }
0x3b4: {  	s0 =	sld [smem:$0x0]  }
0x3b5: {  	s1 =	sld [smem:$0x80]  }
0x3b6: {  	s3 =	sld [smem:$0x1]  }
0x3b7: {  	s16 =	sld [smem:$0x84]  }
0x3b8: {  	s29 =	sld [smem:$0x8A]  }
0x3b9: {  	s30 =	sld [smem:$0xB]  }
0x3ba: {  	v8 =	vmov s1;
	s1 =	sld [smem:$0xC]  }
0x3bb: {  	s4 =	sld [smem:$0x81];
	v21 =	vmov s16;
	s16 =	simm.s32 $0x0  }
0x3bc: {  	s5 =	sld [smem:$0x2];
	v33 =	vmov s29;
	v29 =	vmov s30;
	s29 =	sand.u32 $0x70, s16;
	s30 =	sand.u32 $0x1C00, s16  }
0x3bd: {  	s6 =	sld [smem:$0x82];
	v18 =	vmov s1;
	s1 =	sor.u32 s29, s30  }
0x3be: {  	s7 =	sld [smem:$0x3];
	v36 =	vld [tilespmem:s1+$0xC200]  }
0x3bf: {  	s8 =	sld [smem:$0x83];
	v37 =	vld [tilespmem:s1+$0xC100]  }
0x3c0: {  	s15 =	sld [smem:$0x4];
	v23 =	vld [tilespmem:s1+$0xC400]  }
0x3c1: {  	s17 =	sld [smem:$0x5];
	v38 =	vld [tilespmem:s1+$0xC380]  }
0x3c2: {  	s18 =	sld [smem:$0x85];
	v39 =	vld [tilespmem:s1+$0xC300]  }
0x3c3: {  	s19 =	sld [smem:$0x6];
	v40 =	vld [tilespmem:s1+$0xC180]  }
0x3c4: {  	s25 =	sld [smem:$0x9];
	v42 =	vld [tilespmem:s1+$0x4380]  }
0x3c5: {  	s26 =	sld [smem:$0x89];
	v43 =	vld [tilespmem:s1+$0x4200]  }
0x3c6: {  	s20 =	sld [smem:$0x86];
	v7 =	vmov s0;
	v9 =	vmov s3;
	v45 =	vld [tilespmem:s1+$0x4300]  }
0x3c7: {  	v11 =	vmov s4;
	v12 =	vmov s5;
	v34 =	vmov s25;
	s25 =	sld [smem:$0xF];
	v47 =	vld [tilespmem:s1+$0x4280]  }
0x3c8: {  	v14 =	vmov s6;
	v15 =	vmov s7;
	v31 =	vmov s26;
	s26 =	sld [smem:$0x8F];
	v48 =	vld [tilespmem:s1+$0x4180]  }
0x3c9: {  	v17 =	vmov s8;
	v20 =	vmov s15;
	v22 =	vmov s17;
	v49 =	vld [tilespmem:s1+$0x4400]  }
0x3ca: {  	v24 =	vmov s18;
	v25 =	vmov s19;
	v27 =	vmov s20;
	v50 =	vld [tilespmem:s1+$0x4100]  }
0x3cb: {  	v4 =	vmov s25;
	v3 =	vmov s26;
	s25 =	simm.s32 $0x10100;
	v41 =	vld [tilespmem:s1+$0xC280];
	v39 =	vsub.f32 v39, v20  }
0x3cc: {  	s26 =	simm.s32 $0x10500;
	v44 =	vsub.f32 v23, v25;
	v23 =	vld [tilespmem:s25+$0x0];
	v43 =	vmul.f32 $3.200000000e+01, v43;
	v45 =	vmul.f32 $3.200000000e+01, v45  }
0x3cd: {  	v46 =	vsub.f32 v36, v12;
	v36 =	vld [tilespmem:s26+$0x0];
	v42 =	vmul.f32 $3.200000000e+01, v42;
	v47 =	vmul.f32 $3.200000000e+01, v47  }
0x3ce: {  	v40 =	vsub.f32 v40, v9;
	v54 =	vmul.f32 $3.200000000e+01, v48;
	v55 =	vmul.f32 $3.200000000e+01, v49  }
0x3cf: {  	v38 =	vsub.f32 v38, v22;
	v57 =	vmul.f32 $3.200000000e+01, v50;
	v39 =	vmul.f32 v21, v39  }
0x3d0: {  	v41 =	vsub.f32 v41, v15;
	v44 =	vmul.f32 v27, v44;
	v46 =	vmul.f32 v14, v46  }
0x3d1: {  	v37 =	vsub.f32 v37, v7;
	v40 =	vmul.f32 v11, v40;
	v38 =	vmul.f32 v24, v38  }
0x3d2: {  	v41 =	vmul.f32 v17, v41;
	v46 =	vmul.f32 v46, v23;
	v43 =	vadd.f32 v43, v36  }
0x3d3: {  	v37 =	vmul.f32 v8, v37;
	v38 =	vmul.f32 v38, v23;
	v42 =	vadd.f32 v42, v36  }
0x3d4: {  	v41 =	vmul.f32 v41, v23;
	v47 =	vadd.f32 v47, v36;
	v43 =	vadd.f32 v43, v46  }
0x3d5: {  	v40 =	vmul.f32 v40, v23;
	v56 =	vadd.f32 v54, v36;
	v38 =	vadd.f32 v42, v38  }
0x3d6: {  	v39 =	vmul.f32 v39, v23;
	v60 =	vadd.f32 v45, v36;
	v41 =	vadd.f32 v47, v41;
	[tilespmem:s1+$0xC200] =	vst v43  }
0x3d7: {  	v61 =	vadd.f32 v57, v36;
	v37 =	vmul.f32 v37, v23;
	v59 =	vadd.f32 v56, v40;
	[tilespmem:s1+$0xC380] =	vst v38  }
0x3d8: {  	v44 =	vmul.f32 v44, v23;
	v58 =	vadd.f32 v55, v36;
	v62 =	vadd.f32 v60, v39;
	[tilespmem:s1+$0xC280] =	vst v41  }
0x3d9: {  	s31 =	sld [smem:$0x8B];
	v37 =	vadd.f32 v61, v37;
	[tilespmem:s1+$0xC180] =	vst v59  }
0x3da: {  	v43 =	vadd.f32 v58, v44;
	[tilespmem:s1+$0xC300] =	vst v62  }
0x3db: {  	s4 =	sor.u32 s16, s16;
	[tilespmem:s1+$0xC100] =	vst v37  }
0x3dc: {  	v5 =	vmov s31;
	s31 =	sor.u32 $0x380, s4;
	[tilespmem:s1+$0xC400] =	vst v43  }
0x3dd: {  	v37 =	vld [tilespmem:s31+$0xC100]  }
0x3de: {  	s21 =	sld [smem:$0x7]  }
0x3df: {  	v38 =	vld [tilespmem:s31+$0x4100]  }
0x3e0: {  	s22 =	sld [smem:$0x87]  }
0x3e1: {  	v28 =	vmov s21  }
0x3e2: {  	v37 =	vsub.f32 v37, v28  }
0x3e3: {  	v30 =	vmov s22  }
0x3e4: {  	v38 =	vmul.f32 $3.200000000e+01, v38;
	v37 =	vmul.f32 v30, v37;
	_ =	sdelay $0x1  }
0x3e5: {  	v38 =	vadd.f32 v38, v36;
	v37 =	vmul.f32 v37, v23  }
0x3e6: {  	s23 =	sld [smem:$0x8]  }
0x3e7: {  	s24 =	sld [smem:$0x88];
	v37 =	vadd.f32 v38, v37  }
0x3e8: {  	s28 =	sld [smem:$0xA]  }
0x3e9: {  	s5 =	sld [smem:$0x8C];
	[tilespmem:s31+$0xC100] =	vst v37  }
0x3ea: {  	s8 =	sld [smem:$0xD];
	v37 =	vld [tilespmem:s1+$0xE100]  }
0x3eb: {  	s17 =	sld [smem:$0x8D];
	v63 =	vld [tilespmem:s1+$0xE180]  }
0x3ec: {  	s20 =	sld [smem:$0xE];
	v42 =	vld [tilespmem:s1+$0xE200]  }
0x3ed: {  	v32 =	vmov s23;
	s23 =	sld [smem:$0x8E];
	v40 =	vld [tilespmem:s1+$0xE280]  }
0x3ee: {  	v6 =	vmov s24;
	v35 =	vmov s28;
	v13 =	vmov s5;
	v41 =	vld [tilespmem:s1+$0x6200]  }
0x3ef: {  	v26 =	vmov s8;
	v19 =	vmov s17;
	v16 =	vmov s20;
	v39 =	vld [tilespmem:s1+$0x6280]  }
0x3f0: {  	s28 =	simm.s32 $0x10;
	v10 =	vmov s23;
	s5 =	simm.s32 $0xC100;
	v38 =	vld [tilespmem:s1+$0x6380];
	v37 =	vsub.f32 v37, v32;
	v43 =	vsub.f32 v63, v34  }
.LBB2_9:
0x3f1: {  	v42 =	vsub.f32 v42, v35;
	v44 =	vld [tilespmem:s1+$0xE380];
	s16 =	sadd.s32 $0x80, s16;
	s25 =	sadd.s32 $0x10, s25;
	s26 =	sadd.s32 $0x10, s26  }
0x3f2: {  	p0 =	sne.s32 s28, $0x3F0;
	s30 =	smov.u32 s28;
	s28 =	sadd.s32 $0x10, s28;
	v45 =	vld [tilespmem:s1+$0x6180];
	v43 =	vmul.f32 v31, v43;
	v40 =	vsub.f32 v40, v29  }
0x3f3: {  	v42 =	vmul.f32 v33, v42;
	v41 =	vmul.f32 $3.200000000e+01, v41;
	v46 =	vld [tilespmem:s1+$0xE300]  }
0x3f4: {  	v43 =	vmul.f32 v43, v23;
	v39 =	vmul.f32 $3.200000000e+01, v39;
	v47 =	vld [tilespmem:s1+$0x6300]  }
0x3f5: {  	v42 =	vmul.f32 v42, v23;
	v41 =	vadd.f32 v41, v36;
	v38 =	vmul.f32 $3.200000000e+01, v38;
	v48 =	vld [tilespmem:s1+$0xE400]  }
0x3f6: {  	v39 =	vadd.f32 v39, v36;
	v49 =	vld [tilespmem:s1+$0x6400]  }
0x3f7: {  	v50 =	vld [tilespmem:s1+$0x6100];
	v45 =	vmul.f32 $3.200000000e+01, v45;
	v41 =	vadd.f32 v41, v42;
	v42 =	vsub.f32 v44, v26  }
0x3f8: {  	v38 =	vadd.f32 v38, v36;
	v44 =	vsub.f32 v46, v18  }
0x3f9: {  	v45 =	vadd.f32 v45, v36;
	[tilespmem:s1+$0xE200] =	vst v41;
	v41 =	vmul.f32 $3.200000000e+01, v47;
	v42 =	vmul.f32 v19, v42  }
0x3fa: {  	v37 =	vmul.f32 v6, v37;
	v44 =	vmul.f32 v13, v44;
	v46 =	vsub.f32 v48, v16  }
0x3fb: {  	v43 =	vadd.f32 v45, v43;
	v42 =	vmul.f32 v42, v23;
	v45 =	vmul.f32 $3.200000000e+01, v49  }
0x3fc: {  	v41 =	vadd.f32 v41, v36;
	v44 =	vmul.f32 v44, v23;
	v46 =	vmul.f32 v10, v46  }
0x3fd: {  	v40 =	vmul.f32 v5, v40;
	v47 =	vmul.f32 $3.200000000e+01, v50;
	[tilespmem:s1+$0xE180] =	vst v43;
	v38 =	vadd.f32 v38, v42  }
0x3fe: {  	v43 =	vadd.f32 v45, v36;
	v41 =	vadd.f32 v41, v44;
	v42 =	vmul.f32 v46, v23  }
0x3ff: {  	v37 =	vmul.f32 v37, v23;
	v40 =	vmul.f32 v40, v23;
	v44 =	vadd.f32 v47, v36;
	[tilespmem:s1+$0xE380] =	vst v38  }
0x400: {  	[tilespmem:s1+$0xE300] =	vst v41;
	v38 =	vadd.f32 v43, v42  }
0x401: {  	v39 =	vadd.f32 v39, v40;
	v37 =	vadd.f32 v44, v37  }
0x402: {  	[tilespmem:s1+$0xE400] =	vst v38  }
0x403: {  	[tilespmem:s1+$0xE280] =	vst v39  }
0x404: {  	s0 =	sor.u32 $0x2380, s4;
	[tilespmem:s1+$0xE100] =	vst v37  }
0x405: {  	v37 =	vld [tilespmem:s0+$0xC100]  }
0x406: {  	v38 =	vld [tilespmem:s0+$0x4100]  }
0x407: {  	s3 =	sand.u32 $0x1C00, s16;
	s1 =	sand.u32 $0x70, s30  }
0x408: {  	s1 =	sor.u32 s1, s3  }
0x409: {  	v39 =	vld [tilespmem:s1+$0xC200]  }
0x40a: {  	v40 =	vld [tilespmem:s1+$0xC100];
	v37 =	vsub.f32 v37, v4  }
0x40b: {  	v41 =	vld [tilespmem:s1+$0xC400];
	v38 =	vmul.f32 $3.200000000e+01, v38  }
0x40c: {  	v42 =	vld [tilespmem:s1+$0xC380];
	v37 =	vmul.f32 v3, v37  }
0x40d: {  	v43 =	vld [tilespmem:s1+$0xC180];
	v36 =	vadd.f32 v38, v36  }
0x40e: {  	v38 =	vld [tilespmem:s1+$0xC300];
	v23 =	vmul.f32 v37, v23  }
0x40f: {  	v37 =	vld [tilespmem:s1+$0xC280]  }
0x410: {  	v23 =	vadd.f32 v36, v23;
	_ =	sdelay $0x1  }
0x411: {  	[tilespmem:s0+$0xC100] =	vst v23  }
0x412: {  	v36 =	vsub.f32 v38, v20;
	v38 =	vld [tilespmem:s1+$0x4380]  }
0x413: {  	v44 =	vld [tilespmem:s1+$0x4200]  }
0x414: {  	v41 =	vsub.f32 v41, v25;
	v45 =	vld [tilespmem:s1+$0x4300]  }
0x415: {  	v39 =	vsub.f32 v39, v12;
	v42 =	vsub.f32 v42, v22;
	v46 =	vmul.f32 v21, v36;
	v23 =	vld [tilespmem:s25+$0x0]  }
0x416: {  	v43 =	vsub.f32 v43, v9;
	v41 =	vmul.f32 v27, v41;
	v36 =	vld [tilespmem:s26+$0x0]  }
0x417: {  	v40 =	vsub.f32 v40, v7;
	v47 =	vld [tilespmem:s1+$0x4100]  }
0x418: {  	v39 =	vmul.f32 v14, v39;
	v43 =	vmul.f32 v11, v43;
	v37 =	vsub.f32 v37, v15;
	v48 =	vld [tilespmem:s1+$0x4280]  }
0x419: {  	v42 =	vmul.f32 v24, v42;
	v44 =	vmul.f32 $3.200000000e+01, v44;
	v49 =	vld [tilespmem:s1+$0x4400]  }
0x41a: {  	v50 =	vld [tilespmem:s1+$0x4180];
	v39 =	vmul.f32 v39, v23;
	v41 =	vmul.f32 v41, v23  }
0x41b: {  	v37 =	vmul.f32 v17, v37;
	v45 =	vmul.f32 $3.200000000e+01, v45;
	v44 =	vadd.f32 v44, v36  }
0x41c: {  	v38 =	vmul.f32 $3.200000000e+01, v38;
	v42 =	vmul.f32 v42, v23  }
0x41d: {  	v40 =	vmul.f32 v8, v40;
	v47 =	vmul.f32 $3.200000000e+01, v47;
	v39 =	vadd.f32 v44, v39  }
0x41e: {  	v38 =	vadd.f32 v38, v36;
	v44 =	vmul.f32 $3.200000000e+01, v48;
	v48 =	vmul.f32 $3.200000000e+01, v49  }
0x41f: {  	v37 =	vmul.f32 v37, v23;
	v47 =	vadd.f32 v47, v36;
	v49 =	vmul.f32 $3.200000000e+01, v50;
	[tilespmem:s1+$0xC200] =	vst v39  }
0x420: {  	v38 =	vadd.f32 v38, v42;
	v39 =	vmul.f32 v40, v23;
	v40 =	vadd.f32 v44, v36  }
0x421: {  	v42 =	vmul.f32 v43, v23;
	v44 =	vadd.f32 v48, v36;
	v43 =	vadd.f32 v49, v36  }
0x422: {  	v39 =	vadd.f32 v47, v39;
	v37 =	vadd.f32 v40, v37;
	v40 =	vmul.f32 v46, v23;
	[tilespmem:s1+$0xC380] =	vst v38  }
0x423: {  	v41 =	vadd.f32 v44, v41;
	v38 =	vadd.f32 v43, v42  }
0x424: {  	[tilespmem:s1+$0xC280] =	vst v37;
	v37 =	vadd.f32 v45, v36  }
0x425: {  	[tilespmem:s1+$0xC180] =	vst v38  }
0x426: {  	v37 =	vadd.f32 v37, v40;
	[tilespmem:s1+$0xC400] =	vst v41;
	_ =	sdelay $0x1  }
0x427: {  	s4 =	sor.u32 s30, s16;
	[tilespmem:s1+$0xC300] =	vst v37  }
0x428: {  	s0 =	sor.u32 $0x380, s4;
	[tilespmem:s1+$0xC100] =	vst v39  }
0x429: {  	v37 =	vld [tilespmem:s0+$0xC100]  }
0x42a: {  	v38 =	vld [tilespmem:s0+$0x4100];
	_ =	sdelay $0x3  }
0x42b: {  	v37 =	vsub.f32 v37, v28;
	_ =	sdelay $0x1  }
0x42c: {  	v38 =	vmul.f32 $3.200000000e+01, v38;
	v37 =	vmul.f32 v30, v37;
	_ =	sdelay $0x1  }
0x42d: {  	v38 =	vadd.f32 v38, v36;
	v37 =	vmul.f32 v37, v23;
	_ =	sdelay $0x1  }
0x42e: {  	v37 =	vadd.f32 v38, v37;
	_ =	sdelay $0x1  }
0x42f: {  	[tilespmem:s0+$0xC100] =	vst v37  }
0x430: {  	v37 =	vld [tilespmem:s1+$0xE100]  }
0x431: {  	v38 =	vld [tilespmem:s1+$0xE180]  }
.Ltmp3:
0x432: {  	v42 =	vld [tilespmem:s1+$0xE200];
	(pc) =	sbr.rel @p0 .LBB2_9-.Ltmp3, $4  }
0x433: {  	v40 =	vld [tilespmem:s1+$0xE280]  }
0x434: {  	v41 =	vld [tilespmem:s1+$0x6200]  }
0x435: {  	v37 =	vsub.f32 v37, v32;
	v39 =	vld [tilespmem:s1+$0x6280]  }
0x436: {  	v43 =	vsub.f32 v38, v34;
	v38 =	vld [tilespmem:s1+$0x6380]  }
0x437: {  	v7 =	vld [tilespmem:s1+$0xE380]  }
0x438: {  	v9 =	vld [tilespmem:s1+$0x6180]  }
0x439: {  	v12 =	vld [tilespmem:s1+$0xE300]  }
0x43a: {  	v8 =	vsub.f32 v42, v35;
	v15 =	vld [tilespmem:s1+$0x6300]  }
0x43b: {  	v20 =	vld [tilespmem:s1+$0xE400];
	v6 =	vmul.f32 v6, v37  }
0x43c: {  	v21 =	vld [tilespmem:s1+$0x6400];
	v11 =	vmul.f32 v31, v43;
	v8 =	vmul.f32 v33, v8  }
0x43d: {  	v25 =	vld [tilespmem:s1+$0x6100];
	v17 =	vsub.f32 v40, v29;
	v14 =	vmul.f32 $3.200000000e+01, v41;
	v6 =	vmul.f32 v6, v23  }
0x43e: {  	v11 =	vmul.f32 v11, v23;
	v22 =	vmul.f32 $3.200000000e+01, v39  }
0x43f: {  	v5 =	vmul.f32 v5, v17;
	v8 =	vmul.f32 v8, v23  }
0x440: {  	v14 =	vadd.f32 v14, v36;
	v24 =	vmul.f32 $3.200000000e+01, v38;
	v9 =	vmul.f32 $3.200000000e+01, v9  }
0x441: {  	v7 =	vsub.f32 v7, v26;
	v12 =	vsub.f32 v12, v18;
	v49 =	vmul.f32 $3.200000000e+01, v15  }
0x442: {  	v50 =	vsub.f32 v20, v16;
	v52 =	vmul.f32 $3.200000000e+01, v21;
	v55 =	vmul.f32 $3.200000000e+01, v25  }
0x443: {  	v58 =	vadd.f32 v22, v36;
	v5 =	vmul.f32 v5, v23;
	v8 =	vadd.f32 v14, v8  }
0x444: {  	v51 =	vadd.f32 v24, v36;
	v9 =	vadd.f32 v9, v36;
	v7 =	vmul.f32 v19, v7  }
0x445: {  	v12 =	vmul.f32 v13, v12;
	v60 =	vadd.f32 v55, v36;
	v5 =	vadd.f32 v58, v5  }
0x446: {  	v10 =	vmul.f32 v10, v50;
	[tilespmem:s1+$0xE200] =	vst v8;
	v7 =	vmul.f32 v7, v23;
	v9 =	vadd.f32 v9, v11  }
0x447: {  	v54 =	vadd.f32 v49, v36;
	v53 =	vmul.f32 v12, v23;
	v6 =	vadd.f32 v60, v6;
	[tilespmem:s1+$0xE280] =	vst v5  }
0x448: {  	v57 =	vadd.f32 v52, v36;
	v56 =	vmul.f32 v10, v23;
	v7 =	vadd.f32 v51, v7;
	[tilespmem:s1+$0xE180] =	vst v9  }
0x449: {  	v59 =	vadd.f32 v54, v53;
	[tilespmem:s1+$0xE100] =	vst v6  }
0x44a: {  	v61 =	vadd.f32 v57, v56;
	[tilespmem:s1+$0xE380] =	vst v7  }
0x44b: {  	[tilespmem:s1+$0xE300] =	vst v59  }
0x44c: {  	s0 =	sor.u32 $0x2380, s4;
	[tilespmem:s1+$0xE400] =	vst v61  }
0x44d: {  	v5 =	vld [tilespmem:s0+$0xC100];
	_ =	sdelay $0x1  }
0x44e: {  	v6 =	vld [tilespmem:s0+$0x4100];
	_ =	sdelay $0x2  }
0x44f: {  	v4 =	vsub.f32 v5, v4;
	_ =	sdelay $0x1  }
0x450: {  	v62 =	vmul.f32 $3.200000000e+01, v6;
	v3 =	vmul.f32 v3, v4  }
0x451: {  	s9 =	sadd.s32 $0x1, s9  }
0x452: {  	p0 =	sne.s32 s9, $0x10;
	v63 =	vadd.f32 v62, v36;
	v3 =	vmul.f32 v3, v23  }
.Ltmp4:
0x453: {  	_ = 	snop;
	(pc) =	sbr.rel @p0 .LBB2_2-.Ltmp4, $4  }
0x454: {  	v3 =	vadd.f32 v63, v3  }
0x455: {  	s29 =	sshll.u32 s13, $0xB;
	s30 =	rddreg [dreg:$0xa]  }
0x456: {  	s31 =	simm.s32 $0x0;
	[tilespmem:s0+$0xC100] =	vst v3;
	s0 =	sadd.s32 s29, s30  }
0x457: {  	[hbm4b:s0+s31] =	stream.linear.scatter [tilespmem:s5], [sflag:$0x6], $0x4000, $0x38;
	[tilespmem:$0x10900] =	vst v63  }
0x458: {  	s0 =	simm.s32 $0x5  }
0x459: {  	_ =	swait.ge [sflag:s0], $0x4000  }
0x45a: {  	[sflag:s0] =	ssyncset.done $0x0  }
0x45b: {  	s1 =	simm.s32 $0x6;
	[sflag:s0] =	ssyncadd.s32 $0xFFFFC000  }
0x45c: {  	_ =	swait.ge [sflag:s1], $0x4000  }
0x45d: {  	s3 =	rddreg [dreg:$0xd]  }
0x45e: {  	s31 =	rddreg [dreg:$0xc];
	s3 =	sadd.s32 $0x1, s3  }
0x45f: {  	p0 =	sne.s32 s3, s31  }
.Ltmp5:
0x460: {  	_ = 	snop;
	(pc) =	sbr.rel @p0 .LBB2_1-.Ltmp5, $3  }
0x461: {  	_ =	sdelay $0x1  }
0x462: {  	[sflag:s1] =	ssyncset.done $0x0  }
0x463: {  	[sflag:s1] =	ssyncadd.s32 $0xFFFFC000  }
0x464: {  	_ =	sfence.sel $0x180000  }
0x465: {  	[bflag:$0x0] =	sbarrier.arrive $0xFFFF  }
0x466: {  	_ =	strace $0x90000047  }
0x467: {  	s0 =	stileid.u32;
	[bflag:$0x2] =	sbarrier.arrive $0xFFFF  }
0x468: {  	p0 =	sne.s32 s0, $0x0;
	s0 =	rddreg [dreg:$0x6]  }
0x469: {  	s0 =	sadd.s32 @!p0 $0x100000, s0  }
0x46a: {  	[sflag:s0] =	ssyncadd.tile.s32 @!p0 $0x1;
	_ =	shalt  }
.Lfunc_end2:
_tile_overlayer_lowered:
.L_overlay_start_2:
0x46b: {  	(tag) =	ssettag $0x2  }
0x46c: {  	s0 =	rddreg [dreg:$0x0];
	s2 =	stileid.u32  }
0x46d: {  	s1 =	rddreg [dreg:$0x1];
	p0 =	sne.s32 s2, $0x0  }
0x46e: {  	s3 =	rddreg [dreg:$0x2];
	[bflag:$0x3] =	sbarrier.arrive $0xFFFF;
	s2 =	simm.s32 @!p0 $0x1C07  }
0x46f: {  	[timem:s3], [sflag:s2] =	dma.local @!p0 [hbm:s0], s1  }
0x470: {  	s0 =	simm.s32 @!p0 $0x7  }
0x471: {  	_ =	swait.ge @!p0 [sflag:s0], s1  }
0x472: {  	s1 =	ssub.s32 @!p0 $0x0, s1;
	[sflag:s0] =	ssyncset.done @!p0 $0x0  }
0x473: {  	[sflag:s0] =	ssyncadd.s32 @!p0 s1  }
0x474: {  	[bflag:$0x3] =	sbarrier.arrive $0xFFFF  }
0x475: {  	_ =	shalt  }

</sc_bundles>
